<compile_context>
chip_gen: v7x
topology: tpu7x:2x2x1
jax: 0.10.2.dev20260603
libtpu: 0.0.44.dev20260713+nightly
codegen_flags: <defaults>
</compile_context>

<pallas_src>
import functools

import jax
import jax.numpy as jnp
from jax import lax
from jax.experimental import pallas as pl
from jax.experimental.pallas import tpu as pltpu
from jax.experimental.pallas import tpu_sc as plsc

_N = 10000
_E = 160000
_D = 256
_NV = 64
_EV = 8
_EPS = 1e-5

_NC = 2
_NS = 16
_NW = _NC * _NS

_E_PER_W = 5000
_E_SLAB = 5120
_E_CHUNKS = 40
_E_TAIL = 8
_C = 128
_CW = _C * _D

_NB = 400


def _prep_body(x_ref, e_ref, ntab_ref, etab_ref, ng_ref, nb_ref,
               eg_ref, eb_ref, nout_ref, eout_ref):
    x2 = x_ref[...]
    e2 = e_ref[...]
    ntab = ntab_ref[...]
    etab = etab_ref[...]

    cn = [jnp.sum(jnp.where(x2 == t, 1.0, 0.0)) for t in range(_NV)]
    ce = [jnp.sum(jnp.where(e2 == t, 1.0, 0.0)) for t in range(_EV)]

    mean_n = sum(cn[t] * ntab[t:t + 1] for t in range(_NV)) * (1.0 / _N)
    dev_n = ntab - mean_n
    sq_n = dev_n * dev_n
    var_n = sum(cn[t] * sq_n[t:t + 1] for t in range(_NV)) * (1.0 / _N)
    scale_n = ng_ref[...] * lax.rsqrt(var_n + _EPS)
    nout_ref[...] = dev_n * scale_n + nb_ref[...]

    mean_e = sum(ce[t] * etab[t:t + 1] for t in range(_EV)) * (1.0 / _E)
    dev_e = etab - mean_e
    sq_e = dev_e * dev_e
    var_e = sum(ce[t] * sq_e[t:t + 1] for t in range(_EV)) * (1.0 / _E)
    scale_e = eg_ref[...] * lax.rsqrt(var_e + _EPS)
    eout_ref[...] = dev_e * scale_e + eb_ref[...]


_prep_call = pl.pallas_call(
    _prep_body,
    out_shape=(
        jax.ShapeDtypeStruct((_NV, _D), jnp.float32),
        jax.ShapeDtypeStruct((_EV, _D), jnp.float32),
    ),
)


def _node_body(idx_ref, tab_ref, out_ref):
    idxc = idx_ref[...]
    iota = lax.broadcasted_iota(jnp.int32, (_NB, _NV), 1)
    onehot = jnp.where(idxc == iota, 1.0, 0.0)
    out_ref[...] = jnp.dot(onehot, tab_ref[...],
                           preferred_element_type=jnp.float32,
                           precision=lax.Precision.HIGHEST)


_node_call = pl.pallas_call(
    _node_body,
    grid=(_N // _NB,),
    in_specs=[
        pl.BlockSpec((_NB, 1), lambda i: (i, 0)),
        pl.BlockSpec((_NV, _D), lambda i: (0, 0)),
    ],
    out_specs=pl.BlockSpec((_NB, _D), lambda i: (i, 0)),
    out_shape=jax.ShapeDtypeStruct((_N, _D), jnp.float32),
)


def _gather_body(etab_hbm, eidx_hbm, e_out,
                 etab_v, eidx_v, buf0, buf1, sem0, sem1):
    wid = lax.axis_index("s") * _NC + lax.axis_index("c")
    pltpu.sync_copy(etab_hbm, etab_v)
    pltpu.sync_copy(eidx_hbm.at[wid], eidx_v)
    lane = lax.broadcasted_iota(jnp.int32, (16,), 0)

    def build(tab_v, idx_v, off, buf, ngroups):
        @plsc.parallel_loop(0, ngroups * 16, 16)
        def grp(r0):
            idx_vec = idx_v[pl.ds(off + r0, 16)]
            src_base = idx_vec * _D
            dst_base = (r0 + lane) * _D
            coff = lane * 9

            @plsc.parallel_loop(0, _D, 1, unroll=32)
            def colblk(c):
                col = (coff + c) & (_D - 1)
                vals = plsc.load_gather(tab_v, [src_base + col])
                plsc.store_scatter(buf, [dst_base + col], vals)

    ebase = wid * _E_PER_W * _D
    build(etab_v, eidx_v, 0, buf0, 8)
    pltpu.async_copy(buf0, e_out.at[pl.ds(ebase, _CW)], sem0)
    build(etab_v, eidx_v, _C, buf1, 8)
    pltpu.async_copy(buf1, e_out.at[pl.ds(ebase + _CW, _CW)], sem1)

    def pair(g, carry):
        a = 2 * g
        pltpu.make_async_copy(
            buf0, e_out.at[pl.ds(ebase + (a - 2) * _CW, _CW)], sem0).wait()
        build(etab_v, eidx_v, a * _C, buf0, 8)
        pltpu.async_copy(buf0, e_out.at[pl.ds(ebase + a * _CW, _CW)], sem0)
        pltpu.make_async_copy(
            buf1, e_out.at[pl.ds(ebase + (a - 1) * _CW, _CW)], sem1).wait()
        build(etab_v, eidx_v, (a + 1) * _C, buf1, 8)
        pltpu.async_copy(buf1, e_out.at[pl.ds(ebase + (a + 1) * _CW, _CW)],
                         sem1)
        return carry

    lax.fori_loop(1, (_E_CHUNKS - 2) // 2, pair, 0)

    a = _E_CHUNKS - 2
    pltpu.make_async_copy(
        buf0, e_out.at[pl.ds(ebase + (a - 2) * _CW, _CW)], sem0).wait()
    build(etab_v, eidx_v, a * _C, buf0, 8)
    d38 = pltpu.async_copy(buf0, e_out.at[pl.ds(ebase + a * _CW, _CW)], sem0)
    pltpu.make_async_copy(
        buf1, e_out.at[pl.ds(ebase + (a - 1) * _CW, _CW)], sem1).wait()
    build(etab_v, eidx_v, (a + 1) * _C, buf1, 1)
    d39 = pltpu.async_copy(buf1.at[pl.ds(0, _E_TAIL * _D)],
                           e_out.at[pl.ds(ebase + (a + 1) * _CW,
                                          _E_TAIL * _D)],
                           sem1)
    d38.wait()
    d39.wait()


_gather_call = functools.partial(
    pl.kernel,
    mesh=plsc.VectorSubcoreMesh(core_axis_name="c", subcore_axis_name="s"),
    compiler_params=pltpu.CompilerParams(needs_layout_passes=False),
    out_type=jax.ShapeDtypeStruct((_E * _D,), jnp.float32),
    scratch_types=[
        pltpu.VMEM((_EV * _D,), jnp.float32),
        pltpu.VMEM((_E_SLAB,), jnp.int32),
        pltpu.VMEM((_CW,), jnp.float32),
        pltpu.VMEM((_CW,), jnp.float32),
        pltpu.SemaphoreType.DMA,
        pltpu.SemaphoreType.DMA,
    ],
)(_gather_body)


def kernel(x, edge_index, edge_attr, node_table, edge_table,
           node_bn_gamma, node_bn_beta, edge_bn_gamma, edge_bn_beta):
    x_pad = jnp.full((80 * 128,), 127, jnp.int32).at[:_N].set(x)
    ntab_n, etab_n = _prep_call(
        x_pad.reshape(80, 128),
        edge_attr.reshape(1250, 128),
        node_table, edge_table,
        node_bn_gamma.reshape(1, _D), node_bn_beta.reshape(1, _D),
        edge_bn_gamma.reshape(1, _D), edge_bn_beta.reshape(1, _D),
    )

    eidx = edge_attr.reshape(_NW, _E_PER_W)
    eidx = jnp.pad(eidx, ((0, 0), (0, _E_SLAB - _E_PER_W)))

    e = _gather_call(etab_n.reshape(-1), eidx)
    h = _node_call(x.reshape(_N, 1), ntab_n)
    return (h, e.reshape(_E, _D))

# --- scband reference (transcript-rebuilt; emitter-appended) ---
"""Pipeline reference for scband-feature-encoder-79774722555992 (READ-ONLY COPY).

The authoritative reference and input builder live on the scoring server;
editing this copy changes nothing except your own understanding.
"""

import jax, jax.numpy as jnp
import numpy as np

N = 10000          # n_nodes
E = 160000         # n_edges
D = 256            # cfg.gt.dim_hidden == cfg.gt.dim_edge
NODE_VOCAB = 64    # node type dictionary size (TypeDict-style node encoder)
EDGE_VOCAB = 8     # edge/bond type dictionary size
EPS = 1e-5
FEAT_VOCAB = 1000
FEAT_DIM = int(FEAT_VOCAB ** 0.7)  # 125


def setup_inputs(seed: int = 0) -> dict:
    key = jax.random.key(seed)
    ks = jax.random.split(key, 6)
    x = jax.random.randint(ks[0], (N,), 0, NODE_VOCAB, dtype=jnp.int32)
    edge_index = jax.random.randint(ks[1], (2, E), 0, N, dtype=jnp.int32)
    edge_attr = jax.random.randint(ks[2], (E,), 0, EDGE_VOCAB, dtype=jnp.int32)
    node_table = jax.random.normal(ks[3], (NODE_VOCAB, D), dtype=jnp.float32) * 0.02
    edge_table = jax.random.normal(ks[4], (EDGE_VOCAB, D), dtype=jnp.float32) * 0.02
    node_bn_gamma = jnp.ones((D,), dtype=jnp.float32)
    node_bn_beta = jnp.zeros((D,), dtype=jnp.float32)
    edge_bn_gamma = jnp.ones((D,), dtype=jnp.float32)
    edge_bn_beta = jnp.zeros((D,), dtype=jnp.float32)
    return {
        "x": x,
        "edge_index": edge_index,
        "edge_attr": edge_attr,
        "node_table": node_table,
        "edge_table": edge_table,
        "node_bn_gamma": node_bn_gamma,
        "node_bn_beta": node_bn_beta,
        "edge_bn_gamma": edge_bn_gamma,
        "edge_bn_beta": edge_bn_beta,
    }


def _batchnorm1d(h, gamma, beta):
    # training-mode BatchNorm1d (batch statistics), affine, no activation
    mean = jnp.mean(h, axis=0)
    var = jnp.var(h, axis=0)
    return (h - mean) / jnp.sqrt(var + EPS) * gamma + beta


def reference(x, edge_index, edge_attr, node_table, edge_table,
              node_bn_gamma, node_bn_beta, edge_bn_gamma, edge_bn_beta):
    # node_encoder: dictionary embedding lookup over node types
    h = jnp.take(node_table, x, axis=0)
    # node_encoder_bn
    h = _batchnorm1d(h, node_bn_gamma, node_bn_beta)
    # edge_encoder: dictionary embedding lookup over edge types
    e = jnp.take(edge_table, edge_attr, axis=0)
    # edge_encoder_bn
    e = _batchnorm1d(e, edge_bn_gamma, edge_bn_beta)
    # edge_index passes through the encoder unchanged
    return (h, e)

if __name__ == "__main__":
    import jax
    _d = setup_inputs()
    print(jax.jit(kernel)(*tuple(_d.values())))

</pallas_src>

<mosaic_0001>
#map = affine_map<(d0, d1) -> (0)>
#map1 = affine_map<(d0, d1) -> (0, 0)>
module attributes {stable_mosaic.version = 14 : i64} {
  func.func @_gather_body(%arg0: i32, %arg1: i32, %arg2: memref<2048xf32, #tpu.memory_space<hbm>>, %arg3: memref<32x5120xi32, #tpu.memory_space<hbm>>, %arg4: memref<40960000xf32, #tpu.memory_space<hbm>>, %arg5: memref<2048xf32, #tpu.memory_space<vmem>>, %arg6: memref<5120xi32, #tpu.memory_space<vmem>>, %arg7: memref<32768xf32, #tpu.memory_space<vmem>>, %arg8: memref<32768xf32, #tpu.memory_space<vmem>>, %arg9: memref<!tpu.dma_semaphore, #tpu.memory_space<semaphore_mem>>, %arg10: memref<!tpu.dma_semaphore, #tpu.memory_space<semaphore_mem>>) attributes {dimension_semantics = [#tpu.dimension_semantics<core_parallel>, #tpu.dimension_semantics<subcore_parallel>], iteration_bounds = array<i64: 2, 16>, scalar_prefetch = 0 : i64, scratch_operands = 6 : i64, tpu.core_type = #tpu.core_type<sc_vector_subcore>, window_params = [{transform_indices = #map}, {transform_indices = #map1}, {transform_indices = #map}]} {
    %mul3A = arith.constant 2 : i32
    %mul3A_0 = arith.muli %arg1, %mul3A : i32
    %add3A = arith.addi %mul3A_0, %arg0 : i32
    "tpu.region"() ({
      %run_scoped3A = tpu.sem_alloc : memref<!tpu.dma_semaphore, #tpu.memory_space<semaphore_mem>>
      tpu.enqueue_dma source(%arg2 : memref<2048xf32, #tpu.memory_space<hbm>>) target(%arg5 : memref<2048xf32, #tpu.memory_space<vmem>>) target_semaphore(%run_scoped3A : memref<!tpu.dma_semaphore, #tpu.memory_space<semaphore_mem>>)
      tpu.wait_dma2 semaphore(%run_scoped3A : memref<!tpu.dma_semaphore, #tpu.memory_space<semaphore_mem>>) src(%arg2 : memref<2048xf32, #tpu.memory_space<hbm>>) dst(%arg5 : memref<2048xf32, #tpu.memory_space<vmem>>)
      tpu.yield
    }) : () -> ()
    "tpu.region"() ({
      %run_scoped3A = tpu.sem_alloc : memref<!tpu.dma_semaphore, #tpu.memory_space<semaphore_mem>>
      %dma_start3A_53 = arith.constant 0 : i32
      %dma_start3A_54 = tpu.memref_slice %arg3[%add3A, %dma_start3A_53] : memref<32x5120xi32, #tpu.memory_space<hbm>> -> memref<1x5120xi32, #tpu.memory_space<hbm>>
      %dma_start3A_55 = tpu.memref_squeeze %dma_start3A_54 : memref<1x5120xi32, #tpu.memory_space<hbm>> -> memref<5120xi32, #tpu.memory_space<hbm>>
      %dma_start3A_56 = arith.constant 0 : i32
      %dma_start3A_57 = tpu.memref_slice %arg3[%add3A, %dma_start3A_56] : memref<32x5120xi32, #tpu.memory_space<hbm>> -> memref<1x5120xi32, #tpu.memory_space<hbm>>
      %dma_start3A_58 = tpu.memref_squeeze %dma_start3A_57 : memref<1x5120xi32, #tpu.memory_space<hbm>> -> memref<5120xi32, #tpu.memory_space<hbm>>
      tpu.enqueue_dma source(%dma_start3A_58 : memref<5120xi32, #tpu.memory_space<hbm>>) target(%arg6 : memref<5120xi32, #tpu.memory_space<vmem>>) target_semaphore(%run_scoped3A : memref<!tpu.dma_semaphore, #tpu.memory_space<semaphore_mem>>)
      %dma_wait3A_59 = arith.constant 0 : i32
      %dma_wait3A_60 = tpu.memref_slice %arg3[%add3A, %dma_wait3A_59] : memref<32x5120xi32, #tpu.memory_space<hbm>> -> memref<1x5120xi32, #tpu.memory_space<hbm>>
      %dma_wait3A_61 = tpu.memref_squeeze %dma_wait3A_60 : memref<1x5120xi32, #tpu.memory_space<hbm>> -> memref<5120xi32, #tpu.memory_space<hbm>>
      %dma_wait3A_62 = arith.constant 0 : i32
      %dma_wait3A_63 = tpu.memref_slice %arg3[%add3A, %dma_wait3A_62] : memref<32x5120xi32, #tpu.memory_space<hbm>> -> memref<1x5120xi32, #tpu.memory_space<hbm>>
      %dma_wait3A_64 = tpu.memref_squeeze %dma_wait3A_63 : memref<1x5120xi32, #tpu.memory_space<hbm>> -> memref<5120xi32, #tpu.memory_space<hbm>>
      tpu.wait_dma2 semaphore(%run_scoped3A : memref<!tpu.dma_semaphore, #tpu.memory_space<semaphore_mem>>) src(%dma_wait3A_64 : memref<5120xi32, #tpu.memory_space<hbm>>) dst(%arg6 : memref<5120xi32, #tpu.memory_space<vmem>>)
      tpu.yield
    }) : () -> ()
    %iota3A = tpu.iota {dimensions = array<i32: 0>} : vector<16xi32>
    %mul3A_1 = arith.constant 5000 : i32
    %mul3A_2 = arith.muli %add3A, %mul3A_1 : i32
    %mul3A_3 = arith.constant 256 : i32
    %mul3A_4 = arith.muli %mul3A_2, %mul3A_3 : i32
    %parallel_loop3A = arith.constant 0 : i32
    %parallel_loop3A_5 = arith.constant 128 : i32
    %parallel_loop3A_6 = arith.constant 16 : i32
    scf.for %parallel_loop3A_53 = %parallel_loop3A to %parallel_loop3A_5 step %parallel_loop3A_6  : i32 {
      %parallel_loop3A_54 = arith.constant 0 : i32
      %parallel_loop3A_55 = arith.addi %parallel_loop3A_54, %parallel_loop3A_53 : i32
      %parallel_loop3A_56 = arith.index_cast %parallel_loop3A_55 : i32 to index
      %parallel_loop3A_57 = tpu.vector_load %arg6[%parallel_loop3A_56] {strides = array<i32>} : memref<5120xi32, #tpu.memory_space<vmem>>, vector<16xi32>,
      %parallel_loop3A_58 = arith.constant 256 : i32
      %parallel_loop3A_59 = vector.broadcast %parallel_loop3A_58 : i32 to vector<16xi32>
      %parallel_loop3A_60 = arith.muli %parallel_loop3A_57, %parallel_loop3A_59 : vector<16xi32>
      %parallel_loop3A_61 = vector.broadcast %parallel_loop3A_53 : i32 to vector<16xi32>
      %parallel_loop3A_62 = arith.addi %parallel_loop3A_61, %iota3A : vector<16xi32>
      %parallel_loop3A_63 = arith.constant 256 : i32
      %parallel_loop3A_64 = vector.broadcast %parallel_loop3A_63 : i32 to vector<16xi32>
      %parallel_loop3A_65 = arith.muli %parallel_loop3A_62, %parallel_loop3A_64 : vector<16xi32>
      %parallel_loop3A_66 = arith.constant 9 : i32
      %parallel_loop3A_67 = vector.broadcast %parallel_loop3A_66 : i32 to vector<16xi32>
      %parallel_loop3A_68 = arith.muli %iota3A, %parallel_loop3A_67 : vector<16xi32>
      %parallel_loop3A_69 = arith.constant 0 : i32
      %parallel_loop3A_70 = arith.constant 256 : i32
      %parallel_loop3A_71 = arith.constant 1 : i32
      scf.for %parallel_loop3A_72 = %parallel_loop3A_69 to %parallel_loop3A_70 step %parallel_loop3A_71  : i32 {
        %parallel_loop3A_73 = vector.broadcast %parallel_loop3A_72 : i32 to vector<16xi32>
        %parallel_loop3A_74 = arith.addi %parallel_loop3A_68, %parallel_loop3A_73 : vector<16xi32>
        %parallel_loop3A_75 = arith.constant 255 : i32
        %parallel_loop3A_76 = vector.broadcast %parallel_loop3A_75 : i32 to vector<16xi32>
        %parallel_loop3A_77 = arith.andi %parallel_loop3A_74, %parallel_loop3A_76 : vector<16xi32>
        %parallel_loop3A_78 = arith.addi %parallel_loop3A_60, %parallel_loop3A_77 : vector<16xi32>
        %parallel_loop3A_79 = tpu.vector_load_idx %arg5[%parallel_loop3A_78] : memref<2048xf32, #tpu.memory_space<vmem>>[vector<16xi32>], vector<16xf32>,
        %parallel_loop3A_80 = arith.addi %parallel_loop3A_65, %parallel_loop3A_77 : vector<16xi32>
        tpu.vector_store_idx %arg7[%parallel_loop3A_80], %parallel_loop3A_79 : memref<32768xf32, #tpu.memory_space<vmem>>[vector<16xi32>], vector<16xf32>,
      } {sc.loop_unroll_factor = 32 : i64, sc.parallel_access}
    } {sc.loop_unroll_factor = 1 : i64, sc.parallel_access}
    %dma_start3A = tpu.memref_slice %arg4[%mul3A_4] : memref<40960000xf32, #tpu.memory_space<hbm>> -> memref<32768xf32, #tpu.memory_space<hbm>>
    %dma_start3A_7 = tpu.memref_slice %arg4[%mul3A_4] : memref<40960000xf32, #tpu.memory_space<hbm>> -> memref<32768xf32, #tpu.memory_space<hbm>>
    tpu.enqueue_dma source(%arg7 : memref<32768xf32, #tpu.memory_space<vmem>>) target(%dma_start3A_7 : memref<32768xf32, #tpu.memory_space<hbm>>) target_semaphore(%arg9 : memref<!tpu.dma_semaphore, #tpu.memory_space<semaphore_mem>>)
    %parallel_loop3A_8 = arith.constant 0 : i32
    %parallel_loop3A_9 = arith.constant 128 : i32
    %parallel_loop3A_10 = arith.constant 16 : i32
    scf.for %parallel_loop3A_53 = %parallel_loop3A_8 to %parallel_loop3A_9 step %parallel_loop3A_10  : i32 {
      %parallel_loop3A_54 = arith.constant 128 : i32
      %parallel_loop3A_55 = arith.addi %parallel_loop3A_54, %parallel_loop3A_53 : i32
      %parallel_loop3A_56 = arith.index_cast %parallel_loop3A_55 : i32 to index
      %parallel_loop3A_57 = tpu.vector_load %arg6[%parallel_loop3A_56] {strides = array<i32>} : memref<5120xi32, #tpu.memory_space<vmem>>, vector<16xi32>,
      %parallel_loop3A_58 = arith.constant 256 : i32
      %parallel_loop3A_59 = vector.broadcast %parallel_loop3A_58 : i32 to vector<16xi32>
      %parallel_loop3A_60 = arith.muli %parallel_loop3A_57, %parallel_loop3A_59 : vector<16xi32>
      %parallel_loop3A_61 = vector.broadcast %parallel_loop3A_53 : i32 to vector<16xi32>
      %parallel_loop3A_62 = arith.addi %parallel_loop3A_61, %iota3A : vector<16xi32>
      %parallel_loop3A_63 = arith.constant 256 : i32
      %parallel_loop3A_64 = vector.broadcast %parallel_loop3A_63 : i32 to vector<16xi32>
      %parallel_loop3A_65 = arith.muli %parallel_loop3A_62, %parallel_loop3A_64 : vector<16xi32>
      %parallel_loop3A_66 = arith.constant 9 : i32
      %parallel_loop3A_67 = vector.broadcast %parallel_loop3A_66 : i32 to vector<16xi32>
      %parallel_loop3A_68 = arith.muli %iota3A, %parallel_loop3A_67 : vector<16xi32>
      %parallel_loop3A_69 = arith.constant 0 : i32
      %parallel_loop3A_70 = arith.constant 256 : i32
      %parallel_loop3A_71 = arith.constant 1 : i32
      scf.for %parallel_loop3A_72 = %parallel_loop3A_69 to %parallel_loop3A_70 step %parallel_loop3A_71  : i32 {
        %parallel_loop3A_73 = vector.broadcast %parallel_loop3A_72 : i32 to vector<16xi32>
        %parallel_loop3A_74 = arith.addi %parallel_loop3A_68, %parallel_loop3A_73 : vector<16xi32>
        %parallel_loop3A_75 = arith.constant 255 : i32
        %parallel_loop3A_76 = vector.broadcast %parallel_loop3A_75 : i32 to vector<16xi32>
        %parallel_loop3A_77 = arith.andi %parallel_loop3A_74, %parallel_loop3A_76 : vector<16xi32>
        %parallel_loop3A_78 = arith.addi %parallel_loop3A_60, %parallel_loop3A_77 : vector<16xi32>
        %parallel_loop3A_79 = tpu.vector_load_idx %arg5[%parallel_loop3A_78] : memref<2048xf32, #tpu.memory_space<vmem>>[vector<16xi32>], vector<16xf32>,
        %parallel_loop3A_80 = arith.addi %parallel_loop3A_65, %parallel_loop3A_77 : vector<16xi32>
        tpu.vector_store_idx %arg8[%parallel_loop3A_80], %parallel_loop3A_79 : memref<32768xf32, #tpu.memory_space<vmem>>[vector<16xi32>], vector<16xf32>,
      } {sc.loop_unroll_factor = 32 : i64, sc.parallel_access}
    } {sc.loop_unroll_factor = 1 : i64, sc.parallel_access}
    %add3A_11 = arith.constant 32768 : i32
    %add3A_12 = arith.addi %mul3A_4, %add3A_11 : i32
    %dma_start3A_13 = tpu.memref_slice %arg4[%add3A_12] : memref<40960000xf32, #tpu.memory_space<hbm>> -> memref<32768xf32, #tpu.memory_space<hbm>>
    %dma_start3A_14 = tpu.memref_slice %arg4[%add3A_12] : memref<40960000xf32, #tpu.memory_space<hbm>> -> memref<32768xf32, #tpu.memory_space<hbm>>
    tpu.enqueue_dma source(%arg8 : memref<32768xf32, #tpu.memory_space<vmem>>) target(%dma_start3A_14 : memref<32768xf32, #tpu.memory_space<hbm>>) target_semaphore(%arg10 : memref<!tpu.dma_semaphore, #tpu.memory_space<semaphore_mem>>)
    %scan3A = arith.constant 0 : i32
    %scan3A_15 = arith.constant 1 : i32
    %scan3A_16 = arith.constant 18 : i32
    %scan3A_17 = arith.addi %scan3A_15, %scan3A_16 : i32
    %scan3A_18 = arith.constant 1 : i32
    scf.for %scan3A_53 = %scan3A_15 to %scan3A_17 step %scan3A_18  : i32 {
      %mul3A_54 = arith.constant 2 : i32
      %mul3A_55 = arith.muli %mul3A_54, %scan3A_53 : i32
      %sub3A = arith.constant 2 : i32
      %sub3A_56 = arith.subi %mul3A_55, %sub3A : i32
      %mul3A_57 = arith.constant 32768 : i32
      %mul3A_58 = arith.muli %sub3A_56, %mul3A_57 : i32
      %add3A_59 = arith.addi %mul3A_4, %mul3A_58 : i32
      %dma_wait3A_60 = tpu.memref_slice %arg4[%add3A_59] : memref<40960000xf32, #tpu.memory_space<hbm>> -> memref<32768xf32, #tpu.memory_space<hbm>>
      %dma_wait3A_61 = tpu.memref_slice %arg4[%add3A_59] : memref<40960000xf32, #tpu.memory_space<hbm>> -> memref<32768xf32, #tpu.memory_space<hbm>>
      tpu.wait_dma2 semaphore(%arg9 : memref<!tpu.dma_semaphore, #tpu.memory_space<semaphore_mem>>) src(%arg7 : memref<32768xf32, #tpu.memory_space<vmem>>) dst(%dma_wait3A_61 : memref<32768xf32, #tpu.memory_space<hbm>>)
      %mul3A_62 = arith.constant 128 : i32
      %mul3A_63 = arith.muli %mul3A_55, %mul3A_62 : i32
      %parallel_loop3A_64 = arith.constant 0 : i32
      %parallel_loop3A_65 = arith.constant 128 : i32
      %parallel_loop3A_66 = arith.constant 16 : i32
      scf.for %parallel_loop3A_93 = %parallel_loop3A_64 to %parallel_loop3A_65 step %parallel_loop3A_66  : i32 {
        %parallel_loop3A_94 = arith.addi %mul3A_63, %parallel_loop3A_93 : i32
        %parallel_loop3A_95 = arith.index_cast %parallel_loop3A_94 : i32 to index
        %parallel_loop3A_96 = tpu.vector_load %arg6[%parallel_loop3A_95] {strides = array<i32>} : memref<5120xi32, #tpu.memory_space<vmem>>, vector<16xi32>,
        %parallel_loop3A_97 = arith.constant 256 : i32
        %parallel_loop3A_98 = vector.broadcast %parallel_loop3A_97 : i32 to vector<16xi32>
        %parallel_loop3A_99 = arith.muli %parallel_loop3A_96, %parallel_loop3A_98 : vector<16xi32>
        %parallel_loop3A_100 = vector.broadcast %parallel_loop3A_93 : i32 to vector<16xi32>
        %parallel_loop3A_101 = arith.addi %parallel_loop3A_100, %iota3A : vector<16xi32>
        %parallel_loop3A_102 = arith.constant 256 : i32
        %parallel_loop3A_103 = vector.broadcast %parallel_loop3A_102 : i32 to vector<16xi32>
        %parallel_loop3A_104 = arith.muli %parallel_loop3A_101, %parallel_loop3A_103 : vector<16xi32>
        %parallel_loop3A_105 = arith.constant 9 : i32
        %parallel_loop3A_106 = vector.broadcast %parallel_loop3A_105 : i32 to vector<16xi32>
        %parallel_loop3A_107 = arith.muli %iota3A, %parallel_loop3A_106 : vector<16xi32>
        %parallel_loop3A_108 = arith.constant 0 : i32
        %parallel_loop3A_109 = arith.constant 256 : i32
        %parallel_loop3A_110 = arith.constant 1 : i32
        scf.for %parallel_loop3A_111 = %parallel_loop3A_108 to %parallel_loop3A_109 step %parallel_loop3A_110  : i32 {
          %parallel_loop3A_112 = vector.broadcast %parallel_loop3A_111 : i32 to vector<16xi32>
          %parallel_loop3A_113 = arith.addi %parallel_loop3A_107, %parallel_loop3A_112 : vector<16xi32>
          %parallel_loop3A_114 = arith.constant 255 : i32
          %parallel_loop3A_115 = vector.broadcast %parallel_loop3A_114 : i32 to vector<16xi32>
          %parallel_loop3A_116 = arith.andi %parallel_loop3A_113, %parallel_loop3A_115 : vector<16xi32>
          %parallel_loop3A_117 = arith.addi %parallel_loop3A_99, %parallel_loop3A_116 : vector<16xi32>
          %parallel_loop3A_118 = tpu.vector_load_idx %arg5[%parallel_loop3A_117] : memref<2048xf32, #tpu.memory_space<vmem>>[vector<16xi32>], vector<16xf32>,
          %parallel_loop3A_119 = arith.addi %parallel_loop3A_104, %parallel_loop3A_116 : vector<16xi32>
          tpu.vector_store_idx %arg7[%parallel_loop3A_119], %parallel_loop3A_118 : memref<32768xf32, #tpu.memory_space<vmem>>[vector<16xi32>], vector<16xf32>,
        } {sc.loop_unroll_factor = 32 : i64, sc.parallel_access}
      } {sc.loop_unroll_factor = 1 : i64, sc.parallel_access}
      %mul3A_67 = arith.constant 32768 : i32
      %mul3A_68 = arith.muli %mul3A_55, %mul3A_67 : i32
      %add3A_69 = arith.addi %mul3A_4, %mul3A_68 : i32
      %dma_start3A_70 = tpu.memref_slice %arg4[%add3A_69] : memref<40960000xf32, #tpu.memory_space<hbm>> -> memref<32768xf32, #tpu.memory_space<hbm>>
      %dma_start3A_71 = tpu.memref_slice %arg4[%add3A_69] : memref<40960000xf32, #tpu.memory_space<hbm>> -> memref<32768xf32, #tpu.memory_space<hbm>>
      tpu.enqueue_dma source(%arg7 : memref<32768xf32, #tpu.memory_space<vmem>>) target(%dma_start3A_71 : memref<32768xf32, #tpu.memory_space<hbm>>) target_semaphore(%arg9 : memref<!tpu.dma_semaphore, #tpu.memory_space<semaphore_mem>>)
      %sub3A_72 = arith.constant 1 : i32
      %sub3A_73 = arith.subi %mul3A_55, %sub3A_72 : i32
      %mul3A_74 = arith.constant 32768 : i32
      %mul3A_75 = arith.muli %sub3A_73, %mul3A_74 : i32
      %add3A_76 = arith.addi %mul3A_4, %mul3A_75 : i32
      %dma_wait3A_77 = tpu.memref_slice %arg4[%add3A_76] : memref<40960000xf32, #tpu.memory_space<hbm>> -> memref<32768xf32, #tpu.memory_space<hbm>>
      %dma_wait3A_78 = tpu.memref_slice %arg4[%add3A_76] : memref<40960000xf32, #tpu.memory_space<hbm>> -> memref<32768xf32, #tpu.memory_space<hbm>>
      tpu.wait_dma2 semaphore(%arg10 : memref<!tpu.dma_semaphore, #tpu.memory_space<semaphore_mem>>) src(%arg8 : memref<32768xf32, #tpu.memory_space<vmem>>) dst(%dma_wait3A_78 : memref<32768xf32, #tpu.memory_space<hbm>>)
      %add3A_79 = arith.constant 1 : i32
      %add3A_80 = arith.addi %mul3A_55, %add3A_79 : i32
      %mul3A_81 = arith.constant 128 : i32
      %mul3A_82 = arith.muli %add3A_80, %mul3A_81 : i32
      %parallel_loop3A_83 = arith.constant 0 : i32
      %parallel_loop3A_84 = arith.constant 128 : i32
      %parallel_loop3A_85 = arith.constant 16 : i32
      scf.for %parallel_loop3A_93 = %parallel_loop3A_83 to %parallel_loop3A_84 step %parallel_loop3A_85  : i32 {
        %parallel_loop3A_94 = arith.addi %mul3A_82, %parallel_loop3A_93 : i32
        %parallel_loop3A_95 = arith.index_cast %parallel_loop3A_94 : i32 to index
        %parallel_loop3A_96 = tpu.vector_load %arg6[%parallel_loop3A_95] {strides = array<i32>} : memref<5120xi32, #tpu.memory_space<vmem>>, vector<16xi32>,
        %parallel_loop3A_97 = arith.constant 256 : i32
        %parallel_loop3A_98 = vector.broadcast %parallel_loop3A_97 : i32 to vector<16xi32>
        %parallel_loop3A_99 = arith.muli %parallel_loop3A_96, %parallel_loop3A_98 : vector<16xi32>
        %parallel_loop3A_100 = vector.broadcast %parallel_loop3A_93 : i32 to vector<16xi32>
        %parallel_loop3A_101 = arith.addi %parallel_loop3A_100, %iota3A : vector<16xi32>
        %parallel_loop3A_102 = arith.constant 256 : i32
        %parallel_loop3A_103 = vector.broadcast %parallel_loop3A_102 : i32 to vector<16xi32>
        %parallel_loop3A_104 = arith.muli %parallel_loop3A_101, %parallel_loop3A_103 : vector<16xi32>
        %parallel_loop3A_105 = arith.constant 9 : i32
        %parallel_loop3A_106 = vector.broadcast %parallel_loop3A_105 : i32 to vector<16xi32>
        %parallel_loop3A_107 = arith.muli %iota3A, %parallel_loop3A_106 : vector<16xi32>
        %parallel_loop3A_108 = arith.constant 0 : i32
        %parallel_loop3A_109 = arith.constant 256 : i32
        %parallel_loop3A_110 = arith.constant 1 : i32
        scf.for %parallel_loop3A_111 = %parallel_loop3A_108 to %parallel_loop3A_109 step %parallel_loop3A_110  : i32 {
          %parallel_loop3A_112 = vector.broadcast %parallel_loop3A_111 : i32 to vector<16xi32>
          %parallel_loop3A_113 = arith.addi %parallel_loop3A_107, %parallel_loop3A_112 : vector<16xi32>
          %parallel_loop3A_114 = arith.constant 255 : i32
          %parallel_loop3A_115 = vector.broadcast %parallel_loop3A_114 : i32 to vector<16xi32>
          %parallel_loop3A_116 = arith.andi %parallel_loop3A_113, %parallel_loop3A_115 : vector<16xi32>
          %parallel_loop3A_117 = arith.addi %parallel_loop3A_99, %parallel_loop3A_116 : vector<16xi32>
          %parallel_loop3A_118 = tpu.vector_load_idx %arg5[%parallel_loop3A_117] : memref<2048xf32, #tpu.memory_space<vmem>>[vector<16xi32>], vector<16xf32>,
          %parallel_loop3A_119 = arith.addi %parallel_loop3A_104, %parallel_loop3A_116 : vector<16xi32>
          tpu.vector_store_idx %arg8[%parallel_loop3A_119], %parallel_loop3A_118 : memref<32768xf32, #tpu.memory_space<vmem>>[vector<16xi32>], vector<16xf32>,
        } {sc.loop_unroll_factor = 32 : i64, sc.parallel_access}
      } {sc.loop_unroll_factor = 1 : i64, sc.parallel_access}
      %add3A_86 = arith.constant 1 : i32
      %add3A_87 = arith.addi %mul3A_55, %add3A_86 : i32
      %mul3A_88 = arith.constant 32768 : i32
      %mul3A_89 = arith.muli %add3A_87, %mul3A_88 : i32
      %add3A_90 = arith.addi %mul3A_4, %mul3A_89 : i32
      %dma_start3A_91 = tpu.memref_slice %arg4[%add3A_90] : memref<40960000xf32, #tpu.memory_space<hbm>> -> memref<32768xf32, #tpu.memory_space<hbm>>
      %dma_start3A_92 = tpu.memref_slice %arg4[%add3A_90] : memref<40960000xf32, #tpu.memory_space<hbm>> -> memref<32768xf32, #tpu.memory_space<hbm>>
      tpu.enqueue_dma source(%arg8 : memref<32768xf32, #tpu.memory_space<vmem>>) target(%dma_start3A_92 : memref<32768xf32, #tpu.memory_space<hbm>>) target_semaphore(%arg10 : memref<!tpu.dma_semaphore, #tpu.memory_space<semaphore_mem>>)
    }
    %scan3A_19 = arith.constant 18 : i32
    %add3A_20 = arith.constant 1179648 : i32
    %add3A_21 = arith.addi %mul3A_4, %add3A_20 : i32
    %dma_wait3A = tpu.memref_slice %arg4[%add3A_21] : memref<40960000xf32, #tpu.memory_space<hbm>> -> memref<32768xf32, #tpu.memory_space<hbm>>
    %dma_wait3A_22 = tpu.memref_slice %arg4[%add3A_21] : memref<40960000xf32, #tpu.memory_space<hbm>> -> memref<32768xf32, #tpu.memory_space<hbm>>
    tpu.wait_dma2 semaphore(%arg9 : memref<!tpu.dma_semaphore, #tpu.memory_space<semaphore_mem>>) src(%arg7 : memref<32768xf32, #tpu.memory_space<vmem>>) dst(%dma_wait3A_22 : memref<32768xf32, #tpu.memory_space<hbm>>)
    %parallel_loop3A_23 = arith.constant 0 : i32
    %parallel_loop3A_24 = arith.constant 128 : i32
    %parallel_loop3A_25 = arith.constant 16 : i32
    scf.for %parallel_loop3A_53 = %parallel_loop3A_23 to %parallel_loop3A_24 step %parallel_loop3A_25  : i32 {
      %parallel_loop3A_54 = arith.constant 4864 : i32
      %parallel_loop3A_55 = arith.addi %parallel_loop3A_54, %parallel_loop3A_53 : i32
      %parallel_loop3A_56 = arith.index_cast %parallel_loop3A_55 : i32 to index
      %parallel_loop3A_57 = tpu.vector_load %arg6[%parallel_loop3A_56] {strides = array<i32>} : memref<5120xi32, #tpu.memory_space<vmem>>, vector<16xi32>,
      %parallel_loop3A_58 = arith.constant 256 : i32
      %parallel_loop3A_59 = vector.broadcast %parallel_loop3A_58 : i32 to vector<16xi32>
      %parallel_loop3A_60 = arith.muli %parallel_loop3A_57, %parallel_loop3A_59 : vector<16xi32>
      %parallel_loop3A_61 = vector.broadcast %parallel_loop3A_53 : i32 to vector<16xi32>
      %parallel_loop3A_62 = arith.addi %parallel_loop3A_61, %iota3A : vector<16xi32>
      %parallel_loop3A_63 = arith.constant 256 : i32
      %parallel_loop3A_64 = vector.broadcast %parallel_loop3A_63 : i32 to vector<16xi32>
      %parallel_loop3A_65 = arith.muli %parallel_loop3A_62, %parallel_loop3A_64 : vector<16xi32>
      %parallel_loop3A_66 = arith.constant 9 : i32
      %parallel_loop3A_67 = vector.broadcast %parallel_loop3A_66 : i32 to vector<16xi32>
      %parallel_loop3A_68 = arith.muli %iota3A, %parallel_loop3A_67 : vector<16xi32>
      %parallel_loop3A_69 = arith.constant 0 : i32
      %parallel_loop3A_70 = arith.constant 256 : i32
      %parallel_loop3A_71 = arith.constant 1 : i32
      scf.for %parallel_loop3A_72 = %parallel_loop3A_69 to %parallel_loop3A_70 step %parallel_loop3A_71  : i32 {
        %parallel_loop3A_73 = vector.broadcast %parallel_loop3A_72 : i32 to vector<16xi32>
        %parallel_loop3A_74 = arith.addi %parallel_loop3A_68, %parallel_loop3A_73 : vector<16xi32>
        %parallel_loop3A_75 = arith.constant 255 : i32
        %parallel_loop3A_76 = vector.broadcast %parallel_loop3A_75 : i32 to vector<16xi32>
        %parallel_loop3A_77 = arith.andi %parallel_loop3A_74, %parallel_loop3A_76 : vector<16xi32>
        %parallel_loop3A_78 = arith.addi %parallel_loop3A_60, %parallel_loop3A_77 : vector<16xi32>
        %parallel_loop3A_79 = tpu.vector_load_idx %arg5[%parallel_loop3A_78] : memref<2048xf32, #tpu.memory_space<vmem>>[vector<16xi32>], vector<16xf32>,
        %parallel_loop3A_80 = arith.addi %parallel_loop3A_65, %parallel_loop3A_77 : vector<16xi32>
        tpu.vector_store_idx %arg7[%parallel_loop3A_80], %parallel_loop3A_79 : memref<32768xf32, #tpu.memory_space<vmem>>[vector<16xi32>], vector<16xf32>,
      } {sc.loop_unroll_factor = 32 : i64, sc.parallel_access}
    } {sc.loop_unroll_factor = 1 : i64, sc.parallel_access}
    %add3A_26 = arith.constant 1245184 : i32
    %add3A_27 = arith.addi %mul3A_4, %add3A_26 : i32
    %dma_start3A_28 = tpu.memref_slice %arg4[%add3A_27] : memref<40960000xf32, #tpu.memory_space<hbm>> -> memref<32768xf32, #tpu.memory_space<hbm>>
    %dma_start3A_29 = tpu.memref_slice %arg4[%add3A_27] : memref<40960000xf32, #tpu.memory_space<hbm>> -> memref<32768xf32, #tpu.memory_space<hbm>>
    tpu.enqueue_dma source(%arg7 : memref<32768xf32, #tpu.memory_space<vmem>>) target(%dma_start3A_29 : memref<32768xf32, #tpu.memory_space<hbm>>) target_semaphore(%arg9 : memref<!tpu.dma_semaphore, #tpu.memory_space<semaphore_mem>>)
    %add3A_30 = arith.constant 1212416 : i32
    %add3A_31 = arith.addi %mul3A_4, %add3A_30 : i32
    %dma_wait3A_32 = tpu.memref_slice %arg4[%add3A_31] : memref<40960000xf32, #tpu.memory_space<hbm>> -> memref<32768xf32, #tpu.memory_space<hbm>>
    %dma_wait3A_33 = tpu.memref_slice %arg4[%add3A_31] : memref<40960000xf32, #tpu.memory_space<hbm>> -> memref<32768xf32, #tpu.memory_space<hbm>>
    tpu.wait_dma2 semaphore(%arg10 : memref<!tpu.dma_semaphore, #tpu.memory_space<semaphore_mem>>) src(%arg8 : memref<32768xf32, #tpu.memory_space<vmem>>) dst(%dma_wait3A_33 : memref<32768xf32, #tpu.memory_space<hbm>>)
    %parallel_loop3A_34 = arith.constant 0 : i32
    %parallel_loop3A_35 = arith.constant 16 : i32
    %parallel_loop3A_36 = arith.constant 16 : i32
    scf.for %parallel_loop3A_53 = %parallel_loop3A_34 to %parallel_loop3A_35 step %parallel_loop3A_36  : i32 {
      %parallel_loop3A_54 = arith.constant 4992 : i32
      %parallel_loop3A_55 = arith.addi %parallel_loop3A_54, %parallel_loop3A_53 : i32
      %parallel_loop3A_56 = arith.index_cast %parallel_loop3A_55 : i32 to index
      %parallel_loop3A_57 = tpu.vector_load %arg6[%parallel_loop3A_56] {strides = array<i32>} : memref<5120xi32, #tpu.memory_space<vmem>>, vector<16xi32>,
      %parallel_loop3A_58 = arith.constant 256 : i32
      %parallel_loop3A_59 = vector.broadcast %parallel_loop3A_58 : i32 to vector<16xi32>
      %parallel_loop3A_60 = arith.muli %parallel_loop3A_57, %parallel_loop3A_59 : vector<16xi32>
      %parallel_loop3A_61 = vector.broadcast %parallel_loop3A_53 : i32 to vector<16xi32>
      %parallel_loop3A_62 = arith.addi %parallel_loop3A_61, %iota3A : vector<16xi32>
      %parallel_loop3A_63 = arith.constant 256 : i32
      %parallel_loop3A_64 = vector.broadcast %parallel_loop3A_63 : i32 to vector<16xi32>
      %parallel_loop3A_65 = arith.muli %parallel_loop3A_62, %parallel_loop3A_64 : vector<16xi32>
      %parallel_loop3A_66 = arith.constant 9 : i32
      %parallel_loop3A_67 = vector.broadcast %parallel_loop3A_66 : i32 to vector<16xi32>
      %parallel_loop3A_68 = arith.muli %iota3A, %parallel_loop3A_67 : vector<16xi32>
      %parallel_loop3A_69 = arith.constant 0 : i32
      %parallel_loop3A_70 = arith.constant 256 : i32
      %parallel_loop3A_71 = arith.constant 1 : i32
      scf.for %parallel_loop3A_72 = %parallel_loop3A_69 to %parallel_loop3A_70 step %parallel_loop3A_71  : i32 {
        %parallel_loop3A_73 = vector.broadcast %parallel_loop3A_72 : i32 to vector<16xi32>
        %parallel_loop3A_74 = arith.addi %parallel_loop3A_68, %parallel_loop3A_73 : vector<16xi32>
        %parallel_loop3A_75 = arith.constant 255 : i32
        %parallel_loop3A_76 = vector.broadcast %parallel_loop3A_75 : i32 to vector<16xi32>
        %parallel_loop3A_77 = arith.andi %parallel_loop3A_74, %parallel_loop3A_76 : vector<16xi32>
        %parallel_loop3A_78 = arith.addi %parallel_loop3A_60, %parallel_loop3A_77 : vector<16xi32>
        %parallel_loop3A_79 = tpu.vector_load_idx %arg5[%parallel_loop3A_78] : memref<2048xf32, #tpu.memory_space<vmem>>[vector<16xi32>], vector<16xf32>,
        %parallel_loop3A_80 = arith.addi %parallel_loop3A_65, %parallel_loop3A_77 : vector<16xi32>
        tpu.vector_store_idx %arg8[%parallel_loop3A_80], %parallel_loop3A_79 : memref<32768xf32, #tpu.memory_space<vmem>>[vector<16xi32>], vector<16xf32>,
      } {sc.loop_unroll_factor = 32 : i64, sc.parallel_access}
    } {sc.loop_unroll_factor = 1 : i64, sc.parallel_access}
    %add3A_37 = arith.constant 1277952 : i32
    %add3A_38 = arith.addi %mul3A_4, %add3A_37 : i32
    %dma_start3A_39 = arith.constant 0 : i32
    %dma_start3A_40 = tpu.memref_slice %arg8[%dma_start3A_39] : memref<32768xf32, #tpu.memory_space<vmem>> -> memref<2048xf32, #tpu.memory_space<vmem>>
    %dma_start3A_41 = tpu.memref_slice %arg4[%add3A_38] : memref<40960000xf32, #tpu.memory_space<hbm>> -> memref<2048xf32, #tpu.memory_space<hbm>>
    %dma_start3A_42 = tpu.memref_slice %arg4[%add3A_38] : memref<40960000xf32, #tpu.memory_space<hbm>> -> memref<2048xf32, #tpu.memory_space<hbm>>
    %dma_start3A_43 = arith.constant 0 : i32
    %dma_start3A_44 = tpu.memref_slice %arg8[%dma_start3A_43] : memref<32768xf32, #tpu.memory_space<vmem>> -> memref<2048xf32, #tpu.memory_space<vmem>>
    tpu.enqueue_dma source(%dma_start3A_44 : memref<2048xf32, #tpu.memory_space<vmem>>) target(%dma_start3A_42 : memref<2048xf32, #tpu.memory_space<hbm>>) target_semaphore(%arg10 : memref<!tpu.dma_semaphore, #tpu.memory_space<semaphore_mem>>)
    %dma_wait3A_45 = tpu.memref_slice %arg4[%add3A_27] : memref<40960000xf32, #tpu.memory_space<hbm>> -> memref<32768xf32, #tpu.memory_space<hbm>>
    %dma_wait3A_46 = tpu.memref_slice %arg4[%add3A_27] : memref<40960000xf32, #tpu.memory_space<hbm>> -> memref<32768xf32, #tpu.memory_space<hbm>>
    tpu.wait_dma2 semaphore(%arg9 : memref<!tpu.dma_semaphore, #tpu.memory_space<semaphore_mem>>) src(%arg7 : memref<32768xf32, #tpu.memory_space<vmem>>) dst(%dma_wait3A_46 : memref<32768xf32, #tpu.memory_space<hbm>>)
    %dma_wait3A_47 = arith.constant 0 : i32
    %dma_wait3A_48 = tpu.memref_slice %arg8[%dma_wait3A_47] : memref<32768xf32, #tpu.memory_space<vmem>> -> memref<2048xf32, #tpu.memory_space<vmem>>
    %dma_wait3A_49 = tpu.memref_slice %arg4[%add3A_38] : memref<40960000xf32, #tpu.memory_space<hbm>> -> memref<2048xf32, #tpu.memory_space<hbm>>
    %dma_wait3A_50 = tpu.memref_slice %arg4[%add3A_38] : memref<40960000xf32, #tpu.memory_space<hbm>> -> memref<2048xf32, #tpu.memory_space<hbm>>
    %dma_wait3A_51 = arith.constant 0 : i32
    %dma_wait3A_52 = tpu.memref_slice %arg8[%dma_wait3A_51] : memref<32768xf32, #tpu.memory_space<vmem>> -> memref<2048xf32, #tpu.memory_space<vmem>>
    tpu.wait_dma2 semaphore(%arg10 : memref<!tpu.dma_semaphore, #tpu.memory_space<semaphore_mem>>) src(%dma_wait3A_52 : memref<2048xf32, #tpu.memory_space<vmem>>) dst(%dma_wait3A_50 : memref<2048xf32, #tpu.memory_space<hbm>>)
    return
  }
}

module attributes {stable_mosaic.version = 14 : i64} {
  func.func @_node_body(%arg0: i32, %arg1: memref<400x1xi32, #tpu.memory_space<vmem>>, %arg2: memref<64x256xf32, #tpu.memory_space<vmem>>, %arg3: memref<400x256xf32, #tpu.memory_space<vmem>>) attributes {dimension_semantics = [#tpu.dimension_semantics<arbitrary>], iteration_bounds = array<i64: 25>, scalar_prefetch = 0 : i64, scratch_operands = 0 : i64, tpu.core_type = #tpu.core_type<tc>, window_params = [{transform_indices = @transform_0, window_bounds = array<i64: 400, 1>}, {pipeline_mode = #tpu.pipeline_mode<synchronous>, transform_indices = @transform_1, window_bounds = array<i64: 64, 256>}, {transform_indices = @transform_2, window_bounds = array<i64: 400, 256>}]} {
    %get3A = arith.constant 0 : index
    %get3A_0 = arith.constant 0 : index
    %get3A_1 = vector.load %arg1[%get3A, %get3A_0] : memref<400x1xi32, #tpu.memory_space<vmem>>, vector<400x1xi32>
    %iota3A = tpu.iota {dimensions = array<i32: 1>} : vector<400x64xi32>
    %eq3A = vector.broadcast %get3A_1 : vector<400x1xi32> to vector<400x64xi32>
    %eq3A_2 = arith.cmpi eq, %eq3A, %iota3A : vector<400x64xi32>
    %jit3A = arith.constant 1.000000e+00 : f32
    %jit3A_3 = arith.constant 0.000000e+00 : f32
    %broadcast_in_dim3A = vector.broadcast %jit3A : f32 to vector<400x64xf32>
    %broadcast_in_dim3A_4 = vector.broadcast %jit3A_3 : f32 to vector<400x64xf32>
    %select_n3A = arith.select %eq3A_2, %broadcast_in_dim3A, %broadcast_in_dim3A_4 : vector<400x64xi1>, vector<400x64xf32>
    %get3A_5 = arith.constant 0 : index
    %get3A_6 = arith.constant 0 : index
    %get3A_7 = vector.load %arg2[%get3A_5, %get3A_6] : memref<64x256xf32, #tpu.memory_space<vmem>>, vector<64x256xf32>
    %dot_general3A = arith.constant dense<0.000000e+00> : vector<400x256xf32>
    %dot_general3A_8 = tpu.matmul %select_n3A, %get3A_7, %dot_general3A {dimension_numbers = #tpu.dot_dimension_numbers<[1], [0], [0], [1], [0, 0, 1, 1], [], []>, precision = #tpu.contract_precision<fp32>, transpose_lhs_hint = false} : vector<400x64xf32>, vector<64x256xf32>, vector<400x256xf32> -> vector<400x256xf32>
    %swap3A = arith.constant 0 : index
    %swap3A_9 = arith.constant 0 : index
    %swap3A_10 = vector.load %arg3[%swap3A, %swap3A_9] : memref<400x256xf32, #tpu.memory_space<vmem>>, vector<400x256xf32>
    tpu.vector_store %arg3[%swap3A, %swap3A_9], %dot_general3A_8 {strides = array<i32>} : memref<400x256xf32, #tpu.memory_space<vmem>>, vector<400x256xf32>,
    return
  }
  func.func @transform_0(%arg0: i32) -> (i32, i32) {
    %c0_i32 = arith.constant 0 : i32
    %c0_i32_0 = arith.constant 0 : i32
    return %arg0, %c0_i32 : i32, i32
  }
  func.func @transform_1(%arg0: i32) -> (i32, i32) {
    %c0_i32 = arith.constant 0 : i32
    %c0_i32_0 = arith.constant 0 : i32
    %c0_i32_1 = arith.constant 0 : i32
    return %c0_i32, %c0_i32_0 : i32, i32
  }
  func.func @transform_2(%arg0: i32) -> (i32, i32) {
    %c0_i32 = arith.constant 0 : i32
    %c0_i32_0 = arith.constant 0 : i32
    return %arg0, %c0_i32 : i32, i32
  }
}

module attributes {stable_mosaic.version = 14 : i64} {
  func.func @_prep_body(%arg0: memref<80x128xi32, #tpu.memory_space<vmem>>, %arg1: memref<1250x128xi32, #tpu.memory_space<vmem>>, %arg2: memref<64x256xf32, #tpu.memory_space<vmem>>, %arg3: memref<8x256xf32, #tpu.memory_space<vmem>>, %arg4: memref<1x256xf32, #tpu.memory_space<vmem>>, %arg5: memref<1x256xf32, #tpu.memory_space<vmem>>, %arg6: memref<1x256xf32, #tpu.memory_space<vmem>>, %arg7: memref<1x256xf32, #tpu.memory_space<vmem>>, %arg8: memref<64x256xf32, #tpu.memory_space<vmem>>, %arg9: memref<8x256xf32, #tpu.memory_space<vmem>>) attributes {dimension_semantics = [], scalar_prefetch = 0 : i64, scratch_operands = 0 : i64, tpu.core_type = #tpu.core_type<tc>} {
    %get3A = arith.constant 0 : index
    %get3A_0 = arith.constant 0 : index
    %get3A_1 = vector.load %arg0[%get3A, %get3A_0] : memref<80x128xi32, #tpu.memory_space<vmem>>, vector<80x128xi32>
    %get3A_2 = arith.constant 0 : index
    %get3A_3 = arith.constant 0 : index
    %get3A_4 = vector.load %arg1[%get3A_2, %get3A_3] : memref<1250x128xi32, #tpu.memory_space<vmem>>, vector<1250x128xi32>
    %get3A_5 = arith.constant 0 : index
    %get3A_6 = arith.constant 0 : index
    %get3A_7 = vector.load %arg2[%get3A_5, %get3A_6] : memref<64x256xf32, #tpu.memory_space<vmem>>, vector<64x256xf32>
    %get3A_8 = arith.constant 0 : index
    %get3A_9 = arith.constant 0 : index
    %get3A_10 = vector.load %arg3[%get3A_8, %get3A_9] : memref<8x256xf32, #tpu.memory_space<vmem>>, vector<8x256xf32>
    %eq3A = arith.constant 0 : i32
    %eq3A_11 = vector.broadcast %eq3A : i32 to vector<80x128xi32>
    %eq3A_12 = arith.cmpi eq, %get3A_1, %eq3A_11 : vector<80x128xi32>
    %jit3A = arith.constant 1.000000e+00 : f32
    %jit3A_13 = arith.constant 0.000000e+00 : f32
    %broadcast_in_dim3A = vector.broadcast %jit3A : f32 to vector<80x128xf32>
    %broadcast_in_dim3A_14 = vector.broadcast %jit3A_13 : f32 to vector<80x128xf32>
    %select_n3A = arith.select %eq3A_12, %broadcast_in_dim3A, %broadcast_in_dim3A_14 : vector<80x128xi1>, vector<80x128xf32>
    %reduce_sum3A = vector.shape_cast %select_n3A : vector<80x128xf32> to vector<1x80x128xf32>
    %reduce_sum3A_15 = arith.constant dense<0.000000e+00> : vector<1xf32>
    %reduce_sum3A_16 = vector.multi_reduction <add>, %reduce_sum3A, %reduce_sum3A_15 [1, 2] : vector<1x80x128xf32> to vector<1xf32>
    %reduce_sum3A_17 = vector.shape_cast %reduce_sum3A_16 : vector<1xf32> to vector<1x1x1xf32>
    %reduce_sum3A_18 = vector.extract %reduce_sum3A_17[0, 0, 0] : f32 from vector<1x1x1xf32>
    %eq3A_19 = arith.constant 1 : i32
    %eq3A_20 = vector.broadcast %eq3A_19 : i32 to vector<80x128xi32>
    %eq3A_21 = arith.cmpi eq, %get3A_1, %eq3A_20 : vector<80x128xi32>
    %jit3A_22 = arith.constant 1.000000e+00 : f32
    %jit3A_23 = arith.constant 0.000000e+00 : f32
    %broadcast_in_dim3A_24 = vector.broadcast %jit3A_22 : f32 to vector<80x128xf32>
    %broadcast_in_dim3A_25 = vector.broadcast %jit3A_23 : f32 to vector<80x128xf32>
    %select_n3A_26 = arith.select %eq3A_21, %broadcast_in_dim3A_24, %broadcast_in_dim3A_25 : vector<80x128xi1>, vector<80x128xf32>
    %reduce_sum3A_27 = vector.shape_cast %select_n3A_26 : vector<80x128xf32> to vector<1x80x128xf32>
    %reduce_sum3A_28 = arith.constant dense<0.000000e+00> : vector<1xf32>
    %reduce_sum3A_29 = vector.multi_reduction <add>, %reduce_sum3A_27, %reduce_sum3A_28 [1, 2] : vector<1x80x128xf32> to vector<1xf32>
    %reduce_sum3A_30 = vector.shape_cast %reduce_sum3A_29 : vector<1xf32> to vector<1x1x1xf32>
    %reduce_sum3A_31 = vector.extract %reduce_sum3A_30[0, 0, 0] : f32 from vector<1x1x1xf32>
    %eq3A_32 = arith.constant 2 : i32
    %eq3A_33 = vector.broadcast %eq3A_32 : i32 to vector<80x128xi32>
    %eq3A_34 = arith.cmpi eq, %get3A_1, %eq3A_33 : vector<80x128xi32>
    %jit3A_35 = arith.constant 1.000000e+00 : f32
    %jit3A_36 = arith.constant 0.000000e+00 : f32
    %broadcast_in_dim3A_37 = vector.broadcast %jit3A_35 : f32 to vector<80x128xf32>
    %broadcast_in_dim3A_38 = vector.broadcast %jit3A_36 : f32 to vector<80x128xf32>
    %select_n3A_39 = arith.select %eq3A_34, %broadcast_in_dim3A_37, %broadcast_in_dim3A_38 : vector<80x128xi1>, vector<80x128xf32>
    %reduce_sum3A_40 = vector.shape_cast %select_n3A_39 : vector<80x128xf32> to vector<1x80x128xf32>
    %reduce_sum3A_41 = arith.constant dense<0.000000e+00> : vector<1xf32>
    %reduce_sum3A_42 = vector.multi_reduction <add>, %reduce_sum3A_40, %reduce_sum3A_41 [1, 2] : vector<1x80x128xf32> to vector<1xf32>
    %reduce_sum3A_43 = vector.shape_cast %reduce_sum3A_42 : vector<1xf32> to vector<1x1x1xf32>
    %reduce_sum3A_44 = vector.extract %reduce_sum3A_43[0, 0, 0] : f32 from vector<1x1x1xf32>
    %eq3A_45 = arith.constant 3 : i32
    %eq3A_46 = vector.broadcast %eq3A_45 : i32 to vector<80x128xi32>
    %eq3A_47 = arith.cmpi eq, %get3A_1, %eq3A_46 : vector<80x128xi32>
    %jit3A_48 = arith.constant 1.000000e+00 : f32
    %jit3A_49 = arith.constant 0.000000e+00 : f32
    %broadcast_in_dim3A_50 = vector.broadcast %jit3A_48 : f32 to vector<80x128xf32>
    %broadcast_in_dim3A_51 = vector.broadcast %jit3A_49 : f32 to vector<80x128xf32>
    %select_n3A_52 = arith.select %eq3A_47, %broadcast_in_dim3A_50, %broadcast_in_dim3A_51 : vector<80x128xi1>, vector<80x128xf32>
    %reduce_sum3A_53 = vector.shape_cast %select_n3A_52 : vector<80x128xf32> to vector<1x80x128xf32>
    %reduce_sum3A_54 = arith.constant dense<0.000000e+00> : vector<1xf32>
    %reduce_sum3A_55 = vector.multi_reduction <add>, %reduce_sum3A_53, %reduce_sum3A_54 [1, 2] : vector<1x80x128xf32> to vector<1xf32>
    %reduce_sum3A_56 = vector.shape_cast %reduce_sum3A_55 : vector<1xf32> to vector<1x1x1xf32>
    %reduce_sum3A_57 = vector.extract %reduce_sum3A_56[0, 0, 0] : f32 from vector<1x1x1xf32>
    %eq3A_58 = arith.constant 4 : i32
    %eq3A_59 = vector.broadcast %eq3A_58 : i32 to vector<80x128xi32>
    %eq3A_60 = arith.cmpi eq, %get3A_1, %eq3A_59 : vector<80x128xi32>
    %jit3A_61 = arith.constant 1.000000e+00 : f32
    %jit3A_62 = arith.constant 0.000000e+00 : f32
    %broadcast_in_dim3A_63 = vector.broadcast %jit3A_61 : f32 to vector<80x128xf32>
    %broadcast_in_dim3A_64 = vector.broadcast %jit3A_62 : f32 to vector<80x128xf32>
    %select_n3A_65 = arith.select %eq3A_60, %broadcast_in_dim3A_63, %broadcast_in_dim3A_64 : vector<80x128xi1>, vector<80x128xf32>
    %reduce_sum3A_66 = vector.shape_cast %select_n3A_65 : vector<80x128xf32> to vector<1x80x128xf32>
    %reduce_sum3A_67 = arith.constant dense<0.000000e+00> : vector<1xf32>
    %reduce_sum3A_68 = vector.multi_reduction <add>, %reduce_sum3A_66, %reduce_sum3A_67 [1, 2] : vector<1x80x128xf32> to vector<1xf32>
    %reduce_sum3A_69 = vector.shape_cast %reduce_sum3A_68 : vector<1xf32> to vector<1x1x1xf32>
    %reduce_sum3A_70 = vector.extract %reduce_sum3A_69[0, 0, 0] : f32 from vector<1x1x1xf32>
    %eq3A_71 = arith.constant 5 : i32
    %eq3A_72 = vector.broadcast %eq3A_71 : i32 to vector<80x128xi32>
    %eq3A_73 = arith.cmpi eq, %get3A_1, %eq3A_72 : vector<80x128xi32>
    %jit3A_74 = arith.constant 1.000000e+00 : f32
    %jit3A_75 = arith.constant 0.000000e+00 : f32
    %broadcast_in_dim3A_76 = vector.broadcast %jit3A_74 : f32 to vector<80x128xf32>
    %broadcast_in_dim3A_77 = vector.broadcast %jit3A_75 : f32 to vector<80x128xf32>
    %select_n3A_78 = arith.select %eq3A_73, %broadcast_in_dim3A_76, %broadcast_in_dim3A_77 : vector<80x128xi1>, vector<80x128xf32>
    %reduce_sum3A_79 = vector.shape_cast %select_n3A_78 : vector<80x128xf32> to vector<1x80x128xf32>
    %reduce_sum3A_80 = arith.constant dense<0.000000e+00> : vector<1xf32>
    %reduce_sum3A_81 = vector.multi_reduction <add>, %reduce_sum3A_79, %reduce_sum3A_80 [1, 2] : vector<1x80x128xf32> to vector<1xf32>
    %reduce_sum3A_82 = vector.shape_cast %reduce_sum3A_81 : vector<1xf32> to vector<1x1x1xf32>
    %reduce_sum3A_83 = vector.extract %reduce_sum3A_82[0, 0, 0] : f32 from vector<1x1x1xf32>
    %eq3A_84 = arith.constant 6 : i32
    %eq3A_85 = vector.broadcast %eq3A_84 : i32 to vector<80x128xi32>
    %eq3A_86 = arith.cmpi eq, %get3A_1, %eq3A_85 : vector<80x128xi32>
    %jit3A_87 = arith.constant 1.000000e+00 : f32
    %jit3A_88 = arith.constant 0.000000e+00 : f32
    %broadcast_in_dim3A_89 = vector.broadcast %jit3A_87 : f32 to vector<80x128xf32>
    %broadcast_in_dim3A_90 = vector.broadcast %jit3A_88 : f32 to vector<80x128xf32>
    %select_n3A_91 = arith.select %eq3A_86, %broadcast_in_dim3A_89, %broadcast_in_dim3A_90 : vector<80x128xi1>, vector<80x128xf32>
    %reduce_sum3A_92 = vector.shape_cast %select_n3A_91 : vector<80x128xf32> to vector<1x80x128xf32>
    %reduce_sum3A_93 = arith.constant dense<0.000000e+00> : vector<1xf32>
    %reduce_sum3A_94 = vector.multi_reduction <add>, %reduce_sum3A_92, %reduce_sum3A_93 [1, 2] : vector<1x80x128xf32> to vector<1xf32>
    %reduce_sum3A_95 = vector.shape_cast %reduce_sum3A_94 : vector<1xf32> to vector<1x1x1xf32>
    %reduce_sum3A_96 = vector.extract %reduce_sum3A_95[0, 0, 0] : f32 from vector<1x1x1xf32>
    %eq3A_97 = arith.constant 7 : i32
    %eq3A_98 = vector.broadcast %eq3A_97 : i32 to vector<80x128xi32>
    %eq3A_99 = arith.cmpi eq, %get3A_1, %eq3A_98 : vector<80x128xi32>
    %jit3A_100 = arith.constant 1.000000e+00 : f32
    %jit3A_101 = arith.constant 0.000000e+00 : f32
    %broadcast_in_dim3A_102 = vector.broadcast %jit3A_100 : f32 to vector<80x128xf32>
    %broadcast_in_dim3A_103 = vector.broadcast %jit3A_101 : f32 to vector<80x128xf32>
    %select_n3A_104 = arith.select %eq3A_99, %broadcast_in_dim3A_102, %broadcast_in_dim3A_103 : vector<80x128xi1>, vector<80x128xf32>
    %reduce_sum3A_105 = vector.shape_cast %select_n3A_104 : vector<80x128xf32> to vector<1x80x128xf32>
    %reduce_sum3A_106 = arith.constant dense<0.000000e+00> : vector<1xf32>
    %reduce_sum3A_107 = vector.multi_reduction <add>, %reduce_sum3A_105, %reduce_sum3A_106 [1, 2] : vector<1x80x128xf32> to vector<1xf32>
    %reduce_sum3A_108 = vector.shape_cast %reduce_sum3A_107 : vector<1xf32> to vector<1x1x1xf32>
    %reduce_sum3A_109 = vector.extract %reduce_sum3A_108[0, 0, 0] : f32 from vector<1x1x1xf32>
    %eq3A_110 = arith.constant 8 : i32
    %eq3A_111 = vector.broadcast %eq3A_110 : i32 to vector<80x128xi32>
    %eq3A_112 = arith.cmpi eq, %get3A_1, %eq3A_111 : vector<80x128xi32>
    %jit3A_113 = arith.constant 1.000000e+00 : f32
    %jit3A_114 = arith.constant 0.000000e+00 : f32
    %broadcast_in_dim3A_115 = vector.broadcast %jit3A_113 : f32 to vector<80x128xf32>
    %broadcast_in_dim3A_116 = vector.broadcast %jit3A_114 : f32 to vector<80x128xf32>
    %select_n3A_117 = arith.select %eq3A_112, %broadcast_in_dim3A_115, %broadcast_in_dim3A_116 : vector<80x128xi1>, vector<80x128xf32>
    %reduce_sum3A_118 = vector.shape_cast %select_n3A_117 : vector<80x128xf32> to vector<1x80x128xf32>
    %reduce_sum3A_119 = arith.constant dense<0.000000e+00> : vector<1xf32>
    %reduce_sum3A_120 = vector.multi_reduction <add>, %reduce_sum3A_118, %reduce_sum3A_119 [1, 2] : vector<1x80x128xf32> to vector<1xf32>
    %reduce_sum3A_121 = vector.shape_cast %reduce_sum3A_120 : vector<1xf32> to vector<1x1x1xf32>
    %reduce_sum3A_122 = vector.extract %reduce_sum3A_121[0, 0, 0] : f32 from vector<1x1x1xf32>
    %eq3A_123 = arith.constant 9 : i32
    %eq3A_124 = vector.broadcast %eq3A_123 : i32 to vector<80x128xi32>
    %eq3A_125 = arith.cmpi eq, %get3A_1, %eq3A_124 : vector<80x128xi32>
    %jit3A_126 = arith.constant 1.000000e+00 : f32
    %jit3A_127 = arith.constant 0.000000e+00 : f32
    %broadcast_in_dim3A_128 = vector.broadcast %jit3A_126 : f32 to vector<80x128xf32>
    %broadcast_in_dim3A_129 = vector.broadcast %jit3A_127 : f32 to vector<80x128xf32>
    %select_n3A_130 = arith.select %eq3A_125, %broadcast_in_dim3A_128, %broadcast_in_dim3A_129 : vector<80x128xi1>, vector<80x128xf32>
    %reduce_sum3A_131 = vector.shape_cast %select_n3A_130 : vector<80x128xf32> to vector<1x80x128xf32>
    %reduce_sum3A_132 = arith.constant dense<0.000000e+00> : vector<1xf32>
    %reduce_sum3A_133 = vector.multi_reduction <add>, %reduce_sum3A_131, %reduce_sum3A_132 [1, 2] : vector<1x80x128xf32> to vector<1xf32>
    %reduce_sum3A_134 = vector.shape_cast %reduce_sum3A_133 : vector<1xf32> to vector<1x1x1xf32>
    %reduce_sum3A_135 = vector.extract %reduce_sum3A_134[0, 0, 0] : f32 from vector<1x1x1xf32>
    %eq3A_136 = arith.constant 10 : i32
    %eq3A_137 = vector.broadcast %eq3A_136 : i32 to vector<80x128xi32>
    %eq3A_138 = arith.cmpi eq, %get3A_1, %eq3A_137 : vector<80x128xi32>
    %jit3A_139 = arith.constant 1.000000e+00 : f32
    %jit3A_140 = arith.constant 0.000000e+00 : f32
    %broadcast_in_dim3A_141 = vector.broadcast %jit3A_139 : f32 to vector<80x128xf32>
    %broadcast_in_dim3A_142 = vector.broadcast %jit3A_140 : f32 to vector<80x128xf32>
    %select_n3A_143 = arith.select %eq3A_138, %broadcast_in_dim3A_141, %broadcast_in_dim3A_142 : vector<80x128xi1>, vector<80x128xf32>
    %reduce_sum3A_144 = vector.shape_cast %select_n3A_143 : vector<80x128xf32> to vector<1x80x128xf32>
    %reduce_sum3A_145 = arith.constant dense<0.000000e+00> : vector<1xf32>
    %reduce_sum3A_146 = vector.multi_reduction <add>, %reduce_sum3A_144, %reduce_sum3A_145 [1, 2] : vector<1x80x128xf32> to vector<1xf32>
    %reduce_sum3A_147 = vector.shape_cast %reduce_sum3A_146 : vector<1xf32> to vector<1x1x1xf32>
    %reduce_sum3A_148 = vector.extract %reduce_sum3A_147[0, 0, 0] : f32 from vector<1x1x1xf32>
    %eq3A_149 = arith.constant 11 : i32
    %eq3A_150 = vector.broadcast %eq3A_149 : i32 to vector<80x128xi32>
    %eq3A_151 = arith.cmpi eq, %get3A_1, %eq3A_150 : vector<80x128xi32>
    %jit3A_152 = arith.constant 1.000000e+00 : f32
    %jit3A_153 = arith.constant 0.000000e+00 : f32
    %broadcast_in_dim3A_154 = vector.broadcast %jit3A_152 : f32 to vector<80x128xf32>
    %broadcast_in_dim3A_155 = vector.broadcast %jit3A_153 : f32 to vector<80x128xf32>
    %select_n3A_156 = arith.select %eq3A_151, %broadcast_in_dim3A_154, %broadcast_in_dim3A_155 : vector<80x128xi1>, vector<80x128xf32>
    %reduce_sum3A_157 = vector.shape_cast %select_n3A_156 : vector<80x128xf32> to vector<1x80x128xf32>
    %reduce_sum3A_158 = arith.constant dense<0.000000e+00> : vector<1xf32>
    %reduce_sum3A_159 = vector.multi_reduction <add>, %reduce_sum3A_157, %reduce_sum3A_158 [1, 2] : vector<1x80x128xf32> to vector<1xf32>
    %reduce_sum3A_160 = vector.shape_cast %reduce_sum3A_159 : vector<1xf32> to vector<1x1x1xf32>
    %reduce_sum3A_161 = vector.extract %reduce_sum3A_160[0, 0, 0] : f32 from vector<1x1x1xf32>
    %eq3A_162 = arith.constant 12 : i32
    %eq3A_163 = vector.broadcast %eq3A_162 : i32 to vector<80x128xi32>
    %eq3A_164 = arith.cmpi eq, %get3A_1, %eq3A_163 : vector<80x128xi32>
    %jit3A_165 = arith.constant 1.000000e+00 : f32
    %jit3A_166 = arith.constant 0.000000e+00 : f32
    %broadcast_in_dim3A_167 = vector.broadcast %jit3A_165 : f32 to vector<80x128xf32>
    %broadcast_in_dim3A_168 = vector.broadcast %jit3A_166 : f32 to vector<80x128xf32>
    %select_n3A_169 = arith.select %eq3A_164, %broadcast_in_dim3A_167, %broadcast_in_dim3A_168 : vector<80x128xi1>, vector<80x128xf32>
    %reduce_sum3A_170 = vector.shape_cast %select_n3A_169 : vector<80x128xf32> to vector<1x80x128xf32>
    %reduce_sum3A_171 = arith.constant dense<0.000000e+00> : vector<1xf32>
    %reduce_sum3A_172 = vector.multi_reduction <add>, %reduce_sum3A_170, %reduce_sum3A_171 [1, 2] : vector<1x80x128xf32> to vector<1xf32>
    %reduce_sum3A_173 = vector.shape_cast %reduce_sum3A_172 : vector<1xf32> to vector<1x1x1xf32>
    %reduce_sum3A_174 = vector.extract %reduce_sum3A_173[0, 0, 0] : f32 from vector<1x1x1xf32>
    %eq3A_175 = arith.constant 13 : i32
    %eq3A_176 = vector.broadcast %eq3A_175 : i32 to vector<80x128xi32>
    %eq3A_177 = arith.cmpi eq, %get3A_1, %eq3A_176 : vector<80x128xi32>
    %jit3A_178 = arith.constant 1.000000e+00 : f32
    %jit3A_179 = arith.constant 0.000000e+00 : f32
    %broadcast_in_dim3A_180 = vector.broadcast %jit3A_178 : f32 to vector<80x128xf32>
    %broadcast_in_dim3A_181 = vector.broadcast %jit3A_179 : f32 to vector<80x128xf32>
    %select_n3A_182 = arith.select %eq3A_177, %broadcast_in_dim3A_180, %broadcast_in_dim3A_181 : vector<80x128xi1>, vector<80x128xf32>
    %reduce_sum3A_183 = vector.shape_cast %select_n3A_182 : vector<80x128xf32> to vector<1x80x128xf32>
    %reduce_sum3A_184 = arith.constant dense<0.000000e+00> : vector<1xf32>
    %reduce_sum3A_185 = vector.multi_reduction <add>, %reduce_sum3A_183, %reduce_sum3A_184 [1, 2] : vector<1x80x128xf32> to vector<1xf32>
    %reduce_sum3A_186 = vector.shape_cast %reduce_sum3A_185 : vector<1xf32> to vector<1x1x1xf32>
    %reduce_sum3A_187 = vector.extract %reduce_sum3A_186[0, 0, 0] : f32 from vector<1x1x1xf32>
    %eq3A_188 = arith.constant 14 : i32
    %eq3A_189 = vector.broadcast %eq3A_188 : i32 to vector<80x128xi32>
    %eq3A_190 = arith.cmpi eq, %get3A_1, %eq3A_189 : vector<80x128xi32>
    %jit3A_191 = arith.constant 1.000000e+00 : f32
    %jit3A_192 = arith.constant 0.000000e+00 : f32
    %broadcast_in_dim3A_193 = vector.broadcast %jit3A_191 : f32 to vector<80x128xf32>
    %broadcast_in_dim3A_194 = vector.broadcast %jit3A_192 : f32 to vector<80x128xf32>
    %select_n3A_195 = arith.select %eq3A_190, %broadcast_in_dim3A_193, %broadcast_in_dim3A_194 : vector<80x128xi1>, vector<80x128xf32>
    %reduce_sum3A_196 = vector.shape_cast %select_n3A_195 : vector<80x128xf32> to vector<1x80x128xf32>
    %reduce_sum3A_197 = arith.constant dense<0.000000e+00> : vector<1xf32>
    %reduce_sum3A_198 = vector.multi_reduction <add>, %reduce_sum3A_196, %reduce_sum3A_197 [1, 2] : vector<1x80x128xf32> to vector<1xf32>
    %reduce_sum3A_199 = vector.shape_cast %reduce_sum3A_198 : vector<1xf32> to vector<1x1x1xf32>
    %reduce_sum3A_200 = vector.extract %reduce_sum3A_199[0, 0, 0] : f32 from vector<1x1x1xf32>
    %eq3A_201 = arith.constant 15 : i32
    %eq3A_202 = vector.broadcast %eq3A_201 : i32 to vector<80x128xi32>
    %eq3A_203 = arith.cmpi eq, %get3A_1, %eq3A_202 : vector<80x128xi32>
    %jit3A_204 = arith.constant 1.000000e+00 : f32
    %jit3A_205 = arith.constant 0.000000e+00 : f32
    %broadcast_in_dim3A_206 = vector.broadcast %jit3A_204 : f32 to vector<80x128xf32>
    %broadcast_in_dim3A_207 = vector.broadcast %jit3A_205 : f32 to vector<80x128xf32>
    %select_n3A_208 = arith.select %eq3A_203, %broadcast_in_dim3A_206, %broadcast_in_dim3A_207 : vector<80x128xi1>, vector<80x128xf32>
    %reduce_sum3A_209 = vector.shape_cast %select_n3A_208 : vector<80x128xf32> to vector<1x80x128xf32>
    %reduce_sum3A_210 = arith.constant dense<0.000000e+00> : vector<1xf32>
    %reduce_sum3A_211 = vector.multi_reduction <add>, %reduce_sum3A_209, %reduce_sum3A_210 [1, 2] : vector<1x80x128xf32> to vector<1xf32>
    %reduce_sum3A_212 = vector.shape_cast %reduce_sum3A_211 : vector<1xf32> to vector<1x1x1xf32>
    %reduce_sum3A_213 = vector.extract %reduce_sum3A_212[0, 0, 0] : f32 from vector<1x1x1xf32>
    %eq3A_214 = arith.constant 16 : i32
    %eq3A_215 = vector.broadcast %eq3A_214 : i32 to vector<80x128xi32>
    %eq3A_216 = arith.cmpi eq, %get3A_1, %eq3A_215 : vector<80x128xi32>
    %jit3A_217 = arith.constant 1.000000e+00 : f32
    %jit3A_218 = arith.constant 0.000000e+00 : f32
    %broadcast_in_dim3A_219 = vector.broadcast %jit3A_217 : f32 to vector<80x128xf32>
    %broadcast_in_dim3A_220 = vector.broadcast %jit3A_218 : f32 to vector<80x128xf32>
    %select_n3A_221 = arith.select %eq3A_216, %broadcast_in_dim3A_219, %broadcast_in_dim3A_220 : vector<80x128xi1>, vector<80x128xf32>
    %reduce_sum3A_222 = vector.shape_cast %select_n3A_221 : vector<80x128xf32> to vector<1x80x128xf32>
    %reduce_sum3A_223 = arith.constant dense<0.000000e+00> : vector<1xf32>
    %reduce_sum3A_224 = vector.multi_reduction <add>, %reduce_sum3A_222, %reduce_sum3A_223 [1, 2] : vector<1x80x128xf32> to vector<1xf32>
    %reduce_sum3A_225 = vector.shape_cast %reduce_sum3A_224 : vector<1xf32> to vector<1x1x1xf32>
    %reduce_sum3A_226 = vector.extract %reduce_sum3A_225[0, 0, 0] : f32 from vector<1x1x1xf32>
    %eq3A_227 = arith.constant 17 : i32
    %eq3A_228 = vector.broadcast %eq3A_227 : i32 to vector<80x128xi32>
    %eq3A_229 = arith.cmpi eq, %get3A_1, %eq3A_228 : vector<80x128xi32>
    %jit3A_230 = arith.constant 1.000000e+00 : f32
    %jit3A_231 = arith.constant 0.000000e+00 : f32
    %broadcast_in_dim3A_232 = vector.broadcast %jit3A_230 : f32 to vector<80x128xf32>
    %broadcast_in_dim3A_233 = vector.broadcast %jit3A_231 : f32 to vector<80x128xf32>
    %select_n3A_234 = arith.select %eq3A_229, %broadcast_in_dim3A_232, %broadcast_in_dim3A_233 : vector<80x128xi1>, vector<80x128xf32>
    %reduce_sum3A_235 = vector.shape_cast %select_n3A_234 : vector<80x128xf32> to vector<1x80x128xf32>
    %reduce_sum3A_236 = arith.constant dense<0.000000e+00> : vector<1xf32>
    %reduce_sum3A_237 = vector.multi_reduction <add>, %reduce_sum3A_235, %reduce_sum3A_236 [1, 2] : vector<1x80x128xf32> to vector<1xf32>
    %reduce_sum3A_238 = vector.shape_cast %reduce_sum3A_237 : vector<1xf32> to vector<1x1x1xf32>
    %reduce_sum3A_239 = vector.extract %reduce_sum3A_238[0, 0, 0] : f32 from vector<1x1x1xf32>
    %eq3A_240 = arith.constant 18 : i32
    %eq3A_241 = vector.broadcast %eq3A_240 : i32 to vector<80x128xi32>
    %eq3A_242 = arith.cmpi eq, %get3A_1, %eq3A_241 : vector<80x128xi32>
    %jit3A_243 = arith.constant 1.000000e+00 : f32
    %jit3A_244 = arith.constant 0.000000e+00 : f32
    %broadcast_in_dim3A_245 = vector.broadcast %jit3A_243 : f32 to vector<80x128xf32>
    %broadcast_in_dim3A_246 = vector.broadcast %jit3A_244 : f32 to vector<80x128xf32>
    %select_n3A_247 = arith.select %eq3A_242, %broadcast_in_dim3A_245, %broadcast_in_dim3A_246 : vector<80x128xi1>, vector<80x128xf32>
    %reduce_sum3A_248 = vector.shape_cast %select_n3A_247 : vector<80x128xf32> to vector<1x80x128xf32>
    %reduce_sum3A_249 = arith.constant dense<0.000000e+00> : vector<1xf32>
    %reduce_sum3A_250 = vector.multi_reduction <add>, %reduce_sum3A_248, %reduce_sum3A_249 [1, 2] : vector<1x80x128xf32> to vector<1xf32>
    %reduce_sum3A_251 = vector.shape_cast %reduce_sum3A_250 : vector<1xf32> to vector<1x1x1xf32>
    %reduce_sum3A_252 = vector.extract %reduce_sum3A_251[0, 0, 0] : f32 from vector<1x1x1xf32>
    %eq3A_253 = arith.constant 19 : i32
    %eq3A_254 = vector.broadcast %eq3A_253 : i32 to vector<80x128xi32>
    %eq3A_255 = arith.cmpi eq, %get3A_1, %eq3A_254 : vector<80x128xi32>
    %jit3A_256 = arith.constant 1.000000e+00 : f32
    %jit3A_257 = arith.constant 0.000000e+00 : f32
    %broadcast_in_dim3A_258 = vector.broadcast %jit3A_256 : f32 to vector<80x128xf32>
    %broadcast_in_dim3A_259 = vector.broadcast %jit3A_257 : f32 to vector<80x128xf32>
    %select_n3A_260 = arith.select %eq3A_255, %broadcast_in_dim3A_258, %broadcast_in_dim3A_259 : vector<80x128xi1>, vector<80x128xf32>
    %reduce_sum3A_261 = vector.shape_cast %select_n3A_260 : vector<80x128xf32> to vector<1x80x128xf32>
    %reduce_sum3A_262 = arith.constant dense<0.000000e+00> : vector<1xf32>
    %reduce_sum3A_263 = vector.multi_reduction <add>, %reduce_sum3A_261, %reduce_sum3A_262 [1, 2] : vector<1x80x128xf32> to vector<1xf32>
    %reduce_sum3A_264 = vector.shape_cast %reduce_sum3A_263 : vector<1xf32> to vector<1x1x1xf32>
    %reduce_sum3A_265 = vector.extract %reduce_sum3A_264[0, 0, 0] : f32 from vector<1x1x1xf32>
    %eq3A_266 = arith.constant 20 : i32
    %eq3A_267 = vector.broadcast %eq3A_266 : i32 to vector<80x128xi32>
    %eq3A_268 = arith.cmpi eq, %get3A_1, %eq3A_267 : vector<80x128xi32>
    %jit3A_269 = arith.constant 1.000000e+00 : f32
    %jit3A_270 = arith.constant 0.000000e+00 : f32
    %broadcast_in_dim3A_271 = vector.broadcast %jit3A_269 : f32 to vector<80x128xf32>
    %broadcast_in_dim3A_272 = vector.broadcast %jit3A_270 : f32 to vector<80x128xf32>
    %select_n3A_273 = arith.select %eq3A_268, %broadcast_in_dim3A_271, %broadcast_in_dim3A_272 : vector<80x128xi1>, vector<80x128xf32>
    %reduce_sum3A_274 = vector.shape_cast %select_n3A_273 : vector<80x128xf32> to vector<1x80x128xf32>
    %reduce_sum3A_275 = arith.constant dense<0.000000e+00> : vector<1xf32>
    %reduce_sum3A_276 = vector.multi_reduction <add>, %reduce_sum3A_274, %reduce_sum3A_275 [1, 2] : vector<1x80x128xf32> to vector<1xf32>
    %reduce_sum3A_277 = vector.shape_cast %reduce_sum3A_276 : vector<1xf32> to vector<1x1x1xf32>
    %reduce_sum3A_278 = vector.extract %reduce_sum3A_277[0, 0, 0] : f32 from vector<1x1x1xf32>
    %eq3A_279 = arith.constant 21 : i32
    %eq3A_280 = vector.broadcast %eq3A_279 : i32 to vector<80x128xi32>
    %eq3A_281 = arith.cmpi eq, %get3A_1, %eq3A_280 : vector<80x128xi32>
    %jit3A_282 = arith.constant 1.000000e+00 : f32
    %jit3A_283 = arith.constant 0.000000e+00 : f32
    %broadcast_in_dim3A_284 = vector.broadcast %jit3A_282 : f32 to vector<80x128xf32>
    %broadcast_in_dim3A_285 = vector.broadcast %jit3A_283 : f32 to vector<80x128xf32>
    %select_n3A_286 = arith.select %eq3A_281, %broadcast_in_dim3A_284, %broadcast_in_dim3A_285 : vector<80x128xi1>, vector<80x128xf32>
    %reduce_sum3A_287 = vector.shape_cast %select_n3A_286 : vector<80x128xf32> to vector<1x80x128xf32>
    %reduce_sum3A_288 = arith.constant dense<0.000000e+00> : vector<1xf32>
    %reduce_sum3A_289 = vector.multi_reduction <add>, %reduce_sum3A_287, %reduce_sum3A_288 [1, 2] : vector<1x80x128xf32> to vector<1xf32>
    %reduce_sum3A_290 = vector.shape_cast %reduce_sum3A_289 : vector<1xf32> to vector<1x1x1xf32>
    %reduce_sum3A_291 = vector.extract %reduce_sum3A_290[0, 0, 0] : f32 from vector<1x1x1xf32>
    %eq3A_292 = arith.constant 22 : i32
    %eq3A_293 = vector.broadcast %eq3A_292 : i32 to vector<80x128xi32>
    %eq3A_294 = arith.cmpi eq, %get3A_1, %eq3A_293 : vector<80x128xi32>
    %jit3A_295 = arith.constant 1.000000e+00 : f32
    %jit3A_296 = arith.constant 0.000000e+00 : f32
    %broadcast_in_dim3A_297 = vector.broadcast %jit3A_295 : f32 to vector<80x128xf32>
    %broadcast_in_dim3A_298 = vector.broadcast %jit3A_296 : f32 to vector<80x128xf32>
    %select_n3A_299 = arith.select %eq3A_294, %broadcast_in_dim3A_297, %broadcast_in_dim3A_298 : vector<80x128xi1>, vector<80x128xf32>
    %reduce_sum3A_300 = vector.shape_cast %select_n3A_299 : vector<80x128xf32> to vector<1x80x128xf32>
    %reduce_sum3A_301 = arith.constant dense<0.000000e+00> : vector<1xf32>
    %reduce_sum3A_302 = vector.multi_reduction <add>, %reduce_sum3A_300, %reduce_sum3A_301 [1, 2] : vector<1x80x128xf32> to vector<1xf32>
    %reduce_sum3A_303 = vector.shape_cast %reduce_sum3A_302 : vector<1xf32> to vector<1x1x1xf32>
    %reduce_sum3A_304 = vector.extract %reduce_sum3A_303[0, 0, 0] : f32 from vector<1x1x1xf32>
    %eq3A_305 = arith.constant 23 : i32
    %eq3A_306 = vector.broadcast %eq3A_305 : i32 to vector<80x128xi32>
    %eq3A_307 = arith.cmpi eq, %get3A_1, %eq3A_306 : vector<80x128xi32>
    %jit3A_308 = arith.constant 1.000000e+00 : f32
    %jit3A_309 = arith.constant 0.000000e+00 : f32
    %broadcast_in_dim3A_310 = vector.broadcast %jit3A_308 : f32 to vector<80x128xf32>
    %broadcast_in_dim3A_311 = vector.broadcast %jit3A_309 : f32 to vector<80x128xf32>
    %select_n3A_312 = arith.select %eq3A_307, %broadcast_in_dim3A_310, %broadcast_in_dim3A_311 : vector<80x128xi1>, vector<80x128xf32>
    %reduce_sum3A_313 = vector.shape_cast %select_n3A_312 : vector<80x128xf32> to vector<1x80x128xf32>
    %reduce_sum3A_314 = arith.constant dense<0.000000e+00> : vector<1xf32>
    %reduce_sum3A_315 = vector.multi_reduction <add>, %reduce_sum3A_313, %reduce_sum3A_314 [1, 2] : vector<1x80x128xf32> to vector<1xf32>
    %reduce_sum3A_316 = vector.shape_cast %reduce_sum3A_315 : vector<1xf32> to vector<1x1x1xf32>
    %reduce_sum3A_317 = vector.extract %reduce_sum3A_316[0, 0, 0] : f32 from vector<1x1x1xf32>
    %eq3A_318 = arith.constant 24 : i32
    %eq3A_319 = vector.broadcast %eq3A_318 : i32 to vector<80x128xi32>
    %eq3A_320 = arith.cmpi eq, %get3A_1, %eq3A_319 : vector<80x128xi32>
    %jit3A_321 = arith.constant 1.000000e+00 : f32
    %jit3A_322 = arith.constant 0.000000e+00 : f32
    %broadcast_in_dim3A_323 = vector.broadcast %jit3A_321 : f32 to vector<80x128xf32>
    %broadcast_in_dim3A_324 = vector.broadcast %jit3A_322 : f32 to vector<80x128xf32>
    %select_n3A_325 = arith.select %eq3A_320, %broadcast_in_dim3A_323, %broadcast_in_dim3A_324 : vector<80x128xi1>, vector<80x128xf32>
    %reduce_sum3A_326 = vector.shape_cast %select_n3A_325 : vector<80x128xf32> to vector<1x80x128xf32>
    %reduce_sum3A_327 = arith.constant dense<0.000000e+00> : vector<1xf32>
    %reduce_sum3A_328 = vector.multi_reduction <add>, %reduce_sum3A_326, %reduce_sum3A_327 [1, 2] : vector<1x80x128xf32> to vector<1xf32>
    %reduce_sum3A_329 = vector.shape_cast %reduce_sum3A_328 : vector<1xf32> to vector<1x1x1xf32>
    %reduce_sum3A_330 = vector.extract %reduce_sum3A_329[0, 0, 0] : f32 from vector<1x1x1xf32>
    %eq3A_331 = arith.constant 25 : i32
    %eq3A_332 = vector.broadcast %eq3A_331 : i32 to vector<80x128xi32>
    %eq3A_333 = arith.cmpi eq, %get3A_1, %eq3A_332 : vector<80x128xi32>
    %jit3A_334 = arith.constant 1.000000e+00 : f32
    %jit3A_335 = arith.constant 0.000000e+00 : f32
    %broadcast_in_dim3A_336 = vector.broadcast %jit3A_334 : f32 to vector<80x128xf32>
    %broadcast_in_dim3A_337 = vector.broadcast %jit3A_335 : f32 to vector<80x128xf32>
    %select_n3A_338 = arith.select %eq3A_333, %broadcast_in_dim3A_336, %broadcast_in_dim3A_337 : vector<80x128xi1>, vector<80x128xf32>
    %reduce_sum3A_339 = vector.shape_cast %select_n3A_338 : vector<80x128xf32> to vector<1x80x128xf32>
    %reduce_sum3A_340 = arith.constant dense<0.000000e+00> : vector<1xf32>
    %reduce_sum3A_341 = vector.multi_reduction <add>, %reduce_sum3A_339, %reduce_sum3A_340 [1, 2] : vector<1x80x128xf32> to vector<1xf32>
    %reduce_sum3A_342 = vector.shape_cast %reduce_sum3A_341 : vector<1xf32> to vector<1x1x1xf32>
    %reduce_sum3A_343 = vector.extract %reduce_sum3A_342[0, 0, 0] : f32 from vector<1x1x1xf32>
    %eq3A_344 = arith.constant 26 : i32
    %eq3A_345 = vector.broadcast %eq3A_344 : i32 to vector<80x128xi32>
    %eq3A_346 = arith.cmpi eq, %get3A_1, %eq3A_345 : vector<80x128xi32>
    %jit3A_347 = arith.constant 1.000000e+00 : f32
    %jit3A_348 = arith.constant 0.000000e+00 : f32
    %broadcast_in_dim3A_349 = vector.broadcast %jit3A_347 : f32 to vector<80x128xf32>
    %broadcast_in_dim3A_350 = vector.broadcast %jit3A_348 : f32 to vector<80x128xf32>
    %select_n3A_351 = arith.select %eq3A_346, %broadcast_in_dim3A_349, %broadcast_in_dim3A_350 : vector<80x128xi1>, vector<80x128xf32>
    %reduce_sum3A_352 = vector.shape_cast %select_n3A_351 : vector<80x128xf32> to vector<1x80x128xf32>
    %reduce_sum3A_353 = arith.constant dense<0.000000e+00> : vector<1xf32>
    %reduce_sum3A_354 = vector.multi_reduction <add>, %reduce_sum3A_352, %reduce_sum3A_353 [1, 2] : vector<1x80x128xf32> to vector<1xf32>
    %reduce_sum3A_355 = vector.shape_cast %reduce_sum3A_354 : vector<1xf32> to vector<1x1x1xf32>
    %reduce_sum3A_356 = vector.extract %reduce_sum3A_355[0, 0, 0] : f32 from vector<1x1x1xf32>
    %eq3A_357 = arith.constant 27 : i32
    %eq3A_358 = vector.broadcast %eq3A_357 : i32 to vector<80x128xi32>
    %eq3A_359 = arith.cmpi eq, %get3A_1, %eq3A_358 : vector<80x128xi32>
    %jit3A_360 = arith.constant 1.000000e+00 : f32
    %jit3A_361 = arith.constant 0.000000e+00 : f32
    %broadcast_in_dim3A_362 = vector.broadcast %jit3A_360 : f32 to vector<80x128xf32>
    %broadcast_in_dim3A_363 = vector.broadcast %jit3A_361 : f32 to vector<80x128xf32>
    %select_n3A_364 = arith.select %eq3A_359, %broadcast_in_dim3A_362, %broadcast_in_dim3A_363 : vector<80x128xi1>, vector<80x128xf32>
    %reduce_sum3A_365 = vector.shape_cast %select_n3A_364 : vector<80x128xf32> to vector<1x80x128xf32>
    %reduce_sum3A_366 = arith.constant dense<0.000000e+00> : vector<1xf32>
    %reduce_sum3A_367 = vector.multi_reduction <add>, %reduce_sum3A_365, %reduce_sum3A_366 [1, 2] : vector<1x80x128xf32> to vector<1xf32>
    %reduce_sum3A_368 = vector.shape_cast %reduce_sum3A_367 : vector<1xf32> to vector<1x1x1xf32>
    %reduce_sum3A_369 = vector.extract %reduce_sum3A_368[0, 0, 0] : f32 from vector<1x1x1xf32>
    %eq3A_370 = arith.constant 28 : i32
    %eq3A_371 = vector.broadcast %eq3A_370 : i32 to vector<80x128xi32>
    %eq3A_372 = arith.cmpi eq, %get3A_1, %eq3A_371 : vector<80x128xi32>
    %jit3A_373 = arith.constant 1.000000e+00 : f32
    %jit3A_374 = arith.constant 0.000000e+00 : f32
    %broadcast_in_dim3A_375 = vector.broadcast %jit3A_373 : f32 to vector<80x128xf32>
    %broadcast_in_dim3A_376 = vector.broadcast %jit3A_374 : f32 to vector<80x128xf32>
    %select_n3A_377 = arith.select %eq3A_372, %broadcast_in_dim3A_375, %broadcast_in_dim3A_376 : vector<80x128xi1>, vector<80x128xf32>
    %reduce_sum3A_378 = vector.shape_cast %select_n3A_377 : vector<80x128xf32> to vector<1x80x128xf32>
    %reduce_sum3A_379 = arith.constant dense<0.000000e+00> : vector<1xf32>
    %reduce_sum3A_380 = vector.multi_reduction <add>, %reduce_sum3A_378, %reduce_sum3A_379 [1, 2] : vector<1x80x128xf32> to vector<1xf32>
    %reduce_sum3A_381 = vector.shape_cast %reduce_sum3A_380 : vector<1xf32> to vector<1x1x1xf32>
    %reduce_sum3A_382 = vector.extract %reduce_sum3A_381[0, 0, 0] : f32 from vector<1x1x1xf32>
    %eq3A_383 = arith.constant 29 : i32
    %eq3A_384 = vector.broadcast %eq3A_383 : i32 to vector<80x128xi32>
    %eq3A_385 = arith.cmpi eq, %get3A_1, %eq3A_384 : vector<80x128xi32>
    %jit3A_386 = arith.constant 1.000000e+00 : f32
    %jit3A_387 = arith.constant 0.000000e+00 : f32
    %broadcast_in_dim3A_388 = vector.broadcast %jit3A_386 : f32 to vector<80x128xf32>
    %broadcast_in_dim3A_389 = vector.broadcast %jit3A_387 : f32 to vector<80x128xf32>
    %select_n3A_390 = arith.select %eq3A_385, %broadcast_in_dim3A_388, %broadcast_in_dim3A_389 : vector<80x128xi1>, vector<80x128xf32>
    %reduce_sum3A_391 = vector.shape_cast %select_n3A_390 : vector<80x128xf32> to vector<1x80x128xf32>
    %reduce_sum3A_392 = arith.constant dense<0.000000e+00> : vector<1xf32>
    %reduce_sum3A_393 = vector.multi_reduction <add>, %reduce_sum3A_391, %reduce_sum3A_392 [1, 2] : vector<1x80x128xf32> to vector<1xf32>
    %reduce_sum3A_394 = vector.shape_cast %reduce_sum3A_393 : vector<1xf32> to vector<1x1x1xf32>
    %reduce_sum3A_395 = vector.extract %reduce_sum3A_394[0, 0, 0] : f32 from vector<1x1x1xf32>
    %eq3A_396 = arith.constant 30 : i32
    %eq3A_397 = vector.broadcast %eq3A_396 : i32 to vector<80x128xi32>
    %eq3A_398 = arith.cmpi eq, %get3A_1, %eq3A_397 : vector<80x128xi32>
    %jit3A_399 = arith.constant 1.000000e+00 : f32
    %jit3A_400 = arith.constant 0.000000e+00 : f32
    %broadcast_in_dim3A_401 = vector.broadcast %jit3A_399 : f32 to vector<80x128xf32>
    %broadcast_in_dim3A_402 = vector.broadcast %jit3A_400 : f32 to vector<80x128xf32>
    %select_n3A_403 = arith.select %eq3A_398, %broadcast_in_dim3A_401, %broadcast_in_dim3A_402 : vector<80x128xi1>, vector<80x128xf32>
    %reduce_sum3A_404 = vector.shape_cast %select_n3A_403 : vector<80x128xf32> to vector<1x80x128xf32>
    %reduce_sum3A_405 = arith.constant dense<0.000000e+00> : vector<1xf32>
    %reduce_sum3A_406 = vector.multi_reduction <add>, %reduce_sum3A_404, %reduce_sum3A_405 [1, 2] : vector<1x80x128xf32> to vector<1xf32>
    %reduce_sum3A_407 = vector.shape_cast %reduce_sum3A_406 : vector<1xf32> to vector<1x1x1xf32>
    %reduce_sum3A_408 = vector.extract %reduce_sum3A_407[0, 0, 0] : f32 from vector<1x1x1xf32>
    %eq3A_409 = arith.constant 31 : i32
    %eq3A_410 = vector.broadcast %eq3A_409 : i32 to vector<80x128xi32>
    %eq3A_411 = arith.cmpi eq, %get3A_1, %eq3A_410 : vector<80x128xi32>
    %jit3A_412 = arith.constant 1.000000e+00 : f32
    %jit3A_413 = arith.constant 0.000000e+00 : f32
    %broadcast_in_dim3A_414 = vector.broadcast %jit3A_412 : f32 to vector<80x128xf32>
    %broadcast_in_dim3A_415 = vector.broadcast %jit3A_413 : f32 to vector<80x128xf32>
    %select_n3A_416 = arith.select %eq3A_411, %broadcast_in_dim3A_414, %broadcast_in_dim3A_415 : vector<80x128xi1>, vector<80x128xf32>
    %reduce_sum3A_417 = vector.shape_cast %select_n3A_416 : vector<80x128xf32> to vector<1x80x128xf32>
    %reduce_sum3A_418 = arith.constant dense<0.000000e+00> : vector<1xf32>
    %reduce_sum3A_419 = vector.multi_reduction <add>, %reduce_sum3A_417, %reduce_sum3A_418 [1, 2] : vector<1x80x128xf32> to vector<1xf32>
    %reduce_sum3A_420 = vector.shape_cast %reduce_sum3A_419 : vector<1xf32> to vector<1x1x1xf32>
    %reduce_sum3A_421 = vector.extract %reduce_sum3A_420[0, 0, 0] : f32 from vector<1x1x1xf32>
    %eq3A_422 = arith.constant 32 : i32
    %eq3A_423 = vector.broadcast %eq3A_422 : i32 to vector<80x128xi32>
    %eq3A_424 = arith.cmpi eq, %get3A_1, %eq3A_423 : vector<80x128xi32>
    %jit3A_425 = arith.constant 1.000000e+00 : f32
    %jit3A_426 = arith.constant 0.000000e+00 : f32
    %broadcast_in_dim3A_427 = vector.broadcast %jit3A_425 : f32 to vector<80x128xf32>
    %broadcast_in_dim3A_428 = vector.broadcast %jit3A_426 : f32 to vector<80x128xf32>
    %select_n3A_429 = arith.select %eq3A_424, %broadcast_in_dim3A_427, %broadcast_in_dim3A_428 : vector<80x128xi1>, vector<80x128xf32>
    %reduce_sum3A_430 = vector.shape_cast %select_n3A_429 : vector<80x128xf32> to vector<1x80x128xf32>
    %reduce_sum3A_431 = arith.constant dense<0.000000e+00> : vector<1xf32>
    %reduce_sum3A_432 = vector.multi_reduction <add>, %reduce_sum3A_430, %reduce_sum3A_431 [1, 2] : vector<1x80x128xf32> to vector<1xf32>
    %reduce_sum3A_433 = vector.shape_cast %reduce_sum3A_432 : vector<1xf32> to vector<1x1x1xf32>
    %reduce_sum3A_434 = vector.extract %reduce_sum3A_433[0, 0, 0] : f32 from vector<1x1x1xf32>
    %eq3A_435 = arith.constant 33 : i32
    %eq3A_436 = vector.broadcast %eq3A_435 : i32 to vector<80x128xi32>
    %eq3A_437 = arith.cmpi eq, %get3A_1, %eq3A_436 : vector<80x128xi32>
    %jit3A_438 = arith.constant 1.000000e+00 : f32
    %jit3A_439 = arith.constant 0.000000e+00 : f32
    %broadcast_in_dim3A_440 = vector.broadcast %jit3A_438 : f32 to vector<80x128xf32>
    %broadcast_in_dim3A_441 = vector.broadcast %jit3A_439 : f32 to vector<80x128xf32>
    %select_n3A_442 = arith.select %eq3A_437, %broadcast_in_dim3A_440, %broadcast_in_dim3A_441 : vector<80x128xi1>, vector<80x128xf32>
    %reduce_sum3A_443 = vector.shape_cast %select_n3A_442 : vector<80x128xf32> to vector<1x80x128xf32>
    %reduce_sum3A_444 = arith.constant dense<0.000000e+00> : vector<1xf32>
    %reduce_sum3A_445 = vector.multi_reduction <add>, %reduce_sum3A_443, %reduce_sum3A_444 [1, 2] : vector<1x80x128xf32> to vector<1xf32>
    %reduce_sum3A_446 = vector.shape_cast %reduce_sum3A_445 : vector<1xf32> to vector<1x1x1xf32>
    %reduce_sum3A_447 = vector.extract %reduce_sum3A_446[0, 0, 0] : f32 from vector<1x1x1xf32>
    %eq3A_448 = arith.constant 34 : i32
    %eq3A_449 = vector.broadcast %eq3A_448 : i32 to vector<80x128xi32>
    %eq3A_450 = arith.cmpi eq, %get3A_1, %eq3A_449 : vector<80x128xi32>
    %jit3A_451 = arith.constant 1.000000e+00 : f32
    %jit3A_452 = arith.constant 0.000000e+00 : f32
    %broadcast_in_dim3A_453 = vector.broadcast %jit3A_451 : f32 to vector<80x128xf32>
    %broadcast_in_dim3A_454 = vector.broadcast %jit3A_452 : f32 to vector<80x128xf32>
    %select_n3A_455 = arith.select %eq3A_450, %broadcast_in_dim3A_453, %broadcast_in_dim3A_454 : vector<80x128xi1>, vector<80x128xf32>
    %reduce_sum3A_456 = vector.shape_cast %select_n3A_455 : vector<80x128xf32> to vector<1x80x128xf32>
    %reduce_sum3A_457 = arith.constant dense<0.000000e+00> : vector<1xf32>
    %reduce_sum3A_458 = vector.multi_reduction <add>, %reduce_sum3A_456, %reduce_sum3A_457 [1, 2] : vector<1x80x128xf32> to vector<1xf32>
    %reduce_sum3A_459 = vector.shape_cast %reduce_sum3A_458 : vector<1xf32> to vector<1x1x1xf32>
    %reduce_sum3A_460 = vector.extract %reduce_sum3A_459[0, 0, 0] : f32 from vector<1x1x1xf32>
    %eq3A_461 = arith.constant 35 : i32
    %eq3A_462 = vector.broadcast %eq3A_461 : i32 to vector<80x128xi32>
    %eq3A_463 = arith.cmpi eq, %get3A_1, %eq3A_462 : vector<80x128xi32>
    %jit3A_464 = arith.constant 1.000000e+00 : f32
    %jit3A_465 = arith.constant 0.000000e+00 : f32
    %broadcast_in_dim3A_466 = vector.broadcast %jit3A_464 : f32 to vector<80x128xf32>
    %broadcast_in_dim3A_467 = vector.broadcast %jit3A_465 : f32 to vector<80x128xf32>
    %select_n3A_468 = arith.select %eq3A_463, %broadcast_in_dim3A_466, %broadcast_in_dim3A_467 : vector<80x128xi1>, vector<80x128xf32>
    %reduce_sum3A_469 = vector.shape_cast %select_n3A_468 : vector<80x128xf32> to vector<1x80x128xf32>
    %reduce_sum3A_470 = arith.constant dense<0.000000e+00> : vector<1xf32>
    %reduce_sum3A_471 = vector.multi_reduction <add>, %reduce_sum3A_469, %reduce_sum3A_470 [1, 2] : vector<1x80x128xf32> to vector<1xf32>
    %reduce_sum3A_472 = vector.shape_cast %reduce_sum3A_471 : vector<1xf32> to vector<1x1x1xf32>
    %reduce_sum3A_473 = vector.extract %reduce_sum3A_472[0, 0, 0] : f32 from vector<1x1x1xf32>
    %eq3A_474 = arith.constant 36 : i32
    %eq3A_475 = vector.broadcast %eq3A_474 : i32 to vector<80x128xi32>
    %eq3A_476 = arith.cmpi eq, %get3A_1, %eq3A_475 : vector<80x128xi32>
    %jit3A_477 = arith.constant 1.000000e+00 : f32
    %jit3A_478 = arith.constant 0.000000e+00 : f32
    %broadcast_in_dim3A_479 = vector.broadcast %jit3A_477 : f32 to vector<80x128xf32>
    %broadcast_in_dim3A_480 = vector.broadcast %jit3A_478 : f32 to vector<80x128xf32>
    %select_n3A_481 = arith.select %eq3A_476, %broadcast_in_dim3A_479, %broadcast_in_dim3A_480 : vector<80x128xi1>, vector<80x128xf32>
    %reduce_sum3A_482 = vector.shape_cast %select_n3A_481 : vector<80x128xf32> to vector<1x80x128xf32>
    %reduce_sum3A_483 = arith.constant dense<0.000000e+00> : vector<1xf32>
    %reduce_sum3A_484 = vector.multi_reduction <add>, %reduce_sum3A_482, %reduce_sum3A_483 [1, 2] : vector<1x80x128xf32> to vector<1xf32>
    %reduce_sum3A_485 = vector.shape_cast %reduce_sum3A_484 : vector<1xf32> to vector<1x1x1xf32>
    %reduce_sum3A_486 = vector.extract %reduce_sum3A_485[0, 0, 0] : f32 from vector<1x1x1xf32>
    %eq3A_487 = arith.constant 37 : i32
    %eq3A_488 = vector.broadcast %eq3A_487 : i32 to vector<80x128xi32>
    %eq3A_489 = arith.cmpi eq, %get3A_1, %eq3A_488 : vector<80x128xi32>
    %jit3A_490 = arith.constant 1.000000e+00 : f32
    %jit3A_491 = arith.constant 0.000000e+00 : f32
    %broadcast_in_dim3A_492 = vector.broadcast %jit3A_490 : f32 to vector<80x128xf32>
    %broadcast_in_dim3A_493 = vector.broadcast %jit3A_491 : f32 to vector<80x128xf32>
    %select_n3A_494 = arith.select %eq3A_489, %broadcast_in_dim3A_492, %broadcast_in_dim3A_493 : vector<80x128xi1>, vector<80x128xf32>
    %reduce_sum3A_495 = vector.shape_cast %select_n3A_494 : vector<80x128xf32> to vector<1x80x128xf32>
    %reduce_sum3A_496 = arith.constant dense<0.000000e+00> : vector<1xf32>
    %reduce_sum3A_497 = vector.multi_reduction <add>, %reduce_sum3A_495, %reduce_sum3A_496 [1, 2] : vector<1x80x128xf32> to vector<1xf32>
    %reduce_sum3A_498 = vector.shape_cast %reduce_sum3A_497 : vector<1xf32> to vector<1x1x1xf32>
    %reduce_sum3A_499 = vector.extract %reduce_sum3A_498[0, 0, 0] : f32 from vector<1x1x1xf32>
    %eq3A_500 = arith.constant 38 : i32
    %eq3A_501 = vector.broadcast %eq3A_500 : i32 to vector<80x128xi32>
    %eq3A_502 = arith.cmpi eq, %get3A_1, %eq3A_501 : vector<80x128xi32>
    %jit3A_503 = arith.constant 1.000000e+00 : f32
    %jit3A_504 = arith.constant 0.000000e+00 : f32
    %broadcast_in_dim3A_505 = vector.broadcast %jit3A_503 : f32 to vector<80x128xf32>
    %broadcast_in_dim3A_506 = vector.broadcast %jit3A_504 : f32 to vector<80x128xf32>
    %select_n3A_507 = arith.select %eq3A_502, %broadcast_in_dim3A_505, %broadcast_in_dim3A_506 : vector<80x128xi1>, vector<80x128xf32>
    %reduce_sum3A_508 = vector.shape_cast %select_n3A_507 : vector<80x128xf32> to vector<1x80x128xf32>
    %reduce_sum3A_509 = arith.constant dense<0.000000e+00> : vector<1xf32>
    %reduce_sum3A_510 = vector.multi_reduction <add>, %reduce_sum3A_508, %reduce_sum3A_509 [1, 2] : vector<1x80x128xf32> to vector<1xf32>
    %reduce_sum3A_511 = vector.shape_cast %reduce_sum3A_510 : vector<1xf32> to vector<1x1x1xf32>
    %reduce_sum3A_512 = vector.extract %reduce_sum3A_511[0, 0, 0] : f32 from vector<1x1x1xf32>
    %eq3A_513 = arith.constant 39 : i32
    %eq3A_514 = vector.broadcast %eq3A_513 : i32 to vector<80x128xi32>
    %eq3A_515 = arith.cmpi eq, %get3A_1, %eq3A_514 : vector<80x128xi32>
    %jit3A_516 = arith.constant 1.000000e+00 : f32
    %jit3A_517 = arith.constant 0.000000e+00 : f32
    %broadcast_in_dim3A_518 = vector.broadcast %jit3A_516 : f32 to vector<80x128xf32>
    %broadcast_in_dim3A_519 = vector.broadcast %jit3A_517 : f32 to vector<80x128xf32>
    %select_n3A_520 = arith.select %eq3A_515, %broadcast_in_dim3A_518, %broadcast_in_dim3A_519 : vector<80x128xi1>, vector<80x128xf32>
    %reduce_sum3A_521 = vector.shape_cast %select_n3A_520 : vector<80x128xf32> to vector<1x80x128xf32>
    %reduce_sum3A_522 = arith.constant dense<0.000000e+00> : vector<1xf32>
    %reduce_sum3A_523 = vector.multi_reduction <add>, %reduce_sum3A_521, %reduce_sum3A_522 [1, 2] : vector<1x80x128xf32> to vector<1xf32>
    %reduce_sum3A_524 = vector.shape_cast %reduce_sum3A_523 : vector<1xf32> to vector<1x1x1xf32>
    %reduce_sum3A_525 = vector.extract %reduce_sum3A_524[0, 0, 0] : f32 from vector<1x1x1xf32>
    %eq3A_526 = arith.constant 40 : i32
    %eq3A_527 = vector.broadcast %eq3A_526 : i32 to vector<80x128xi32>
    %eq3A_528 = arith.cmpi eq, %get3A_1, %eq3A_527 : vector<80x128xi32>
    %jit3A_529 = arith.constant 1.000000e+00 : f32
    %jit3A_530 = arith.constant 0.000000e+00 : f32
    %broadcast_in_dim3A_531 = vector.broadcast %jit3A_529 : f32 to vector<80x128xf32>
    %broadcast_in_dim3A_532 = vector.broadcast %jit3A_530 : f32 to vector<80x128xf32>
    %select_n3A_533 = arith.select %eq3A_528, %broadcast_in_dim3A_531, %broadcast_in_dim3A_532 : vector<80x128xi1>, vector<80x128xf32>
    %reduce_sum3A_534 = vector.shape_cast %select_n3A_533 : vector<80x128xf32> to vector<1x80x128xf32>
    %reduce_sum3A_535 = arith.constant dense<0.000000e+00> : vector<1xf32>
    %reduce_sum3A_536 = vector.multi_reduction <add>, %reduce_sum3A_534, %reduce_sum3A_535 [1, 2] : vector<1x80x128xf32> to vector<1xf32>
    %reduce_sum3A_537 = vector.shape_cast %reduce_sum3A_536 : vector<1xf32> to vector<1x1x1xf32>
    %reduce_sum3A_538 = vector.extract %reduce_sum3A_537[0, 0, 0] : f32 from vector<1x1x1xf32>
    %eq3A_539 = arith.constant 41 : i32
    %eq3A_540 = vector.broadcast %eq3A_539 : i32 to vector<80x128xi32>
    %eq3A_541 = arith.cmpi eq, %get3A_1, %eq3A_540 : vector<80x128xi32>
    %jit3A_542 = arith.constant 1.000000e+00 : f32
    %jit3A_543 = arith.constant 0.000000e+00 : f32
    %broadcast_in_dim3A_544 = vector.broadcast %jit3A_542 : f32 to vector<80x128xf32>
    %broadcast_in_dim3A_545 = vector.broadcast %jit3A_543 : f32 to vector<80x128xf32>
    %select_n3A_546 = arith.select %eq3A_541, %broadcast_in_dim3A_544, %broadcast_in_dim3A_545 : vector<80x128xi1>, vector<80x128xf32>
    %reduce_sum3A_547 = vector.shape_cast %select_n3A_546 : vector<80x128xf32> to vector<1x80x128xf32>
    %reduce_sum3A_548 = arith.constant dense<0.000000e+00> : vector<1xf32>
    %reduce_sum3A_549 = vector.multi_reduction <add>, %reduce_sum3A_547, %reduce_sum3A_548 [1, 2] : vector<1x80x128xf32> to vector<1xf32>
    %reduce_sum3A_550 = vector.shape_cast %reduce_sum3A_549 : vector<1xf32> to vector<1x1x1xf32>
    %reduce_sum3A_551 = vector.extract %reduce_sum3A_550[0, 0, 0] : f32 from vector<1x1x1xf32>
    %eq3A_552 = arith.constant 42 : i32
    %eq3A_553 = vector.broadcast %eq3A_552 : i32 to vector<80x128xi32>
    %eq3A_554 = arith.cmpi eq, %get3A_1, %eq3A_553 : vector<80x128xi32>
    %jit3A_555 = arith.constant 1.000000e+00 : f32
    %jit3A_556 = arith.constant 0.000000e+00 : f32
    %broadcast_in_dim3A_557 = vector.broadcast %jit3A_555 : f32 to vector<80x128xf32>
    %broadcast_in_dim3A_558 = vector.broadcast %jit3A_556 : f32 to vector<80x128xf32>
    %select_n3A_559 = arith.select %eq3A_554, %broadcast_in_dim3A_557, %broadcast_in_dim3A_558 : vector<80x128xi1>, vector<80x128xf32>
    %reduce_sum3A_560 = vector.shape_cast %select_n3A_559 : vector<80x128xf32> to vector<1x80x128xf32>
    %reduce_sum3A_561 = arith.constant dense<0.000000e+00> : vector<1xf32>
    %reduce_sum3A_562 = vector.multi_reduction <add>, %reduce_sum3A_560, %reduce_sum3A_561 [1, 2] : vector<1x80x128xf32> to vector<1xf32>
    %reduce_sum3A_563 = vector.shape_cast %reduce_sum3A_562 : vector<1xf32> to vector<1x1x1xf32>
    %reduce_sum3A_564 = vector.extract %reduce_sum3A_563[0, 0, 0] : f32 from vector<1x1x1xf32>
    %eq3A_565 = arith.constant 43 : i32
    %eq3A_566 = vector.broadcast %eq3A_565 : i32 to vector<80x128xi32>
    %eq3A_567 = arith.cmpi eq, %get3A_1, %eq3A_566 : vector<80x128xi32>
    %jit3A_568 = arith.constant 1.000000e+00 : f32
    %jit3A_569 = arith.constant 0.000000e+00 : f32
    %broadcast_in_dim3A_570 = vector.broadcast %jit3A_568 : f32 to vector<80x128xf32>
    %broadcast_in_dim3A_571 = vector.broadcast %jit3A_569 : f32 to vector<80x128xf32>
    %select_n3A_572 = arith.select %eq3A_567, %broadcast_in_dim3A_570, %broadcast_in_dim3A_571 : vector<80x128xi1>, vector<80x128xf32>
    %reduce_sum3A_573 = vector.shape_cast %select_n3A_572 : vector<80x128xf32> to vector<1x80x128xf32>
    %reduce_sum3A_574 = arith.constant dense<0.000000e+00> : vector<1xf32>
    %reduce_sum3A_575 = vector.multi_reduction <add>, %reduce_sum3A_573, %reduce_sum3A_574 [1, 2] : vector<1x80x128xf32> to vector<1xf32>
    %reduce_sum3A_576 = vector.shape_cast %reduce_sum3A_575 : vector<1xf32> to vector<1x1x1xf32>
    %reduce_sum3A_577 = vector.extract %reduce_sum3A_576[0, 0, 0] : f32 from vector<1x1x1xf32>
    %eq3A_578 = arith.constant 44 : i32
    %eq3A_579 = vector.broadcast %eq3A_578 : i32 to vector<80x128xi32>
    %eq3A_580 = arith.cmpi eq, %get3A_1, %eq3A_579 : vector<80x128xi32>
    %jit3A_581 = arith.constant 1.000000e+00 : f32
    %jit3A_582 = arith.constant 0.000000e+00 : f32
    %broadcast_in_dim3A_583 = vector.broadcast %jit3A_581 : f32 to vector<80x128xf32>
    %broadcast_in_dim3A_584 = vector.broadcast %jit3A_582 : f32 to vector<80x128xf32>
    %select_n3A_585 = arith.select %eq3A_580, %broadcast_in_dim3A_583, %broadcast_in_dim3A_584 : vector<80x128xi1>, vector<80x128xf32>
    %reduce_sum3A_586 = vector.shape_cast %select_n3A_585 : vector<80x128xf32> to vector<1x80x128xf32>
    %reduce_sum3A_587 = arith.constant dense<0.000000e+00> : vector<1xf32>
    %reduce_sum3A_588 = vector.multi_reduction <add>, %reduce_sum3A_586, %reduce_sum3A_587 [1, 2] : vector<1x80x128xf32> to vector<1xf32>
    %reduce_sum3A_589 = vector.shape_cast %reduce_sum3A_588 : vector<1xf32> to vector<1x1x1xf32>
    %reduce_sum3A_590 = vector.extract %reduce_sum3A_589[0, 0, 0] : f32 from vector<1x1x1xf32>
    %eq3A_591 = arith.constant 45 : i32
    %eq3A_592 = vector.broadcast %eq3A_591 : i32 to vector<80x128xi32>
    %eq3A_593 = arith.cmpi eq, %get3A_1, %eq3A_592 : vector<80x128xi32>
    %jit3A_594 = arith.constant 1.000000e+00 : f32
    %jit3A_595 = arith.constant 0.000000e+00 : f32
    %broadcast_in_dim3A_596 = vector.broadcast %jit3A_594 : f32 to vector<80x128xf32>
    %broadcast_in_dim3A_597 = vector.broadcast %jit3A_595 : f32 to vector<80x128xf32>
    %select_n3A_598 = arith.select %eq3A_593, %broadcast_in_dim3A_596, %broadcast_in_dim3A_597 : vector<80x128xi1>, vector<80x128xf32>
    %reduce_sum3A_599 = vector.shape_cast %select_n3A_598 : vector<80x128xf32> to vector<1x80x128xf32>
    %reduce_sum3A_600 = arith.constant dense<0.000000e+00> : vector<1xf32>
    %reduce_sum3A_601 = vector.multi_reduction <add>, %reduce_sum3A_599, %reduce_sum3A_600 [1, 2] : vector<1x80x128xf32> to vector<1xf32>
    %reduce_sum3A_602 = vector.shape_cast %reduce_sum3A_601 : vector<1xf32> to vector<1x1x1xf32>
    %reduce_sum3A_603 = vector.extract %reduce_sum3A_602[0, 0, 0] : f32 from vector<1x1x1xf32>
    %eq3A_604 = arith.constant 46 : i32
    %eq3A_605 = vector.broadcast %eq3A_604 : i32 to vector<80x128xi32>
    %eq3A_606 = arith.cmpi eq, %get3A_1, %eq3A_605 : vector<80x128xi32>
    %jit3A_607 = arith.constant 1.000000e+00 : f32
    %jit3A_608 = arith.constant 0.000000e+00 : f32
    %broadcast_in_dim3A_609 = vector.broadcast %jit3A_607 : f32 to vector<80x128xf32>
    %broadcast_in_dim3A_610 = vector.broadcast %jit3A_608 : f32 to vector<80x128xf32>
    %select_n3A_611 = arith.select %eq3A_606, %broadcast_in_dim3A_609, %broadcast_in_dim3A_610 : vector<80x128xi1>, vector<80x128xf32>
    %reduce_sum3A_612 = vector.shape_cast %select_n3A_611 : vector<80x128xf32> to vector<1x80x128xf32>
    %reduce_sum3A_613 = arith.constant dense<0.000000e+00> : vector<1xf32>
    %reduce_sum3A_614 = vector.multi_reduction <add>, %reduce_sum3A_612, %reduce_sum3A_613 [1, 2] : vector<1x80x128xf32> to vector<1xf32>
    %reduce_sum3A_615 = vector.shape_cast %reduce_sum3A_614 : vector<1xf32> to vector<1x1x1xf32>
    %reduce_sum3A_616 = vector.extract %reduce_sum3A_615[0, 0, 0] : f32 from vector<1x1x1xf32>
    %eq3A_617 = arith.constant 47 : i32
    %eq3A_618 = vector.broadcast %eq3A_617 : i32 to vector<80x128xi32>
    %eq3A_619 = arith.cmpi eq, %get3A_1, %eq3A_618 : vector<80x128xi32>
    %jit3A_620 = arith.constant 1.000000e+00 : f32
    %jit3A_621 = arith.constant 0.000000e+00 : f32
    %broadcast_in_dim3A_622 = vector.broadcast %jit3A_620 : f32 to vector<80x128xf32>
    %broadcast_in_dim3A_623 = vector.broadcast %jit3A_621 : f32 to vector<80x128xf32>
    %select_n3A_624 = arith.select %eq3A_619, %broadcast_in_dim3A_622, %broadcast_in_dim3A_623 : vector<80x128xi1>, vector<80x128xf32>
    %reduce_sum3A_625 = vector.shape_cast %select_n3A_624 : vector<80x128xf32> to vector<1x80x128xf32>
    %reduce_sum3A_626 = arith.constant dense<0.000000e+00> : vector<1xf32>
    %reduce_sum3A_627 = vector.multi_reduction <add>, %reduce_sum3A_625, %reduce_sum3A_626 [1, 2] : vector<1x80x128xf32> to vector<1xf32>
    %reduce_sum3A_628 = vector.shape_cast %reduce_sum3A_627 : vector<1xf32> to vector<1x1x1xf32>
    %reduce_sum3A_629 = vector.extract %reduce_sum3A_628[0, 0, 0] : f32 from vector<1x1x1xf32>
    %eq3A_630 = arith.constant 48 : i32
    %eq3A_631 = vector.broadcast %eq3A_630 : i32 to vector<80x128xi32>
    %eq3A_632 = arith.cmpi eq, %get3A_1, %eq3A_631 : vector<80x128xi32>
    %jit3A_633 = arith.constant 1.000000e+00 : f32
    %jit3A_634 = arith.constant 0.000000e+00 : f32
    %broadcast_in_dim3A_635 = vector.broadcast %jit3A_633 : f32 to vector<80x128xf32>
    %broadcast_in_dim3A_636 = vector.broadcast %jit3A_634 : f32 to vector<80x128xf32>
    %select_n3A_637 = arith.select %eq3A_632, %broadcast_in_dim3A_635, %broadcast_in_dim3A_636 : vector<80x128xi1>, vector<80x128xf32>
    %reduce_sum3A_638 = vector.shape_cast %select_n3A_637 : vector<80x128xf32> to vector<1x80x128xf32>
    %reduce_sum3A_639 = arith.constant dense<0.000000e+00> : vector<1xf32>
    %reduce_sum3A_640 = vector.multi_reduction <add>, %reduce_sum3A_638, %reduce_sum3A_639 [1, 2] : vector<1x80x128xf32> to vector<1xf32>
    %reduce_sum3A_641 = vector.shape_cast %reduce_sum3A_640 : vector<1xf32> to vector<1x1x1xf32>
    %reduce_sum3A_642 = vector.extract %reduce_sum3A_641[0, 0, 0] : f32 from vector<1x1x1xf32>
    %eq3A_643 = arith.constant 49 : i32
    %eq3A_644 = vector.broadcast %eq3A_643 : i32 to vector<80x128xi32>
    %eq3A_645 = arith.cmpi eq, %get3A_1, %eq3A_644 : vector<80x128xi32>
    %jit3A_646 = arith.constant 1.000000e+00 : f32
    %jit3A_647 = arith.constant 0.000000e+00 : f32
    %broadcast_in_dim3A_648 = vector.broadcast %jit3A_646 : f32 to vector<80x128xf32>
    %broadcast_in_dim3A_649 = vector.broadcast %jit3A_647 : f32 to vector<80x128xf32>
    %select_n3A_650 = arith.select %eq3A_645, %broadcast_in_dim3A_648, %broadcast_in_dim3A_649 : vector<80x128xi1>, vector<80x128xf32>
    %reduce_sum3A_651 = vector.shape_cast %select_n3A_650 : vector<80x128xf32> to vector<1x80x128xf32>
    %reduce_sum3A_652 = arith.constant dense<0.000000e+00> : vector<1xf32>
    %reduce_sum3A_653 = vector.multi_reduction <add>, %reduce_sum3A_651, %reduce_sum3A_652 [1, 2] : vector<1x80x128xf32> to vector<1xf32>
    %reduce_sum3A_654 = vector.shape_cast %reduce_sum3A_653 : vector<1xf32> to vector<1x1x1xf32>
    %reduce_sum3A_655 = vector.extract %reduce_sum3A_654[0, 0, 0] : f32 from vector<1x1x1xf32>
    %eq3A_656 = arith.constant 50 : i32
    %eq3A_657 = vector.broadcast %eq3A_656 : i32 to vector<80x128xi32>
    %eq3A_658 = arith.cmpi eq, %get3A_1, %eq3A_657 : vector<80x128xi32>
    %jit3A_659 = arith.constant 1.000000e+00 : f32
    %jit3A_660 = arith.constant 0.000000e+00 : f32
    %broadcast_in_dim3A_661 = vector.broadcast %jit3A_659 : f32 to vector<80x128xf32>
    %broadcast_in_dim3A_662 = vector.broadcast %jit3A_660 : f32 to vector<80x128xf32>
    %select_n3A_663 = arith.select %eq3A_658, %broadcast_in_dim3A_661, %broadcast_in_dim3A_662 : vector<80x128xi1>, vector<80x128xf32>
    %reduce_sum3A_664 = vector.shape_cast %select_n3A_663 : vector<80x128xf32> to vector<1x80x128xf32>
    %reduce_sum3A_665 = arith.constant dense<0.000000e+00> : vector<1xf32>
    %reduce_sum3A_666 = vector.multi_reduction <add>, %reduce_sum3A_664, %reduce_sum3A_665 [1, 2] : vector<1x80x128xf32> to vector<1xf32>
    %reduce_sum3A_667 = vector.shape_cast %reduce_sum3A_666 : vector<1xf32> to vector<1x1x1xf32>
    %reduce_sum3A_668 = vector.extract %reduce_sum3A_667[0, 0, 0] : f32 from vector<1x1x1xf32>
    %eq3A_669 = arith.constant 51 : i32
    %eq3A_670 = vector.broadcast %eq3A_669 : i32 to vector<80x128xi32>
    %eq3A_671 = arith.cmpi eq, %get3A_1, %eq3A_670 : vector<80x128xi32>
    %jit3A_672 = arith.constant 1.000000e+00 : f32
    %jit3A_673 = arith.constant 0.000000e+00 : f32
    %broadcast_in_dim3A_674 = vector.broadcast %jit3A_672 : f32 to vector<80x128xf32>
    %broadcast_in_dim3A_675 = vector.broadcast %jit3A_673 : f32 to vector<80x128xf32>
    %select_n3A_676 = arith.select %eq3A_671, %broadcast_in_dim3A_674, %broadcast_in_dim3A_675 : vector<80x128xi1>, vector<80x128xf32>
    %reduce_sum3A_677 = vector.shape_cast %select_n3A_676 : vector<80x128xf32> to vector<1x80x128xf32>
    %reduce_sum3A_678 = arith.constant dense<0.000000e+00> : vector<1xf32>
    %reduce_sum3A_679 = vector.multi_reduction <add>, %reduce_sum3A_677, %reduce_sum3A_678 [1, 2] : vector<1x80x128xf32> to vector<1xf32>
    %reduce_sum3A_680 = vector.shape_cast %reduce_sum3A_679 : vector<1xf32> to vector<1x1x1xf32>
    %reduce_sum3A_681 = vector.extract %reduce_sum3A_680[0, 0, 0] : f32 from vector<1x1x1xf32>
    %eq3A_682 = arith.constant 52 : i32
    %eq3A_683 = vector.broadcast %eq3A_682 : i32 to vector<80x128xi32>
    %eq3A_684 = arith.cmpi eq, %get3A_1, %eq3A_683 : vector<80x128xi32>
    %jit3A_685 = arith.constant 1.000000e+00 : f32
    %jit3A_686 = arith.constant 0.000000e+00 : f32
    %broadcast_in_dim3A_687 = vector.broadcast %jit3A_685 : f32 to vector<80x128xf32>
    %broadcast_in_dim3A_688 = vector.broadcast %jit3A_686 : f32 to vector<80x128xf32>
    %select_n3A_689 = arith.select %eq3A_684, %broadcast_in_dim3A_687, %broadcast_in_dim3A_688 : vector<80x128xi1>, vector<80x128xf32>
    %reduce_sum3A_690 = vector.shape_cast %select_n3A_689 : vector<80x128xf32> to vector<1x80x128xf32>
    %reduce_sum3A_691 = arith.constant dense<0.000000e+00> : vector<1xf32>
    %reduce_sum3A_692 = vector.multi_reduction <add>, %reduce_sum3A_690, %reduce_sum3A_691 [1, 2] : vector<1x80x128xf32> to vector<1xf32>
    %reduce_sum3A_693 = vector.shape_cast %reduce_sum3A_692 : vector<1xf32> to vector<1x1x1xf32>
    %reduce_sum3A_694 = vector.extract %reduce_sum3A_693[0, 0, 0] : f32 from vector<1x1x1xf32>
    %eq3A_695 = arith.constant 53 : i32
    %eq3A_696 = vector.broadcast %eq3A_695 : i32 to vector<80x128xi32>
    %eq3A_697 = arith.cmpi eq, %get3A_1, %eq3A_696 : vector<80x128xi32>
    %jit3A_698 = arith.constant 1.000000e+00 : f32
    %jit3A_699 = arith.constant 0.000000e+00 : f32
    %broadcast_in_dim3A_700 = vector.broadcast %jit3A_698 : f32 to vector<80x128xf32>
    %broadcast_in_dim3A_701 = vector.broadcast %jit3A_699 : f32 to vector<80x128xf32>
    %select_n3A_702 = arith.select %eq3A_697, %broadcast_in_dim3A_700, %broadcast_in_dim3A_701 : vector<80x128xi1>, vector<80x128xf32>
    %reduce_sum3A_703 = vector.shape_cast %select_n3A_702 : vector<80x128xf32> to vector<1x80x128xf32>
    %reduce_sum3A_704 = arith.constant dense<0.000000e+00> : vector<1xf32>
    %reduce_sum3A_705 = vector.multi_reduction <add>, %reduce_sum3A_703, %reduce_sum3A_704 [1, 2] : vector<1x80x128xf32> to vector<1xf32>
    %reduce_sum3A_706 = vector.shape_cast %reduce_sum3A_705 : vector<1xf32> to vector<1x1x1xf32>
    %reduce_sum3A_707 = vector.extract %reduce_sum3A_706[0, 0, 0] : f32 from vector<1x1x1xf32>
    %eq3A_708 = arith.constant 54 : i32
    %eq3A_709 = vector.broadcast %eq3A_708 : i32 to vector<80x128xi32>
    %eq3A_710 = arith.cmpi eq, %get3A_1, %eq3A_709 : vector<80x128xi32>
    %jit3A_711 = arith.constant 1.000000e+00 : f32
    %jit3A_712 = arith.constant 0.000000e+00 : f32
    %broadcast_in_dim3A_713 = vector.broadcast %jit3A_711 : f32 to vector<80x128xf32>
    %broadcast_in_dim3A_714 = vector.broadcast %jit3A_712 : f32 to vector<80x128xf32>
    %select_n3A_715 = arith.select %eq3A_710, %broadcast_in_dim3A_713, %broadcast_in_dim3A_714 : vector<80x128xi1>, vector<80x128xf32>
    %reduce_sum3A_716 = vector.shape_cast %select_n3A_715 : vector<80x128xf32> to vector<1x80x128xf32>
    %reduce_sum3A_717 = arith.constant dense<0.000000e+00> : vector<1xf32>
    %reduce_sum3A_718 = vector.multi_reduction <add>, %reduce_sum3A_716, %reduce_sum3A_717 [1, 2] : vector<1x80x128xf32> to vector<1xf32>
    %reduce_sum3A_719 = vector.shape_cast %reduce_sum3A_718 : vector<1xf32> to vector<1x1x1xf32>
    %reduce_sum3A_720 = vector.extract %reduce_sum3A_719[0, 0, 0] : f32 from vector<1x1x1xf32>
    %eq3A_721 = arith.constant 55 : i32
    %eq3A_722 = vector.broadcast %eq3A_721 : i32 to vector<80x128xi32>
    %eq3A_723 = arith.cmpi eq, %get3A_1, %eq3A_722 : vector<80x128xi32>
    %jit3A_724 = arith.constant 1.000000e+00 : f32
    %jit3A_725 = arith.constant 0.000000e+00 : f32
    %broadcast_in_dim3A_726 = vector.broadcast %jit3A_724 : f32 to vector<80x128xf32>
    %broadcast_in_dim3A_727 = vector.broadcast %jit3A_725 : f32 to vector<80x128xf32>
    %select_n3A_728 = arith.select %eq3A_723, %broadcast_in_dim3A_726, %broadcast_in_dim3A_727 : vector<80x128xi1>, vector<80x128xf32>
    %reduce_sum3A_729 = vector.shape_cast %select_n3A_728 : vector<80x128xf32> to vector<1x80x128xf32>
    %reduce_sum3A_730 = arith.constant dense<0.000000e+00> : vector<1xf32>
    %reduce_sum3A_731 = vector.multi_reduction <add>, %reduce_sum3A_729, %reduce_sum3A_730 [1, 2] : vector<1x80x128xf32> to vector<1xf32>
    %reduce_sum3A_732 = vector.shape_cast %reduce_sum3A_731 : vector<1xf32> to vector<1x1x1xf32>
    %reduce_sum3A_733 = vector.extract %reduce_sum3A_732[0, 0, 0] : f32 from vector<1x1x1xf32>
    %eq3A_734 = arith.constant 56 : i32
    %eq3A_735 = vector.broadcast %eq3A_734 : i32 to vector<80x128xi32>
    %eq3A_736 = arith.cmpi eq, %get3A_1, %eq3A_735 : vector<80x128xi32>
    %jit3A_737 = arith.constant 1.000000e+00 : f32
    %jit3A_738 = arith.constant 0.000000e+00 : f32
    %broadcast_in_dim3A_739 = vector.broadcast %jit3A_737 : f32 to vector<80x128xf32>
    %broadcast_in_dim3A_740 = vector.broadcast %jit3A_738 : f32 to vector<80x128xf32>
    %select_n3A_741 = arith.select %eq3A_736, %broadcast_in_dim3A_739, %broadcast_in_dim3A_740 : vector<80x128xi1>, vector<80x128xf32>
    %reduce_sum3A_742 = vector.shape_cast %select_n3A_741 : vector<80x128xf32> to vector<1x80x128xf32>
    %reduce_sum3A_743 = arith.constant dense<0.000000e+00> : vector<1xf32>
    %reduce_sum3A_744 = vector.multi_reduction <add>, %reduce_sum3A_742, %reduce_sum3A_743 [1, 2] : vector<1x80x128xf32> to vector<1xf32>
    %reduce_sum3A_745 = vector.shape_cast %reduce_sum3A_744 : vector<1xf32> to vector<1x1x1xf32>
    %reduce_sum3A_746 = vector.extract %reduce_sum3A_745[0, 0, 0] : f32 from vector<1x1x1xf32>
    %eq3A_747 = arith.constant 57 : i32
    %eq3A_748 = vector.broadcast %eq3A_747 : i32 to vector<80x128xi32>
    %eq3A_749 = arith.cmpi eq, %get3A_1, %eq3A_748 : vector<80x128xi32>
    %jit3A_750 = arith.constant 1.000000e+00 : f32
    %jit3A_751 = arith.constant 0.000000e+00 : f32
    %broadcast_in_dim3A_752 = vector.broadcast %jit3A_750 : f32 to vector<80x128xf32>
    %broadcast_in_dim3A_753 = vector.broadcast %jit3A_751 : f32 to vector<80x128xf32>
    %select_n3A_754 = arith.select %eq3A_749, %broadcast_in_dim3A_752, %broadcast_in_dim3A_753 : vector<80x128xi1>, vector<80x128xf32>
    %reduce_sum3A_755 = vector.shape_cast %select_n3A_754 : vector<80x128xf32> to vector<1x80x128xf32>
    %reduce_sum3A_756 = arith.constant dense<0.000000e+00> : vector<1xf32>
    %reduce_sum3A_757 = vector.multi_reduction <add>, %reduce_sum3A_755, %reduce_sum3A_756 [1, 2] : vector<1x80x128xf32> to vector<1xf32>
    %reduce_sum3A_758 = vector.shape_cast %reduce_sum3A_757 : vector<1xf32> to vector<1x1x1xf32>
    %reduce_sum3A_759 = vector.extract %reduce_sum3A_758[0, 0, 0] : f32 from vector<1x1x1xf32>
    %eq3A_760 = arith.constant 58 : i32
    %eq3A_761 = vector.broadcast %eq3A_760 : i32 to vector<80x128xi32>
    %eq3A_762 = arith.cmpi eq, %get3A_1, %eq3A_761 : vector<80x128xi32>
    %jit3A_763 = arith.constant 1.000000e+00 : f32
    %jit3A_764 = arith.constant 0.000000e+00 : f32
    %broadcast_in_dim3A_765 = vector.broadcast %jit3A_763 : f32 to vector<80x128xf32>
    %broadcast_in_dim3A_766 = vector.broadcast %jit3A_764 : f32 to vector<80x128xf32>
    %select_n3A_767 = arith.select %eq3A_762, %broadcast_in_dim3A_765, %broadcast_in_dim3A_766 : vector<80x128xi1>, vector<80x128xf32>
    %reduce_sum3A_768 = vector.shape_cast %select_n3A_767 : vector<80x128xf32> to vector<1x80x128xf32>
    %reduce_sum3A_769 = arith.constant dense<0.000000e+00> : vector<1xf32>
    %reduce_sum3A_770 = vector.multi_reduction <add>, %reduce_sum3A_768, %reduce_sum3A_769 [1, 2] : vector<1x80x128xf32> to vector<1xf32>
    %reduce_sum3A_771 = vector.shape_cast %reduce_sum3A_770 : vector<1xf32> to vector<1x1x1xf32>
    %reduce_sum3A_772 = vector.extract %reduce_sum3A_771[0, 0, 0] : f32 from vector<1x1x1xf32>
    %eq3A_773 = arith.constant 59 : i32
    %eq3A_774 = vector.broadcast %eq3A_773 : i32 to vector<80x128xi32>
    %eq3A_775 = arith.cmpi eq, %get3A_1, %eq3A_774 : vector<80x128xi32>
    %jit3A_776 = arith.constant 1.000000e+00 : f32
    %jit3A_777 = arith.constant 0.000000e+00 : f32
    %broadcast_in_dim3A_778 = vector.broadcast %jit3A_776 : f32 to vector<80x128xf32>
    %broadcast_in_dim3A_779 = vector.broadcast %jit3A_777 : f32 to vector<80x128xf32>
    %select_n3A_780 = arith.select %eq3A_775, %broadcast_in_dim3A_778, %broadcast_in_dim3A_779 : vector<80x128xi1>, vector<80x128xf32>
    %reduce_sum3A_781 = vector.shape_cast %select_n3A_780 : vector<80x128xf32> to vector<1x80x128xf32>
    %reduce_sum3A_782 = arith.constant dense<0.000000e+00> : vector<1xf32>
    %reduce_sum3A_783 = vector.multi_reduction <add>, %reduce_sum3A_781, %reduce_sum3A_782 [1, 2] : vector<1x80x128xf32> to vector<1xf32>
    %reduce_sum3A_784 = vector.shape_cast %reduce_sum3A_783 : vector<1xf32> to vector<1x1x1xf32>
    %reduce_sum3A_785 = vector.extract %reduce_sum3A_784[0, 0, 0] : f32 from vector<1x1x1xf32>
    %eq3A_786 = arith.constant 60 : i32
    %eq3A_787 = vector.broadcast %eq3A_786 : i32 to vector<80x128xi32>
    %eq3A_788 = arith.cmpi eq, %get3A_1, %eq3A_787 : vector<80x128xi32>
    %jit3A_789 = arith.constant 1.000000e+00 : f32
    %jit3A_790 = arith.constant 0.000000e+00 : f32
    %broadcast_in_dim3A_791 = vector.broadcast %jit3A_789 : f32 to vector<80x128xf32>
    %broadcast_in_dim3A_792 = vector.broadcast %jit3A_790 : f32 to vector<80x128xf32>
    %select_n3A_793 = arith.select %eq3A_788, %broadcast_in_dim3A_791, %broadcast_in_dim3A_792 : vector<80x128xi1>, vector<80x128xf32>
    %reduce_sum3A_794 = vector.shape_cast %select_n3A_793 : vector<80x128xf32> to vector<1x80x128xf32>
    %reduce_sum3A_795 = arith.constant dense<0.000000e+00> : vector<1xf32>
    %reduce_sum3A_796 = vector.multi_reduction <add>, %reduce_sum3A_794, %reduce_sum3A_795 [1, 2] : vector<1x80x128xf32> to vector<1xf32>
    %reduce_sum3A_797 = vector.shape_cast %reduce_sum3A_796 : vector<1xf32> to vector<1x1x1xf32>
    %reduce_sum3A_798 = vector.extract %reduce_sum3A_797[0, 0, 0] : f32 from vector<1x1x1xf32>
    %eq3A_799 = arith.constant 61 : i32
    %eq3A_800 = vector.broadcast %eq3A_799 : i32 to vector<80x128xi32>
    %eq3A_801 = arith.cmpi eq, %get3A_1, %eq3A_800 : vector<80x128xi32>
    %jit3A_802 = arith.constant 1.000000e+00 : f32
    %jit3A_803 = arith.constant 0.000000e+00 : f32
    %broadcast_in_dim3A_804 = vector.broadcast %jit3A_802 : f32 to vector<80x128xf32>
    %broadcast_in_dim3A_805 = vector.broadcast %jit3A_803 : f32 to vector<80x128xf32>
    %select_n3A_806 = arith.select %eq3A_801, %broadcast_in_dim3A_804, %broadcast_in_dim3A_805 : vector<80x128xi1>, vector<80x128xf32>
    %reduce_sum3A_807 = vector.shape_cast %select_n3A_806 : vector<80x128xf32> to vector<1x80x128xf32>
    %reduce_sum3A_808 = arith.constant dense<0.000000e+00> : vector<1xf32>
    %reduce_sum3A_809 = vector.multi_reduction <add>, %reduce_sum3A_807, %reduce_sum3A_808 [1, 2] : vector<1x80x128xf32> to vector<1xf32>
    %reduce_sum3A_810 = vector.shape_cast %reduce_sum3A_809 : vector<1xf32> to vector<1x1x1xf32>
    %reduce_sum3A_811 = vector.extract %reduce_sum3A_810[0, 0, 0] : f32 from vector<1x1x1xf32>
    %eq3A_812 = arith.constant 62 : i32
    %eq3A_813 = vector.broadcast %eq3A_812 : i32 to vector<80x128xi32>
    %eq3A_814 = arith.cmpi eq, %get3A_1, %eq3A_813 : vector<80x128xi32>
    %jit3A_815 = arith.constant 1.000000e+00 : f32
    %jit3A_816 = arith.constant 0.000000e+00 : f32
    %broadcast_in_dim3A_817 = vector.broadcast %jit3A_815 : f32 to vector<80x128xf32>
    %broadcast_in_dim3A_818 = vector.broadcast %jit3A_816 : f32 to vector<80x128xf32>
    %select_n3A_819 = arith.select %eq3A_814, %broadcast_in_dim3A_817, %broadcast_in_dim3A_818 : vector<80x128xi1>, vector<80x128xf32>
    %reduce_sum3A_820 = vector.shape_cast %select_n3A_819 : vector<80x128xf32> to vector<1x80x128xf32>
    %reduce_sum3A_821 = arith.constant dense<0.000000e+00> : vector<1xf32>
    %reduce_sum3A_822 = vector.multi_reduction <add>, %reduce_sum3A_820, %reduce_sum3A_821 [1, 2] : vector<1x80x128xf32> to vector<1xf32>
    %reduce_sum3A_823 = vector.shape_cast %reduce_sum3A_822 : vector<1xf32> to vector<1x1x1xf32>
    %reduce_sum3A_824 = vector.extract %reduce_sum3A_823[0, 0, 0] : f32 from vector<1x1x1xf32>
    %eq3A_825 = arith.constant 63 : i32
    %eq3A_826 = vector.broadcast %eq3A_825 : i32 to vector<80x128xi32>
    %eq3A_827 = arith.cmpi eq, %get3A_1, %eq3A_826 : vector<80x128xi32>
    %jit3A_828 = arith.constant 1.000000e+00 : f32
    %jit3A_829 = arith.constant 0.000000e+00 : f32
    %broadcast_in_dim3A_830 = vector.broadcast %jit3A_828 : f32 to vector<80x128xf32>
    %broadcast_in_dim3A_831 = vector.broadcast %jit3A_829 : f32 to vector<80x128xf32>
    %select_n3A_832 = arith.select %eq3A_827, %broadcast_in_dim3A_830, %broadcast_in_dim3A_831 : vector<80x128xi1>, vector<80x128xf32>
    %reduce_sum3A_833 = vector.shape_cast %select_n3A_832 : vector<80x128xf32> to vector<1x80x128xf32>
    %reduce_sum3A_834 = arith.constant dense<0.000000e+00> : vector<1xf32>
    %reduce_sum3A_835 = vector.multi_reduction <add>, %reduce_sum3A_833, %reduce_sum3A_834 [1, 2] : vector<1x80x128xf32> to vector<1xf32>
    %reduce_sum3A_836 = vector.shape_cast %reduce_sum3A_835 : vector<1xf32> to vector<1x1x1xf32>
    %reduce_sum3A_837 = vector.extract %reduce_sum3A_836[0, 0, 0] : f32 from vector<1x1x1xf32>
    %eq3A_838 = arith.constant 0 : i32
    %eq3A_839 = vector.broadcast %eq3A_838 : i32 to vector<1250x128xi32>
    %eq3A_840 = arith.cmpi eq, %get3A_4, %eq3A_839 : vector<1250x128xi32>
    %jit3A_841 = arith.constant 1.000000e+00 : f32
    %jit3A_842 = arith.constant 0.000000e+00 : f32
    %broadcast_in_dim3A_843 = vector.broadcast %jit3A_841 : f32 to vector<1250x128xf32>
    %broadcast_in_dim3A_844 = vector.broadcast %jit3A_842 : f32 to vector<1250x128xf32>
    %select_n3A_845 = arith.select %eq3A_840, %broadcast_in_dim3A_843, %broadcast_in_dim3A_844 : vector<1250x128xi1>, vector<1250x128xf32>
    %reduce_sum3A_846 = vector.shape_cast %select_n3A_845 : vector<1250x128xf32> to vector<1x1250x128xf32>
    %reduce_sum3A_847 = arith.constant dense<0.000000e+00> : vector<1xf32>
    %reduce_sum3A_848 = vector.multi_reduction <add>, %reduce_sum3A_846, %reduce_sum3A_847 [1, 2] : vector<1x1250x128xf32> to vector<1xf32>
    %reduce_sum3A_849 = vector.shape_cast %reduce_sum3A_848 : vector<1xf32> to vector<1x1x1xf32>
    %reduce_sum3A_850 = vector.extract %reduce_sum3A_849[0, 0, 0] : f32 from vector<1x1x1xf32>
    %eq3A_851 = arith.constant 1 : i32
    %eq3A_852 = vector.broadcast %eq3A_851 : i32 to vector<1250x128xi32>
    %eq3A_853 = arith.cmpi eq, %get3A_4, %eq3A_852 : vector<1250x128xi32>
    %jit3A_854 = arith.constant 1.000000e+00 : f32
    %jit3A_855 = arith.constant 0.000000e+00 : f32
    %broadcast_in_dim3A_856 = vector.broadcast %jit3A_854 : f32 to vector<1250x128xf32>
    %broadcast_in_dim3A_857 = vector.broadcast %jit3A_855 : f32 to vector<1250x128xf32>
    %select_n3A_858 = arith.select %eq3A_853, %broadcast_in_dim3A_856, %broadcast_in_dim3A_857 : vector<1250x128xi1>, vector<1250x128xf32>
    %reduce_sum3A_859 = vector.shape_cast %select_n3A_858 : vector<1250x128xf32> to vector<1x1250x128xf32>
    %reduce_sum3A_860 = arith.constant dense<0.000000e+00> : vector<1xf32>
    %reduce_sum3A_861 = vector.multi_reduction <add>, %reduce_sum3A_859, %reduce_sum3A_860 [1, 2] : vector<1x1250x128xf32> to vector<1xf32>
    %reduce_sum3A_862 = vector.shape_cast %reduce_sum3A_861 : vector<1xf32> to vector<1x1x1xf32>
    %reduce_sum3A_863 = vector.extract %reduce_sum3A_862[0, 0, 0] : f32 from vector<1x1x1xf32>
    %eq3A_864 = arith.constant 2 : i32
    %eq3A_865 = vector.broadcast %eq3A_864 : i32 to vector<1250x128xi32>
    %eq3A_866 = arith.cmpi eq, %get3A_4, %eq3A_865 : vector<1250x128xi32>
    %jit3A_867 = arith.constant 1.000000e+00 : f32
    %jit3A_868 = arith.constant 0.000000e+00 : f32
    %broadcast_in_dim3A_869 = vector.broadcast %jit3A_867 : f32 to vector<1250x128xf32>
    %broadcast_in_dim3A_870 = vector.broadcast %jit3A_868 : f32 to vector<1250x128xf32>
    %select_n3A_871 = arith.select %eq3A_866, %broadcast_in_dim3A_869, %broadcast_in_dim3A_870 : vector<1250x128xi1>, vector<1250x128xf32>
    %reduce_sum3A_872 = vector.shape_cast %select_n3A_871 : vector<1250x128xf32> to vector<1x1250x128xf32>
    %reduce_sum3A_873 = arith.constant dense<0.000000e+00> : vector<1xf32>
    %reduce_sum3A_874 = vector.multi_reduction <add>, %reduce_sum3A_872, %reduce_sum3A_873 [1, 2] : vector<1x1250x128xf32> to vector<1xf32>
    %reduce_sum3A_875 = vector.shape_cast %reduce_sum3A_874 : vector<1xf32> to vector<1x1x1xf32>
    %reduce_sum3A_876 = vector.extract %reduce_sum3A_875[0, 0, 0] : f32 from vector<1x1x1xf32>
    %eq3A_877 = arith.constant 3 : i32
    %eq3A_878 = vector.broadcast %eq3A_877 : i32 to vector<1250x128xi32>
    %eq3A_879 = arith.cmpi eq, %get3A_4, %eq3A_878 : vector<1250x128xi32>
    %jit3A_880 = arith.constant 1.000000e+00 : f32
    %jit3A_881 = arith.constant 0.000000e+00 : f32
    %broadcast_in_dim3A_882 = vector.broadcast %jit3A_880 : f32 to vector<1250x128xf32>
    %broadcast_in_dim3A_883 = vector.broadcast %jit3A_881 : f32 to vector<1250x128xf32>
    %select_n3A_884 = arith.select %eq3A_879, %broadcast_in_dim3A_882, %broadcast_in_dim3A_883 : vector<1250x128xi1>, vector<1250x128xf32>
    %reduce_sum3A_885 = vector.shape_cast %select_n3A_884 : vector<1250x128xf32> to vector<1x1250x128xf32>
    %reduce_sum3A_886 = arith.constant dense<0.000000e+00> : vector<1xf32>
    %reduce_sum3A_887 = vector.multi_reduction <add>, %reduce_sum3A_885, %reduce_sum3A_886 [1, 2] : vector<1x1250x128xf32> to vector<1xf32>
    %reduce_sum3A_888 = vector.shape_cast %reduce_sum3A_887 : vector<1xf32> to vector<1x1x1xf32>
    %reduce_sum3A_889 = vector.extract %reduce_sum3A_888[0, 0, 0] : f32 from vector<1x1x1xf32>
    %eq3A_890 = arith.constant 4 : i32
    %eq3A_891 = vector.broadcast %eq3A_890 : i32 to vector<1250x128xi32>
    %eq3A_892 = arith.cmpi eq, %get3A_4, %eq3A_891 : vector<1250x128xi32>
    %jit3A_893 = arith.constant 1.000000e+00 : f32
    %jit3A_894 = arith.constant 0.000000e+00 : f32
    %broadcast_in_dim3A_895 = vector.broadcast %jit3A_893 : f32 to vector<1250x128xf32>
    %broadcast_in_dim3A_896 = vector.broadcast %jit3A_894 : f32 to vector<1250x128xf32>
    %select_n3A_897 = arith.select %eq3A_892, %broadcast_in_dim3A_895, %broadcast_in_dim3A_896 : vector<1250x128xi1>, vector<1250x128xf32>
    %reduce_sum3A_898 = vector.shape_cast %select_n3A_897 : vector<1250x128xf32> to vector<1x1250x128xf32>
    %reduce_sum3A_899 = arith.constant dense<0.000000e+00> : vector<1xf32>
    %reduce_sum3A_900 = vector.multi_reduction <add>, %reduce_sum3A_898, %reduce_sum3A_899 [1, 2] : vector<1x1250x128xf32> to vector<1xf32>
    %reduce_sum3A_901 = vector.shape_cast %reduce_sum3A_900 : vector<1xf32> to vector<1x1x1xf32>
    %reduce_sum3A_902 = vector.extract %reduce_sum3A_901[0, 0, 0] : f32 from vector<1x1x1xf32>
    %eq3A_903 = arith.constant 5 : i32
    %eq3A_904 = vector.broadcast %eq3A_903 : i32 to vector<1250x128xi32>
    %eq3A_905 = arith.cmpi eq, %get3A_4, %eq3A_904 : vector<1250x128xi32>
    %jit3A_906 = arith.constant 1.000000e+00 : f32
    %jit3A_907 = arith.constant 0.000000e+00 : f32
    %broadcast_in_dim3A_908 = vector.broadcast %jit3A_906 : f32 to vector<1250x128xf32>
    %broadcast_in_dim3A_909 = vector.broadcast %jit3A_907 : f32 to vector<1250x128xf32>
    %select_n3A_910 = arith.select %eq3A_905, %broadcast_in_dim3A_908, %broadcast_in_dim3A_909 : vector<1250x128xi1>, vector<1250x128xf32>
    %reduce_sum3A_911 = vector.shape_cast %select_n3A_910 : vector<1250x128xf32> to vector<1x1250x128xf32>
    %reduce_sum3A_912 = arith.constant dense<0.000000e+00> : vector<1xf32>
    %reduce_sum3A_913 = vector.multi_reduction <add>, %reduce_sum3A_911, %reduce_sum3A_912 [1, 2] : vector<1x1250x128xf32> to vector<1xf32>
    %reduce_sum3A_914 = vector.shape_cast %reduce_sum3A_913 : vector<1xf32> to vector<1x1x1xf32>
    %reduce_sum3A_915 = vector.extract %reduce_sum3A_914[0, 0, 0] : f32 from vector<1x1x1xf32>
    %eq3A_916 = arith.constant 6 : i32
    %eq3A_917 = vector.broadcast %eq3A_916 : i32 to vector<1250x128xi32>
    %eq3A_918 = arith.cmpi eq, %get3A_4, %eq3A_917 : vector<1250x128xi32>
    %jit3A_919 = arith.constant 1.000000e+00 : f32
    %jit3A_920 = arith.constant 0.000000e+00 : f32
    %broadcast_in_dim3A_921 = vector.broadcast %jit3A_919 : f32 to vector<1250x128xf32>
    %broadcast_in_dim3A_922 = vector.broadcast %jit3A_920 : f32 to vector<1250x128xf32>
    %select_n3A_923 = arith.select %eq3A_918, %broadcast_in_dim3A_921, %broadcast_in_dim3A_922 : vector<1250x128xi1>, vector<1250x128xf32>
    %reduce_sum3A_924 = vector.shape_cast %select_n3A_923 : vector<1250x128xf32> to vector<1x1250x128xf32>
    %reduce_sum3A_925 = arith.constant dense<0.000000e+00> : vector<1xf32>
    %reduce_sum3A_926 = vector.multi_reduction <add>, %reduce_sum3A_924, %reduce_sum3A_925 [1, 2] : vector<1x1250x128xf32> to vector<1xf32>
    %reduce_sum3A_927 = vector.shape_cast %reduce_sum3A_926 : vector<1xf32> to vector<1x1x1xf32>
    %reduce_sum3A_928 = vector.extract %reduce_sum3A_927[0, 0, 0] : f32 from vector<1x1x1xf32>
    %eq3A_929 = arith.constant 7 : i32
    %eq3A_930 = vector.broadcast %eq3A_929 : i32 to vector<1250x128xi32>
    %eq3A_931 = arith.cmpi eq, %get3A_4, %eq3A_930 : vector<1250x128xi32>
    %jit3A_932 = arith.constant 1.000000e+00 : f32
    %jit3A_933 = arith.constant 0.000000e+00 : f32
    %broadcast_in_dim3A_934 = vector.broadcast %jit3A_932 : f32 to vector<1250x128xf32>
    %broadcast_in_dim3A_935 = vector.broadcast %jit3A_933 : f32 to vector<1250x128xf32>
    %select_n3A_936 = arith.select %eq3A_931, %broadcast_in_dim3A_934, %broadcast_in_dim3A_935 : vector<1250x128xi1>, vector<1250x128xf32>
    %reduce_sum3A_937 = vector.shape_cast %select_n3A_936 : vector<1250x128xf32> to vector<1x1250x128xf32>
    %reduce_sum3A_938 = arith.constant dense<0.000000e+00> : vector<1xf32>
    %reduce_sum3A_939 = vector.multi_reduction <add>, %reduce_sum3A_937, %reduce_sum3A_938 [1, 2] : vector<1x1250x128xf32> to vector<1xf32>
    %reduce_sum3A_940 = vector.shape_cast %reduce_sum3A_939 : vector<1xf32> to vector<1x1x1xf32>
    %reduce_sum3A_941 = vector.extract %reduce_sum3A_940[0, 0, 0] : f32 from vector<1x1x1xf32>
    %slice3A = vector.extract_strided_slice %get3A_7 {offsets = [0, 0], sizes = [1, 256], strides = [1, 1]} : vector<64x256xf32> to vector<1x256xf32>
    %mul3A = vector.broadcast %reduce_sum3A_18 : f32 to vector<1x256xf32>
    %mul3A_942 = arith.mulf %mul3A, %slice3A : vector<1x256xf32>
    %add3A = arith.constant 0.000000e+00 : f32
    %add3A_943 = vector.broadcast %add3A : f32 to vector<1x256xf32>
    %add3A_944 = arith.addf %add3A_943, %mul3A_942 : vector<1x256xf32>
    %slice3A_945 = vector.extract_strided_slice %get3A_7 {offsets = [1, 0], sizes = [1, 256], strides = [1, 1]} : vector<64x256xf32> to vector<1x256xf32>
    %mul3A_946 = vector.broadcast %reduce_sum3A_31 : f32 to vector<1x256xf32>
    %mul3A_947 = arith.mulf %mul3A_946, %slice3A_945 : vector<1x256xf32>
    %add3A_948 = arith.addf %add3A_944, %mul3A_947 : vector<1x256xf32>
    %slice3A_949 = vector.extract_strided_slice %get3A_7 {offsets = [2, 0], sizes = [1, 256], strides = [1, 1]} : vector<64x256xf32> to vector<1x256xf32>
    %mul3A_950 = vector.broadcast %reduce_sum3A_44 : f32 to vector<1x256xf32>
    %mul3A_951 = arith.mulf %mul3A_950, %slice3A_949 : vector<1x256xf32>
    %add3A_952 = arith.addf %add3A_948, %mul3A_951 : vector<1x256xf32>
    %slice3A_953 = vector.extract_strided_slice %get3A_7 {offsets = [3, 0], sizes = [1, 256], strides = [1, 1]} : vector<64x256xf32> to vector<1x256xf32>
    %mul3A_954 = vector.broadcast %reduce_sum3A_57 : f32 to vector<1x256xf32>
    %mul3A_955 = arith.mulf %mul3A_954, %slice3A_953 : vector<1x256xf32>
    %add3A_956 = arith.addf %add3A_952, %mul3A_955 : vector<1x256xf32>
    %slice3A_957 = vector.extract_strided_slice %get3A_7 {offsets = [4, 0], sizes = [1, 256], strides = [1, 1]} : vector<64x256xf32> to vector<1x256xf32>
    %mul3A_958 = vector.broadcast %reduce_sum3A_70 : f32 to vector<1x256xf32>
    %mul3A_959 = arith.mulf %mul3A_958, %slice3A_957 : vector<1x256xf32>
    %add3A_960 = arith.addf %add3A_956, %mul3A_959 : vector<1x256xf32>
    %slice3A_961 = vector.extract_strided_slice %get3A_7 {offsets = [5, 0], sizes = [1, 256], strides = [1, 1]} : vector<64x256xf32> to vector<1x256xf32>
    %mul3A_962 = vector.broadcast %reduce_sum3A_83 : f32 to vector<1x256xf32>
    %mul3A_963 = arith.mulf %mul3A_962, %slice3A_961 : vector<1x256xf32>
    %add3A_964 = arith.addf %add3A_960, %mul3A_963 : vector<1x256xf32>
    %slice3A_965 = vector.extract_strided_slice %get3A_7 {offsets = [6, 0], sizes = [1, 256], strides = [1, 1]} : vector<64x256xf32> to vector<1x256xf32>
    %mul3A_966 = vector.broadcast %reduce_sum3A_96 : f32 to vector<1x256xf32>
    %mul3A_967 = arith.mulf %mul3A_966, %slice3A_965 : vector<1x256xf32>
    %add3A_968 = arith.addf %add3A_964, %mul3A_967 : vector<1x256xf32>
    %slice3A_969 = vector.extract_strided_slice %get3A_7 {offsets = [7, 0], sizes = [1, 256], strides = [1, 1]} : vector<64x256xf32> to vector<1x256xf32>
    %mul3A_970 = vector.broadcast %reduce_sum3A_109 : f32 to vector<1x256xf32>
    %mul3A_971 = arith.mulf %mul3A_970, %slice3A_969 : vector<1x256xf32>
    %add3A_972 = arith.addf %add3A_968, %mul3A_971 : vector<1x256xf32>
    %slice3A_973 = vector.extract_strided_slice %get3A_7 {offsets = [8, 0], sizes = [1, 256], strides = [1, 1]} : vector<64x256xf32> to vector<1x256xf32>
    %mul3A_974 = vector.broadcast %reduce_sum3A_122 : f32 to vector<1x256xf32>
    %mul3A_975 = arith.mulf %mul3A_974, %slice3A_973 : vector<1x256xf32>
    %add3A_976 = arith.addf %add3A_972, %mul3A_975 : vector<1x256xf32>
    %slice3A_977 = vector.extract_strided_slice %get3A_7 {offsets = [9, 0], sizes = [1, 256], strides = [1, 1]} : vector<64x256xf32> to vector<1x256xf32>
    %mul3A_978 = vector.broadcast %reduce_sum3A_135 : f32 to vector<1x256xf32>
    %mul3A_979 = arith.mulf %mul3A_978, %slice3A_977 : vector<1x256xf32>
    %add3A_980 = arith.addf %add3A_976, %mul3A_979 : vector<1x256xf32>
    %slice3A_981 = vector.extract_strided_slice %get3A_7 {offsets = [10, 0], sizes = [1, 256], strides = [1, 1]} : vector<64x256xf32> to vector<1x256xf32>
    %mul3A_982 = vector.broadcast %reduce_sum3A_148 : f32 to vector<1x256xf32>
    %mul3A_983 = arith.mulf %mul3A_982, %slice3A_981 : vector<1x256xf32>
    %add3A_984 = arith.addf %add3A_980, %mul3A_983 : vector<1x256xf32>
    %slice3A_985 = vector.extract_strided_slice %get3A_7 {offsets = [11, 0], sizes = [1, 256], strides = [1, 1]} : vector<64x256xf32> to vector<1x256xf32>
    %mul3A_986 = vector.broadcast %reduce_sum3A_161 : f32 to vector<1x256xf32>
    %mul3A_987 = arith.mulf %mul3A_986, %slice3A_985 : vector<1x256xf32>
    %add3A_988 = arith.addf %add3A_984, %mul3A_987 : vector<1x256xf32>
    %slice3A_989 = vector.extract_strided_slice %get3A_7 {offsets = [12, 0], sizes = [1, 256], strides = [1, 1]} : vector<64x256xf32> to vector<1x256xf32>
    %mul3A_990 = vector.broadcast %reduce_sum3A_174 : f32 to vector<1x256xf32>
    %mul3A_991 = arith.mulf %mul3A_990, %slice3A_989 : vector<1x256xf32>
    %add3A_992 = arith.addf %add3A_988, %mul3A_991 : vector<1x256xf32>
    %slice3A_993 = vector.extract_strided_slice %get3A_7 {offsets = [13, 0], sizes = [1, 256], strides = [1, 1]} : vector<64x256xf32> to vector<1x256xf32>
    %mul3A_994 = vector.broadcast %reduce_sum3A_187 : f32 to vector<1x256xf32>
    %mul3A_995 = arith.mulf %mul3A_994, %slice3A_993 : vector<1x256xf32>
    %add3A_996 = arith.addf %add3A_992, %mul3A_995 : vector<1x256xf32>
    %slice3A_997 = vector.extract_strided_slice %get3A_7 {offsets = [14, 0], sizes = [1, 256], strides = [1, 1]} : vector<64x256xf32> to vector<1x256xf32>
    %mul3A_998 = vector.broadcast %reduce_sum3A_200 : f32 to vector<1x256xf32>
    %mul3A_999 = arith.mulf %mul3A_998, %slice3A_997 : vector<1x256xf32>
    %add3A_1000 = arith.addf %add3A_996, %mul3A_999 : vector<1x256xf32>
    %slice3A_1001 = vector.extract_strided_slice %get3A_7 {offsets = [15, 0], sizes = [1, 256], strides = [1, 1]} : vector<64x256xf32> to vector<1x256xf32>
    %mul3A_1002 = vector.broadcast %reduce_sum3A_213 : f32 to vector<1x256xf32>
    %mul3A_1003 = arith.mulf %mul3A_1002, %slice3A_1001 : vector<1x256xf32>
    %add3A_1004 = arith.addf %add3A_1000, %mul3A_1003 : vector<1x256xf32>
    %slice3A_1005 = vector.extract_strided_slice %get3A_7 {offsets = [16, 0], sizes = [1, 256], strides = [1, 1]} : vector<64x256xf32> to vector<1x256xf32>
    %mul3A_1006 = vector.broadcast %reduce_sum3A_226 : f32 to vector<1x256xf32>
    %mul3A_1007 = arith.mulf %mul3A_1006, %slice3A_1005 : vector<1x256xf32>
    %add3A_1008 = arith.addf %add3A_1004, %mul3A_1007 : vector<1x256xf32>
    %slice3A_1009 = vector.extract_strided_slice %get3A_7 {offsets = [17, 0], sizes = [1, 256], strides = [1, 1]} : vector<64x256xf32> to vector<1x256xf32>
    %mul3A_1010 = vector.broadcast %reduce_sum3A_239 : f32 to vector<1x256xf32>
    %mul3A_1011 = arith.mulf %mul3A_1010, %slice3A_1009 : vector<1x256xf32>
    %add3A_1012 = arith.addf %add3A_1008, %mul3A_1011 : vector<1x256xf32>
    %slice3A_1013 = vector.extract_strided_slice %get3A_7 {offsets = [18, 0], sizes = [1, 256], strides = [1, 1]} : vector<64x256xf32> to vector<1x256xf32>
    %mul3A_1014 = vector.broadcast %reduce_sum3A_252 : f32 to vector<1x256xf32>
    %mul3A_1015 = arith.mulf %mul3A_1014, %slice3A_1013 : vector<1x256xf32>
    %add3A_1016 = arith.addf %add3A_1012, %mul3A_1015 : vector<1x256xf32>
    %slice3A_1017 = vector.extract_strided_slice %get3A_7 {offsets = [19, 0], sizes = [1, 256], strides = [1, 1]} : vector<64x256xf32> to vector<1x256xf32>
    %mul3A_1018 = vector.broadcast %reduce_sum3A_265 : f32 to vector<1x256xf32>
    %mul3A_1019 = arith.mulf %mul3A_1018, %slice3A_1017 : vector<1x256xf32>
    %add3A_1020 = arith.addf %add3A_1016, %mul3A_1019 : vector<1x256xf32>
    %slice3A_1021 = vector.extract_strided_slice %get3A_7 {offsets = [20, 0], sizes = [1, 256], strides = [1, 1]} : vector<64x256xf32> to vector<1x256xf32>
    %mul3A_1022 = vector.broadcast %reduce_sum3A_278 : f32 to vector<1x256xf32>
    %mul3A_1023 = arith.mulf %mul3A_1022, %slice3A_1021 : vector<1x256xf32>
    %add3A_1024 = arith.addf %add3A_1020, %mul3A_1023 : vector<1x256xf32>
    %slice3A_1025 = vector.extract_strided_slice %get3A_7 {offsets = [21, 0], sizes = [1, 256], strides = [1, 1]} : vector<64x256xf32> to vector<1x256xf32>
    %mul3A_1026 = vector.broadcast %reduce_sum3A_291 : f32 to vector<1x256xf32>
    %mul3A_1027 = arith.mulf %mul3A_1026, %slice3A_1025 : vector<1x256xf32>
    %add3A_1028 = arith.addf %add3A_1024, %mul3A_1027 : vector<1x256xf32>
    %slice3A_1029 = vector.extract_strided_slice %get3A_7 {offsets = [22, 0], sizes = [1, 256], strides = [1, 1]} : vector<64x256xf32> to vector<1x256xf32>
    %mul3A_1030 = vector.broadcast %reduce_sum3A_304 : f32 to vector<1x256xf32>
    %mul3A_1031 = arith.mulf %mul3A_1030, %slice3A_1029 : vector<1x256xf32>
    %add3A_1032 = arith.addf %add3A_1028, %mul3A_1031 : vector<1x256xf32>
    %slice3A_1033 = vector.extract_strided_slice %get3A_7 {offsets = [23, 0], sizes = [1, 256], strides = [1, 1]} : vector<64x256xf32> to vector<1x256xf32>
    %mul3A_1034 = vector.broadcast %reduce_sum3A_317 : f32 to vector<1x256xf32>
    %mul3A_1035 = arith.mulf %mul3A_1034, %slice3A_1033 : vector<1x256xf32>
    %add3A_1036 = arith.addf %add3A_1032, %mul3A_1035 : vector<1x256xf32>
    %slice3A_1037 = vector.extract_strided_slice %get3A_7 {offsets = [24, 0], sizes = [1, 256], strides = [1, 1]} : vector<64x256xf32> to vector<1x256xf32>
    %mul3A_1038 = vector.broadcast %reduce_sum3A_330 : f32 to vector<1x256xf32>
    %mul3A_1039 = arith.mulf %mul3A_1038, %slice3A_1037 : vector<1x256xf32>
    %add3A_1040 = arith.addf %add3A_1036, %mul3A_1039 : vector<1x256xf32>
    %slice3A_1041 = vector.extract_strided_slice %get3A_7 {offsets = [25, 0], sizes = [1, 256], strides = [1, 1]} : vector<64x256xf32> to vector<1x256xf32>
    %mul3A_1042 = vector.broadcast %reduce_sum3A_343 : f32 to vector<1x256xf32>
    %mul3A_1043 = arith.mulf %mul3A_1042, %slice3A_1041 : vector<1x256xf32>
    %add3A_1044 = arith.addf %add3A_1040, %mul3A_1043 : vector<1x256xf32>
    %slice3A_1045 = vector.extract_strided_slice %get3A_7 {offsets = [26, 0], sizes = [1, 256], strides = [1, 1]} : vector<64x256xf32> to vector<1x256xf32>
    %mul3A_1046 = vector.broadcast %reduce_sum3A_356 : f32 to vector<1x256xf32>
    %mul3A_1047 = arith.mulf %mul3A_1046, %slice3A_1045 : vector<1x256xf32>
    %add3A_1048 = arith.addf %add3A_1044, %mul3A_1047 : vector<1x256xf32>
    %slice3A_1049 = vector.extract_strided_slice %get3A_7 {offsets = [27, 0], sizes = [1, 256], strides = [1, 1]} : vector<64x256xf32> to vector<1x256xf32>
    %mul3A_1050 = vector.broadcast %reduce_sum3A_369 : f32 to vector<1x256xf32>
    %mul3A_1051 = arith.mulf %mul3A_1050, %slice3A_1049 : vector<1x256xf32>
    %add3A_1052 = arith.addf %add3A_1048, %mul3A_1051 : vector<1x256xf32>
    %slice3A_1053 = vector.extract_strided_slice %get3A_7 {offsets = [28, 0], sizes = [1, 256], strides = [1, 1]} : vector<64x256xf32> to vector<1x256xf32>
    %mul3A_1054 = vector.broadcast %reduce_sum3A_382 : f32 to vector<1x256xf32>
    %mul3A_1055 = arith.mulf %mul3A_1054, %slice3A_1053 : vector<1x256xf32>
    %add3A_1056 = arith.addf %add3A_1052, %mul3A_1055 : vector<1x256xf32>
    %slice3A_1057 = vector.extract_strided_slice %get3A_7 {offsets = [29, 0], sizes = [1, 256], strides = [1, 1]} : vector<64x256xf32> to vector<1x256xf32>
    %mul3A_1058 = vector.broadcast %reduce_sum3A_395 : f32 to vector<1x256xf32>
    %mul3A_1059 = arith.mulf %mul3A_1058, %slice3A_1057 : vector<1x256xf32>
    %add3A_1060 = arith.addf %add3A_1056, %mul3A_1059 : vector<1x256xf32>
    %slice3A_1061 = vector.extract_strided_slice %get3A_7 {offsets = [30, 0], sizes = [1, 256], strides = [1, 1]} : vector<64x256xf32> to vector<1x256xf32>
    %mul3A_1062 = vector.broadcast %reduce_sum3A_408 : f32 to vector<1x256xf32>
    %mul3A_1063 = arith.mulf %mul3A_1062, %slice3A_1061 : vector<1x256xf32>
    %add3A_1064 = arith.addf %add3A_1060, %mul3A_1063 : vector<1x256xf32>
    %slice3A_1065 = vector.extract_strided_slice %get3A_7 {offsets = [31, 0], sizes = [1, 256], strides = [1, 1]} : vector<64x256xf32> to vector<1x256xf32>
    %mul3A_1066 = vector.broadcast %reduce_sum3A_421 : f32 to vector<1x256xf32>
    %mul3A_1067 = arith.mulf %mul3A_1066, %slice3A_1065 : vector<1x256xf32>
    %add3A_1068 = arith.addf %add3A_1064, %mul3A_1067 : vector<1x256xf32>
    %slice3A_1069 = vector.extract_strided_slice %get3A_7 {offsets = [32, 0], sizes = [1, 256], strides = [1, 1]} : vector<64x256xf32> to vector<1x256xf32>
    %mul3A_1070 = vector.broadcast %reduce_sum3A_434 : f32 to vector<1x256xf32>
    %mul3A_1071 = arith.mulf %mul3A_1070, %slice3A_1069 : vector<1x256xf32>
    %add3A_1072 = arith.addf %add3A_1068, %mul3A_1071 : vector<1x256xf32>
    %slice3A_1073 = vector.extract_strided_slice %get3A_7 {offsets = [33, 0], sizes = [1, 256], strides = [1, 1]} : vector<64x256xf32> to vector<1x256xf32>
    %mul3A_1074 = vector.broadcast %reduce_sum3A_447 : f32 to vector<1x256xf32>
    %mul3A_1075 = arith.mulf %mul3A_1074, %slice3A_1073 : vector<1x256xf32>
    %add3A_1076 = arith.addf %add3A_1072, %mul3A_1075 : vector<1x256xf32>
    %slice3A_1077 = vector.extract_strided_slice %get3A_7 {offsets = [34, 0], sizes = [1, 256], strides = [1, 1]} : vector<64x256xf32> to vector<1x256xf32>
    %mul3A_1078 = vector.broadcast %reduce_sum3A_460 : f32 to vector<1x256xf32>
    %mul3A_1079 = arith.mulf %mul3A_1078, %slice3A_1077 : vector<1x256xf32>
    %add3A_1080 = arith.addf %add3A_1076, %mul3A_1079 : vector<1x256xf32>
    %slice3A_1081 = vector.extract_strided_slice %get3A_7 {offsets = [35, 0], sizes = [1, 256], strides = [1, 1]} : vector<64x256xf32> to vector<1x256xf32>
    %mul3A_1082 = vector.broadcast %reduce_sum3A_473 : f32 to vector<1x256xf32>
    %mul3A_1083 = arith.mulf %mul3A_1082, %slice3A_1081 : vector<1x256xf32>
    %add3A_1084 = arith.addf %add3A_1080, %mul3A_1083 : vector<1x256xf32>
    %slice3A_1085 = vector.extract_strided_slice %get3A_7 {offsets = [36, 0], sizes = [1, 256], strides = [1, 1]} : vector<64x256xf32> to vector<1x256xf32>
    %mul3A_1086 = vector.broadcast %reduce_sum3A_486 : f32 to vector<1x256xf32>
    %mul3A_1087 = arith.mulf %mul3A_1086, %slice3A_1085 : vector<1x256xf32>
    %add3A_1088 = arith.addf %add3A_1084, %mul3A_1087 : vector<1x256xf32>
    %slice3A_1089 = vector.extract_strided_slice %get3A_7 {offsets = [37, 0], sizes = [1, 256], strides = [1, 1]} : vector<64x256xf32> to vector<1x256xf32>
    %mul3A_1090 = vector.broadcast %reduce_sum3A_499 : f32 to vector<1x256xf32>
    %mul3A_1091 = arith.mulf %mul3A_1090, %slice3A_1089 : vector<1x256xf32>
    %add3A_1092 = arith.addf %add3A_1088, %mul3A_1091 : vector<1x256xf32>
    %slice3A_1093 = vector.extract_strided_slice %get3A_7 {offsets = [38, 0], sizes = [1, 256], strides = [1, 1]} : vector<64x256xf32> to vector<1x256xf32>
    %mul3A_1094 = vector.broadcast %reduce_sum3A_512 : f32 to vector<1x256xf32>
    %mul3A_1095 = arith.mulf %mul3A_1094, %slice3A_1093 : vector<1x256xf32>
    %add3A_1096 = arith.addf %add3A_1092, %mul3A_1095 : vector<1x256xf32>
    %slice3A_1097 = vector.extract_strided_slice %get3A_7 {offsets = [39, 0], sizes = [1, 256], strides = [1, 1]} : vector<64x256xf32> to vector<1x256xf32>
    %mul3A_1098 = vector.broadcast %reduce_sum3A_525 : f32 to vector<1x256xf32>
    %mul3A_1099 = arith.mulf %mul3A_1098, %slice3A_1097 : vector<1x256xf32>
    %add3A_1100 = arith.addf %add3A_1096, %mul3A_1099 : vector<1x256xf32>
    %slice3A_1101 = vector.extract_strided_slice %get3A_7 {offsets = [40, 0], sizes = [1, 256], strides = [1, 1]} : vector<64x256xf32> to vector<1x256xf32>
    %mul3A_1102 = vector.broadcast %reduce_sum3A_538 : f32 to vector<1x256xf32>
    %mul3A_1103 = arith.mulf %mul3A_1102, %slice3A_1101 : vector<1x256xf32>
    %add3A_1104 = arith.addf %add3A_1100, %mul3A_1103 : vector<1x256xf32>
    %slice3A_1105 = vector.extract_strided_slice %get3A_7 {offsets = [41, 0], sizes = [1, 256], strides = [1, 1]} : vector<64x256xf32> to vector<1x256xf32>
    %mul3A_1106 = vector.broadcast %reduce_sum3A_551 : f32 to vector<1x256xf32>
    %mul3A_1107 = arith.mulf %mul3A_1106, %slice3A_1105 : vector<1x256xf32>
    %add3A_1108 = arith.addf %add3A_1104, %mul3A_1107 : vector<1x256xf32>
    %slice3A_1109 = vector.extract_strided_slice %get3A_7 {offsets = [42, 0], sizes = [1, 256], strides = [1, 1]} : vector<64x256xf32> to vector<1x256xf32>
    %mul3A_1110 = vector.broadcast %reduce_sum3A_564 : f32 to vector<1x256xf32>
    %mul3A_1111 = arith.mulf %mul3A_1110, %slice3A_1109 : vector<1x256xf32>
    %add3A_1112 = arith.addf %add3A_1108, %mul3A_1111 : vector<1x256xf32>
    %slice3A_1113 = vector.extract_strided_slice %get3A_7 {offsets = [43, 0], sizes = [1, 256], strides = [1, 1]} : vector<64x256xf32> to vector<1x256xf32>
    %mul3A_1114 = vector.broadcast %reduce_sum3A_577 : f32 to vector<1x256xf32>
    %mul3A_1115 = arith.mulf %mul3A_1114, %slice3A_1113 : vector<1x256xf32>
    %add3A_1116 = arith.addf %add3A_1112, %mul3A_1115 : vector<1x256xf32>
    %slice3A_1117 = vector.extract_strided_slice %get3A_7 {offsets = [44, 0], sizes = [1, 256], strides = [1, 1]} : vector<64x256xf32> to vector<1x256xf32>
    %mul3A_1118 = vector.broadcast %reduce_sum3A_590 : f32 to vector<1x256xf32>
    %mul3A_1119 = arith.mulf %mul3A_1118, %slice3A_1117 : vector<1x256xf32>
    %add3A_1120 = arith.addf %add3A_1116, %mul3A_1119 : vector<1x256xf32>
    %slice3A_1121 = vector.extract_strided_slice %get3A_7 {offsets = [45, 0], sizes = [1, 256], strides = [1, 1]} : vector<64x256xf32> to vector<1x256xf32>
    %mul3A_1122 = vector.broadcast %reduce_sum3A_603 : f32 to vector<1x256xf32>
    %mul3A_1123 = arith.mulf %mul3A_1122, %slice3A_1121 : vector<1x256xf32>
    %add3A_1124 = arith.addf %add3A_1120, %mul3A_1123 : vector<1x256xf32>
    %slice3A_1125 = vector.extract_strided_slice %get3A_7 {offsets = [46, 0], sizes = [1, 256], strides = [1, 1]} : vector<64x256xf32> to vector<1x256xf32>
    %mul3A_1126 = vector.broadcast %reduce_sum3A_616 : f32 to vector<1x256xf32>
    %mul3A_1127 = arith.mulf %mul3A_1126, %slice3A_1125 : vector<1x256xf32>
    %add3A_1128 = arith.addf %add3A_1124, %mul3A_1127 : vector<1x256xf32>
    %slice3A_1129 = vector.extract_strided_slice %get3A_7 {offsets = [47, 0], sizes = [1, 256], strides = [1, 1]} : vector<64x256xf32> to vector<1x256xf32>
    %mul3A_1130 = vector.broadcast %reduce_sum3A_629 : f32 to vector<1x256xf32>
    %mul3A_1131 = arith.mulf %mul3A_1130, %slice3A_1129 : vector<1x256xf32>
    %add3A_1132 = arith.addf %add3A_1128, %mul3A_1131 : vector<1x256xf32>
    %slice3A_1133 = vector.extract_strided_slice %get3A_7 {offsets = [48, 0], sizes = [1, 256], strides = [1, 1]} : vector<64x256xf32> to vector<1x256xf32>
    %mul3A_1134 = vector.broadcast %reduce_sum3A_642 : f32 to vector<1x256xf32>
    %mul3A_1135 = arith.mulf %mul3A_1134, %slice3A_1133 : vector<1x256xf32>
    %add3A_1136 = arith.addf %add3A_1132, %mul3A_1135 : vector<1x256xf32>
    %slice3A_1137 = vector.extract_strided_slice %get3A_7 {offsets = [49, 0], sizes = [1, 256], strides = [1, 1]} : vector<64x256xf32> to vector<1x256xf32>
    %mul3A_1138 = vector.broadcast %reduce_sum3A_655 : f32 to vector<1x256xf32>
    %mul3A_1139 = arith.mulf %mul3A_1138, %slice3A_1137 : vector<1x256xf32>
    %add3A_1140 = arith.addf %add3A_1136, %mul3A_1139 : vector<1x256xf32>
    %slice3A_1141 = vector.extract_strided_slice %get3A_7 {offsets = [50, 0], sizes = [1, 256], strides = [1, 1]} : vector<64x256xf32> to vector<1x256xf32>
    %mul3A_1142 = vector.broadcast %reduce_sum3A_668 : f32 to vector<1x256xf32>
    %mul3A_1143 = arith.mulf %mul3A_1142, %slice3A_1141 : vector<1x256xf32>
    %add3A_1144 = arith.addf %add3A_1140, %mul3A_1143 : vector<1x256xf32>
    %slice3A_1145 = vector.extract_strided_slice %get3A_7 {offsets = [51, 0], sizes = [1, 256], strides = [1, 1]} : vector<64x256xf32> to vector<1x256xf32>
    %mul3A_1146 = vector.broadcast %reduce_sum3A_681 : f32 to vector<1x256xf32>
    %mul3A_1147 = arith.mulf %mul3A_1146, %slice3A_1145 : vector<1x256xf32>
    %add3A_1148 = arith.addf %add3A_1144, %mul3A_1147 : vector<1x256xf32>
    %slice3A_1149 = vector.extract_strided_slice %get3A_7 {offsets = [52, 0], sizes = [1, 256], strides = [1, 1]} : vector<64x256xf32> to vector<1x256xf32>
    %mul3A_1150 = vector.broadcast %reduce_sum3A_694 : f32 to vector<1x256xf32>
    %mul3A_1151 = arith.mulf %mul3A_1150, %slice3A_1149 : vector<1x256xf32>
    %add3A_1152 = arith.addf %add3A_1148, %mul3A_1151 : vector<1x256xf32>
    %slice3A_1153 = vector.extract_strided_slice %get3A_7 {offsets = [53, 0], sizes = [1, 256], strides = [1, 1]} : vector<64x256xf32> to vector<1x256xf32>
    %mul3A_1154 = vector.broadcast %reduce_sum3A_707 : f32 to vector<1x256xf32>
    %mul3A_1155 = arith.mulf %mul3A_1154, %slice3A_1153 : vector<1x256xf32>
    %add3A_1156 = arith.addf %add3A_1152, %mul3A_1155 : vector<1x256xf32>
    %slice3A_1157 = vector.extract_strided_slice %get3A_7 {offsets = [54, 0], sizes = [1, 256], strides = [1, 1]} : vector<64x256xf32> to vector<1x256xf32>
    %mul3A_1158 = vector.broadcast %reduce_sum3A_720 : f32 to vector<1x256xf32>
    %mul3A_1159 = arith.mulf %mul3A_1158, %slice3A_1157 : vector<1x256xf32>
    %add3A_1160 = arith.addf %add3A_1156, %mul3A_1159 : vector<1x256xf32>
    %slice3A_1161 = vector.extract_strided_slice %get3A_7 {offsets = [55, 0], sizes = [1, 256], strides = [1, 1]} : vector<64x256xf32> to vector<1x256xf32>
    %mul3A_1162 = vector.broadcast %reduce_sum3A_733 : f32 to vector<1x256xf32>
    %mul3A_1163 = arith.mulf %mul3A_1162, %slice3A_1161 : vector<1x256xf32>
    %add3A_1164 = arith.addf %add3A_1160, %mul3A_1163 : vector<1x256xf32>
    %slice3A_1165 = vector.extract_strided_slice %get3A_7 {offsets = [56, 0], sizes = [1, 256], strides = [1, 1]} : vector<64x256xf32> to vector<1x256xf32>
    %mul3A_1166 = vector.broadcast %reduce_sum3A_746 : f32 to vector<1x256xf32>
    %mul3A_1167 = arith.mulf %mul3A_1166, %slice3A_1165 : vector<1x256xf32>
    %add3A_1168 = arith.addf %add3A_1164, %mul3A_1167 : vector<1x256xf32>
    %slice3A_1169 = vector.extract_strided_slice %get3A_7 {offsets = [57, 0], sizes = [1, 256], strides = [1, 1]} : vector<64x256xf32> to vector<1x256xf32>
    %mul3A_1170 = vector.broadcast %reduce_sum3A_759 : f32 to vector<1x256xf32>
    %mul3A_1171 = arith.mulf %mul3A_1170, %slice3A_1169 : vector<1x256xf32>
    %add3A_1172 = arith.addf %add3A_1168, %mul3A_1171 : vector<1x256xf32>
    %slice3A_1173 = vector.extract_strided_slice %get3A_7 {offsets = [58, 0], sizes = [1, 256], strides = [1, 1]} : vector<64x256xf32> to vector<1x256xf32>
    %mul3A_1174 = vector.broadcast %reduce_sum3A_772 : f32 to vector<1x256xf32>
    %mul3A_1175 = arith.mulf %mul3A_1174, %slice3A_1173 : vector<1x256xf32>
    %add3A_1176 = arith.addf %add3A_1172, %mul3A_1175 : vector<1x256xf32>
    %slice3A_1177 = vector.extract_strided_slice %get3A_7 {offsets = [59, 0], sizes = [1, 256], strides = [1, 1]} : vector<64x256xf32> to vector<1x256xf32>
    %mul3A_1178 = vector.broadcast %reduce_sum3A_785 : f32 to vector<1x256xf32>
    %mul3A_1179 = arith.mulf %mul3A_1178, %slice3A_1177 : vector<1x256xf32>
    %add3A_1180 = arith.addf %add3A_1176, %mul3A_1179 : vector<1x256xf32>
    %slice3A_1181 = vector.extract_strided_slice %get3A_7 {offsets = [60, 0], sizes = [1, 256], strides = [1, 1]} : vector<64x256xf32> to vector<1x256xf32>
    %mul3A_1182 = vector.broadcast %reduce_sum3A_798 : f32 to vector<1x256xf32>
    %mul3A_1183 = arith.mulf %mul3A_1182, %slice3A_1181 : vector<1x256xf32>
    %add3A_1184 = arith.addf %add3A_1180, %mul3A_1183 : vector<1x256xf32>
    %slice3A_1185 = vector.extract_strided_slice %get3A_7 {offsets = [61, 0], sizes = [1, 256], strides = [1, 1]} : vector<64x256xf32> to vector<1x256xf32>
    %mul3A_1186 = vector.broadcast %reduce_sum3A_811 : f32 to vector<1x256xf32>
    %mul3A_1187 = arith.mulf %mul3A_1186, %slice3A_1185 : vector<1x256xf32>
    %add3A_1188 = arith.addf %add3A_1184, %mul3A_1187 : vector<1x256xf32>
    %slice3A_1189 = vector.extract_strided_slice %get3A_7 {offsets = [62, 0], sizes = [1, 256], strides = [1, 1]} : vector<64x256xf32> to vector<1x256xf32>
    %mul3A_1190 = vector.broadcast %reduce_sum3A_824 : f32 to vector<1x256xf32>
    %mul3A_1191 = arith.mulf %mul3A_1190, %slice3A_1189 : vector<1x256xf32>
    %add3A_1192 = arith.addf %add3A_1188, %mul3A_1191 : vector<1x256xf32>
    %slice3A_1193 = vector.extract_strided_slice %get3A_7 {offsets = [63, 0], sizes = [1, 256], strides = [1, 1]} : vector<64x256xf32> to vector<1x256xf32>
    %mul3A_1194 = vector.broadcast %reduce_sum3A_837 : f32 to vector<1x256xf32>
    %mul3A_1195 = arith.mulf %mul3A_1194, %slice3A_1193 : vector<1x256xf32>
    %add3A_1196 = arith.addf %add3A_1192, %mul3A_1195 : vector<1x256xf32>
    %mul3A_1197 = arith.constant 9.99999974E-5 : f32
    %mul3A_1198 = vector.broadcast %mul3A_1197 : f32 to vector<1x256xf32>
    %mul3A_1199 = arith.mulf %add3A_1196, %mul3A_1198 : vector<1x256xf32>
    %sub3A = vector.broadcast %mul3A_1199 : vector<1x256xf32> to vector<64x256xf32>
    %sub3A_1200 = arith.subf %get3A_7, %sub3A : vector<64x256xf32>
    %mul3A_1201 = arith.mulf %sub3A_1200, %sub3A_1200 : vector<64x256xf32>
    %slice3A_1202 = vector.extract_strided_slice %mul3A_1201 {offsets = [0, 0], sizes = [1, 256], strides = [1, 1]} : vector<64x256xf32> to vector<1x256xf32>
    %mul3A_1203 = vector.broadcast %reduce_sum3A_18 : f32 to vector<1x256xf32>
    %mul3A_1204 = arith.mulf %mul3A_1203, %slice3A_1202 : vector<1x256xf32>
    %add3A_1205 = arith.constant 0.000000e+00 : f32
    %add3A_1206 = vector.broadcast %add3A_1205 : f32 to vector<1x256xf32>
    %add3A_1207 = arith.addf %add3A_1206, %mul3A_1204 : vector<1x256xf32>
    %slice3A_1208 = vector.extract_strided_slice %mul3A_1201 {offsets = [1, 0], sizes = [1, 256], strides = [1, 1]} : vector<64x256xf32> to vector<1x256xf32>
    %mul3A_1209 = vector.broadcast %reduce_sum3A_31 : f32 to vector<1x256xf32>
    %mul3A_1210 = arith.mulf %mul3A_1209, %slice3A_1208 : vector<1x256xf32>
    %add3A_1211 = arith.addf %add3A_1207, %mul3A_1210 : vector<1x256xf32>
    %slice3A_1212 = vector.extract_strided_slice %mul3A_1201 {offsets = [2, 0], sizes = [1, 256], strides = [1, 1]} : vector<64x256xf32> to vector<1x256xf32>
    %mul3A_1213 = vector.broadcast %reduce_sum3A_44 : f32 to vector<1x256xf32>
    %mul3A_1214 = arith.mulf %mul3A_1213, %slice3A_1212 : vector<1x256xf32>
    %add3A_1215 = arith.addf %add3A_1211, %mul3A_1214 : vector<1x256xf32>
    %slice3A_1216 = vector.extract_strided_slice %mul3A_1201 {offsets = [3, 0], sizes = [1, 256], strides = [1, 1]} : vector<64x256xf32> to vector<1x256xf32>
    %mul3A_1217 = vector.broadcast %reduce_sum3A_57 : f32 to vector<1x256xf32>
    %mul3A_1218 = arith.mulf %mul3A_1217, %slice3A_1216 : vector<1x256xf32>
    %add3A_1219 = arith.addf %add3A_1215, %mul3A_1218 : vector<1x256xf32>
    %slice3A_1220 = vector.extract_strided_slice %mul3A_1201 {offsets = [4, 0], sizes = [1, 256], strides = [1, 1]} : vector<64x256xf32> to vector<1x256xf32>
    %mul3A_1221 = vector.broadcast %reduce_sum3A_70 : f32 to vector<1x256xf32>
    %mul3A_1222 = arith.mulf %mul3A_1221, %slice3A_1220 : vector<1x256xf32>
    %add3A_1223 = arith.addf %add3A_1219, %mul3A_1222 : vector<1x256xf32>
    %slice3A_1224 = vector.extract_strided_slice %mul3A_1201 {offsets = [5, 0], sizes = [1, 256], strides = [1, 1]} : vector<64x256xf32> to vector<1x256xf32>
    %mul3A_1225 = vector.broadcast %reduce_sum3A_83 : f32 to vector<1x256xf32>
    %mul3A_1226 = arith.mulf %mul3A_1225, %slice3A_1224 : vector<1x256xf32>
    %add3A_1227 = arith.addf %add3A_1223, %mul3A_1226 : vector<1x256xf32>
    %slice3A_1228 = vector.extract_strided_slice %mul3A_1201 {offsets = [6, 0], sizes = [1, 256], strides = [1, 1]} : vector<64x256xf32> to vector<1x256xf32>
    %mul3A_1229 = vector.broadcast %reduce_sum3A_96 : f32 to vector<1x256xf32>
    %mul3A_1230 = arith.mulf %mul3A_1229, %slice3A_1228 : vector<1x256xf32>
    %add3A_1231 = arith.addf %add3A_1227, %mul3A_1230 : vector<1x256xf32>
    %slice3A_1232 = vector.extract_strided_slice %mul3A_1201 {offsets = [7, 0], sizes = [1, 256], strides = [1, 1]} : vector<64x256xf32> to vector<1x256xf32>
    %mul3A_1233 = vector.broadcast %reduce_sum3A_109 : f32 to vector<1x256xf32>
    %mul3A_1234 = arith.mulf %mul3A_1233, %slice3A_1232 : vector<1x256xf32>
    %add3A_1235 = arith.addf %add3A_1231, %mul3A_1234 : vector<1x256xf32>
    %slice3A_1236 = vector.extract_strided_slice %mul3A_1201 {offsets = [8, 0], sizes = [1, 256], strides = [1, 1]} : vector<64x256xf32> to vector<1x256xf32>
    %mul3A_1237 = vector.broadcast %reduce_sum3A_122 : f32 to vector<1x256xf32>
    %mul3A_1238 = arith.mulf %mul3A_1237, %slice3A_1236 : vector<1x256xf32>
    %add3A_1239 = arith.addf %add3A_1235, %mul3A_1238 : vector<1x256xf32>
    %slice3A_1240 = vector.extract_strided_slice %mul3A_1201 {offsets = [9, 0], sizes = [1, 256], strides = [1, 1]} : vector<64x256xf32> to vector<1x256xf32>
    %mul3A_1241 = vector.broadcast %reduce_sum3A_135 : f32 to vector<1x256xf32>
    %mul3A_1242 = arith.mulf %mul3A_1241, %slice3A_1240 : vector<1x256xf32>
    %add3A_1243 = arith.addf %add3A_1239, %mul3A_1242 : vector<1x256xf32>
    %slice3A_1244 = vector.extract_strided_slice %mul3A_1201 {offsets = [10, 0], sizes = [1, 256], strides = [1, 1]} : vector<64x256xf32> to vector<1x256xf32>
    %mul3A_1245 = vector.broadcast %reduce_sum3A_148 : f32 to vector<1x256xf32>
    %mul3A_1246 = arith.mulf %mul3A_1245, %slice3A_1244 : vector<1x256xf32>
    %add3A_1247 = arith.addf %add3A_1243, %mul3A_1246 : vector<1x256xf32>
    %slice3A_1248 = vector.extract_strided_slice %mul3A_1201 {offsets = [11, 0], sizes = [1, 256], strides = [1, 1]} : vector<64x256xf32> to vector<1x256xf32>
    %mul3A_1249 = vector.broadcast %reduce_sum3A_161 : f32 to vector<1x256xf32>
    %mul3A_1250 = arith.mulf %mul3A_1249, %slice3A_1248 : vector<1x256xf32>
    %add3A_1251 = arith.addf %add3A_1247, %mul3A_1250 : vector<1x256xf32>
    %slice3A_1252 = vector.extract_strided_slice %mul3A_1201 {offsets = [12, 0], sizes = [1, 256], strides = [1, 1]} : vector<64x256xf32> to vector<1x256xf32>
    %mul3A_1253 = vector.broadcast %reduce_sum3A_174 : f32 to vector<1x256xf32>
    %mul3A_1254 = arith.mulf %mul3A_1253, %slice3A_1252 : vector<1x256xf32>
    %add3A_1255 = arith.addf %add3A_1251, %mul3A_1254 : vector<1x256xf32>
    %slice3A_1256 = vector.extract_strided_slice %mul3A_1201 {offsets = [13, 0], sizes = [1, 256], strides = [1, 1]} : vector<64x256xf32> to vector<1x256xf32>
    %mul3A_1257 = vector.broadcast %reduce_sum3A_187 : f32 to vector<1x256xf32>
    %mul3A_1258 = arith.mulf %mul3A_1257, %slice3A_1256 : vector<1x256xf32>
    %add3A_1259 = arith.addf %add3A_1255, %mul3A_1258 : vector<1x256xf32>
    %slice3A_1260 = vector.extract_strided_slice %mul3A_1201 {offsets = [14, 0], sizes = [1, 256], strides = [1, 1]} : vector<64x256xf32> to vector<1x256xf32>
    %mul3A_1261 = vector.broadcast %reduce_sum3A_200 : f32 to vector<1x256xf32>
    %mul3A_1262 = arith.mulf %mul3A_1261, %slice3A_1260 : vector<1x256xf32>
    %add3A_1263 = arith.addf %add3A_1259, %mul3A_1262 : vector<1x256xf32>
    %slice3A_1264 = vector.extract_strided_slice %mul3A_1201 {offsets = [15, 0], sizes = [1, 256], strides = [1, 1]} : vector<64x256xf32> to vector<1x256xf32>
    %mul3A_1265 = vector.broadcast %reduce_sum3A_213 : f32 to vector<1x256xf32>
    %mul3A_1266 = arith.mulf %mul3A_1265, %slice3A_1264 : vector<1x256xf32>
    %add3A_1267 = arith.addf %add3A_1263, %mul3A_1266 : vector<1x256xf32>
    %slice3A_1268 = vector.extract_strided_slice %mul3A_1201 {offsets = [16, 0], sizes = [1, 256], strides = [1, 1]} : vector<64x256xf32> to vector<1x256xf32>
    %mul3A_1269 = vector.broadcast %reduce_sum3A_226 : f32 to vector<1x256xf32>
    %mul3A_1270 = arith.mulf %mul3A_1269, %slice3A_1268 : vector<1x256xf32>
    %add3A_1271 = arith.addf %add3A_1267, %mul3A_1270 : vector<1x256xf32>
    %slice3A_1272 = vector.extract_strided_slice %mul3A_1201 {offsets = [17, 0], sizes = [1, 256], strides = [1, 1]} : vector<64x256xf32> to vector<1x256xf32>
    %mul3A_1273 = vector.broadcast %reduce_sum3A_239 : f32 to vector<1x256xf32>
    %mul3A_1274 = arith.mulf %mul3A_1273, %slice3A_1272 : vector<1x256xf32>
    %add3A_1275 = arith.addf %add3A_1271, %mul3A_1274 : vector<1x256xf32>
    %slice3A_1276 = vector.extract_strided_slice %mul3A_1201 {offsets = [18, 0], sizes = [1, 256], strides = [1, 1]} : vector<64x256xf32> to vector<1x256xf32>
    %mul3A_1277 = vector.broadcast %reduce_sum3A_252 : f32 to vector<1x256xf32>
    %mul3A_1278 = arith.mulf %mul3A_1277, %slice3A_1276 : vector<1x256xf32>
    %add3A_1279 = arith.addf %add3A_1275, %mul3A_1278 : vector<1x256xf32>
    %slice3A_1280 = vector.extract_strided_slice %mul3A_1201 {offsets = [19, 0], sizes = [1, 256], strides = [1, 1]} : vector<64x256xf32> to vector<1x256xf32>
    %mul3A_1281 = vector.broadcast %reduce_sum3A_265 : f32 to vector<1x256xf32>
    %mul3A_1282 = arith.mulf %mul3A_1281, %slice3A_1280 : vector<1x256xf32>
    %add3A_1283 = arith.addf %add3A_1279, %mul3A_1282 : vector<1x256xf32>
    %slice3A_1284 = vector.extract_strided_slice %mul3A_1201 {offsets = [20, 0], sizes = [1, 256], strides = [1, 1]} : vector<64x256xf32> to vector<1x256xf32>
    %mul3A_1285 = vector.broadcast %reduce_sum3A_278 : f32 to vector<1x256xf32>
    %mul3A_1286 = arith.mulf %mul3A_1285, %slice3A_1284 : vector<1x256xf32>
    %add3A_1287 = arith.addf %add3A_1283, %mul3A_1286 : vector<1x256xf32>
    %slice3A_1288 = vector.extract_strided_slice %mul3A_1201 {offsets = [21, 0], sizes = [1, 256], strides = [1, 1]} : vector<64x256xf32> to vector<1x256xf32>
    %mul3A_1289 = vector.broadcast %reduce_sum3A_291 : f32 to vector<1x256xf32>
    %mul3A_1290 = arith.mulf %mul3A_1289, %slice3A_1288 : vector<1x256xf32>
    %add3A_1291 = arith.addf %add3A_1287, %mul3A_1290 : vector<1x256xf32>
    %slice3A_1292 = vector.extract_strided_slice %mul3A_1201 {offsets = [22, 0], sizes = [1, 256], strides = [1, 1]} : vector<64x256xf32> to vector<1x256xf32>
    %mul3A_1293 = vector.broadcast %reduce_sum3A_304 : f32 to vector<1x256xf32>
    %mul3A_1294 = arith.mulf %mul3A_1293, %slice3A_1292 : vector<1x256xf32>
    %add3A_1295 = arith.addf %add3A_1291, %mul3A_1294 : vector<1x256xf32>
    %slice3A_1296 = vector.extract_strided_slice %mul3A_1201 {offsets = [23, 0], sizes = [1, 256], strides = [1, 1]} : vector<64x256xf32> to vector<1x256xf32>
    %mul3A_1297 = vector.broadcast %reduce_sum3A_317 : f32 to vector<1x256xf32>
    %mul3A_1298 = arith.mulf %mul3A_1297, %slice3A_1296 : vector<1x256xf32>
    %add3A_1299 = arith.addf %add3A_1295, %mul3A_1298 : vector<1x256xf32>
    %slice3A_1300 = vector.extract_strided_slice %mul3A_1201 {offsets = [24, 0], sizes = [1, 256], strides = [1, 1]} : vector<64x256xf32> to vector<1x256xf32>
    %mul3A_1301 = vector.broadcast %reduce_sum3A_330 : f32 to vector<1x256xf32>
    %mul3A_1302 = arith.mulf %mul3A_1301, %slice3A_1300 : vector<1x256xf32>
    %add3A_1303 = arith.addf %add3A_1299, %mul3A_1302 : vector<1x256xf32>
    %slice3A_1304 = vector.extract_strided_slice %mul3A_1201 {offsets = [25, 0], sizes = [1, 256], strides = [1, 1]} : vector<64x256xf32> to vector<1x256xf32>
    %mul3A_1305 = vector.broadcast %reduce_sum3A_343 : f32 to vector<1x256xf32>
    %mul3A_1306 = arith.mulf %mul3A_1305, %slice3A_1304 : vector<1x256xf32>
    %add3A_1307 = arith.addf %add3A_1303, %mul3A_1306 : vector<1x256xf32>
    %slice3A_1308 = vector.extract_strided_slice %mul3A_1201 {offsets = [26, 0], sizes = [1, 256], strides = [1, 1]} : vector<64x256xf32> to vector<1x256xf32>
    %mul3A_1309 = vector.broadcast %reduce_sum3A_356 : f32 to vector<1x256xf32>
    %mul3A_1310 = arith.mulf %mul3A_1309, %slice3A_1308 : vector<1x256xf32>
    %add3A_1311 = arith.addf %add3A_1307, %mul3A_1310 : vector<1x256xf32>
    %slice3A_1312 = vector.extract_strided_slice %mul3A_1201 {offsets = [27, 0], sizes = [1, 256], strides = [1, 1]} : vector<64x256xf32> to vector<1x256xf32>
    %mul3A_1313 = vector.broadcast %reduce_sum3A_369 : f32 to vector<1x256xf32>
    %mul3A_1314 = arith.mulf %mul3A_1313, %slice3A_1312 : vector<1x256xf32>
    %add3A_1315 = arith.addf %add3A_1311, %mul3A_1314 : vector<1x256xf32>
    %slice3A_1316 = vector.extract_strided_slice %mul3A_1201 {offsets = [28, 0], sizes = [1, 256], strides = [1, 1]} : vector<64x256xf32> to vector<1x256xf32>
    %mul3A_1317 = vector.broadcast %reduce_sum3A_382 : f32 to vector<1x256xf32>
    %mul3A_1318 = arith.mulf %mul3A_1317, %slice3A_1316 : vector<1x256xf32>
    %add3A_1319 = arith.addf %add3A_1315, %mul3A_1318 : vector<1x256xf32>
    %slice3A_1320 = vector.extract_strided_slice %mul3A_1201 {offsets = [29, 0], sizes = [1, 256], strides = [1, 1]} : vector<64x256xf32> to vector<1x256xf32>
    %mul3A_1321 = vector.broadcast %reduce_sum3A_395 : f32 to vector<1x256xf32>
    %mul3A_1322 = arith.mulf %mul3A_1321, %slice3A_1320 : vector<1x256xf32>
    %add3A_1323 = arith.addf %add3A_1319, %mul3A_1322 : vector<1x256xf32>
    %slice3A_1324 = vector.extract_strided_slice %mul3A_1201 {offsets = [30, 0], sizes = [1, 256], strides = [1, 1]} : vector<64x256xf32> to vector<1x256xf32>
    %mul3A_1325 = vector.broadcast %reduce_sum3A_408 : f32 to vector<1x256xf32>
    %mul3A_1326 = arith.mulf %mul3A_1325, %slice3A_1324 : vector<1x256xf32>
    %add3A_1327 = arith.addf %add3A_1323, %mul3A_1326 : vector<1x256xf32>
    %slice3A_1328 = vector.extract_strided_slice %mul3A_1201 {offsets = [31, 0], sizes = [1, 256], strides = [1, 1]} : vector<64x256xf32> to vector<1x256xf32>
    %mul3A_1329 = vector.broadcast %reduce_sum3A_421 : f32 to vector<1x256xf32>
    %mul3A_1330 = arith.mulf %mul3A_1329, %slice3A_1328 : vector<1x256xf32>
    %add3A_1331 = arith.addf %add3A_1327, %mul3A_1330 : vector<1x256xf32>
    %slice3A_1332 = vector.extract_strided_slice %mul3A_1201 {offsets = [32, 0], sizes = [1, 256], strides = [1, 1]} : vector<64x256xf32> to vector<1x256xf32>
    %mul3A_1333 = vector.broadcast %reduce_sum3A_434 : f32 to vector<1x256xf32>
    %mul3A_1334 = arith.mulf %mul3A_1333, %slice3A_1332 : vector<1x256xf32>
    %add3A_1335 = arith.addf %add3A_1331, %mul3A_1334 : vector<1x256xf32>
    %slice3A_1336 = vector.extract_strided_slice %mul3A_1201 {offsets = [33, 0], sizes = [1, 256], strides = [1, 1]} : vector<64x256xf32> to vector<1x256xf32>
    %mul3A_1337 = vector.broadcast %reduce_sum3A_447 : f32 to vector<1x256xf32>
    %mul3A_1338 = arith.mulf %mul3A_1337, %slice3A_1336 : vector<1x256xf32>
    %add3A_1339 = arith.addf %add3A_1335, %mul3A_1338 : vector<1x256xf32>
    %slice3A_1340 = vector.extract_strided_slice %mul3A_1201 {offsets = [34, 0], sizes = [1, 256], strides = [1, 1]} : vector<64x256xf32> to vector<1x256xf32>
    %mul3A_1341 = vector.broadcast %reduce_sum3A_460 : f32 to vector<1x256xf32>
    %mul3A_1342 = arith.mulf %mul3A_1341, %slice3A_1340 : vector<1x256xf32>
    %add3A_1343 = arith.addf %add3A_1339, %mul3A_1342 : vector<1x256xf32>
    %slice3A_1344 = vector.extract_strided_slice %mul3A_1201 {offsets = [35, 0], sizes = [1, 256], strides = [1, 1]} : vector<64x256xf32> to vector<1x256xf32>
    %mul3A_1345 = vector.broadcast %reduce_sum3A_473 : f32 to vector<1x256xf32>
    %mul3A_1346 = arith.mulf %mul3A_1345, %slice3A_1344 : vector<1x256xf32>
    %add3A_1347 = arith.addf %add3A_1343, %mul3A_1346 : vector<1x256xf32>
    %slice3A_1348 = vector.extract_strided_slice %mul3A_1201 {offsets = [36, 0], sizes = [1, 256], strides = [1, 1]} : vector<64x256xf32> to vector<1x256xf32>
    %mul3A_1349 = vector.broadcast %reduce_sum3A_486 : f32 to vector<1x256xf32>
    %mul3A_1350 = arith.mulf %mul3A_1349, %slice3A_1348 : vector<1x256xf32>
    %add3A_1351 = arith.addf %add3A_1347, %mul3A_1350 : vector<1x256xf32>
    %slice3A_1352 = vector.extract_strided_slice %mul3A_1201 {offsets = [37, 0], sizes = [1, 256], strides = [1, 1]} : vector<64x256xf32> to vector<1x256xf32>
    %mul3A_1353 = vector.broadcast %reduce_sum3A_499 : f32 to vector<1x256xf32>
    %mul3A_1354 = arith.mulf %mul3A_1353, %slice3A_1352 : vector<1x256xf32>
    %add3A_1355 = arith.addf %add3A_1351, %mul3A_1354 : vector<1x256xf32>
    %slice3A_1356 = vector.extract_strided_slice %mul3A_1201 {offsets = [38, 0], sizes = [1, 256], strides = [1, 1]} : vector<64x256xf32> to vector<1x256xf32>
    %mul3A_1357 = vector.broadcast %reduce_sum3A_512 : f32 to vector<1x256xf32>
    %mul3A_1358 = arith.mulf %mul3A_1357, %slice3A_1356 : vector<1x256xf32>
    %add3A_1359 = arith.addf %add3A_1355, %mul3A_1358 : vector<1x256xf32>
    %slice3A_1360 = vector.extract_strided_slice %mul3A_1201 {offsets = [39, 0], sizes = [1, 256], strides = [1, 1]} : vector<64x256xf32> to vector<1x256xf32>
    %mul3A_1361 = vector.broadcast %reduce_sum3A_525 : f32 to vector<1x256xf32>
    %mul3A_1362 = arith.mulf %mul3A_1361, %slice3A_1360 : vector<1x256xf32>
    %add3A_1363 = arith.addf %add3A_1359, %mul3A_1362 : vector<1x256xf32>
    %slice3A_1364 = vector.extract_strided_slice %mul3A_1201 {offsets = [40, 0], sizes = [1, 256], strides = [1, 1]} : vector<64x256xf32> to vector<1x256xf32>
    %mul3A_1365 = vector.broadcast %reduce_sum3A_538 : f32 to vector<1x256xf32>
    %mul3A_1366 = arith.mulf %mul3A_1365, %slice3A_1364 : vector<1x256xf32>
    %add3A_1367 = arith.addf %add3A_1363, %mul3A_1366 : vector<1x256xf32>
    %slice3A_1368 = vector.extract_strided_slice %mul3A_1201 {offsets = [41, 0], sizes = [1, 256], strides = [1, 1]} : vector<64x256xf32> to vector<1x256xf32>
    %mul3A_1369 = vector.broadcast %reduce_sum3A_551 : f32 to vector<1x256xf32>
    %mul3A_1370 = arith.mulf %mul3A_1369, %slice3A_1368 : vector<1x256xf32>
    %add3A_1371 = arith.addf %add3A_1367, %mul3A_1370 : vector<1x256xf32>
    %slice3A_1372 = vector.extract_strided_slice %mul3A_1201 {offsets = [42, 0], sizes = [1, 256], strides = [1, 1]} : vector<64x256xf32> to vector<1x256xf32>
    %mul3A_1373 = vector.broadcast %reduce_sum3A_564 : f32 to vector<1x256xf32>
    %mul3A_1374 = arith.mulf %mul3A_1373, %slice3A_1372 : vector<1x256xf32>
    %add3A_1375 = arith.addf %add3A_1371, %mul3A_1374 : vector<1x256xf32>
    %slice3A_1376 = vector.extract_strided_slice %mul3A_1201 {offsets = [43, 0], sizes = [1, 256], strides = [1, 1]} : vector<64x256xf32> to vector<1x256xf32>
    %mul3A_1377 = vector.broadcast %reduce_sum3A_577 : f32 to vector<1x256xf32>
    %mul3A_1378 = arith.mulf %mul3A_1377, %slice3A_1376 : vector<1x256xf32>
    %add3A_1379 = arith.addf %add3A_1375, %mul3A_1378 : vector<1x256xf32>
    %slice3A_1380 = vector.extract_strided_slice %mul3A_1201 {offsets = [44, 0], sizes = [1, 256], strides = [1, 1]} : vector<64x256xf32> to vector<1x256xf32>
    %mul3A_1381 = vector.broadcast %reduce_sum3A_590 : f32 to vector<1x256xf32>
    %mul3A_1382 = arith.mulf %mul3A_1381, %slice3A_1380 : vector<1x256xf32>
    %add3A_1383 = arith.addf %add3A_1379, %mul3A_1382 : vector<1x256xf32>
    %slice3A_1384 = vector.extract_strided_slice %mul3A_1201 {offsets = [45, 0], sizes = [1, 256], strides = [1, 1]} : vector<64x256xf32> to vector<1x256xf32>
    %mul3A_1385 = vector.broadcast %reduce_sum3A_603 : f32 to vector<1x256xf32>
    %mul3A_1386 = arith.mulf %mul3A_1385, %slice3A_1384 : vector<1x256xf32>
    %add3A_1387 = arith.addf %add3A_1383, %mul3A_1386 : vector<1x256xf32>
    %slice3A_1388 = vector.extract_strided_slice %mul3A_1201 {offsets = [46, 0], sizes = [1, 256], strides = [1, 1]} : vector<64x256xf32> to vector<1x256xf32>
    %mul3A_1389 = vector.broadcast %reduce_sum3A_616 : f32 to vector<1x256xf32>
    %mul3A_1390 = arith.mulf %mul3A_1389, %slice3A_1388 : vector<1x256xf32>
    %add3A_1391 = arith.addf %add3A_1387, %mul3A_1390 : vector<1x256xf32>
    %slice3A_1392 = vector.extract_strided_slice %mul3A_1201 {offsets = [47, 0], sizes = [1, 256], strides = [1, 1]} : vector<64x256xf32> to vector<1x256xf32>
    %mul3A_1393 = vector.broadcast %reduce_sum3A_629 : f32 to vector<1x256xf32>
    %mul3A_1394 = arith.mulf %mul3A_1393, %slice3A_1392 : vector<1x256xf32>
    %add3A_1395 = arith.addf %add3A_1391, %mul3A_1394 : vector<1x256xf32>
    %slice3A_1396 = vector.extract_strided_slice %mul3A_1201 {offsets = [48, 0], sizes = [1, 256], strides = [1, 1]} : vector<64x256xf32> to vector<1x256xf32>
    %mul3A_1397 = vector.broadcast %reduce_sum3A_642 : f32 to vector<1x256xf32>
    %mul3A_1398 = arith.mulf %mul3A_1397, %slice3A_1396 : vector<1x256xf32>
    %add3A_1399 = arith.addf %add3A_1395, %mul3A_1398 : vector<1x256xf32>
    %slice3A_1400 = vector.extract_strided_slice %mul3A_1201 {offsets = [49, 0], sizes = [1, 256], strides = [1, 1]} : vector<64x256xf32> to vector<1x256xf32>
    %mul3A_1401 = vector.broadcast %reduce_sum3A_655 : f32 to vector<1x256xf32>
    %mul3A_1402 = arith.mulf %mul3A_1401, %slice3A_1400 : vector<1x256xf32>
    %add3A_1403 = arith.addf %add3A_1399, %mul3A_1402 : vector<1x256xf32>
    %slice3A_1404 = vector.extract_strided_slice %mul3A_1201 {offsets = [50, 0], sizes = [1, 256], strides = [1, 1]} : vector<64x256xf32> to vector<1x256xf32>
    %mul3A_1405 = vector.broadcast %reduce_sum3A_668 : f32 to vector<1x256xf32>
    %mul3A_1406 = arith.mulf %mul3A_1405, %slice3A_1404 : vector<1x256xf32>
    %add3A_1407 = arith.addf %add3A_1403, %mul3A_1406 : vector<1x256xf32>
    %slice3A_1408 = vector.extract_strided_slice %mul3A_1201 {offsets = [51, 0], sizes = [1, 256], strides = [1, 1]} : vector<64x256xf32> to vector<1x256xf32>
    %mul3A_1409 = vector.broadcast %reduce_sum3A_681 : f32 to vector<1x256xf32>
    %mul3A_1410 = arith.mulf %mul3A_1409, %slice3A_1408 : vector<1x256xf32>
    %add3A_1411 = arith.addf %add3A_1407, %mul3A_1410 : vector<1x256xf32>
    %slice3A_1412 = vector.extract_strided_slice %mul3A_1201 {offsets = [52, 0], sizes = [1, 256], strides = [1, 1]} : vector<64x256xf32> to vector<1x256xf32>
    %mul3A_1413 = vector.broadcast %reduce_sum3A_694 : f32 to vector<1x256xf32>
    %mul3A_1414 = arith.mulf %mul3A_1413, %slice3A_1412 : vector<1x256xf32>
    %add3A_1415 = arith.addf %add3A_1411, %mul3A_1414 : vector<1x256xf32>
    %slice3A_1416 = vector.extract_strided_slice %mul3A_1201 {offsets = [53, 0], sizes = [1, 256], strides = [1, 1]} : vector<64x256xf32> to vector<1x256xf32>
    %mul3A_1417 = vector.broadcast %reduce_sum3A_707 : f32 to vector<1x256xf32>
    %mul3A_1418 = arith.mulf %mul3A_1417, %slice3A_1416 : vector<1x256xf32>
    %add3A_1419 = arith.addf %add3A_1415, %mul3A_1418 : vector<1x256xf32>
    %slice3A_1420 = vector.extract_strided_slice %mul3A_1201 {offsets = [54, 0], sizes = [1, 256], strides = [1, 1]} : vector<64x256xf32> to vector<1x256xf32>
    %mul3A_1421 = vector.broadcast %reduce_sum3A_720 : f32 to vector<1x256xf32>
    %mul3A_1422 = arith.mulf %mul3A_1421, %slice3A_1420 : vector<1x256xf32>
    %add3A_1423 = arith.addf %add3A_1419, %mul3A_1422 : vector<1x256xf32>
    %slice3A_1424 = vector.extract_strided_slice %mul3A_1201 {offsets = [55, 0], sizes = [1, 256], strides = [1, 1]} : vector<64x256xf32> to vector<1x256xf32>
    %mul3A_1425 = vector.broadcast %reduce_sum3A_733 : f32 to vector<1x256xf32>
    %mul3A_1426 = arith.mulf %mul3A_1425, %slice3A_1424 : vector<1x256xf32>
    %add3A_1427 = arith.addf %add3A_1423, %mul3A_1426 : vector<1x256xf32>
    %slice3A_1428 = vector.extract_strided_slice %mul3A_1201 {offsets = [56, 0], sizes = [1, 256], strides = [1, 1]} : vector<64x256xf32> to vector<1x256xf32>
    %mul3A_1429 = vector.broadcast %reduce_sum3A_746 : f32 to vector<1x256xf32>
    %mul3A_1430 = arith.mulf %mul3A_1429, %slice3A_1428 : vector<1x256xf32>
    %add3A_1431 = arith.addf %add3A_1427, %mul3A_1430 : vector<1x256xf32>
    %slice3A_1432 = vector.extract_strided_slice %mul3A_1201 {offsets = [57, 0], sizes = [1, 256], strides = [1, 1]} : vector<64x256xf32> to vector<1x256xf32>
    %mul3A_1433 = vector.broadcast %reduce_sum3A_759 : f32 to vector<1x256xf32>
    %mul3A_1434 = arith.mulf %mul3A_1433, %slice3A_1432 : vector<1x256xf32>
    %add3A_1435 = arith.addf %add3A_1431, %mul3A_1434 : vector<1x256xf32>
    %slice3A_1436 = vector.extract_strided_slice %mul3A_1201 {offsets = [58, 0], sizes = [1, 256], strides = [1, 1]} : vector<64x256xf32> to vector<1x256xf32>
    %mul3A_1437 = vector.broadcast %reduce_sum3A_772 : f32 to vector<1x256xf32>
    %mul3A_1438 = arith.mulf %mul3A_1437, %slice3A_1436 : vector<1x256xf32>
    %add3A_1439 = arith.addf %add3A_1435, %mul3A_1438 : vector<1x256xf32>
    %slice3A_1440 = vector.extract_strided_slice %mul3A_1201 {offsets = [59, 0], sizes = [1, 256], strides = [1, 1]} : vector<64x256xf32> to vector<1x256xf32>
    %mul3A_1441 = vector.broadcast %reduce_sum3A_785 : f32 to vector<1x256xf32>
    %mul3A_1442 = arith.mulf %mul3A_1441, %slice3A_1440 : vector<1x256xf32>
    %add3A_1443 = arith.addf %add3A_1439, %mul3A_1442 : vector<1x256xf32>
    %slice3A_1444 = vector.extract_strided_slice %mul3A_1201 {offsets = [60, 0], sizes = [1, 256], strides = [1, 1]} : vector<64x256xf32> to vector<1x256xf32>
    %mul3A_1445 = vector.broadcast %reduce_sum3A_798 : f32 to vector<1x256xf32>
    %mul3A_1446 = arith.mulf %mul3A_1445, %slice3A_1444 : vector<1x256xf32>
    %add3A_1447 = arith.addf %add3A_1443, %mul3A_1446 : vector<1x256xf32>
    %slice3A_1448 = vector.extract_strided_slice %mul3A_1201 {offsets = [61, 0], sizes = [1, 256], strides = [1, 1]} : vector<64x256xf32> to vector<1x256xf32>
    %mul3A_1449 = vector.broadcast %reduce_sum3A_811 : f32 to vector<1x256xf32>
    %mul3A_1450 = arith.mulf %mul3A_1449, %slice3A_1448 : vector<1x256xf32>
    %add3A_1451 = arith.addf %add3A_1447, %mul3A_1450 : vector<1x256xf32>
    %slice3A_1452 = vector.extract_strided_slice %mul3A_1201 {offsets = [62, 0], sizes = [1, 256], strides = [1, 1]} : vector<64x256xf32> to vector<1x256xf32>
    %mul3A_1453 = vector.broadcast %reduce_sum3A_824 : f32 to vector<1x256xf32>
    %mul3A_1454 = arith.mulf %mul3A_1453, %slice3A_1452 : vector<1x256xf32>
    %add3A_1455 = arith.addf %add3A_1451, %mul3A_1454 : vector<1x256xf32>
    %slice3A_1456 = vector.extract_strided_slice %mul3A_1201 {offsets = [63, 0], sizes = [1, 256], strides = [1, 1]} : vector<64x256xf32> to vector<1x256xf32>
    %mul3A_1457 = vector.broadcast %reduce_sum3A_837 : f32 to vector<1x256xf32>
    %mul3A_1458 = arith.mulf %mul3A_1457, %slice3A_1456 : vector<1x256xf32>
    %add3A_1459 = arith.addf %add3A_1455, %mul3A_1458 : vector<1x256xf32>
    %mul3A_1460 = arith.constant 9.99999974E-5 : f32
    %mul3A_1461 = vector.broadcast %mul3A_1460 : f32 to vector<1x256xf32>
    %mul3A_1462 = arith.mulf %add3A_1459, %mul3A_1461 : vector<1x256xf32>
    %get3A_1463 = arith.constant 0 : index
    %get3A_1464 = arith.constant 0 : index
    %get3A_1465 = vector.load %arg4[%get3A_1463, %get3A_1464] : memref<1x256xf32, #tpu.memory_space<vmem>>, vector<1x256xf32>
    %add3A_1466 = arith.constant 9.99999974E-6 : f32
    %add3A_1467 = vector.broadcast %add3A_1466 : f32 to vector<1x256xf32>
    %add3A_1468 = arith.addf %mul3A_1462, %add3A_1467 : vector<1x256xf32>
    %rsqrt3A = math.rsqrt %add3A_1468 : vector<1x256xf32>
    %mul3A_1469 = arith.mulf %get3A_1465, %rsqrt3A : vector<1x256xf32>
    %mul3A_1470 = vector.broadcast %mul3A_1469 : vector<1x256xf32> to vector<64x256xf32>
    %mul3A_1471 = arith.mulf %sub3A_1200, %mul3A_1470 : vector<64x256xf32>
    %get3A_1472 = arith.constant 0 : index
    %get3A_1473 = arith.constant 0 : index
    %get3A_1474 = vector.load %arg5[%get3A_1472, %get3A_1473] : memref<1x256xf32, #tpu.memory_space<vmem>>, vector<1x256xf32>
    %add3A_1475 = vector.broadcast %get3A_1474 : vector<1x256xf32> to vector<64x256xf32>
    %add3A_1476 = arith.addf %mul3A_1471, %add3A_1475 : vector<64x256xf32>
    %swap3A = arith.constant 0 : index
    %swap3A_1477 = arith.constant 0 : index
    %swap3A_1478 = vector.load %arg8[%swap3A, %swap3A_1477] : memref<64x256xf32, #tpu.memory_space<vmem>>, vector<64x256xf32>
    tpu.vector_store %arg8[%swap3A, %swap3A_1477], %add3A_1476 {strides = array<i32>} : memref<64x256xf32, #tpu.memory_space<vmem>>, vector<64x256xf32>,
    %slice3A_1479 = vector.extract_strided_slice %get3A_10 {offsets = [0, 0], sizes = [1, 256], strides = [1, 1]} : vector<8x256xf32> to vector<1x256xf32>
    %mul3A_1480 = vector.broadcast %reduce_sum3A_850 : f32 to vector<1x256xf32>
    %mul3A_1481 = arith.mulf %mul3A_1480, %slice3A_1479 : vector<1x256xf32>
    %add3A_1482 = arith.constant 0.000000e+00 : f32
    %add3A_1483 = vector.broadcast %add3A_1482 : f32 to vector<1x256xf32>
    %add3A_1484 = arith.addf %add3A_1483, %mul3A_1481 : vector<1x256xf32>
    %slice3A_1485 = vector.extract_strided_slice %get3A_10 {offsets = [1, 0], sizes = [1, 256], strides = [1, 1]} : vector<8x256xf32> to vector<1x256xf32>
    %mul3A_1486 = vector.broadcast %reduce_sum3A_863 : f32 to vector<1x256xf32>
    %mul3A_1487 = arith.mulf %mul3A_1486, %slice3A_1485 : vector<1x256xf32>
    %add3A_1488 = arith.addf %add3A_1484, %mul3A_1487 : vector<1x256xf32>
    %slice3A_1489 = vector.extract_strided_slice %get3A_10 {offsets = [2, 0], sizes = [1, 256], strides = [1, 1]} : vector<8x256xf32> to vector<1x256xf32>
    %mul3A_1490 = vector.broadcast %reduce_sum3A_876 : f32 to vector<1x256xf32>
    %mul3A_1491 = arith.mulf %mul3A_1490, %slice3A_1489 : vector<1x256xf32>
    %add3A_1492 = arith.addf %add3A_1488, %mul3A_1491 : vector<1x256xf32>
    %slice3A_1493 = vector.extract_strided_slice %get3A_10 {offsets = [3, 0], sizes = [1, 256], strides = [1, 1]} : vector<8x256xf32> to vector<1x256xf32>
    %mul3A_1494 = vector.broadcast %reduce_sum3A_889 : f32 to vector<1x256xf32>
    %mul3A_1495 = arith.mulf %mul3A_1494, %slice3A_1493 : vector<1x256xf32>
    %add3A_1496 = arith.addf %add3A_1492, %mul3A_1495 : vector<1x256xf32>
    %slice3A_1497 = vector.extract_strided_slice %get3A_10 {offsets = [4, 0], sizes = [1, 256], strides = [1, 1]} : vector<8x256xf32> to vector<1x256xf32>
    %mul3A_1498 = vector.broadcast %reduce_sum3A_902 : f32 to vector<1x256xf32>
    %mul3A_1499 = arith.mulf %mul3A_1498, %slice3A_1497 : vector<1x256xf32>
    %add3A_1500 = arith.addf %add3A_1496, %mul3A_1499 : vector<1x256xf32>
    %slice3A_1501 = vector.extract_strided_slice %get3A_10 {offsets = [5, 0], sizes = [1, 256], strides = [1, 1]} : vector<8x256xf32> to vector<1x256xf32>
    %mul3A_1502 = vector.broadcast %reduce_sum3A_915 : f32 to vector<1x256xf32>
    %mul3A_1503 = arith.mulf %mul3A_1502, %slice3A_1501 : vector<1x256xf32>
    %add3A_1504 = arith.addf %add3A_1500, %mul3A_1503 : vector<1x256xf32>
    %slice3A_1505 = vector.extract_strided_slice %get3A_10 {offsets = [6, 0], sizes = [1, 256], strides = [1, 1]} : vector<8x256xf32> to vector<1x256xf32>
    %mul3A_1506 = vector.broadcast %reduce_sum3A_928 : f32 to vector<1x256xf32>
    %mul3A_1507 = arith.mulf %mul3A_1506, %slice3A_1505 : vector<1x256xf32>
    %add3A_1508 = arith.addf %add3A_1504, %mul3A_1507 : vector<1x256xf32>
    %slice3A_1509 = vector.extract_strided_slice %get3A_10 {offsets = [7, 0], sizes = [1, 256], strides = [1, 1]} : vector<8x256xf32> to vector<1x256xf32>
    %mul3A_1510 = vector.broadcast %reduce_sum3A_941 : f32 to vector<1x256xf32>
    %mul3A_1511 = arith.mulf %mul3A_1510, %slice3A_1509 : vector<1x256xf32>
    %add3A_1512 = arith.addf %add3A_1508, %mul3A_1511 : vector<1x256xf32>
    %mul3A_1513 = arith.constant 6.250000e-06 : f32
    %mul3A_1514 = vector.broadcast %mul3A_1513 : f32 to vector<1x256xf32>
    %mul3A_1515 = arith.mulf %add3A_1512, %mul3A_1514 : vector<1x256xf32>
    %sub3A_1516 = vector.broadcast %mul3A_1515 : vector<1x256xf32> to vector<8x256xf32>
    %sub3A_1517 = arith.subf %get3A_10, %sub3A_1516 : vector<8x256xf32>
    %mul3A_1518 = arith.mulf %sub3A_1517, %sub3A_1517 : vector<8x256xf32>
    %slice3A_1519 = vector.extract_strided_slice %mul3A_1518 {offsets = [0, 0], sizes = [1, 256], strides = [1, 1]} : vector<8x256xf32> to vector<1x256xf32>
    %mul3A_1520 = vector.broadcast %reduce_sum3A_850 : f32 to vector<1x256xf32>
    %mul3A_1521 = arith.mulf %mul3A_1520, %slice3A_1519 : vector<1x256xf32>
    %add3A_1522 = arith.constant 0.000000e+00 : f32
    %add3A_1523 = vector.broadcast %add3A_1522 : f32 to vector<1x256xf32>
    %add3A_1524 = arith.addf %add3A_1523, %mul3A_1521 : vector<1x256xf32>
    %slice3A_1525 = vector.extract_strided_slice %mul3A_1518 {offsets = [1, 0], sizes = [1, 256], strides = [1, 1]} : vector<8x256xf32> to vector<1x256xf32>
    %mul3A_1526 = vector.broadcast %reduce_sum3A_863 : f32 to vector<1x256xf32>
    %mul3A_1527 = arith.mulf %mul3A_1526, %slice3A_1525 : vector<1x256xf32>
    %add3A_1528 = arith.addf %add3A_1524, %mul3A_1527 : vector<1x256xf32>
    %slice3A_1529 = vector.extract_strided_slice %mul3A_1518 {offsets = [2, 0], sizes = [1, 256], strides = [1, 1]} : vector<8x256xf32> to vector<1x256xf32>
    %mul3A_1530 = vector.broadcast %reduce_sum3A_876 : f32 to vector<1x256xf32>
    %mul3A_1531 = arith.mulf %mul3A_1530, %slice3A_1529 : vector<1x256xf32>
    %add3A_1532 = arith.addf %add3A_1528, %mul3A_1531 : vector<1x256xf32>
    %slice3A_1533 = vector.extract_strided_slice %mul3A_1518 {offsets = [3, 0], sizes = [1, 256], strides = [1, 1]} : vector<8x256xf32> to vector<1x256xf32>
    %mul3A_1534 = vector.broadcast %reduce_sum3A_889 : f32 to vector<1x256xf32>
    %mul3A_1535 = arith.mulf %mul3A_1534, %slice3A_1533 : vector<1x256xf32>
    %add3A_1536 = arith.addf %add3A_1532, %mul3A_1535 : vector<1x256xf32>
    %slice3A_1537 = vector.extract_strided_slice %mul3A_1518 {offsets = [4, 0], sizes = [1, 256], strides = [1, 1]} : vector<8x256xf32> to vector<1x256xf32>
    %mul3A_1538 = vector.broadcast %reduce_sum3A_902 : f32 to vector<1x256xf32>
    %mul3A_1539 = arith.mulf %mul3A_1538, %slice3A_1537 : vector<1x256xf32>
    %add3A_1540 = arith.addf %add3A_1536, %mul3A_1539 : vector<1x256xf32>
    %slice3A_1541 = vector.extract_strided_slice %mul3A_1518 {offsets = [5, 0], sizes = [1, 256], strides = [1, 1]} : vector<8x256xf32> to vector<1x256xf32>
    %mul3A_1542 = vector.broadcast %reduce_sum3A_915 : f32 to vector<1x256xf32>
    %mul3A_1543 = arith.mulf %mul3A_1542, %slice3A_1541 : vector<1x256xf32>
    %add3A_1544 = arith.addf %add3A_1540, %mul3A_1543 : vector<1x256xf32>
    %slice3A_1545 = vector.extract_strided_slice %mul3A_1518 {offsets = [6, 0], sizes = [1, 256], strides = [1, 1]} : vector<8x256xf32> to vector<1x256xf32>
    %mul3A_1546 = vector.broadcast %reduce_sum3A_928 : f32 to vector<1x256xf32>
    %mul3A_1547 = arith.mulf %mul3A_1546, %slice3A_1545 : vector<1x256xf32>
    %add3A_1548 = arith.addf %add3A_1544, %mul3A_1547 : vector<1x256xf32>
    %slice3A_1549 = vector.extract_strided_slice %mul3A_1518 {offsets = [7, 0], sizes = [1, 256], strides = [1, 1]} : vector<8x256xf32> to vector<1x256xf32>
    %mul3A_1550 = vector.broadcast %reduce_sum3A_941 : f32 to vector<1x256xf32>
    %mul3A_1551 = arith.mulf %mul3A_1550, %slice3A_1549 : vector<1x256xf32>
    %add3A_1552 = arith.addf %add3A_1548, %mul3A_1551 : vector<1x256xf32>
    %mul3A_1553 = arith.constant 6.250000e-06 : f32
    %mul3A_1554 = vector.broadcast %mul3A_1553 : f32 to vector<1x256xf32>
    %mul3A_1555 = arith.mulf %add3A_1552, %mul3A_1554 : vector<1x256xf32>
    %get3A_1556 = arith.constant 0 : index
    %get3A_1557 = arith.constant 0 : index
    %get3A_1558 = vector.load %arg6[%get3A_1556, %get3A_1557] : memref<1x256xf32, #tpu.memory_space<vmem>>, vector<1x256xf32>
    %add3A_1559 = arith.constant 9.99999974E-6 : f32
    %add3A_1560 = vector.broadcast %add3A_1559 : f32 to vector<1x256xf32>
    %add3A_1561 = arith.addf %mul3A_1555, %add3A_1560 : vector<1x256xf32>
    %rsqrt3A_1562 = math.rsqrt %add3A_1561 : vector<1x256xf32>
    %mul3A_1563 = arith.mulf %get3A_1558, %rsqrt3A_1562 : vector<1x256xf32>
    %mul3A_1564 = vector.broadcast %mul3A_1563 : vector<1x256xf32> to vector<8x256xf32>
    %mul3A_1565 = arith.mulf %sub3A_1517, %mul3A_1564 : vector<8x256xf32>
    %get3A_1566 = arith.constant 0 : index
    %get3A_1567 = arith.constant 0 : index
    %get3A_1568 = vector.load %arg7[%get3A_1566, %get3A_1567] : memref<1x256xf32, #tpu.memory_space<vmem>>, vector<1x256xf32>
    %add3A_1569 = vector.broadcast %get3A_1568 : vector<1x256xf32> to vector<8x256xf32>
    %add3A_1570 = arith.addf %mul3A_1565, %add3A_1569 : vector<8x256xf32>
    %swap3A_1571 = arith.constant 0 : index
    %swap3A_1572 = arith.constant 0 : index
    %swap3A_1573 = vector.load %arg9[%swap3A_1571, %swap3A_1572] : memref<8x256xf32, #tpu.memory_space<vmem>>, vector<8x256xf32>
    tpu.vector_store %arg9[%swap3A_1571, %swap3A_1572], %add3A_1570 {strides = array<i32>} : memref<8x256xf32, #tpu.memory_space<vmem>>, vector<8x256xf32>,
    return
  }
}

</mosaic_0001>

<sc_bundles>
// kernel: kernel.5.cloned.1.call-start
scs
__scs_entry_jumppad:
0x0: {  	(pc) =	sbr.rel $0x88, $3  }
0x1: {  	(tag) =	ssettag $0x0;
	lr =	simm.s32 $0x1  }
0x2: {  	[smem:$0x3F99] =	sst lr;
	_ =	strace $0xD0000000  }
0x3: {  	_ = 	snop  }
0x4: {  	_ = 	snop  }
0x5: {  	_ = 	snop  }
0x6: {  	_ = 	snop  }
0x7: {  	_ = 	snop  }
__scs_overlays_trampoline_lowered:
0x8: {  	[smem:$0x3FA8] =	sst s0  }
0x9: {  	[smem:$0x3FA9] =	sst s1  }
0xa: {  	[smem:$0x3FAA] =	sst s2  }
0xb: {  	[smem:$0x3FAB] =	sst s3  }
0xc: {  	[smem:$0x3FAC] =	sst s4  }
0xd: {  	[smem:$0x3FAD] =	sst s5  }
0xe: {  	[smem:$0x3FAE] =	sst s6  }
0xf: {  	[smem:$0x3FAF] =	sst s7  }
0x10: {  	[smem:$0x3FB0] =	sst s8  }
0x11: {  	[smem:$0x3FB1] =	sst s9;
	s0 =	simm.s32 @!p0 $0x0  }
0x12: {  	s1 =	sld [smem:$0x3F97];
	s0 =	simm.s32 @p0 $0x1  }
0x13: {  	[smem:$0x3FB2] =	sst s0;
	s0 =	simm.s32 @!p1 $0x0  }
0x14: {  	s2 =	sld [smem:$0x3F96];
	s0 =	simm.s32 @p1 $0x1  }
0x15: {  	[smem:$0x3FB3] =	sst s0;
	s0 =	simm.s32 @!p2 $0x0  }
0x16: {  	s3 =	sld [smem:$0x3FDB];
	s0 =	simm.s32 @p2 $0x1  }
0x17: {  	s4 =	simm.s32 $0x1BF5;
	[smem:$0x3FB5] =	sst s0  }
0x18: {  	s0 =	sld [smem:$0x3F98];
	_ =	swait.ge [sflag:s4], $0x0  }
0x19: {  	s7 =	sld [smem:$0x3F99]  }
0x1a: {  	s8 =	sadd.s32 $0xFFFFE003, lr  }
0x1b: {  	s9 =	sadd.s32 $0xFFFFFEF7, lr;
	s5 =	simm.s32 $0xFFFFFFFF;
	p2 =	slt.u32 s8, $0xFFFFF086  }
0x1c: {  	p1 =	slt.u32 s9, $0xF7A;
	s5 =	simm.s32 @!p2 $0x0  }
0x1d: {  	s5 =	simm.s32 @p1 $0x1;
	p0 =	seq.s32 s7, s2  }
0x1e: {  	s7 =	smul.u32 @!p0 $0xF7A, s2;
	p2 =	seq.s32 @!p0 s5, $0x0  }
0x1f: {  	s9 =	smul.u32 $0xF7A, s1;
	s8 =	simm.s32 @!p0 $0x1BF5;
	p2 =	por !p2, p0  }
0x20: {  	[sflag:s8] =	ssyncset.s32 @!p0 $0xFFFFF086;
	s6 =	sadd.s32 @!p0 s3, s7;
	s7 =	simm.s32 @!p0 $0x108  }
0x21: {  	s3 =	sadd.s32 s3, s9;
	s6 =	sadd.s32 @!p0 $0x88, s6;
	s7 =	simm.s32 @p2 $0x1082  }
0x22: {  	[simem:s7], [sflag:s8] =	dma.local @!p0 [hbm:s6], $0xF7A  }
0x23: {  	s9 =	sor.u32 $0xD0000000, s2;
	s6 =	simm.s32 $0x108;
	_ =	swait.ge @!p0 [sflag:s8], $0x0  }
0x24: {  	s3 =	sadd.s32 $0x88, s3;
	s6 =	simm.s32 @!p1 $0x1082;
	[sflag:s4] =	ssyncset.s32 $0xFFFFF086  }
0x25: {  	[simem:s6], [sflag:s4] =	dma.local [hbm:s3], $0xF7A  }
0x26: {  	[smem:$0x3F99] =	sst s1;
	(tag) =	ssettag s2;
	_ =	strace s9  }
0x27: {  	s1 =	sld [smem:$0x3FA9]  }
0x28: {  	s2 =	sld [smem:$0x3FAA]  }
0x29: {  	s4 =	sld [smem:$0x3FAC]  }
0x2a: {  	p0 =	seq.s32 s5, $0x0;
	s5 =	sld [smem:$0x3FAD]  }
0x2b: {  	s6 =	sld [smem:$0x3FAE]  }
0x2c: {  	s7 =	sld [smem:$0x3FAF]  }
0x2d: {  	s3 =	simm.s32 $0x108;
	s8 =	sld [smem:$0x3FB0]  }
0x2e: {  	s3 =	simm.s32 @!p0 $0x1082;
	s9 =	sld [smem:$0x3FB1]  }
0x2f: {  	lr =	sadd.s32 s0, s3;
	s0 =	sld [smem:$0x3FA8]  }
0x30: {  	s3 =	sld [smem:$0x3FAB]  }
0x31: {  	[smem:$0x3FB4] =	sst s10  }
0x32: {  	s10 =	sld [smem:$0x3FB2];
	_ =	sdelay $0x3  }
0x33: {  	p0 =	seq.s32 s10, $0x1;
	s10 =	sld [smem:$0x3FB4];
	_ =	sdelay $0x3  }
0x34: {  	[smem:$0x3FB4] =	sst s10  }
0x35: {  	s10 =	sld [smem:$0x3FB3];
	_ =	sdelay $0x3  }
0x36: {  	p1 =	seq.s32 s10, $0x1;
	s10 =	sld [smem:$0x3FB4];
	_ =	sdelay $0x3  }
0x37: {  	[smem:$0x3FB4] =	sst s10  }
0x38: {  	s10 =	sld [smem:$0x3FB5]  }
0x39: {  	_ = 	snop;
	(pc) =	sbr.ind lr, $3  }
0x3a: {  	_ = 	snop  }
0x3b: {  	_ = 	snop  }
0x3c: {  	p2 =	seq.s32 s10, $0x1;
	s10 =	sld [smem:$0x3FB4]  }
0x3d: {  	_ =	shalt  }
0x3e: {  	_ =	shalt  }
0x3f: {  	_ =	shalt  }
0x40: {  	_ =	shalt  }
0x41: {  	_ =	shalt  }
0x42: {  	_ =	shalt  }
0x43: {  	_ =	shalt  }
0x44: {  	_ =	shalt  }
0x45: {  	_ =	shalt  }
0x46: {  	_ =	shalt  }
0x47: {  	_ =	shalt  }
0x48: {  	_ =	shalt  }
0x49: {  	_ =	shalt  }
0x4a: {  	_ =	shalt  }
0x4b: {  	_ =	shalt  }
0x4c: {  	_ =	shalt  }
0x4d: {  	_ =	shalt  }
0x4e: {  	_ =	shalt  }
0x4f: {  	_ =	shalt  }
0x50: {  	_ =	shalt  }
0x51: {  	_ =	shalt  }
0x52: {  	_ =	shalt  }
0x53: {  	_ =	shalt  }
0x54: {  	_ =	shalt  }
0x55: {  	_ =	shalt  }
0x56: {  	_ =	shalt  }
0x57: {  	_ =	shalt  }
0x58: {  	_ =	shalt  }
0x59: {  	_ =	shalt  }
0x5a: {  	_ =	shalt  }
0x5b: {  	_ =	shalt  }
0x5c: {  	_ =	shalt  }
0x5d: {  	_ =	shalt  }
0x5e: {  	_ =	shalt  }
0x5f: {  	_ =	shalt  }
0x60: {  	_ =	shalt  }
0x61: {  	_ =	shalt  }
0x62: {  	_ =	shalt  }
0x63: {  	_ =	shalt  }
0x64: {  	_ =	shalt  }
0x65: {  	_ =	shalt  }
0x66: {  	_ =	shalt  }
0x67: {  	_ =	shalt  }
0x68: {  	_ =	shalt  }
0x69: {  	_ =	shalt  }
0x6a: {  	_ =	shalt  }
0x6b: {  	_ =	shalt  }
0x6c: {  	_ =	shalt  }
0x6d: {  	_ =	shalt  }
0x6e: {  	_ =	shalt  }
0x6f: {  	_ =	shalt  }
0x70: {  	_ =	shalt  }
0x71: {  	_ =	shalt  }
0x72: {  	_ =	shalt  }
0x73: {  	_ =	shalt  }
0x74: {  	_ =	shalt  }
0x75: {  	_ =	shalt  }
0x76: {  	_ =	shalt  }
0x77: {  	_ =	shalt  }
0x78: {  	_ =	shalt  }
0x79: {  	_ =	shalt  }
0x7a: {  	_ =	shalt  }
0x7b: {  	_ =	shalt  }
0x7c: {  	_ =	shalt  }
0x7d: {  	_ =	shalt  }
0x7e: {  	_ =	shalt  }
0x7f: {  	_ =	shalt  }
0x80: {  	_ =	shalt  }
0x81: {  	_ =	shalt  }
0x82: {  	_ =	shalt  }
0x83: {  	_ =	shalt  }
0x84: {  	_ =	shalt  }
0x85: {  	_ =	shalt  }
0x86: {  	_ =	shalt  }
0x87: {  	_ =	shalt  }
.Lfunc_end0:
.L_simem_size_0:
called_computation_lowered:
.L_overlay_start_0:
0x88: {  	s2 =	sld [smem:$0x3FD9]  }
0x89: {  	s3 =	sld [smem:$0x3FFE];
	_ =	sdelay $0x1  }
0x8a: {  	s1 =	srdreg.scid  }
0x8b: {  	s0 =	sand.u32 $0x1, s1  }
0x8c: {  	s14 =	sshll.u32 s0, $0xA;
	s2 =	sadd.s32 s3, s2  }
0x8d: {  	s2 =	sadd.s32 s2, s14  }
0x8e: {  	[smem:$0x3FC0] =	sst s2  }
0x8f: {  	_ = 	snop  }
0x90: {  	s2 =	sld [smem:$0x3FD0];
	_ =	sdelay $0x2  }
0x91: {  	s15 =	simm.s32 $0xA;
	s4 =	simm.s32 $0x10  }
0x92: {  	[smem:s4], [sflag:s15] =	dma.local [hbm:s2], $0x1  }
0x93: {  	_ =	swait.eq [sflag:s15], $0x1  }
0x94: {  	[sflag:s15] =	ssyncset.done $0x0  }
0x95: {  	[sflag:s15] =	ssyncadd.s32 $0xFFFFFFFF  }
0x96: {  	s16 =	sld [smem:$0x11];
	(tm) =	ssettm $0x1  }
0x97: {  	s17 =	sld [smem:$0x3FFB];
	_ =	sdelay $0x3  }
0x98: {  	_ =	strace s17  }
0x99: {  	s3 =	sld [smem:$0x3FFC];
	_ =	sdelay $0x3  }
0x9a: {  	_ =	strace s3  }
0x9b: {  	s3 =	sld [smem:$0x3FFD];
	_ =	sdelay $0x3  }
0x9c: {  	_ =	strace s3  }
0x9d: {  	_ =	strace $0x8FFFFFFF  }
0x9e: {  	s18 =	sld [smem:$0x3FDB];
	_ =	sdelay $0x1  }
0x9f: {  	s19 =	simm.s32 $_scs_section_size  }
0xa0: {  	s5 =	simm.s32 $_size__tile_overlayer_lowered;
	s6 =	simm.s32 $_tile_overlayer_lowered  }
0xa1: {  	s22 =	simm.s32 $0x1BFF;
	s21 =	sshll.u32 s6, $0x1;
	s3 =	sadd.s32 s19, s18  }
0xa2: {  	s7 =	simm.s32 $0x0;
	s20 =	sshll.u32 s5, $0x1;
	s5 =	sadd.s32 s21, s3  }
0xa3: {  	[timem:s7], [sflag:s22] =	dma.local [hbm:s5], s20  }
0xa4: {  	_ =	swait.ge [sflag:s22], s20  }
0xa5: {  	s4 =	ssub.s32 $0x0, s20;
	[sflag:s22] =	ssyncset.done $0x0  }
0xa6: {  	[sflag:s22] =	ssyncadd.s32 s4;
	_ =	sdelay $0x1  }
0xa7: {  	s23 =	simm.s32 $0x1B8B  }
0xa8: {  	_ =	swait.ge [sflag:s23], $0x1  }
0xa9: {  	[sflag:s23] =	ssyncset.done $0x0  }
0xaa: {  	s25 =	simm.s32 $0x1B8E;
	s24 =	sld [smem:$0x3FFE];
	[sflag:s23] =	ssyncadd.s32 $0xFFFFFFFF  }
0xab: {  	s26 =	simm.s32 $execute0_lowered;
	[smem:$0x3FD2] =	sst s25  }
0xac: {  	s5 =	sshll.u32 s26, $0x1;
	_ =	strace $0x80000046;
	[dreg:$0x1] =	wrdreg $0xFFFFFFFF  }
0xad: {  	s28 =	simm.s32 $_size_execute0_lowered;
	s3 =	sadd.s32 s3, s5;
	[dreg:$0x0] =	wrdreg $0x0  }
0xae: {  	s5 =	sshll.u32 s28, $0x1;
	[dreg:$0x2] =	wrdreg s3  }
0xaf: {  	[dreg:$0x3] =	wrdreg s5  }
0xb0: {  	[dreg:$0x4] =	wrdreg $0xC0  }
0xb1: {  	_ =	task [dreg:s7], $0x5FFFF  }
0xb2: {  	[dreg:$0x1] =	wrdreg $0xFFFFFFFF  }
0xb3: {  	[dreg:$0x0] =	wrdreg $0x60  }
0xb4: {  	[dreg:$0x2] =	wrdreg s24  }
0xb5: {  	[dreg:$0x3] =	wrdreg s16  }
0xb6: {  	[dreg:$0x4] =	wrdreg $0x9  }
0xb7: {  	_ =	task.clear_ibuf [dreg:s7], $0x5FFFF;
	_ =	strace $0x90000046  }
0xb8: {  	s29 =	simm.s32 $0x9;
	_ =	strace $0x80000048  }
0xb9: {  	_ =	swait.ge [sflag:s29], $0x1  }
0xba: {  	[sflag:s29] =	ssyncadd.s32 $0xFFFFFFFF  }
0xbb: {  	_ =	strace $0x90000048  }
0xbc: {  	_ =	sfence  }
0xbd: {  	s30 =	sld [smem:$0x0];
	_ =	sdelay $0x2  }
0xbe: {  	s31 =	sshll.u32 s1, $0xD;
	s1 =	sshrl.u32 s1, $0x2  }
0xbf: {  	s3 =	sand.u32 $0x4000, s31;
	s1 =	sadd.s32 s1, s30  }
0xc0: {  	s0 =	sor.u32 s3, s0;
	s1 =	sshll.u32 s1, $0x11  }
0xc1: {  	s0 =	sor.u32 s1, s0  }
0xc2: {  	s0 =	sadd.s32 $0x8F2B, s0  }
0xc3: {  	[sflag:s0] =	ssyncadd.remote.s32 $0x1  }
0xc4: {  	_ =	sfence.sel $0xFFFF  }
0xc5: {  	[dreg:$0x0] =	wrdreg $0xFFFFFFFF;
	(pc) =	sbr.abs _section_cstart, $3  }
0xc6: {  	[dreg:$0x1] =	wrdreg $0xFFFFFFFF  }
0xc7: {  	_ =	task.clear_ibuf [dreg:s7], $0x2FFFF;
	_ =	strace $0x9FFFFFFF  }
0xc8: {  	(tm) =	ssettm $0x7FFFFFFF  }
0xc9: {  	_ =	shalt  }
tec
execute0_lowered:
.L_overlay_start_1:
0x0: {  	(tag) =	ssettag $0x1  }
0x1: {  	s5 =	rddreg [dreg:$0x0]  }
0x2: {  	s7 =	rddreg [dreg:$0x1]  }
0x3: {  	s2 =	simm.s32 $0x0;
	s3 =	srdreg.scid;
	s0 =	stileid.u32  }
0x4: {  	s13 =	simm.s32 $0x80;
	s14 =	simm.s32 $0x400;
	s15 =	simm.s32 $0x800  }
0x5: {  	s16 =	simm.s32 $0x1C00;
	s17 =	simm.s32 $0x9C00;
	s18 =	simm.s32 $0x1  }
0x6: {  	s19 =	simm.s32 $0x2;
	s20 =	simm.s32 $0x0;
	s6 =	sand.u32 $0x1, s3  }
0x7: {  	s28 =	sshll.u32 s0, $0x1;
	s4 =	sshrl.u32 s0, $0x2;
	[smem:$0x7FF] =	sst s2  }
0x8: {  	s3 =	sor.u32 s6, s28;
	s8 =	smul.u32 $0xA000, s4;
	_ =	strace $0x80000047  }
0x9: {  	s4 =	sadd.s32 $0x1A00, s5;
	s9 =	sshll.u32 s3, $0x7;
	s3 =	smul.u32 $0x138800, s3  }
0xa: {  	s5 =	sadd.s32 $0x1C00, s5;
	s10 =	ssub.s32 $0x2, s6;
	s9 =	sand.u32 $0x380, s9  }
0xb: {  	s31 =	sshrl.u32 s10, $0x1;
	s29 =	sor.u32 s8, s9;
	s30 =	sshrl.u32 s3, $0x3  }
0xc: {  	s12 =	ssub.s32 s10, s31;
	s11 =	sshrl.u32 s29, $0x3;
	s6 =	sadd.s32 s5, s30  }
0xd: {  	v1 =	vlaneseq.u32;
	s7 =	sadd.s32 s7, s11;
	s8 =	sadd.s32 $0x1000, s6;
	s9 =	sadd.s32 $0x26000, s6  }
0xe: {  	v0 =	vmul.u32 $0x100, v1;
	v1 =	vmul.u32 $0x9, v1;
	s10 =	sadd.s32 $0x27000, s6;
	s11 =	smax.u32 s12, $0x1;
	s12 =	simm.s32 $0x3  }
.LBB2_1:
0xf: {  	[tilespmem:s2], [sflag:$0x3] =	stream.linear.gather [hbm4b:s4+s2], $0x800, $0x38;
	[tilespmem:$0x11C00] =	vst v63  }
0x10: {  	_ =	swait.ge [sflag:s12], $0x800  }
0x11: {  	[sflag:s12] =	ssyncset.done $0x0  }
0x12: {  	[sflag:s12] =	ssyncadd.s32 $0xFFFFF800  }
0x13: {  	[tilespmem:s15], [sflag:$0x3] =	stream.strided.gather [hbm4b:s7+s13], $0x1400, s14, s13, $0x38;
	[tilespmem:$0x11C00] =	vst v63  }
0x14: {  	_ =	swait.ge [sflag:s12], $0x1400  }
0x15: {  	[sflag:s12] =	ssyncset.done $0x0  }
0x16: {  	s21 =	simm.s32 $0x0;
	[sflag:s12] =	ssyncadd.s32 $0xFFFFEC00  }
.LBB2_2:
0x17: {  	v3 =	vmov s21;
	s22 =	simm.s32 $0x0  }
0x18: {  	s24 =	simm.s32 $0x4;
	s30 =	simm.s32 $0x5;
	s0 =	simm.s32 $0x7;
	v4 =	vshll.u32 v3, $0x8;
	v5 =	vadd.s32 s22, v1  }
0x19: {  	s31 =	simm.s32 $0x8;
	s1 =	simm.s32 $0x11;
	s25 =	simm.s32 $0xA;
	v7 =	vadd.s32 s24, v1;
	v8 =	vadd.s32 s30, v1;
	v13 =	vadd.s32 s0, v1  }
0x1a: {  	s26 =	simm.s32 $0xB;
	s28 =	simm.s32 $0xD;
	v6 =	vadd.s32 s31, v1;
	v16 =	vadd.s32 s1, v1;
	v10 =	vadd.s32 s25, v1  }
0x1b: {  	s23 =	simm.s32 $0x2;
	v9 =	vadd.s32 s26, v1;
	v11 =	vadd.s32 s28, v1;
	s30 =	simm.s32 $0x10;
	v12 =	vand.u32 $0xFF, v5  }
0x1c: {  	s31 =	simm.s32 $0x1E;
	v5 =	vadd.s32 s23, v1;
	v19 =	vand.u32 $0xFF, v6;
	v17 =	vadd.s32 s30, v1  }
0x1d: {  	s1 =	simm.s32 $0x13;
	s24 =	simm.s32 $0x14;
	s25 =	simm.s32 $0x15;
	v21 =	vadd.s32 s31, v1;
	v23 =	vand.u32 $0xFF, v7;
	v24 =	vand.u32 $0xFF, v8  }
0x1e: {  	s28 =	simm.s32 $0x17;
	v8 =	vadd.s32 s1, v1;
	v22 =	vadd.s32 s24, v1;
	v26 =	vadd.s32 s25, v1  }
0x1f: {  	v28 =	vadd.s32 s28, v1;
	v29 =	vand.u32 $0xFF, v9;
	v41 =	vand.u32 $0xFF, v11  }
0x20: {  	v2 =	vld [tilespmem:s21+$0x800];
	s30 =	simm.s32 $0x1A;
	s31 =	simm.s32 $0x3;
	v46 =	vand.u32 $0xFF, v10;
	v62 =	vand.u32 $0xFF, v13;
	v5 =	vand.u32 $0xFF, v5  }
0x21: {  	s1 =	simm.s32 $0x1B;
	s24 =	simm.s32 $0x18;
	v17 =	vand.u32 $0xFF, v17;
	v30 =	vadd.s32 s30, v1;
	v36 =	vadd.s32 s31, v1  }
0x22: {  	s25 =	simm.s32 $0xC;
	v32 =	vadd.s32 s1, v1;
	v28 =	vand.u32 $0xFF, v28;
	v39 =	vadd.s32 s24, v1  }
0x23: {  	v40 =	vadd.s32 s25, v1;
	v8 =	vand.u32 $0xFF, v8;
	v11 =	vand.u32 $0xFF, v22  }
0x24: {  	v30 =	vand.u32 $0xFF, v30;
	v32 =	vand.u32 $0xFF, v32;
	v40 =	vand.u32 $0xFF, v40  }
0x25: {  	s29 =	simm.s32 $0x1;
	s30 =	simm.s32 $0x1F;
	v39 =	vand.u32 $0xFF, v39;
	v3 =	vshll.u32 v2, $0x8;
	v2 =	vor.u32 v0, v4  }
0x26: {  	v63 =	vadd.s32 s30, v1;
	v4 =	vadd.s32 s29, v1;
	s29 =	simm.s32 $0xE;
	v14 =	vor.u32 v2, v5  }
0x27: {  	s0 =	simm.s32 $0x12;
	s26 =	simm.s32 $0x16;
	v15 =	vadd.s32 s29, v1;
	v6 =	vand.u32 $0xFF, v4;
	v20 =	vor.u32 v3, v19  }
0x28: {  	v18 =	vor.u32 v3, v5;
	v4 =	vadd.s32 s0, v1;
	v5 =	vadd.s32 s26, v1  }
0x29: {  	v27 =	vor.u32 v3, v24;
	v9 =	vor.u32 v2, v29;
	v31 =	vor.u32 v3, v30  }
0x2a: {  	v30 =	vor.u32 v2, v30;
	v35 =	vor.u32 v3, v32;
	v37 =	vor.u32 v3, v28  }
0x2b: {  	v42 =	vor.u32 v3, v8;
	v44 =	vor.u32 v2, v8;
	v22 =	vor.u32 v3, v11  }
0x2c: {  	v8 =	vand.u32 $0xFF, v26;
	v32 =	vor.u32 v2, v32;
	v11 =	vor.u32 v2, v11  }
0x2d: {  	v26 =	vor.u32 v3, v46;
	v46 =	vor.u32 v2, v46;
	v48 =	vor.u32 v3, v41  }
0x2e: {  	v50 =	vor.u32 v3, v12;
	v28 =	vor.u32 v2, v28;
	v52 =	vor.u32 v3, v39;
	v45 =	vld.idx.msk [tilespmem:v18+s2+$0x0], $0xffff  }
0x2f: {  	v29 =	vor.u32 v3, v29;
	v13 =	vor.u32 v2, v40;
	v59 =	vor.u32 v3, v23;
	v47 =	vld.idx.msk [tilespmem:v31+s2+$0x0], $0xffff  }
0x30: {  	s29 =	simm.s32 $0x19;
	s0 =	simm.s32 $0x9;
	v60 =	vor.u32 v2, v41;
	v61 =	vor.u32 v3, v17;
	v19 =	vor.u32 v2, v19;
	v18 =	vld.idx.msk [tilespmem:v27+s2+$0x0], $0xffff  }
0x31: {  	v25 =	vand.u32 $0xFF, v4;
	v7 =	vadd.s32 s29, v1;
	v34 =	vadd.s32 s0, v1;
	v35 =	vld.idx.msk [tilespmem:v35+s2+$0x0], $0xffff  }
0x32: {  	s26 =	simm.s32 $0xF;
	v43 =	vand.u32 $0xFF, v5;
	v4 =	vor.u32 v2, v25;
	v33 =	vand.u32 $0xFF, v7;
	v37 =	vld.idx.msk [tilespmem:v37+s2+$0x0], $0xffff  }
0x33: {  	v7 =	vor.u32 v2, v12;
	v12 =	vadd.s32 s26, v1;
	v27 =	vand.u32 $0xFF, v15;
	v15 =	vld.idx.msk [tilespmem:v22+s2+$0x0], $0xffff  }
0x34: {  	v51 =	vand.u32 $0xFF, v12;
	v12 =	vor.u32 v3, v25;
	v25 =	vor.u32 v3, v62;
	v22 =	vld.idx.msk [tilespmem:v20+s2+$0x0], $0xffff  }
0x35: {  	v10 =	vor.u32 v3, v8;
	v38 =	vor.u32 v3, v33;
	v31 =	vor.u32 v2, v24;
	v24 =	vld.idx.msk [tilespmem:v26+s2+$0x0], $0xffff  }
0x36: {  	s28 =	simm.s32 $0x1C;
	v8 =	vor.u32 v2, v8;
	v34 =	vand.u32 $0xFF, v34;
	v26 =	vor.u32 v3, v40;
	v40 =	vld.idx.msk [tilespmem:v29+s2+$0x0], $0xffff  }
0x37: {  	v5 =	vor.u32 v2, v34;
	v20 =	vadd.s32 s28, v1;
	v58 =	vld.idx.msk [tilespmem:v48+s2+$0x0], $0xffff;
	v48 =	vand.u32 $0xFF, v36  }
0x38: {  	v36 =	vor.u32 v2, v43;
	v49 =	vor.u32 v3, v27;
	v53 =	vand.u32 $0xFF, v20;
	v20 =	vld.idx.msk [tilespmem:v50+s2+$0x0], $0xffff  }
0x39: {  	v50 =	vand.u32 $0xFF, v63;
	v56 =	vor.u32 v2, v27;
	v54 =	vld.idx.msk [tilespmem:v25+s2+$0x0], $0xffff;
	[tilespmem:v14+s16+$0x0] =	vst.idx.msk $0xffff, v45  }
0x3a: {  	s29 =	simm.s32 $0x1D;
	v29 =	vor.u32 v2, v53;
	v25 =	vor.u32 v3, v50;
	v41 =	vld.idx.msk [tilespmem:v38+s2+$0x0], $0xffff;
	[tilespmem:v30+s16+$0x0] =	vst.idx.msk $0xffff, v47  }
0x3b: {  	v16 =	vand.u32 $0xFF, v16;
	s31 =	simm.s32 $0x6;
	v14 =	vor.u32 v3, v34;
	v47 =	vld.idx.msk [tilespmem:v42+s2+$0x0], $0xffff;
	v30 =	vadd.s32 s29, v1;
	[tilespmem:v32+s16+$0x0] =	vst.idx.msk $0xffff, v35  }
0x3c: {  	v34 =	vor.u32 v3, v43;
	[tilespmem:v28+s16+$0x0] =	vst.idx.msk $0xffff, v37;
	v28 =	vadd.s32 s31, v1;
	v37 =	vor.u32 v2, v39  }
0x3d: {  	v39 =	vor.u32 v3, v51;
	v32 =	vor.u32 v2, v51;
	[tilespmem:v46+s16+$0x0] =	vst.idx.msk $0xffff, v24;
	v46 =	vld.idx.msk [tilespmem:v52+s2+$0x0], $0xffff  }
0x3e: {  	v51 =	vor.u32 v3, v53;
	v45 =	vor.u32 v2, v62;
	v42 =	vand.u32 $0xFF, v21;
	v43 =	vld.idx.msk [tilespmem:v59+s2+$0x0], $0xffff  }
0x3f: {  	v35 =	vor.u32 v3, v16;
	v24 =	vor.u32 v2, v16;
	v49 =	vld.idx.msk [tilespmem:v49+s2+$0x0], $0xffff;
	v55 =	vand.u32 $0xFF, v30  }
0x40: {  	[tilespmem:v60+s16+$0x0] =	vst.idx.msk $0xffff, v58;
	v57 =	vand.u32 $0xFF, v28;
	v28 =	vor.u32 v2, v23;
	v23 =	vor.u32 v3, v48  }
0x41: {  	v16 =	vor.u32 v2, v55;
	v21 =	vor.u32 v2, v57;
	v27 =	vor.u32 v3, v55;
	v34 =	vld.idx.msk [tilespmem:v34+s2+$0x0], $0xffff  }
0x42: {  	v38 =	vor.u32 v3, v57;
	v30 =	vld.idx.msk [tilespmem:v39+s2+$0x0], $0xffff;
	v39 =	vor.u32 v2, v17;
	[tilespmem:v44+s16+$0x0] =	vst.idx.msk $0xffff, v47  }
0x43: {  	v17 =	vor.u32 v2, v50;
	[tilespmem:v45+s16+$0x0] =	vst.idx.msk $0xffff, v54;
	v44 =	vld.idx.msk [tilespmem:v61+s2+$0x0], $0xffff;
	v47 =	vor.u32 v3, v42  }
0x44: {  	s22 =	simm.s32 $0x20;
	v45 =	vor.u32 v3, v6;
	[tilespmem:v56+s16+$0x0] =	vst.idx.msk $0xffff, v49;
	v49 =	vor.u32 v2, v33;
	v33 =	vld.idx.msk [tilespmem:v51+s2+$0x0], $0xffff  }
.LBB2_3:
0x45: {  	s24 =	sadd.s32 $0x1, s22  }
0x46: {  	v50 =	vadd.s32 s22, v1;
	s26 =	sadd.s32 $0x2, s22;
	s25 =	sadd.s32 $0x3, s22;
	v48 =	vor.u32 v2, v48;
	[tilespmem:v31+s16+$0x0] =	vst.idx.msk $0xffff, v18;
	v18 =	vor.u32 v2, v42;
	s23 =	smov.u32 s22  }
0x47: {  	s28 =	sadd.s32 $0x8, s22;
	v31 =	vand.u32 $0xFF, v50;
	v42 =	vadd.s32 s24, v1;
	v50 =	vadd.s32 s26, v1;
	s24 =	sadd.s32 $0x4, s22;
	s26 =	sadd.s32 $0x5, s22;
	[tilespmem:v9+s16+$0x0] =	vst.idx.msk $0xffff, v40;
	v40 =	vld.idx.msk [tilespmem:v26+s2+$0x0], $0xffff  }
0x48: {  	s29 =	sadd.s32 $0x11, s22;
	v52 =	vor.u32 v2, v6;
	v9 =	vadd.s32 s24, v1;
	v51 =	vadd.s32 s26, v1;
	s24 =	sadd.s32 $0x7, s22;
	s26 =	sadd.s32 $0x9, s22;
	v53 =	vld.idx.msk [tilespmem:v23+s2+$0x0], $0xffff;
	[tilespmem:v37+s16+$0x0] =	vst.idx.msk $0xffff, v46  }
0x49: {  	v6 =	vadd.s32 s28, v1;
	s28 =	sadd.s32 $0xB, s22;
	v23 =	vadd.s32 s29, v1;
	s29 =	sadd.s32 $0x1E, s22;
	v26 =	vadd.s32 s24, v1;
	s24 =	sadd.s32 $0xA, s22;
	[tilespmem:v49+s16+$0x0] =	vst.idx.msk $0xffff, v41  }
0x4a: {  	s30 =	sadd.s32 $0xE, s22;
	v37 =	vand.u32 $0xFF, v50;
	v46 =	vadd.s32 s28, v1;
	s28 =	sadd.s32 $0xD, s22;
	v41 =	vadd.s32 s24, v1;
	s24 =	sadd.s32 $0xF, s22;
	[tilespmem:v19+s16+$0x0] =	vst.idx.msk $0xffff, v22;
	v22 =	vld.idx.msk [tilespmem:v47+s2+$0x0], $0xffff  }
0x4b: {  	p0 =	slt.u32 s22, $0xE0;
	v50 =	vadd.s32 s30, v1;
	v49 =	vadd.s32 s28, v1;
	s28 =	sadd.s32 $0x10, s23;
	v47 =	vor.u32 v2, v37;
	s22 =	sadd.s32 $0x20, s22;
	v45 =	vld.idx.msk [tilespmem:v45+s2+$0x0], $0xffff;
	[tilespmem:v28+s16+$0x0] =	vst.idx.msk $0xffff, v43  }
0x4c: {  	v19 =	vand.u32 $0xFF, v6;
	v43 =	vadd.s32 s28, v1;
	v28 =	vadd.s32 s29, v1;
	[tilespmem:v39+s16+$0x0] =	vst.idx.msk $0xffff, v44;
	v39 =	vld.idx.msk [tilespmem:v27+s2+$0x0], $0xffff  }
0x4d: {  	v6 =	vand.u32 $0xFF, v42;
	v42 =	vor.u32 v3, v19;
	s28 =	sadd.s32 $0x12, s23;
	v27 =	vand.u32 $0xFF, v43;
	[tilespmem:v32+s16+$0x0] =	vst.idx.msk $0xffff, v30;
	v25 =	vld.idx.msk [tilespmem:v25+s2+$0x0], $0xffff  }
0x4e: {  	s29 =	sadd.s32 $0x14, s23;
	v32 =	vor.u32 v3, v37;
	v30 =	vand.u32 $0xFF, v9;
	v9 =	vadd.s32 s28, v1;
	s28 =	sadd.s32 $0x13, s23;
	v35 =	vld.idx.msk [tilespmem:v35+s2+$0x0], $0xffff;
	[tilespmem:v36+s16+$0x0] =	vst.idx.msk $0xffff, v34  }
0x4f: {  	v43 =	vadd.s32 s29, v1;
	s29 =	sadd.s32 $0x16, s23;
	v34 =	vand.u32 $0xFF, v51;
	v37 =	vadd.s32 s28, v1;
	s28 =	sadd.s32 $0x15, s23;
	[tilespmem:v7+s16+$0x0] =	vst.idx.msk $0xffff, v20;
	v20 =	vld.idx.msk [tilespmem:v38+s2+$0x0], $0xffff  }
0x50: {  	v51 =	vadd.s32 s29, v1;
	s29 =	sadd.s32 $0x18, s23;
	v38 =	vand.u32 $0xFF, v9;
	v44 =	vadd.s32 s28, v1;
	s28 =	sadd.s32 $0x17, s23;
	[tilespmem:v11+s16+$0x0] =	vst.idx.msk $0xffff, v15;
	v10 =	vld.idx.msk [tilespmem:v10+s2+$0x0], $0xffff  }
0x51: {  	s30 =	sadd.s32 $0x1A, s23;
	v11 =	vor.u32 v3, v34;
	v15 =	vor.u32 v2, v38;
	v54 =	vadd.s32 s28, v1;
	s28 =	sadd.s32 $0x19, s23;
	[tilespmem:v18+s16+$0x0] =	vst.idx.msk $0xffff, v22  }
0x52: {  	v46 =	vand.u32 $0xFF, v46;
	v7 =	vadd.s32 s28, v1;
	v18 =	vadd.s32 s30, v1;
	v14 =	vld.idx.msk [tilespmem:v14+s2+$0x0], $0xffff;
	[tilespmem:v29+s16+$0x0] =	vst.idx.msk $0xffff, v33  }
0x53: {  	v9 =	vor.u32 v2, v46;
	v33 =	vand.u32 $0xFF, v7;
	v18 =	vand.u32 $0xFF, v18;
	[tilespmem:v48+s16+$0x0] =	vst.idx.msk $0xffff, v53;
	v12 =	vld.idx.msk [tilespmem:v12+s2+$0x0], $0xffff  }
0x54: {  	v36 =	vadd.s32 s25, v1;
	s25 =	sadd.s32 $0x1B, s23;
	v29 =	vor.u32 v3, v33;
	v22 =	vor.u32 v3, v18;
	[tilespmem:v52+s16+$0x0] =	vst.idx.msk $0xffff, v45  }
0x55: {  	v7 =	vor.u32 v2, v31;
	v45 =	vor.u32 v2, v18;
	v18 =	vadd.s32 s25, v1;
	[tilespmem:v24+s16+$0x0] =	vst.idx.msk $0xffff, v35  }
0x56: {  	v51 =	vand.u32 $0xFF, v51;
	s25 =	sadd.s32 $0xC, s23;
	v35 =	vand.u32 $0xFF, v18;
	v24 =	vld.idx.msk [tilespmem:v32+s2+$0x0], $0xffff;
	v32 =	vadd.s32 s26, v1;
	[tilespmem:v13+s16+$0x0] =	vst.idx.msk $0xffff, v40  }
0x57: {  	v40 =	vor.u32 v3, v35;
	v13 =	vand.u32 $0xFF, v32;
	v32 =	vand.u32 $0xFF, v54;
	[tilespmem:v8+s16+$0x0] =	vst.idx.msk $0xffff, v10  }
0x58: {  	v52 =	vadd.s32 s29, v1;
	v8 =	vor.u32 v2, v13;
	v48 =	vor.u32 v3, v32;
	[tilespmem:v21+s16+$0x0] =	vst.idx.msk $0xffff, v20  }
0x59: {  	v10 =	vadd.s32 s25, v1;
	v21 =	vand.u32 $0xFF, v49;
	v20 =	vand.u32 $0xFF, v37;
	v22 =	vld.idx.msk [tilespmem:v22+s2+$0x0], $0xffff;
	[tilespmem:v5+s16+$0x0] =	vst.idx.msk $0xffff, v14;
	v5 =	vmovc v8  }
0x5a: {  	v37 =	vand.u32 $0xFF, v10;
	v49 =	vor.u32 v3, v20;
	v8 =	vand.u32 $0xFF, v43;
	[tilespmem:v4+s16+$0x0] =	vst.idx.msk $0xffff, v12;
	v4 =	vmovc v15  }
0x5b: {  	v43 =	vor.u32 v2, v20;
	v14 =	vor.u32 v3, v8;
	v18 =	vld.idx.msk [tilespmem:v11+s2+$0x0], $0xffff;
	[tilespmem:v17+s16+$0x0] =	vst.idx.msk $0xffff, v25  }
0x5c: {  	v20 =	vor.u32 v2, v35;
	v12 =	vand.u32 $0xFF, v41;
	v15 =	vand.u32 $0xFF, v44;
	v17 =	vld.idx.msk [tilespmem:v40+s2+$0x0], $0xffff;
	[tilespmem:v16+s16+$0x0] =	vst.idx.msk $0xffff, v39  }
0x5d: {  	v11 =	vor.u32 v2, v8;
	v10 =	vor.u32 v3, v15;
	v16 =	vand.u32 $0xFF, v52;
	[tilespmem:v47+s16+$0x0] =	vst.idx.msk $0xffff, v24  }
0x5e: {  	v35 =	vand.u32 $0xFF, v50;
	v8 =	vor.u32 v2, v15;
	v24 =	vor.u32 v3, v12  }
0x5f: {  	v41 =	vor.u32 v3, v21;
	v25 =	vor.u32 v3, v35;
	v39 =	vor.u32 v2, v12;
	v40 =	vld.idx.msk [tilespmem:v48+s2+$0x0], $0xffff  }
0x60: {  	v32 =	vor.u32 v2, v32;
	v44 =	vor.u32 v3, v31;
	v12 =	vadd.s32 s24, v1;
	[tilespmem:v45+s16+$0x0] =	vst.idx.msk $0xffff, v22  }
0x61: {  	v47 =	vand.u32 $0xFF, v12;
	v12 =	vor.u32 v3, v38;
	v45 =	vand.u32 $0xFF, v26;
	v15 =	vld.idx.msk [tilespmem:v14+s2+$0x0], $0xffff  }
0x62: {  	v50 =	vor.u32 v3, v16;
	v38 =	vor.u32 v3, v45;
	v14 =	vor.u32 v3, v13;
	v22 =	vld.idx.msk [tilespmem:v42+s2+$0x0], $0xffff  }
0x63: {  	s25 =	sadd.s32 $0x1D, s23;
	v31 =	vor.u32 v2, v34;
	v34 =	vor.u32 v3, v46;
	s24 =	sadd.s32 $0x1C, s23;
	v26 =	vor.u32 v3, v37;
	v24 =	vld.idx.msk [tilespmem:v24+s2+$0x0], $0xffff  }
0x64: {  	v13 =	vor.u32 v2, v37;
	v42 =	vadd.s32 s25, v1;
	v46 =	vld.idx.msk [tilespmem:v49+s2+$0x0], $0xffff;
	[tilespmem:v20+s16+$0x0] =	vst.idx.msk $0xffff, v17;
	v17 =	vadd.s32 s24, v1;
	s24 =	sadd.s32 $0x1F, s23  }
0x65: {  	v48 =	vor.u32 v3, v51;
	s23 =	sadd.s32 $0x6, s23;
	v49 =	vld.idx.msk [tilespmem:v25+s2+$0x0], $0xffff;
	[tilespmem:v32+s16+$0x0] =	vst.idx.msk $0xffff, v40;
	v17 =	vand.u32 $0xFF, v17;
	v25 =	vadd.s32 s24, v1  }
0x66: {  	v37 =	vor.u32 v2, v16;
	v20 =	vld.idx.msk [tilespmem:v44+s2+$0x0], $0xffff;
	v44 =	vadd.s32 s23, v1;
	v52 =	vand.u32 $0xFF, v25  }
0x67: {  	v16 =	vor.u32 v3, v47;
	v53 =	vld.idx.msk [tilespmem:v38+s2+$0x0], $0xffff;
	v38 =	vand.u32 $0xFF, v42;
	v25 =	vor.u32 v3, v52  }
0x68: {  	v54 =	vor.u32 v2, v35;
	v32 =	vor.u32 v2, v47;
	v55 =	vor.u32 v3, v17;
	v40 =	vld.idx.msk [tilespmem:v34+s2+$0x0], $0xffff  }
0x69: {  	v45 =	vor.u32 v2, v45;
	v44 =	vand.u32 $0xFF, v44;
	v42 =	vand.u32 $0xFF, v28;
	[tilespmem:v39+s16+$0x0] =	vst.idx.msk $0xffff, v24;
	v56 =	vld.idx.msk [tilespmem:v41+s2+$0x0], $0xffff  }
0x6a: {  	v57 =	vor.u32 v2, v21;
	v21 =	vand.u32 $0xFF, v23;
	v47 =	vor.u32 v3, v30;
	v34 =	vld.idx.msk [tilespmem:v48+s2+$0x0], $0xffff  }
0x6b: {  	v58 =	vor.u32 v3, v27;
	v35 =	vor.u32 v3, v21;
	v28 =	vor.u32 v2, v30;
	v41 =	vld.idx.msk [tilespmem:v29+s2+$0x0], $0xffff  }
0x6c: {  	v39 =	vor.u32 v2, v27;
	v24 =	vor.u32 v2, v21;
	v29 =	vor.u32 v2, v17;
	v30 =	vld.idx.msk [tilespmem:v16+s2+$0x0], $0xffff  }
.Ltmp0:
0x6d: {  	v48 =	vand.u32 $0xFF, v36;
	v36 =	vor.u32 v2, v51;
	v16 =	vor.u32 v2, v38;
	[tilespmem:v43+s16+$0x0] =	vst.idx.msk $0xffff, v46;
	(pc) =	sbr.rel @p0 .LBB2_3-.Ltmp0, $4  }
0x6e: {  	v21 =	vor.u32 v2, v44;
	v27 =	vor.u32 v3, v38;
	v17 =	vor.u32 v2, v52;
	v46 =	vld.idx.msk [tilespmem:v50+s2+$0x0], $0xffff  }
0x6f: {  	v23 =	vor.u32 v3, v48;
	v38 =	vor.u32 v3, v44;
	v43 =	vld.idx.msk [tilespmem:v47+s2+$0x0], $0xffff;
	[tilespmem:v54+s16+$0x0] =	vst.idx.msk $0xffff, v49  }
0x70: {  	v49 =	vor.u32 v2, v33;
	v47 =	vor.u32 v3, v42;
	[tilespmem:v45+s16+$0x0] =	vst.idx.msk $0xffff, v53;
	v44 =	vld.idx.msk [tilespmem:v58+s2+$0x0], $0xffff  }
0x71: {  	v19 =	vor.u32 v2, v19;
	v45 =	vor.u32 v3, v6;
	[tilespmem:v57+s16+$0x0] =	vst.idx.msk $0xffff, v56;
	v33 =	vld.idx.msk [tilespmem:v55+s2+$0x0], $0xffff  }
0x72: {  	_ =	sdelay $0x3  }
0x73: {  	[tilespmem:v31+s16+$0x0] =	vst.idx.msk $0xffff, v18  }
0x74: {  	[tilespmem:v9+s16+$0x0] =	vst.idx.msk $0xffff, v40  }
0x75: {  	[tilespmem:v49+s16+$0x0] =	vst.idx.msk $0xffff, v41  }
0x76: {  	[tilespmem:v19+s16+$0x0] =	vst.idx.msk $0xffff, v22  }
0x77: {  	[tilespmem:v32+s16+$0x0] =	vst.idx.msk $0xffff, v30  }
0x78: {  	[tilespmem:v36+s16+$0x0] =	vst.idx.msk $0xffff, v34  }
0x79: {  	[tilespmem:v7+s16+$0x0] =	vst.idx.msk $0xffff, v20  }
0x7a: {  	v3 =	vor.u32 v2, v42;
	v54 =	vld.idx.msk [tilespmem:v47+s2+$0x0], $0xffff;
	[tilespmem:v11+s16+$0x0] =	vst.idx.msk $0xffff, v15  }
0x7b: {  	v55 =	vor.u32 v2, v48;
	v56 =	vld.idx.msk [tilespmem:v23+s2+$0x0], $0xffff;
	[tilespmem:v37+s16+$0x0] =	vst.idx.msk $0xffff, v46  }
0x7c: {  	v2 =	vor.u32 v2, v6;
	v57 =	vld.idx.msk [tilespmem:v45+s2+$0x0], $0xffff;
	[tilespmem:v28+s16+$0x0] =	vst.idx.msk $0xffff, v43  }
0x7d: {  	v58 =	vld.idx.msk [tilespmem:v35+s2+$0x0], $0xffff;
	[tilespmem:v39+s16+$0x0] =	vst.idx.msk $0xffff, v44  }
0x7e: {  	v59 =	vld.idx.msk [tilespmem:v26+s2+$0x0], $0xffff;
	[tilespmem:v29+s16+$0x0] =	vst.idx.msk $0xffff, v33  }
0x7f: {  	v60 =	vld.idx.msk [tilespmem:v38+s2+$0x0], $0xffff;
	[tilespmem:v3+s16+$0x0] =	vst.idx.msk $0xffff, v54  }
0x80: {  	v61 =	vld.idx.msk [tilespmem:v14+s2+$0x0], $0xffff;
	[tilespmem:v55+s16+$0x0] =	vst.idx.msk $0xffff, v56  }
0x81: {  	v62 =	vld.idx.msk [tilespmem:v25+s2+$0x0], $0xffff;
	[tilespmem:v2+s16+$0x0] =	vst.idx.msk $0xffff, v57  }
0x82: {  	v63 =	vld.idx.msk [tilespmem:v27+s2+$0x0], $0xffff;
	[tilespmem:v24+s16+$0x0] =	vst.idx.msk $0xffff, v58  }
0x83: {  	v3 =	vld.idx.msk [tilespmem:v10+s2+$0x0], $0xffff;
	[tilespmem:v13+s16+$0x0] =	vst.idx.msk $0xffff, v59  }
0x84: {  	p0 =	slt.u32 s21, $0x70;
	v2 =	vld.idx.msk [tilespmem:v12+s2+$0x0], $0xffff;
	[tilespmem:v21+s16+$0x0] =	vst.idx.msk $0xffff, v60  }
.Ltmp1:
0x85: {  	[tilespmem:v5+s16+$0x0] =	vst.idx.msk $0xffff, v61;
	(pc) =	sbr.rel @p0 .LBB2_2-.Ltmp1, $4  }
0x86: {  	[tilespmem:v17+s16+$0x0] =	vst.idx.msk $0xffff, v62  }
0x87: {  	[tilespmem:v16+s16+$0x0] =	vst.idx.msk $0xffff, v63  }
0x88: {  	s22 =	sadd.s32 $0x10, s21;
	[tilespmem:v8+s16+$0x0] =	vst.idx.msk $0xffff, v3  }
0x89: {  	s21 =	smov.u32 s22;
	[tilespmem:v4+s16+$0x0] =	vst.idx.msk $0xffff, v2  }
0x8a: {  	s21 =	simm.s32 $0x0;
	s22 =	simm.s32 $0x0  }
0x8b: {  	[hbm4b:s6+s21] =	stream.linear.scatter [tilespmem:s16], [sflag:$0x1], $0x8000, $0x38;
	[tilespmem:$0x11C00] =	vst v63  }
.LBB2_6:
0x8c: {  	v3 =	vmov s22;
	v5 =	vadd.s32 s21, v1;
	s24 =	simm.s32 $0x2  }
0x8d: {  	s25 =	simm.s32 $0x4;
	s28 =	simm.s32 $0x5;
	s30 =	simm.s32 $0x7;
	v4 =	vshll.u32 v3, $0x8;
	v12 =	vand.u32 $0xFF, v5;
	v5 =	vadd.s32 s24, v1  }
0x8e: {  	s29 =	simm.s32 $0x8;
	s31 =	simm.s32 $0x11;
	s0 =	simm.s32 $0xA;
	v7 =	vadd.s32 s25, v1;
	v8 =	vadd.s32 s28, v1;
	v13 =	vadd.s32 s30, v1  }
0x8f: {  	s1 =	simm.s32 $0xB;
	s26 =	simm.s32 $0xD;
	v6 =	vadd.s32 s29, v1;
	v16 =	vadd.s32 s31, v1;
	v10 =	vadd.s32 s0, v1  }
0x90: {  	v9 =	vadd.s32 s1, v1;
	s28 =	simm.s32 $0xE;
	v11 =	vadd.s32 s26, v1;
	s29 =	simm.s32 $0x10;
	v5 =	vand.u32 $0xFF, v5  }
0x91: {  	s30 =	simm.s32 $0x1E;
	v15 =	vadd.s32 s28, v1;
	v19 =	vand.u32 $0xFF, v6;
	v17 =	vadd.s32 s29, v1  }
0x92: {  	s0 =	simm.s32 $0x13;
	s1 =	simm.s32 $0x14;
	s25 =	simm.s32 $0x15;
	v21 =	vadd.s32 s30, v1;
	v23 =	vand.u32 $0xFF, v7;
	v24 =	vand.u32 $0xFF, v8  }
0x93: {  	s24 =	simm.s32 $0x18;
	v8 =	vadd.s32 s0, v1;
	v22 =	vadd.s32 s1, v1;
	v26 =	vadd.s32 s25, v1  }
0x94: {  	v29 =	vand.u32 $0xFF, v9;
	v39 =	vadd.s32 s24, v1;
	v41 =	vand.u32 $0xFF, v11  }
0x95: {  	s28 =	simm.s32 $0x17;
	s29 =	simm.s32 $0x19;
	s30 =	simm.s32 $0x1A;
	v46 =	vand.u32 $0xFF, v10;
	v62 =	vand.u32 $0xFF, v13;
	v17 =	vand.u32 $0xFF, v17  }
0x96: {  	v2 =	vld [tilespmem:s22+$0x880];
	s0 =	simm.s32 $0x9;
	s1 =	simm.s32 $0x1B;
	s25 =	simm.s32 $0xC;
	v28 =	vadd.s32 s28, v1;
	v7 =	vadd.s32 s29, v1;
	v30 =	vadd.s32 s30, v1  }
0x97: {  	v32 =	vadd.s32 s1, v1;
	v34 =	vadd.s32 s0, v1;
	v40 =	vadd.s32 s25, v1  }
0x98: {  	v8 =	vand.u32 $0xFF, v8;
	v11 =	vand.u32 $0xFF, v22;
	v39 =	vand.u32 $0xFF, v39  }
0x99: {  	v33 =	vand.u32 $0xFF, v7;
	v30 =	vand.u32 $0xFF, v30;
	v32 =	vand.u32 $0xFF, v32  }
0x9a: {  	s23 =	simm.s32 $0x1;
	v34 =	vand.u32 $0xFF, v34;
	v28 =	vand.u32 $0xFF, v28;
	v40 =	vand.u32 $0xFF, v40  }
0x9b: {  	s30 =	simm.s32 $0x1F;
	v3 =	vshll.u32 v2, $0x8;
	v2 =	vor.u32 v0, v4;
	v4 =	vadd.s32 s23, v1  }
0x9c: {  	s31 =	simm.s32 $0x12;
	v63 =	vadd.s32 s30, v1;
	v14 =	vor.u32 v2, v5;
	v6 =	vand.u32 $0xFF, v4  }
0x9d: {  	s26 =	simm.s32 $0x16;
	v20 =	vor.u32 v3, v19;
	v18 =	vor.u32 v3, v5;
	v4 =	vadd.s32 s31, v1  }
0x9e: {  	v5 =	vadd.s32 s26, v1;
	v27 =	vor.u32 v3, v24;
	v31 =	vor.u32 v3, v30  }
0x9f: {  	v9 =	vor.u32 v2, v29;
	v38 =	vor.u32 v3, v33;
	v7 =	vor.u32 v2, v12  }
0xa0: {  	v30 =	vor.u32 v2, v30;
	v35 =	vor.u32 v3, v32;
	v37 =	vor.u32 v3, v28  }
0xa1: {  	v42 =	vor.u32 v3, v8;
	v44 =	vor.u32 v2, v8;
	v22 =	vor.u32 v3, v11  }
0xa2: {  	v8 =	vand.u32 $0xFF, v26;
	v32 =	vor.u32 v2, v32;
	v11 =	vor.u32 v2, v11;
	v45 =	vld.idx.msk [tilespmem:v18+s2+$0x0], $0xffff  }
0xa3: {  	v26 =	vor.u32 v3, v46;
	v46 =	vor.u32 v2, v46;
	v48 =	vor.u32 v3, v41;
	v47 =	vld.idx.msk [tilespmem:v31+s2+$0x0], $0xffff  }
0xa4: {  	v50 =	vor.u32 v3, v12;
	v28 =	vor.u32 v2, v28;
	v52 =	vor.u32 v3, v39;
	v18 =	vld.idx.msk [tilespmem:v27+s2+$0x0], $0xffff  }
0xa5: {  	v29 =	vor.u32 v3, v29;
	v13 =	vor.u32 v2, v40;
	v59 =	vor.u32 v3, v23;
	v35 =	vld.idx.msk [tilespmem:v35+s2+$0x0], $0xffff  }
0xa6: {  	s26 =	simm.s32 $0xF;
	v60 =	vor.u32 v2, v41;
	v61 =	vor.u32 v3, v17;
	v19 =	vor.u32 v2, v19;
	v37 =	vld.idx.msk [tilespmem:v37+s2+$0x0], $0xffff  }
0xa7: {  	s31 =	simm.s32 $0x3;
	v25 =	vand.u32 $0xFF, v4;
	v12 =	vadd.s32 s26, v1;
	v27 =	vand.u32 $0xFF, v15;
	v15 =	vld.idx.msk [tilespmem:v22+s2+$0x0], $0xffff  }
0xa8: {  	v36 =	vadd.s32 s31, v1;
	v4 =	vor.u32 v2, v25;
	v51 =	vand.u32 $0xFF, v12;
	v22 =	vld.idx.msk [tilespmem:v20+s2+$0x0], $0xffff  }
0xa9: {  	v12 =	vor.u32 v3, v25;
	v25 =	vor.u32 v3, v62;
	v31 =	vor.u32 v2, v24;
	v24 =	vld.idx.msk [tilespmem:v26+s2+$0x0], $0xffff  }
0xaa: {  	s28 =	simm.s32 $0x1C;
	v43 =	vand.u32 $0xFF, v5;
	v5 =	vor.u32 v2, v34;
	v26 =	vor.u32 v3, v40;
	v40 =	vld.idx.msk [tilespmem:v29+s2+$0x0], $0xffff  }
0xab: {  	v10 =	vor.u32 v3, v8;
	v8 =	vor.u32 v2, v8;
	v20 =	vadd.s32 s28, v1;
	v58 =	vld.idx.msk [tilespmem:v48+s2+$0x0], $0xffff  }
0xac: {  	v41 =	vld.idx.msk [tilespmem:v38+s2+$0x0], $0xffff;
	v48 =	vand.u32 $0xFF, v36;
	v36 =	vor.u32 v2, v43;
	v49 =	vor.u32 v3, v27  }
0xad: {  	v53 =	vand.u32 $0xFF, v20;
	v20 =	vld.idx.msk [tilespmem:v50+s2+$0x0], $0xffff;
	v50 =	vand.u32 $0xFF, v63;
	v56 =	vor.u32 v2, v27;
	[tilespmem:v14+s17+$0x0] =	vst.idx.msk $0xffff, v45  }
0xae: {  	s29 =	simm.s32 $0x1D;
	v54 =	vld.idx.msk [tilespmem:v25+s2+$0x0], $0xffff;
	v25 =	vor.u32 v3, v50;
	v29 =	vor.u32 v2, v53;
	[tilespmem:v30+s17+$0x0] =	vst.idx.msk $0xffff, v47  }
0xaf: {  	v16 =	vand.u32 $0xFF, v16;
	s31 =	simm.s32 $0x6;
	v14 =	vor.u32 v3, v34;
	v47 =	vld.idx.msk [tilespmem:v42+s2+$0x0], $0xffff;
	v30 =	vadd.s32 s29, v1;
	[tilespmem:v32+s17+$0x0] =	vst.idx.msk $0xffff, v35  }
0xb0: {  	v34 =	vor.u32 v3, v43;
	[tilespmem:v28+s17+$0x0] =	vst.idx.msk $0xffff, v37;
	v28 =	vadd.s32 s31, v1;
	v37 =	vor.u32 v2, v39  }
0xb1: {  	v39 =	vor.u32 v3, v51;
	v32 =	vor.u32 v2, v51;
	[tilespmem:v46+s17+$0x0] =	vst.idx.msk $0xffff, v24;
	v46 =	vld.idx.msk [tilespmem:v52+s2+$0x0], $0xffff  }
0xb2: {  	v51 =	vor.u32 v3, v53;
	v45 =	vor.u32 v2, v62;
	v42 =	vand.u32 $0xFF, v21;
	v43 =	vld.idx.msk [tilespmem:v59+s2+$0x0], $0xffff  }
0xb3: {  	v35 =	vor.u32 v3, v16;
	v24 =	vor.u32 v2, v16;
	v49 =	vld.idx.msk [tilespmem:v49+s2+$0x0], $0xffff;
	v55 =	vand.u32 $0xFF, v30  }
0xb4: {  	[tilespmem:v60+s17+$0x0] =	vst.idx.msk $0xffff, v58;
	v57 =	vand.u32 $0xFF, v28;
	v28 =	vor.u32 v2, v23;
	v23 =	vor.u32 v3, v48  }
0xb5: {  	v16 =	vor.u32 v2, v55;
	v21 =	vor.u32 v2, v57;
	v27 =	vor.u32 v3, v55;
	v34 =	vld.idx.msk [tilespmem:v34+s2+$0x0], $0xffff  }
0xb6: {  	v38 =	vor.u32 v3, v57;
	v30 =	vld.idx.msk [tilespmem:v39+s2+$0x0], $0xffff;
	v39 =	vor.u32 v2, v17;
	[tilespmem:v44+s17+$0x0] =	vst.idx.msk $0xffff, v47  }
0xb7: {  	v17 =	vor.u32 v2, v50;
	[tilespmem:v45+s17+$0x0] =	vst.idx.msk $0xffff, v54;
	v44 =	vld.idx.msk [tilespmem:v61+s2+$0x0], $0xffff;
	v47 =	vor.u32 v3, v42  }
0xb8: {  	s23 =	simm.s32 $0x20;
	v45 =	vor.u32 v3, v6;
	[tilespmem:v56+s17+$0x0] =	vst.idx.msk $0xffff, v49;
	v49 =	vor.u32 v2, v33;
	v33 =	vld.idx.msk [tilespmem:v51+s2+$0x0], $0xffff  }
.LBB2_7:
0xb9: {  	s25 =	sadd.s32 $0x1, s23  }
0xba: {  	v50 =	vadd.s32 s23, v1;
	s28 =	sadd.s32 $0x2, s23;
	s26 =	sadd.s32 $0x3, s23;
	v48 =	vor.u32 v2, v48;
	[tilespmem:v31+s17+$0x0] =	vst.idx.msk $0xffff, v18;
	v18 =	vor.u32 v2, v42;
	s24 =	smov.u32 s23  }
0xbb: {  	s29 =	sadd.s32 $0x8, s23;
	v31 =	vand.u32 $0xFF, v50;
	v42 =	vadd.s32 s25, v1;
	v50 =	vadd.s32 s28, v1;
	s25 =	sadd.s32 $0x4, s23;
	s28 =	sadd.s32 $0x5, s23;
	[tilespmem:v9+s17+$0x0] =	vst.idx.msk $0xffff, v40;
	v40 =	vld.idx.msk [tilespmem:v26+s2+$0x0], $0xffff  }
0xbc: {  	s30 =	sadd.s32 $0x11, s23;
	v52 =	vor.u32 v2, v6;
	v9 =	vadd.s32 s25, v1;
	v51 =	vadd.s32 s28, v1;
	s25 =	sadd.s32 $0x7, s23;
	s28 =	sadd.s32 $0x9, s23;
	v53 =	vld.idx.msk [tilespmem:v23+s2+$0x0], $0xffff;
	[tilespmem:v37+s17+$0x0] =	vst.idx.msk $0xffff, v46  }
0xbd: {  	v6 =	vadd.s32 s29, v1;
	s29 =	sadd.s32 $0xB, s23;
	v23 =	vadd.s32 s30, v1;
	s30 =	sadd.s32 $0x1E, s23;
	v26 =	vadd.s32 s25, v1;
	s25 =	sadd.s32 $0xA, s23;
	[tilespmem:v49+s17+$0x0] =	vst.idx.msk $0xffff, v41  }
0xbe: {  	s31 =	sadd.s32 $0xE, s23;
	v37 =	vand.u32 $0xFF, v50;
	v46 =	vadd.s32 s29, v1;
	s29 =	sadd.s32 $0xD, s23;
	v41 =	vadd.s32 s25, v1;
	s25 =	sadd.s32 $0xF, s23;
	[tilespmem:v19+s17+$0x0] =	vst.idx.msk $0xffff, v22;
	v22 =	vld.idx.msk [tilespmem:v47+s2+$0x0], $0xffff  }
0xbf: {  	p0 =	slt.u32 s23, $0xE0;
	v50 =	vadd.s32 s31, v1;
	v49 =	vadd.s32 s29, v1;
	s29 =	sadd.s32 $0x10, s24;
	v47 =	vor.u32 v2, v37;
	s23 =	sadd.s32 $0x20, s23;
	v45 =	vld.idx.msk [tilespmem:v45+s2+$0x0], $0xffff;
	[tilespmem:v28+s17+$0x0] =	vst.idx.msk $0xffff, v43  }
0xc0: {  	v19 =	vand.u32 $0xFF, v6;
	v43 =	vadd.s32 s29, v1;
	v28 =	vadd.s32 s30, v1;
	[tilespmem:v39+s17+$0x0] =	vst.idx.msk $0xffff, v44;
	v39 =	vld.idx.msk [tilespmem:v27+s2+$0x0], $0xffff  }
0xc1: {  	v6 =	vand.u32 $0xFF, v42;
	v42 =	vor.u32 v3, v19;
	s29 =	sadd.s32 $0x12, s24;
	v27 =	vand.u32 $0xFF, v43;
	[tilespmem:v32+s17+$0x0] =	vst.idx.msk $0xffff, v30;
	v25 =	vld.idx.msk [tilespmem:v25+s2+$0x0], $0xffff  }
0xc2: {  	s30 =	sadd.s32 $0x14, s24;
	v32 =	vor.u32 v3, v37;
	v30 =	vand.u32 $0xFF, v9;
	v9 =	vadd.s32 s29, v1;
	s29 =	sadd.s32 $0x13, s24;
	v35 =	vld.idx.msk [tilespmem:v35+s2+$0x0], $0xffff;
	[tilespmem:v36+s17+$0x0] =	vst.idx.msk $0xffff, v34  }
0xc3: {  	v43 =	vadd.s32 s30, v1;
	s30 =	sadd.s32 $0x16, s24;
	v34 =	vand.u32 $0xFF, v51;
	v37 =	vadd.s32 s29, v1;
	s29 =	sadd.s32 $0x15, s24;
	[tilespmem:v7+s17+$0x0] =	vst.idx.msk $0xffff, v20;
	v20 =	vld.idx.msk [tilespmem:v38+s2+$0x0], $0xffff  }
0xc4: {  	v51 =	vadd.s32 s30, v1;
	s30 =	sadd.s32 $0x18, s24;
	v38 =	vand.u32 $0xFF, v9;
	v44 =	vadd.s32 s29, v1;
	s29 =	sadd.s32 $0x17, s24;
	[tilespmem:v11+s17+$0x0] =	vst.idx.msk $0xffff, v15;
	v10 =	vld.idx.msk [tilespmem:v10+s2+$0x0], $0xffff  }
0xc5: {  	s31 =	sadd.s32 $0x1A, s24;
	v11 =	vor.u32 v3, v34;
	v15 =	vor.u32 v2, v38;
	v54 =	vadd.s32 s29, v1;
	s29 =	sadd.s32 $0x19, s24;
	[tilespmem:v18+s17+$0x0] =	vst.idx.msk $0xffff, v22  }
0xc6: {  	v46 =	vand.u32 $0xFF, v46;
	v7 =	vadd.s32 s29, v1;
	v18 =	vadd.s32 s31, v1;
	v14 =	vld.idx.msk [tilespmem:v14+s2+$0x0], $0xffff;
	[tilespmem:v29+s17+$0x0] =	vst.idx.msk $0xffff, v33  }
0xc7: {  	v9 =	vor.u32 v2, v46;
	v33 =	vand.u32 $0xFF, v7;
	v18 =	vand.u32 $0xFF, v18;
	[tilespmem:v48+s17+$0x0] =	vst.idx.msk $0xffff, v53;
	v12 =	vld.idx.msk [tilespmem:v12+s2+$0x0], $0xffff  }
0xc8: {  	v36 =	vadd.s32 s26, v1;
	s26 =	sadd.s32 $0x1B, s24;
	v29 =	vor.u32 v3, v33;
	v22 =	vor.u32 v3, v18;
	[tilespmem:v52+s17+$0x0] =	vst.idx.msk $0xffff, v45  }
0xc9: {  	v7 =	vor.u32 v2, v31;
	v45 =	vor.u32 v2, v18;
	v18 =	vadd.s32 s26, v1;
	[tilespmem:v24+s17+$0x0] =	vst.idx.msk $0xffff, v35  }
0xca: {  	v51 =	vand.u32 $0xFF, v51;
	s26 =	sadd.s32 $0xC, s24;
	v35 =	vand.u32 $0xFF, v18;
	v24 =	vld.idx.msk [tilespmem:v32+s2+$0x0], $0xffff;
	v32 =	vadd.s32 s28, v1;
	[tilespmem:v13+s17+$0x0] =	vst.idx.msk $0xffff, v40  }
0xcb: {  	v40 =	vor.u32 v3, v35;
	v13 =	vand.u32 $0xFF, v32;
	v32 =	vand.u32 $0xFF, v54;
	[tilespmem:v8+s17+$0x0] =	vst.idx.msk $0xffff, v10  }
0xcc: {  	v52 =	vadd.s32 s30, v1;
	v8 =	vor.u32 v2, v13;
	v48 =	vor.u32 v3, v32;
	[tilespmem:v21+s17+$0x0] =	vst.idx.msk $0xffff, v20  }
0xcd: {  	v10 =	vadd.s32 s26, v1;
	v21 =	vand.u32 $0xFF, v49;
	v20 =	vand.u32 $0xFF, v37;
	v22 =	vld.idx.msk [tilespmem:v22+s2+$0x0], $0xffff;
	[tilespmem:v5+s17+$0x0] =	vst.idx.msk $0xffff, v14;
	v5 =	vmovc v8  }
0xce: {  	v37 =	vand.u32 $0xFF, v10;
	v49 =	vor.u32 v3, v20;
	v8 =	vand.u32 $0xFF, v43;
	[tilespmem:v4+s17+$0x0] =	vst.idx.msk $0xffff, v12;
	v4 =	vmovc v15  }
0xcf: {  	v43 =	vor.u32 v2, v20;
	v14 =	vor.u32 v3, v8;
	v18 =	vld.idx.msk [tilespmem:v11+s2+$0x0], $0xffff;
	[tilespmem:v17+s17+$0x0] =	vst.idx.msk $0xffff, v25  }
0xd0: {  	v20 =	vor.u32 v2, v35;
	v12 =	vand.u32 $0xFF, v41;
	v15 =	vand.u32 $0xFF, v44;
	v17 =	vld.idx.msk [tilespmem:v40+s2+$0x0], $0xffff;
	[tilespmem:v16+s17+$0x0] =	vst.idx.msk $0xffff, v39  }
0xd1: {  	v11 =	vor.u32 v2, v8;
	v10 =	vor.u32 v3, v15;
	v16 =	vand.u32 $0xFF, v52;
	[tilespmem:v47+s17+$0x0] =	vst.idx.msk $0xffff, v24  }
0xd2: {  	v35 =	vand.u32 $0xFF, v50;
	v8 =	vor.u32 v2, v15;
	v24 =	vor.u32 v3, v12  }
0xd3: {  	v41 =	vor.u32 v3, v21;
	v25 =	vor.u32 v3, v35;
	v39 =	vor.u32 v2, v12;
	v40 =	vld.idx.msk [tilespmem:v48+s2+$0x0], $0xffff  }
0xd4: {  	v32 =	vor.u32 v2, v32;
	v44 =	vor.u32 v3, v31;
	v12 =	vadd.s32 s25, v1;
	[tilespmem:v45+s17+$0x0] =	vst.idx.msk $0xffff, v22  }
0xd5: {  	v47 =	vand.u32 $0xFF, v12;
	v12 =	vor.u32 v3, v38;
	v45 =	vand.u32 $0xFF, v26;
	v15 =	vld.idx.msk [tilespmem:v14+s2+$0x0], $0xffff  }
0xd6: {  	v50 =	vor.u32 v3, v16;
	v38 =	vor.u32 v3, v45;
	v14 =	vor.u32 v3, v13;
	v22 =	vld.idx.msk [tilespmem:v42+s2+$0x0], $0xffff  }
0xd7: {  	s26 =	sadd.s32 $0x1D, s24;
	v31 =	vor.u32 v2, v34;
	v34 =	vor.u32 v3, v46;
	s25 =	sadd.s32 $0x1C, s24;
	v26 =	vor.u32 v3, v37;
	v24 =	vld.idx.msk [tilespmem:v24+s2+$0x0], $0xffff  }
0xd8: {  	v13 =	vor.u32 v2, v37;
	v42 =	vadd.s32 s26, v1;
	v46 =	vld.idx.msk [tilespmem:v49+s2+$0x0], $0xffff;
	[tilespmem:v20+s17+$0x0] =	vst.idx.msk $0xffff, v17;
	v17 =	vadd.s32 s25, v1;
	s25 =	sadd.s32 $0x1F, s24  }
0xd9: {  	v48 =	vor.u32 v3, v51;
	s24 =	sadd.s32 $0x6, s24;
	v49 =	vld.idx.msk [tilespmem:v25+s2+$0x0], $0xffff;
	[tilespmem:v32+s17+$0x0] =	vst.idx.msk $0xffff, v40;
	v17 =	vand.u32 $0xFF, v17;
	v25 =	vadd.s32 s25, v1  }
0xda: {  	v37 =	vor.u32 v2, v16;
	v20 =	vld.idx.msk [tilespmem:v44+s2+$0x0], $0xffff;
	v44 =	vadd.s32 s24, v1;
	v52 =	vand.u32 $0xFF, v25  }
0xdb: {  	v16 =	vor.u32 v3, v47;
	v53 =	vld.idx.msk [tilespmem:v38+s2+$0x0], $0xffff;
	v38 =	vand.u32 $0xFF, v42;
	v25 =	vor.u32 v3, v52  }
0xdc: {  	v54 =	vor.u32 v2, v35;
	v32 =	vor.u32 v2, v47;
	v55 =	vor.u32 v3, v17;
	v40 =	vld.idx.msk [tilespmem:v34+s2+$0x0], $0xffff  }
0xdd: {  	v45 =	vor.u32 v2, v45;
	v44 =	vand.u32 $0xFF, v44;
	v42 =	vand.u32 $0xFF, v28;
	[tilespmem:v39+s17+$0x0] =	vst.idx.msk $0xffff, v24;
	v56 =	vld.idx.msk [tilespmem:v41+s2+$0x0], $0xffff  }
0xde: {  	v57 =	vor.u32 v2, v21;
	v21 =	vand.u32 $0xFF, v23;
	v47 =	vor.u32 v3, v30;
	v34 =	vld.idx.msk [tilespmem:v48+s2+$0x0], $0xffff  }
0xdf: {  	v58 =	vor.u32 v3, v27;
	v35 =	vor.u32 v3, v21;
	v28 =	vor.u32 v2, v30;
	v41 =	vld.idx.msk [tilespmem:v29+s2+$0x0], $0xffff  }
0xe0: {  	v39 =	vor.u32 v2, v27;
	v24 =	vor.u32 v2, v21;
	v29 =	vor.u32 v2, v17;
	v30 =	vld.idx.msk [tilespmem:v16+s2+$0x0], $0xffff  }
.Ltmp2:
0xe1: {  	v48 =	vand.u32 $0xFF, v36;
	v36 =	vor.u32 v2, v51;
	v16 =	vor.u32 v2, v38;
	[tilespmem:v43+s17+$0x0] =	vst.idx.msk $0xffff, v46;
	(pc) =	sbr.rel @p0 .LBB2_7-.Ltmp2, $4  }
0xe2: {  	v21 =	vor.u32 v2, v44;
	v27 =	vor.u32 v3, v38;
	v17 =	vor.u32 v2, v52;
	v46 =	vld.idx.msk [tilespmem:v50+s2+$0x0], $0xffff  }
0xe3: {  	v23 =	vor.u32 v3, v48;
	v38 =	vor.u32 v3, v44;
	v43 =	vld.idx.msk [tilespmem:v47+s2+$0x0], $0xffff;
	[tilespmem:v54+s17+$0x0] =	vst.idx.msk $0xffff, v49  }
0xe4: {  	v49 =	vor.u32 v2, v33;
	v47 =	vor.u32 v3, v42;
	[tilespmem:v45+s17+$0x0] =	vst.idx.msk $0xffff, v53;
	v44 =	vld.idx.msk [tilespmem:v58+s2+$0x0], $0xffff  }
0xe5: {  	v19 =	vor.u32 v2, v19;
	v45 =	vor.u32 v3, v6;
	[tilespmem:v57+s17+$0x0] =	vst.idx.msk $0xffff, v56;
	v33 =	vld.idx.msk [tilespmem:v55+s2+$0x0], $0xffff  }
0xe6: {  	_ =	sdelay $0x3  }
0xe7: {  	[tilespmem:v31+s17+$0x0] =	vst.idx.msk $0xffff, v18  }
0xe8: {  	[tilespmem:v9+s17+$0x0] =	vst.idx.msk $0xffff, v40  }
0xe9: {  	[tilespmem:v49+s17+$0x0] =	vst.idx.msk $0xffff, v41  }
0xea: {  	[tilespmem:v19+s17+$0x0] =	vst.idx.msk $0xffff, v22  }
0xeb: {  	[tilespmem:v32+s17+$0x0] =	vst.idx.msk $0xffff, v30  }
0xec: {  	[tilespmem:v36+s17+$0x0] =	vst.idx.msk $0xffff, v34  }
0xed: {  	[tilespmem:v7+s17+$0x0] =	vst.idx.msk $0xffff, v20  }
0xee: {  	v3 =	vor.u32 v2, v42;
	v54 =	vld.idx.msk [tilespmem:v47+s2+$0x0], $0xffff;
	[tilespmem:v11+s17+$0x0] =	vst.idx.msk $0xffff, v15  }
0xef: {  	v55 =	vor.u32 v2, v48;
	v56 =	vld.idx.msk [tilespmem:v23+s2+$0x0], $0xffff;
	[tilespmem:v37+s17+$0x0] =	vst.idx.msk $0xffff, v46  }
0xf0: {  	v2 =	vor.u32 v2, v6;
	v57 =	vld.idx.msk [tilespmem:v45+s2+$0x0], $0xffff;
	[tilespmem:v28+s17+$0x0] =	vst.idx.msk $0xffff, v43  }
0xf1: {  	v58 =	vld.idx.msk [tilespmem:v35+s2+$0x0], $0xffff;
	[tilespmem:v39+s17+$0x0] =	vst.idx.msk $0xffff, v44  }
0xf2: {  	v59 =	vld.idx.msk [tilespmem:v26+s2+$0x0], $0xffff;
	[tilespmem:v29+s17+$0x0] =	vst.idx.msk $0xffff, v33  }
0xf3: {  	v60 =	vld.idx.msk [tilespmem:v38+s2+$0x0], $0xffff;
	[tilespmem:v3+s17+$0x0] =	vst.idx.msk $0xffff, v54  }
0xf4: {  	v61 =	vld.idx.msk [tilespmem:v14+s2+$0x0], $0xffff;
	[tilespmem:v55+s17+$0x0] =	vst.idx.msk $0xffff, v56  }
0xf5: {  	v62 =	vld.idx.msk [tilespmem:v25+s2+$0x0], $0xffff;
	[tilespmem:v2+s17+$0x0] =	vst.idx.msk $0xffff, v57  }
0xf6: {  	v63 =	vld.idx.msk [tilespmem:v27+s2+$0x0], $0xffff;
	[tilespmem:v24+s17+$0x0] =	vst.idx.msk $0xffff, v58  }
0xf7: {  	v3 =	vld.idx.msk [tilespmem:v10+s2+$0x0], $0xffff;
	[tilespmem:v13+s17+$0x0] =	vst.idx.msk $0xffff, v59  }
0xf8: {  	p0 =	slt.u32 s22, $0x70;
	v2 =	vld.idx.msk [tilespmem:v12+s2+$0x0], $0xffff;
	[tilespmem:v21+s17+$0x0] =	vst.idx.msk $0xffff, v60  }
.Ltmp3:
0xf9: {  	[tilespmem:v5+s17+$0x0] =	vst.idx.msk $0xffff, v61;
	(pc) =	sbr.rel @p0 .LBB2_6-.Ltmp3, $4  }
0xfa: {  	[tilespmem:v17+s17+$0x0] =	vst.idx.msk $0xffff, v62  }
0xfb: {  	[tilespmem:v16+s17+$0x0] =	vst.idx.msk $0xffff, v63  }
0xfc: {  	s23 =	sadd.s32 $0x10, s22;
	[tilespmem:v8+s17+$0x0] =	vst.idx.msk $0xffff, v3  }
0xfd: {  	s22 =	smov.u32 s23;
	[tilespmem:v4+s17+$0x0] =	vst.idx.msk $0xffff, v2  }
0xfe: {  	[hbm4b:s8+s2] =	stream.linear.scatter [tilespmem:s17], [sflag:$0x2], $0x8000, $0x38;
	[tilespmem:$0x11C00] =	vst v63  }
0xff: {  	s21 =	simm.s32 $0x1  }
.LBB2_10:
0x100: {  	s22 =	sshll.u32 s21, $0x8  }
0x101: {  	_ =	swait.ge [sflag:s18], $0x8000;
	s22 =	sand.u32 $0x3FFFFF00, s22  }
0x102: {  	[sflag:s18] =	ssyncset.done $0x0;
	s23 =	sadd.s32 $0x800, s22  }
0x103: {  	[sflag:s18] =	ssyncadd.s32 $0xFFFF8000;
	s22 =	simm.s32 $0x0;
	v2 =	vmov s23;
	s23 =	simm.s32 $0x0  }
.LBB2_11:
0x104: {  	v4 =	vmov s23  }
0x105: {  	v6 =	vadd.s32 s22, v1;
	s25 =	simm.s32 $0x2;
	s26 =	simm.s32 $0x4;
	v5 =	vshll.u32 v4, $0x8  }
0x106: {  	s0 =	simm.s32 $0x5;
	s1 =	simm.s32 $0x8;
	s28 =	simm.s32 $0x7;
	v13 =	vand.u32 $0xFF, v6;
	v6 =	vadd.s32 s25, v1;
	v8 =	vadd.s32 s26, v1  }
0x107: {  	s29 =	simm.s32 $0x11;
	s30 =	simm.s32 $0xA;
	s31 =	simm.s32 $0xB;
	v9 =	vadd.s32 s0, v1;
	v14 =	vadd.s32 s28, v1;
	v7 =	vadd.s32 s1, v1  }
0x108: {  	v17 =	vadd.s32 s29, v1;
	v11 =	vadd.s32 s30, v1;
	s0 =	simm.s32 $0xD;
	v10 =	vadd.s32 s31, v1;
	s1 =	simm.s32 $0xE  }
0x109: {  	s26 =	simm.s32 $0x10;
	s28 =	simm.s32 $0x1E;
	v6 =	vand.u32 $0xFF, v6;
	v12 =	vadd.s32 s0, v1;
	v16 =	vadd.s32 s1, v1  }
0x10a: {  	s30 =	simm.s32 $0x13;
	v20 =	vand.u32 $0xFF, v7;
	v18 =	vadd.s32 s26, v1;
	v22 =	vadd.s32 s28, v1  }
0x10b: {  	s31 =	simm.s32 $0x14;
	s25 =	simm.s32 $0x17;
	v24 =	vand.u32 $0xFF, v8;
	v25 =	vand.u32 $0xFF, v9;
	v9 =	vadd.s32 s30, v1  }
0x10c: {  	v23 =	vadd.s32 s31, v1;
	v29 =	vadd.s32 s25, v1;
	v30 =	vand.u32 $0xFF, v10  }
0x10d: {  	s0 =	simm.s32 $0x15;
	s26 =	simm.s32 $0x19;
	s28 =	simm.s32 $0x1A;
	v47 =	vand.u32 $0xFF, v11;
	v62 =	vand.u32 $0xFF, v14;
	v17 =	vand.u32 $0xFF, v17  }
0x10e: {  	v3 =	vld.idx.msk [tilespmem:v2+s23+$0x0 ss:$0x1], $0xffff;
	s30 =	simm.s32 $0x9;
	s31 =	simm.s32 $0x1B;
	v27 =	vadd.s32 s0, v1;
	v8 =	vadd.s32 s26, v1;
	v31 =	vadd.s32 s28, v1  }
0x10f: {  	v33 =	vadd.s32 s31, v1;
	v35 =	vadd.s32 s30, v1;
	v29 =	vand.u32 $0xFF, v29  }
0x110: {  	v42 =	vand.u32 $0xFF, v12;
	v9 =	vand.u32 $0xFF, v9;
	v12 =	vand.u32 $0xFF, v23  }
0x111: {  	s0 =	simm.s32 $0x18;
	s30 =	simm.s32 $0x1F;
	v34 =	vand.u32 $0xFF, v8;
	v31 =	vand.u32 $0xFF, v31;
	v33 =	vand.u32 $0xFF, v33  }
0x112: {  	s24 =	simm.s32 $0x1;
	v35 =	vand.u32 $0xFF, v35;
	v40 =	vadd.s32 s0, v1;
	v63 =	vadd.s32 s30, v1  }
0x113: {  	v4 =	vshll.u32 v3, $0x8;
	v3 =	vor.u32 v0, v5;
	v5 =	vadd.s32 s24, v1  }
0x114: {  	s29 =	simm.s32 $0x12;
	v40 =	vand.u32 $0xFF, v40;
	v15 =	vor.u32 v3, v6;
	v7 =	vand.u32 $0xFF, v5  }
0x115: {  	s1 =	simm.s32 $0x16;
	v21 =	vor.u32 v4, v20;
	v19 =	vor.u32 v4, v6;
	v5 =	vadd.s32 s29, v1  }
0x116: {  	v6 =	vadd.s32 s1, v1;
	v28 =	vor.u32 v4, v25;
	v10 =	vor.u32 v3, v30  }
0x117: {  	v39 =	vor.u32 v4, v34;
	v32 =	vor.u32 v4, v31;
	v8 =	vor.u32 v3, v13  }
0x118: {  	v31 =	vor.u32 v3, v31;
	v36 =	vor.u32 v4, v33;
	v38 =	vor.u32 v4, v29  }
0x119: {  	v43 =	vor.u32 v4, v9;
	v45 =	vor.u32 v3, v9;
	v23 =	vor.u32 v4, v12  }
0x11a: {  	v9 =	vand.u32 $0xFF, v27;
	v33 =	vor.u32 v3, v33;
	v12 =	vor.u32 v3, v12  }
0x11b: {  	s26 =	simm.s32 $0xF;
	v27 =	vor.u32 v4, v47;
	v47 =	vor.u32 v3, v47;
	v49 =	vor.u32 v4, v42;
	v46 =	vld.idx.msk [tilespmem:v19+s2+$0x0], $0xffff  }
0x11c: {  	v51 =	vor.u32 v4, v13;
	v13 =	vadd.s32 s26, v1;
	v29 =	vor.u32 v3, v29;
	v48 =	vld.idx.msk [tilespmem:v32+s2+$0x0], $0xffff  }
0x11d: {  	v53 =	vor.u32 v4, v40;
	v30 =	vor.u32 v4, v30;
	v60 =	vor.u32 v4, v24;
	v19 =	vld.idx.msk [tilespmem:v28+s2+$0x0], $0xffff  }
0x11e: {  	s29 =	simm.s32 $0x3;
	v61 =	vor.u32 v3, v42;
	v20 =	vor.u32 v3, v20;
	v26 =	vand.u32 $0xFF, v5;
	v36 =	vld.idx.msk [tilespmem:v36+s2+$0x0], $0xffff  }
0x11f: {  	s1 =	simm.s32 $0xC;
	v37 =	vadd.s32 s29, v1;
	v44 =	vand.u32 $0xFF, v6;
	v6 =	vor.u32 v3, v35;
	v38 =	vld.idx.msk [tilespmem:v38+s2+$0x0], $0xffff  }
0x120: {  	v41 =	vadd.s32 s1, v1;
	v52 =	vand.u32 $0xFF, v13;
	v28 =	vand.u32 $0xFF, v16;
	v16 =	vld.idx.msk [tilespmem:v23+s2+$0x0], $0xffff  }
0x121: {  	v5 =	vor.u32 v3, v26;
	v13 =	vor.u32 v4, v26;
	v26 =	vor.u32 v4, v62;
	v23 =	vld.idx.msk [tilespmem:v21+s2+$0x0], $0xffff  }
0x122: {  	v11 =	vor.u32 v4, v9;
	v41 =	vand.u32 $0xFF, v41;
	v32 =	vor.u32 v3, v25;
	v25 =	vld.idx.msk [tilespmem:v27+s2+$0x0], $0xffff  }
0x123: {  	s28 =	simm.s32 $0x1C;
	v9 =	vor.u32 v3, v9;
	v14 =	vor.u32 v3, v41;
	v27 =	vor.u32 v4, v41;
	v41 =	vld.idx.msk [tilespmem:v30+s2+$0x0], $0xffff  }
0x124: {  	v21 =	vadd.s32 s28, v1;
	v59 =	vld.idx.msk [tilespmem:v49+s2+$0x0], $0xffff;
	v49 =	vand.u32 $0xFF, v37;
	v37 =	vor.u32 v3, v44  }
0x125: {  	v50 =	vor.u32 v4, v28;
	v54 =	vand.u32 $0xFF, v21;
	v21 =	vld.idx.msk [tilespmem:v51+s2+$0x0], $0xffff;
	v51 =	vand.u32 $0xFF, v63  }
0x126: {  	v57 =	vor.u32 v3, v28;
	v55 =	vld.idx.msk [tilespmem:v26+s2+$0x0], $0xffff;
	v26 =	vor.u32 v4, v51;
	[tilespmem:v15+s16+$0x0] =	vst.idx.msk $0xffff, v46  }
0x127: {  	s29 =	simm.s32 $0x1D;
	v42 =	vld.idx.msk [tilespmem:v39+s2+$0x0], $0xffff;
	v30 =	vor.u32 v3, v54;
	v15 =	vor.u32 v4, v35;
	[tilespmem:v31+s16+$0x0] =	vst.idx.msk $0xffff, v48  }
0x128: {  	v18 =	vand.u32 $0xFF, v18;
	s31 =	simm.s32 $0x6;
	v48 =	vld.idx.msk [tilespmem:v43+s2+$0x0], $0xffff;
	v31 =	vadd.s32 s29, v1;
	[tilespmem:v33+s16+$0x0] =	vst.idx.msk $0xffff, v36;
	v35 =	vor.u32 v4, v44  }
0x129: {  	[tilespmem:v29+s16+$0x0] =	vst.idx.msk $0xffff, v38;
	v29 =	vadd.s32 s31, v1;
	v38 =	vor.u32 v3, v40;
	v40 =	vor.u32 v4, v52  }
0x12a: {  	v33 =	vor.u32 v3, v52;
	v52 =	vor.u32 v4, v54;
	[tilespmem:v47+s16+$0x0] =	vst.idx.msk $0xffff, v25;
	v47 =	vld.idx.msk [tilespmem:v53+s2+$0x0], $0xffff  }
0x12b: {  	v46 =	vor.u32 v3, v62;
	v43 =	vand.u32 $0xFF, v22;
	v62 =	vor.u32 v4, v18;
	v44 =	vld.idx.msk [tilespmem:v60+s2+$0x0], $0xffff  }
0x12c: {  	v36 =	vor.u32 v4, v17;
	v25 =	vor.u32 v3, v17;
	v50 =	vld.idx.msk [tilespmem:v50+s2+$0x0], $0xffff;
	v56 =	vand.u32 $0xFF, v31  }
0x12d: {  	[tilespmem:v61+s16+$0x0] =	vst.idx.msk $0xffff, v59;
	v58 =	vand.u32 $0xFF, v29;
	v29 =	vor.u32 v3, v24;
	v24 =	vor.u32 v4, v49  }
0x12e: {  	v17 =	vor.u32 v3, v56;
	v22 =	vor.u32 v3, v58;
	v28 =	vor.u32 v4, v56;
	v35 =	vld.idx.msk [tilespmem:v35+s2+$0x0], $0xffff  }
0x12f: {  	v39 =	vor.u32 v4, v58;
	v31 =	vld.idx.msk [tilespmem:v40+s2+$0x0], $0xffff;
	v40 =	vor.u32 v3, v18;
	[tilespmem:v45+s16+$0x0] =	vst.idx.msk $0xffff, v48  }
0x130: {  	v18 =	vor.u32 v3, v51;
	[tilespmem:v46+s16+$0x0] =	vst.idx.msk $0xffff, v55;
	v45 =	vld.idx.msk [tilespmem:v62+s2+$0x0], $0xffff;
	v48 =	vor.u32 v4, v43  }
0x131: {  	s24 =	simm.s32 $0x20;
	v46 =	vor.u32 v4, v7;
	[tilespmem:v57+s16+$0x0] =	vst.idx.msk $0xffff, v50;
	v50 =	vor.u32 v3, v34;
	v34 =	vld.idx.msk [tilespmem:v52+s2+$0x0], $0xffff  }
.LBB2_12:
0x132: {  	s26 =	sadd.s32 $0x1, s24  }
0x133: {  	v51 =	vadd.s32 s24, v1;
	s29 =	sadd.s32 $0x2, s24;
	s28 =	sadd.s32 $0x3, s24;
	v49 =	vor.u32 v3, v49;
	[tilespmem:v32+s16+$0x0] =	vst.idx.msk $0xffff, v19;
	v19 =	vor.u32 v3, v43;
	s25 =	smov.u32 s24  }
0x134: {  	s30 =	sadd.s32 $0x8, s24;
	v32 =	vand.u32 $0xFF, v51;
	v43 =	vadd.s32 s26, v1;
	v51 =	vadd.s32 s29, v1;
	s26 =	sadd.s32 $0x4, s24;
	s29 =	sadd.s32 $0x5, s24;
	[tilespmem:v10+s16+$0x0] =	vst.idx.msk $0xffff, v41;
	v41 =	vld.idx.msk [tilespmem:v27+s2+$0x0], $0xffff  }
0x135: {  	s31 =	sadd.s32 $0x11, s24;
	v53 =	vor.u32 v3, v7;
	v10 =	vadd.s32 s26, v1;
	v52 =	vadd.s32 s29, v1;
	s26 =	sadd.s32 $0x7, s24;
	s29 =	sadd.s32 $0x9, s24;
	v54 =	vld.idx.msk [tilespmem:v24+s2+$0x0], $0xffff;
	[tilespmem:v38+s16+$0x0] =	vst.idx.msk $0xffff, v47  }
0x136: {  	v7 =	vadd.s32 s30, v1;
	s30 =	sadd.s32 $0xB, s24;
	v24 =	vadd.s32 s31, v1;
	s31 =	sadd.s32 $0x1E, s24;
	v27 =	vadd.s32 s26, v1;
	s26 =	sadd.s32 $0xA, s24;
	[tilespmem:v50+s16+$0x0] =	vst.idx.msk $0xffff, v42  }
0x137: {  	s0 =	sadd.s32 $0xE, s24;
	v38 =	vand.u32 $0xFF, v51;
	v47 =	vadd.s32 s30, v1;
	s30 =	sadd.s32 $0xD, s24;
	v42 =	vadd.s32 s26, v1;
	s26 =	sadd.s32 $0xF, s24;
	[tilespmem:v20+s16+$0x0] =	vst.idx.msk $0xffff, v23;
	v23 =	vld.idx.msk [tilespmem:v48+s2+$0x0], $0xffff  }
0x138: {  	p0 =	slt.u32 s24, $0xE0;
	v51 =	vadd.s32 s0, v1;
	s0 =	sadd.s32 $0x10, s25;
	v50 =	vadd.s32 s30, v1;
	v48 =	vor.u32 v3, v38;
	s24 =	sadd.s32 $0x20, s24;
	v46 =	vld.idx.msk [tilespmem:v46+s2+$0x0], $0xffff;
	[tilespmem:v29+s16+$0x0] =	vst.idx.msk $0xffff, v44  }
0x139: {  	v20 =	vand.u32 $0xFF, v7;
	v44 =	vadd.s32 s0, v1;
	v29 =	vadd.s32 s31, v1;
	[tilespmem:v40+s16+$0x0] =	vst.idx.msk $0xffff, v45;
	v40 =	vld.idx.msk [tilespmem:v28+s2+$0x0], $0xffff  }
0x13a: {  	v7 =	vand.u32 $0xFF, v43;
	v43 =	vor.u32 v4, v20;
	s0 =	sadd.s32 $0x12, s25;
	v28 =	vand.u32 $0xFF, v44;
	[tilespmem:v33+s16+$0x0] =	vst.idx.msk $0xffff, v31;
	v26 =	vld.idx.msk [tilespmem:v26+s2+$0x0], $0xffff  }
0x13b: {  	s30 =	sadd.s32 $0x14, s25;
	v33 =	vor.u32 v4, v38;
	v31 =	vand.u32 $0xFF, v10;
	v10 =	vadd.s32 s0, v1;
	s0 =	sadd.s32 $0x13, s25;
	v36 =	vld.idx.msk [tilespmem:v36+s2+$0x0], $0xffff;
	[tilespmem:v37+s16+$0x0] =	vst.idx.msk $0xffff, v35  }
0x13c: {  	v44 =	vadd.s32 s30, v1;
	s30 =	sadd.s32 $0x16, s25;
	v35 =	vand.u32 $0xFF, v52;
	v38 =	vadd.s32 s0, v1;
	s0 =	sadd.s32 $0x15, s25;
	[tilespmem:v8+s16+$0x0] =	vst.idx.msk $0xffff, v21;
	v21 =	vld.idx.msk [tilespmem:v39+s2+$0x0], $0xffff  }
0x13d: {  	v52 =	vadd.s32 s30, v1;
	s30 =	sadd.s32 $0x18, s25;
	v39 =	vand.u32 $0xFF, v10;
	v45 =	vadd.s32 s0, v1;
	s0 =	sadd.s32 $0x17, s25;
	[tilespmem:v12+s16+$0x0] =	vst.idx.msk $0xffff, v16;
	v11 =	vld.idx.msk [tilespmem:v11+s2+$0x0], $0xffff  }
0x13e: {  	s31 =	sadd.s32 $0x1A, s25;
	v12 =	vor.u32 v4, v35;
	v16 =	vor.u32 v3, v39;
	v55 =	vadd.s32 s0, v1;
	s0 =	sadd.s32 $0x19, s25;
	[tilespmem:v19+s16+$0x0] =	vst.idx.msk $0xffff, v23  }
0x13f: {  	v47 =	vand.u32 $0xFF, v47;
	v8 =	vadd.s32 s0, v1;
	v19 =	vadd.s32 s31, v1;
	v15 =	vld.idx.msk [tilespmem:v15+s2+$0x0], $0xffff;
	[tilespmem:v30+s16+$0x0] =	vst.idx.msk $0xffff, v34  }
0x140: {  	v10 =	vor.u32 v3, v47;
	v34 =	vand.u32 $0xFF, v8;
	v19 =	vand.u32 $0xFF, v19;
	[tilespmem:v49+s16+$0x0] =	vst.idx.msk $0xffff, v54;
	v13 =	vld.idx.msk [tilespmem:v13+s2+$0x0], $0xffff  }
0x141: {  	v37 =	vadd.s32 s28, v1;
	s0 =	sadd.s32 $0x1B, s25;
	v30 =	vor.u32 v4, v34;
	v23 =	vor.u32 v4, v19;
	[tilespmem:v53+s16+$0x0] =	vst.idx.msk $0xffff, v46  }
0x142: {  	v8 =	vor.u32 v3, v32;
	v46 =	vor.u32 v3, v19;
	v19 =	vadd.s32 s0, v1;
	[tilespmem:v25+s16+$0x0] =	vst.idx.msk $0xffff, v36  }
0x143: {  	v52 =	vand.u32 $0xFF, v52;
	s0 =	sadd.s32 $0xC, s25;
	v36 =	vand.u32 $0xFF, v19;
	v25 =	vld.idx.msk [tilespmem:v33+s2+$0x0], $0xffff;
	v33 =	vadd.s32 s29, v1;
	[tilespmem:v14+s16+$0x0] =	vst.idx.msk $0xffff, v41  }
0x144: {  	v41 =	vor.u32 v4, v36;
	v14 =	vand.u32 $0xFF, v33;
	v33 =	vand.u32 $0xFF, v55;
	[tilespmem:v9+s16+$0x0] =	vst.idx.msk $0xffff, v11  }
0x145: {  	v53 =	vadd.s32 s30, v1;
	v9 =	vor.u32 v3, v14;
	v49 =	vor.u32 v4, v33;
	[tilespmem:v22+s16+$0x0] =	vst.idx.msk $0xffff, v21  }
0x146: {  	v11 =	vadd.s32 s0, v1;
	v22 =	vand.u32 $0xFF, v50;
	v21 =	vand.u32 $0xFF, v38;
	v23 =	vld.idx.msk [tilespmem:v23+s2+$0x0], $0xffff;
	[tilespmem:v6+s16+$0x0] =	vst.idx.msk $0xffff, v15;
	v6 =	vmovc v9  }
0x147: {  	v38 =	vand.u32 $0xFF, v11;
	v50 =	vor.u32 v4, v21;
	v9 =	vand.u32 $0xFF, v44;
	[tilespmem:v5+s16+$0x0] =	vst.idx.msk $0xffff, v13;
	v5 =	vmovc v16  }
0x148: {  	v44 =	vor.u32 v3, v21;
	v15 =	vor.u32 v4, v9;
	v19 =	vld.idx.msk [tilespmem:v12+s2+$0x0], $0xffff;
	[tilespmem:v18+s16+$0x0] =	vst.idx.msk $0xffff, v26  }
0x149: {  	v21 =	vor.u32 v3, v36;
	v13 =	vand.u32 $0xFF, v42;
	v16 =	vand.u32 $0xFF, v45;
	v18 =	vld.idx.msk [tilespmem:v41+s2+$0x0], $0xffff;
	[tilespmem:v17+s16+$0x0] =	vst.idx.msk $0xffff, v40  }
0x14a: {  	v12 =	vor.u32 v3, v9;
	v11 =	vor.u32 v4, v16;
	v17 =	vand.u32 $0xFF, v53;
	[tilespmem:v48+s16+$0x0] =	vst.idx.msk $0xffff, v25  }
0x14b: {  	v36 =	vand.u32 $0xFF, v51;
	v9 =	vor.u32 v3, v16;
	v25 =	vor.u32 v4, v13  }
0x14c: {  	v42 =	vor.u32 v4, v22;
	v26 =	vor.u32 v4, v36;
	v40 =	vor.u32 v3, v13;
	v41 =	vld.idx.msk [tilespmem:v49+s2+$0x0], $0xffff  }
0x14d: {  	v33 =	vor.u32 v3, v33;
	v45 =	vor.u32 v4, v32;
	v13 =	vadd.s32 s26, v1;
	[tilespmem:v46+s16+$0x0] =	vst.idx.msk $0xffff, v23  }
0x14e: {  	v48 =	vand.u32 $0xFF, v13;
	v13 =	vor.u32 v4, v39;
	v46 =	vand.u32 $0xFF, v27;
	v16 =	vld.idx.msk [tilespmem:v15+s2+$0x0], $0xffff  }
0x14f: {  	v51 =	vor.u32 v4, v17;
	v39 =	vor.u32 v4, v46;
	v15 =	vor.u32 v4, v14;
	v23 =	vld.idx.msk [tilespmem:v43+s2+$0x0], $0xffff  }
0x150: {  	s0 =	sadd.s32 $0x1C, s25;
	v32 =	vor.u32 v3, v35;
	v35 =	vor.u32 v4, v47;
	s26 =	sadd.s32 $0x1D, s25;
	v27 =	vor.u32 v4, v38;
	v25 =	vld.idx.msk [tilespmem:v25+s2+$0x0], $0xffff  }
0x151: {  	v14 =	vor.u32 v3, v38;
	v43 =	vadd.s32 s26, v1;
	v47 =	vld.idx.msk [tilespmem:v50+s2+$0x0], $0xffff;
	[tilespmem:v21+s16+$0x0] =	vst.idx.msk $0xffff, v18;
	v18 =	vadd.s32 s0, v1;
	s0 =	sadd.s32 $0x1F, s25  }
0x152: {  	v49 =	vor.u32 v4, v52;
	s25 =	sadd.s32 $0x6, s25;
	v50 =	vld.idx.msk [tilespmem:v26+s2+$0x0], $0xffff;
	[tilespmem:v33+s16+$0x0] =	vst.idx.msk $0xffff, v41;
	v18 =	vand.u32 $0xFF, v18;
	v26 =	vadd.s32 s0, v1  }
0x153: {  	v38 =	vor.u32 v3, v17;
	v21 =	vld.idx.msk [tilespmem:v45+s2+$0x0], $0xffff;
	v45 =	vadd.s32 s25, v1;
	v53 =	vand.u32 $0xFF, v26  }
0x154: {  	v17 =	vor.u32 v4, v48;
	v54 =	vld.idx.msk [tilespmem:v39+s2+$0x0], $0xffff;
	v39 =	vand.u32 $0xFF, v43;
	v26 =	vor.u32 v4, v53  }
0x155: {  	v55 =	vor.u32 v3, v36;
	v33 =	vor.u32 v3, v48;
	v56 =	vor.u32 v4, v18;
	v41 =	vld.idx.msk [tilespmem:v35+s2+$0x0], $0xffff  }
0x156: {  	v46 =	vor.u32 v3, v46;
	v45 =	vand.u32 $0xFF, v45;
	v43 =	vand.u32 $0xFF, v29;
	[tilespmem:v40+s16+$0x0] =	vst.idx.msk $0xffff, v25;
	v57 =	vld.idx.msk [tilespmem:v42+s2+$0x0], $0xffff  }
0x157: {  	v58 =	vor.u32 v3, v22;
	v22 =	vand.u32 $0xFF, v24;
	v48 =	vor.u32 v4, v31;
	v35 =	vld.idx.msk [tilespmem:v49+s2+$0x0], $0xffff  }
0x158: {  	v59 =	vor.u32 v4, v28;
	v36 =	vor.u32 v4, v22;
	v29 =	vor.u32 v3, v31;
	v42 =	vld.idx.msk [tilespmem:v30+s2+$0x0], $0xffff  }
0x159: {  	v40 =	vor.u32 v3, v28;
	v25 =	vor.u32 v3, v22;
	v30 =	vor.u32 v3, v18;
	v31 =	vld.idx.msk [tilespmem:v17+s2+$0x0], $0xffff  }
.Ltmp4:
0x15a: {  	v49 =	vand.u32 $0xFF, v37;
	v37 =	vor.u32 v3, v52;
	v17 =	vor.u32 v3, v39;
	[tilespmem:v44+s16+$0x0] =	vst.idx.msk $0xffff, v47;
	(pc) =	sbr.rel @p0 .LBB2_12-.Ltmp4, $4  }
0x15b: {  	v22 =	vor.u32 v3, v45;
	v28 =	vor.u32 v4, v39;
	v18 =	vor.u32 v3, v53;
	v47 =	vld.idx.msk [tilespmem:v51+s2+$0x0], $0xffff  }
0x15c: {  	v24 =	vor.u32 v4, v49;
	v39 =	vor.u32 v4, v45;
	v44 =	vld.idx.msk [tilespmem:v48+s2+$0x0], $0xffff;
	[tilespmem:v55+s16+$0x0] =	vst.idx.msk $0xffff, v50  }
0x15d: {  	v50 =	vor.u32 v3, v34;
	v48 =	vor.u32 v4, v43;
	[tilespmem:v46+s16+$0x0] =	vst.idx.msk $0xffff, v54;
	v45 =	vld.idx.msk [tilespmem:v59+s2+$0x0], $0xffff  }
0x15e: {  	v20 =	vor.u32 v3, v20;
	v46 =	vor.u32 v4, v7;
	[tilespmem:v58+s16+$0x0] =	vst.idx.msk $0xffff, v57;
	v34 =	vld.idx.msk [tilespmem:v56+s2+$0x0], $0xffff  }
0x15f: {  	_ =	sdelay $0x3  }
0x160: {  	[tilespmem:v32+s16+$0x0] =	vst.idx.msk $0xffff, v19  }
0x161: {  	[tilespmem:v10+s16+$0x0] =	vst.idx.msk $0xffff, v41  }
0x162: {  	[tilespmem:v50+s16+$0x0] =	vst.idx.msk $0xffff, v42  }
0x163: {  	[tilespmem:v20+s16+$0x0] =	vst.idx.msk $0xffff, v23  }
0x164: {  	[tilespmem:v33+s16+$0x0] =	vst.idx.msk $0xffff, v31  }
0x165: {  	[tilespmem:v37+s16+$0x0] =	vst.idx.msk $0xffff, v35  }
0x166: {  	[tilespmem:v8+s16+$0x0] =	vst.idx.msk $0xffff, v21  }
0x167: {  	v4 =	vor.u32 v3, v43;
	v53 =	vld.idx.msk [tilespmem:v48+s2+$0x0], $0xffff;
	[tilespmem:v12+s16+$0x0] =	vst.idx.msk $0xffff, v16  }
0x168: {  	v54 =	vor.u32 v3, v49;
	v55 =	vld.idx.msk [tilespmem:v24+s2+$0x0], $0xffff;
	[tilespmem:v38+s16+$0x0] =	vst.idx.msk $0xffff, v47  }
0x169: {  	v3 =	vor.u32 v3, v7;
	v56 =	vld.idx.msk [tilespmem:v46+s2+$0x0], $0xffff;
	[tilespmem:v29+s16+$0x0] =	vst.idx.msk $0xffff, v44  }
0x16a: {  	v57 =	vld.idx.msk [tilespmem:v36+s2+$0x0], $0xffff;
	[tilespmem:v40+s16+$0x0] =	vst.idx.msk $0xffff, v45  }
0x16b: {  	v58 =	vld.idx.msk [tilespmem:v27+s2+$0x0], $0xffff;
	[tilespmem:v30+s16+$0x0] =	vst.idx.msk $0xffff, v34  }
0x16c: {  	v59 =	vld.idx.msk [tilespmem:v11+s2+$0x0], $0xffff;
	[tilespmem:v4+s16+$0x0] =	vst.idx.msk $0xffff, v53  }
0x16d: {  	v60 =	vld.idx.msk [tilespmem:v39+s2+$0x0], $0xffff;
	[tilespmem:v54+s16+$0x0] =	vst.idx.msk $0xffff, v55  }
0x16e: {  	v61 =	vld.idx.msk [tilespmem:v15+s2+$0x0], $0xffff;
	[tilespmem:v3+s16+$0x0] =	vst.idx.msk $0xffff, v56  }
0x16f: {  	v62 =	vld.idx.msk [tilespmem:v26+s2+$0x0], $0xffff;
	[tilespmem:v25+s16+$0x0] =	vst.idx.msk $0xffff, v57  }
0x170: {  	v63 =	vld.idx.msk [tilespmem:v28+s2+$0x0], $0xffff;
	[tilespmem:v14+s16+$0x0] =	vst.idx.msk $0xffff, v58  }
0x171: {  	p0 =	slt.u32 s23, $0x70;
	v3 =	vld.idx.msk [tilespmem:v13+s2+$0x0], $0xffff;
	[tilespmem:v9+s16+$0x0] =	vst.idx.msk $0xffff, v59  }
.Ltmp5:
0x172: {  	[tilespmem:v22+s16+$0x0] =	vst.idx.msk $0xffff, v60;
	(pc) =	sbr.rel @p0 .LBB2_11-.Ltmp5, $4  }
0x173: {  	[tilespmem:v6+s16+$0x0] =	vst.idx.msk $0xffff, v61  }
0x174: {  	[tilespmem:v18+s16+$0x0] =	vst.idx.msk $0xffff, v62  }
0x175: {  	s0 =	sadd.s32 $0x10, s23;
	[tilespmem:v17+s16+$0x0] =	vst.idx.msk $0xffff, v63  }
0x176: {  	s23 =	smov.u32 s0;
	[tilespmem:v5+s16+$0x0] =	vst.idx.msk $0xffff, v3  }
0x177: {  	s0 =	sshll.u32 s21, $0x10  }
0x178: {  	s0 =	sadd.s32 s3, s0  }
0x179: {  	s23 =	sshllo.u32 s21, $0x1;
	s0 =	sshrl.u32 s0, $0x3  }
0x17a: {  	s22 =	simm.s32 $0x0;
	s31 =	sshll.u32 s23, $0x7;
	s0 =	sadd.s32 s5, s0  }
0x17b: {  	[hbm4b:s0+s22] =	stream.linear.scatter [tilespmem:s16], [sflag:$0x1], $0x8000, $0x38;
	[tilespmem:$0x11C00] =	vst v63  }
0x17c: {  	s0 =	sand.u32 $0x3FFFFF80, s31;
	_ =	swait.ge [sflag:s19], $0x8000  }
0x17d: {  	s0 =	sadd.s32 $0x800, s0;
	[sflag:s19] =	ssyncset.done $0x0  }
0x17e: {  	s24 =	simm.s32 $0x0;
	v2 =	vmov s0;
	[sflag:s19] =	ssyncadd.s32 $0xFFFF8000  }
.LBB2_15:
0x17f: {  	v4 =	vmov s24;
	v6 =	vadd.s32 s22, v1;
	s25 =	simm.s32 $0x2  }
0x180: {  	s26 =	simm.s32 $0x4;
	s29 =	simm.s32 $0x5;
	s31 =	simm.s32 $0x7;
	v5 =	vshll.u32 v4, $0x8;
	v13 =	vand.u32 $0xFF, v6;
	v6 =	vadd.s32 s25, v1  }
0x181: {  	s30 =	simm.s32 $0x8;
	s1 =	simm.s32 $0x11;
	s28 =	simm.s32 $0xB;
	v8 =	vadd.s32 s26, v1;
	v9 =	vadd.s32 s29, v1;
	v14 =	vadd.s32 s31, v1  }
0x182: {  	v7 =	vadd.s32 s30, v1;
	s26 =	simm.s32 $0xA;
	v17 =	vadd.s32 s1, v1;
	s29 =	simm.s32 $0xD;
	v10 =	vadd.s32 s28, v1  }
0x183: {  	s30 =	simm.s32 $0xE;
	s31 =	simm.s32 $0x10;
	v6 =	vand.u32 $0xFF, v6;
	v11 =	vadd.s32 s26, v1;
	v12 =	vadd.s32 s29, v1  }
0x184: {  	s1 =	simm.s32 $0x1E;
	v16 =	vadd.s32 s30, v1;
	v20 =	vand.u32 $0xFF, v7;
	v18 =	vadd.s32 s31, v1  }
0x185: {  	s28 =	simm.s32 $0x14;
	v22 =	vadd.s32 s1, v1;
	v24 =	vand.u32 $0xFF, v8;
	v25 =	vand.u32 $0xFF, v9  }
0x186: {  	s26 =	simm.s32 $0x13;
	s29 =	simm.s32 $0x15;
	v23 =	vadd.s32 s28, v1;
	v30 =	vand.u32 $0xFF, v10;
	v62 =	vand.u32 $0xFF, v14  }
0x187: {  	v3 =	vld.idx.msk [tilespmem:v2+s24+$0x0 ss:$0x1], $0xffff;
	s31 =	simm.s32 $0x17;
	s1 =	simm.s32 $0x19;
	s28 =	simm.s32 $0x3;
	v17 =	vand.u32 $0xFF, v17;
	v9 =	vadd.s32 s26, v1;
	v27 =	vadd.s32 s29, v1  }
0x188: {  	v29 =	vadd.s32 s31, v1;
	v8 =	vadd.s32 s1, v1;
	v37 =	vadd.s32 s28, v1  }
0x189: {  	s26 =	simm.s32 $0x1A;
	s29 =	simm.s32 $0x9;
	v42 =	vand.u32 $0xFF, v12;
	v12 =	vand.u32 $0xFF, v23;
	v47 =	vand.u32 $0xFF, v11  }
0x18a: {  	s31 =	simm.s32 $0x18;
	s1 =	simm.s32 $0xC;
	v31 =	vadd.s32 s26, v1;
	v34 =	vand.u32 $0xFF, v8;
	v35 =	vadd.s32 s29, v1  }
0x18b: {  	v29 =	vand.u32 $0xFF, v29;
	v40 =	vadd.s32 s31, v1;
	v41 =	vadd.s32 s1, v1  }
0x18c: {  	s0 =	simm.s32 $0x1;
	v9 =	vand.u32 $0xFF, v9;
	v4 =	vshll.u32 v3, $0x8;
	v3 =	vor.u32 v0, v5  }
0x18d: {  	v5 =	vadd.s32 s0, v1;
	v31 =	vand.u32 $0xFF, v31;
	v35 =	vand.u32 $0xFF, v35  }
0x18e: {  	v41 =	vand.u32 $0xFF, v41;
	v40 =	vand.u32 $0xFF, v40;
	v15 =	vor.u32 v3, v6  }
0x18f: {  	s25 =	simm.s32 $0x12;
	s30 =	simm.s32 $0x16;
	v7 =	vand.u32 $0xFF, v5;
	v21 =	vor.u32 v4, v20;
	v19 =	vor.u32 v4, v6  }
0x190: {  	v5 =	vadd.s32 s25, v1;
	v6 =	vadd.s32 s30, v1;
	v28 =	vor.u32 v4, v25  }
0x191: {  	v10 =	vor.u32 v3, v30;
	v39 =	vor.u32 v4, v34;
	v32 =	vor.u32 v4, v31  }
0x192: {  	v8 =	vor.u32 v3, v13;
	v31 =	vor.u32 v3, v31;
	v38 =	vor.u32 v4, v29  }
0x193: {  	v43 =	vor.u32 v4, v9;
	v45 =	vor.u32 v3, v9;
	v23 =	vor.u32 v4, v12  }
0x194: {  	v9 =	vand.u32 $0xFF, v27;
	v12 =	vor.u32 v3, v12;
	v27 =	vor.u32 v4, v47  }
0x195: {  	s26 =	simm.s32 $0xF;
	v47 =	vor.u32 v3, v47;
	v49 =	vor.u32 v4, v42;
	v51 =	vor.u32 v4, v13;
	v46 =	vld.idx.msk [tilespmem:v19+s2+$0x0], $0xffff  }
0x196: {  	v13 =	vadd.s32 s26, v1;
	v29 =	vor.u32 v3, v29;
	v53 =	vor.u32 v4, v40;
	v48 =	vld.idx.msk [tilespmem:v32+s2+$0x0], $0xffff  }
0x197: {  	v30 =	vor.u32 v4, v30;
	v14 =	vor.u32 v3, v41;
	v60 =	vor.u32 v4, v24;
	v19 =	vld.idx.msk [tilespmem:v28+s2+$0x0], $0xffff  }
0x198: {  	s30 =	simm.s32 $0x1B;
	v61 =	vor.u32 v3, v42;
	v20 =	vor.u32 v3, v20;
	v26 =	vand.u32 $0xFF, v5;
	v38 =	vld.idx.msk [tilespmem:v38+s2+$0x0], $0xffff  }
0x199: {  	v33 =	vadd.s32 s30, v1;
	v44 =	vand.u32 $0xFF, v6;
	v28 =	vand.u32 $0xFF, v16;
	v16 =	vld.idx.msk [tilespmem:v23+s2+$0x0], $0xffff  }
0x19a: {  	v52 =	vand.u32 $0xFF, v13;
	v5 =	vor.u32 v3, v26;
	v33 =	vand.u32 $0xFF, v33;
	v23 =	vld.idx.msk [tilespmem:v21+s2+$0x0], $0xffff  }
0x19b: {  	v13 =	vor.u32 v4, v26;
	v26 =	vor.u32 v4, v62;
	v32 =	vor.u32 v3, v25;
	v25 =	vld.idx.msk [tilespmem:v27+s2+$0x0], $0xffff  }
0x19c: {  	v6 =	vor.u32 v3, v35;
	s30 =	simm.s32 $0x1F;
	v36 =	vor.u32 v4, v33;
	v27 =	vor.u32 v4, v41;
	v41 =	vld.idx.msk [tilespmem:v30+s2+$0x0], $0xffff  }
0x19d: {  	s28 =	simm.s32 $0x1C;
	v11 =	vor.u32 v4, v9;
	v9 =	vor.u32 v3, v9;
	v63 =	vadd.s32 s30, v1;
	v59 =	vld.idx.msk [tilespmem:v49+s2+$0x0], $0xffff  }
0x19e: {  	v33 =	vor.u32 v3, v33;
	v21 =	vadd.s32 s28, v1;
	v42 =	vld.idx.msk [tilespmem:v39+s2+$0x0], $0xffff;
	v49 =	vand.u32 $0xFF, v37  }
0x19f: {  	v37 =	vor.u32 v3, v44;
	v54 =	vand.u32 $0xFF, v21;
	v21 =	vld.idx.msk [tilespmem:v51+s2+$0x0], $0xffff;
	v51 =	vand.u32 $0xFF, v63  }
0x1a0: {  	v50 =	vor.u32 v4, v28;
	v57 =	vor.u32 v3, v28;
	v55 =	vld.idx.msk [tilespmem:v26+s2+$0x0], $0xffff;
	v26 =	vor.u32 v4, v51  }
0x1a1: {  	s29 =	simm.s32 $0x1D;
	v30 =	vor.u32 v3, v54;
	v36 =	vld.idx.msk [tilespmem:v36+s2+$0x0], $0xffff;
	[tilespmem:v15+s17+$0x0] =	vst.idx.msk $0xffff, v46;
	v15 =	vor.u32 v4, v35  }
0x1a2: {  	v18 =	vand.u32 $0xFF, v18;
	s31 =	simm.s32 $0x6;
	[tilespmem:v31+s17+$0x0] =	vst.idx.msk $0xffff, v48;
	v48 =	vld.idx.msk [tilespmem:v43+s2+$0x0], $0xffff;
	v31 =	vadd.s32 s29, v1;
	v35 =	vor.u32 v4, v44  }
0x1a3: {  	[tilespmem:v29+s17+$0x0] =	vst.idx.msk $0xffff, v38;
	v29 =	vadd.s32 s31, v1;
	v38 =	vor.u32 v3, v40;
	v40 =	vor.u32 v4, v52  }
0x1a4: {  	v46 =	vor.u32 v3, v62;
	[tilespmem:v47+s17+$0x0] =	vst.idx.msk $0xffff, v25;
	v62 =	vor.u32 v4, v18;
	v47 =	vld.idx.msk [tilespmem:v53+s2+$0x0], $0xffff  }
0x1a5: {  	v43 =	vand.u32 $0xFF, v22;
	v25 =	vor.u32 v3, v17;
	[tilespmem:v61+s17+$0x0] =	vst.idx.msk $0xffff, v59;
	v50 =	vld.idx.msk [tilespmem:v50+s2+$0x0], $0xffff;
	v56 =	vand.u32 $0xFF, v31  }
0x1a6: {  	v58 =	vand.u32 $0xFF, v29;
	[tilespmem:v33+s17+$0x0] =	vst.idx.msk $0xffff, v36;
	v33 =	vor.u32 v3, v52;
	v52 =	vor.u32 v4, v54  }
0x1a7: {  	v44 =	vld.idx.msk [tilespmem:v60+s2+$0x0], $0xffff;
	v29 =	vor.u32 v3, v24;
	v24 =	vor.u32 v4, v49;
	v22 =	vor.u32 v3, v58  }
0x1a8: {  	v28 =	vor.u32 v4, v56;
	v39 =	vor.u32 v4, v58;
	v36 =	vor.u32 v4, v17;
	v35 =	vld.idx.msk [tilespmem:v35+s2+$0x0], $0xffff  }
0x1a9: {  	v17 =	vor.u32 v3, v56;
	v31 =	vld.idx.msk [tilespmem:v40+s2+$0x0], $0xffff;
	v40 =	vor.u32 v3, v18;
	[tilespmem:v45+s17+$0x0] =	vst.idx.msk $0xffff, v48  }
0x1aa: {  	v18 =	vor.u32 v3, v51;
	[tilespmem:v46+s17+$0x0] =	vst.idx.msk $0xffff, v55;
	v45 =	vld.idx.msk [tilespmem:v62+s2+$0x0], $0xffff;
	v48 =	vor.u32 v4, v43  }
0x1ab: {  	s25 =	simm.s32 $0x20;
	v46 =	vor.u32 v4, v7;
	[tilespmem:v57+s17+$0x0] =	vst.idx.msk $0xffff, v50;
	v50 =	vor.u32 v3, v34;
	v34 =	vld.idx.msk [tilespmem:v52+s2+$0x0], $0xffff  }
.LBB2_16:
0x1ac: {  	s0 =	sadd.s32 $0x1, s25  }
0x1ad: {  	v51 =	vadd.s32 s25, v1;
	s28 =	sadd.s32 $0x2, s25;
	s29 =	sadd.s32 $0x3, s25;
	v49 =	vor.u32 v3, v49;
	[tilespmem:v32+s17+$0x0] =	vst.idx.msk $0xffff, v19;
	v19 =	vor.u32 v3, v43;
	s26 =	smov.u32 s25  }
0x1ae: {  	s31 =	sadd.s32 $0x8, s25;
	v32 =	vand.u32 $0xFF, v51;
	v43 =	vadd.s32 s0, v1;
	v51 =	vadd.s32 s28, v1;
	s0 =	sadd.s32 $0x4, s25;
	s28 =	sadd.s32 $0x5, s25;
	[tilespmem:v10+s17+$0x0] =	vst.idx.msk $0xffff, v41;
	v41 =	vld.idx.msk [tilespmem:v27+s2+$0x0], $0xffff  }
0x1af: {  	s30 =	sadd.s32 $0x9, s25;
	v53 =	vor.u32 v3, v7;
	v10 =	vadd.s32 s0, v1;
	v52 =	vadd.s32 s28, v1;
	s0 =	sadd.s32 $0x7, s25;
	s28 =	sadd.s32 $0x11, s25;
	v54 =	vld.idx.msk [tilespmem:v24+s2+$0x0], $0xffff;
	[tilespmem:v38+s17+$0x0] =	vst.idx.msk $0xffff, v47  }
0x1b0: {  	s1 =	sadd.s32 $0x1E, s25;
	v7 =	vadd.s32 s31, v1;
	s31 =	sadd.s32 $0xB, s25;
	v27 =	vadd.s32 s0, v1;
	s0 =	sadd.s32 $0xA, s25;
	v24 =	vadd.s32 s28, v1;
	[tilespmem:v50+s17+$0x0] =	vst.idx.msk $0xffff, v42  }
0x1b1: {  	v38 =	vand.u32 $0xFF, v51;
	v47 =	vadd.s32 s31, v1;
	s31 =	sadd.s32 $0xE, s25;
	s28 =	sadd.s32 $0xF, s25;
	v42 =	vadd.s32 s0, v1;
	s0 =	sadd.s32 $0xD, s25;
	[tilespmem:v20+s17+$0x0] =	vst.idx.msk $0xffff, v23;
	v23 =	vld.idx.msk [tilespmem:v48+s2+$0x0], $0xffff  }
0x1b2: {  	p0 =	slt.u32 s25, $0xE0;
	v51 =	vadd.s32 s31, v1;
	v48 =	vor.u32 v3, v38;
	s25 =	sadd.s32 $0x20, s25;
	v50 =	vadd.s32 s0, v1;
	s0 =	sadd.s32 $0x10, s26;
	v46 =	vld.idx.msk [tilespmem:v46+s2+$0x0], $0xffff;
	[tilespmem:v29+s17+$0x0] =	vst.idx.msk $0xffff, v44  }
0x1b3: {  	v20 =	vand.u32 $0xFF, v7;
	v29 =	vadd.s32 s1, v1;
	v44 =	vadd.s32 s0, v1;
	[tilespmem:v40+s17+$0x0] =	vst.idx.msk $0xffff, v45;
	v40 =	vld.idx.msk [tilespmem:v28+s2+$0x0], $0xffff  }
0x1b4: {  	v7 =	vand.u32 $0xFF, v43;
	v43 =	vor.u32 v4, v20;
	s0 =	sadd.s32 $0x12, s26;
	v28 =	vand.u32 $0xFF, v44;
	[tilespmem:v33+s17+$0x0] =	vst.idx.msk $0xffff, v31;
	v26 =	vld.idx.msk [tilespmem:v26+s2+$0x0], $0xffff  }
0x1b5: {  	s1 =	sadd.s32 $0x14, s26;
	v33 =	vor.u32 v4, v38;
	v31 =	vand.u32 $0xFF, v10;
	v10 =	vadd.s32 s0, v1;
	s0 =	sadd.s32 $0x13, s26;
	v36 =	vld.idx.msk [tilespmem:v36+s2+$0x0], $0xffff;
	[tilespmem:v37+s17+$0x0] =	vst.idx.msk $0xffff, v35  }
0x1b6: {  	v44 =	vadd.s32 s1, v1;
	s1 =	sadd.s32 $0x16, s26;
	v35 =	vand.u32 $0xFF, v52;
	v38 =	vadd.s32 s0, v1;
	s0 =	sadd.s32 $0x15, s26;
	[tilespmem:v8+s17+$0x0] =	vst.idx.msk $0xffff, v21;
	v21 =	vld.idx.msk [tilespmem:v39+s2+$0x0], $0xffff  }
0x1b7: {  	v52 =	vadd.s32 s1, v1;
	s1 =	sadd.s32 $0x18, s26;
	v39 =	vand.u32 $0xFF, v10;
	v45 =	vadd.s32 s0, v1;
	s0 =	sadd.s32 $0x17, s26;
	[tilespmem:v12+s17+$0x0] =	vst.idx.msk $0xffff, v16;
	v11 =	vld.idx.msk [tilespmem:v11+s2+$0x0], $0xffff  }
0x1b8: {  	s31 =	sadd.s32 $0x1A, s26;
	v12 =	vor.u32 v4, v35;
	v16 =	vor.u32 v3, v39;
	v55 =	vadd.s32 s0, v1;
	s0 =	sadd.s32 $0x19, s26;
	[tilespmem:v19+s17+$0x0] =	vst.idx.msk $0xffff, v23  }
0x1b9: {  	v47 =	vand.u32 $0xFF, v47;
	v8 =	vadd.s32 s0, v1;
	v19 =	vadd.s32 s31, v1;
	v15 =	vld.idx.msk [tilespmem:v15+s2+$0x0], $0xffff;
	[tilespmem:v30+s17+$0x0] =	vst.idx.msk $0xffff, v34  }
0x1ba: {  	v10 =	vor.u32 v3, v47;
	v34 =	vand.u32 $0xFF, v8;
	v19 =	vand.u32 $0xFF, v19;
	[tilespmem:v49+s17+$0x0] =	vst.idx.msk $0xffff, v54;
	v13 =	vld.idx.msk [tilespmem:v13+s2+$0x0], $0xffff  }
0x1bb: {  	v37 =	vadd.s32 s29, v1;
	s0 =	sadd.s32 $0x1B, s26;
	v30 =	vor.u32 v4, v34;
	v23 =	vor.u32 v4, v19;
	[tilespmem:v53+s17+$0x0] =	vst.idx.msk $0xffff, v46  }
0x1bc: {  	v8 =	vor.u32 v3, v32;
	v46 =	vor.u32 v3, v19;
	v19 =	vadd.s32 s0, v1;
	[tilespmem:v25+s17+$0x0] =	vst.idx.msk $0xffff, v36  }
0x1bd: {  	v52 =	vand.u32 $0xFF, v52;
	s0 =	sadd.s32 $0xC, s26;
	v36 =	vand.u32 $0xFF, v19;
	v25 =	vld.idx.msk [tilespmem:v33+s2+$0x0], $0xffff;
	v33 =	vadd.s32 s30, v1;
	[tilespmem:v14+s17+$0x0] =	vst.idx.msk $0xffff, v41  }
0x1be: {  	v41 =	vor.u32 v4, v36;
	v14 =	vand.u32 $0xFF, v33;
	v33 =	vand.u32 $0xFF, v55;
	[tilespmem:v9+s17+$0x0] =	vst.idx.msk $0xffff, v11  }
0x1bf: {  	v53 =	vadd.s32 s1, v1;
	v9 =	vor.u32 v3, v14;
	v49 =	vor.u32 v4, v33;
	[tilespmem:v22+s17+$0x0] =	vst.idx.msk $0xffff, v21  }
0x1c0: {  	v11 =	vadd.s32 s0, v1;
	v22 =	vand.u32 $0xFF, v50;
	v21 =	vand.u32 $0xFF, v38;
	v23 =	vld.idx.msk [tilespmem:v23+s2+$0x0], $0xffff;
	[tilespmem:v6+s17+$0x0] =	vst.idx.msk $0xffff, v15;
	v6 =	vmovc v9  }
0x1c1: {  	v38 =	vand.u32 $0xFF, v11;
	v50 =	vor.u32 v4, v21;
	v9 =	vand.u32 $0xFF, v44;
	[tilespmem:v5+s17+$0x0] =	vst.idx.msk $0xffff, v13;
	v5 =	vmovc v16  }
0x1c2: {  	v44 =	vor.u32 v3, v21;
	v15 =	vor.u32 v4, v9;
	v19 =	vld.idx.msk [tilespmem:v12+s2+$0x0], $0xffff;
	[tilespmem:v18+s17+$0x0] =	vst.idx.msk $0xffff, v26  }
0x1c3: {  	v21 =	vor.u32 v3, v36;
	v13 =	vand.u32 $0xFF, v42;
	v16 =	vand.u32 $0xFF, v45;
	v18 =	vld.idx.msk [tilespmem:v41+s2+$0x0], $0xffff;
	[tilespmem:v17+s17+$0x0] =	vst.idx.msk $0xffff, v40  }
0x1c4: {  	v12 =	vor.u32 v3, v9;
	v11 =	vor.u32 v4, v16;
	v17 =	vand.u32 $0xFF, v53;
	[tilespmem:v48+s17+$0x0] =	vst.idx.msk $0xffff, v25  }
0x1c5: {  	v36 =	vand.u32 $0xFF, v51;
	v9 =	vor.u32 v3, v16;
	v25 =	vor.u32 v4, v13  }
0x1c6: {  	v42 =	vor.u32 v4, v22;
	v26 =	vor.u32 v4, v36;
	v40 =	vor.u32 v3, v13;
	v41 =	vld.idx.msk [tilespmem:v49+s2+$0x0], $0xffff  }
0x1c7: {  	v33 =	vor.u32 v3, v33;
	v45 =	vor.u32 v4, v32;
	v13 =	vadd.s32 s28, v1;
	[tilespmem:v46+s17+$0x0] =	vst.idx.msk $0xffff, v23  }
0x1c8: {  	v48 =	vand.u32 $0xFF, v13;
	v13 =	vor.u32 v4, v39;
	v46 =	vand.u32 $0xFF, v27;
	v16 =	vld.idx.msk [tilespmem:v15+s2+$0x0], $0xffff  }
0x1c9: {  	v51 =	vor.u32 v4, v17;
	v39 =	vor.u32 v4, v46;
	v15 =	vor.u32 v4, v14;
	v23 =	vld.idx.msk [tilespmem:v43+s2+$0x0], $0xffff  }
0x1ca: {  	s1 =	sadd.s32 $0x1D, s26;
	s0 =	sadd.s32 $0x1C, s26;
	v32 =	vor.u32 v3, v35;
	v35 =	vor.u32 v4, v47;
	v27 =	vor.u32 v4, v38;
	v25 =	vld.idx.msk [tilespmem:v25+s2+$0x0], $0xffff  }
0x1cb: {  	v14 =	vor.u32 v3, v38;
	v43 =	vadd.s32 s1, v1;
	v47 =	vld.idx.msk [tilespmem:v50+s2+$0x0], $0xffff;
	[tilespmem:v21+s17+$0x0] =	vst.idx.msk $0xffff, v18;
	v18 =	vadd.s32 s0, v1;
	s0 =	sadd.s32 $0x1F, s26  }
0x1cc: {  	v49 =	vor.u32 v4, v52;
	s1 =	sadd.s32 $0x6, s26;
	v50 =	vld.idx.msk [tilespmem:v26+s2+$0x0], $0xffff;
	[tilespmem:v33+s17+$0x0] =	vst.idx.msk $0xffff, v41;
	v18 =	vand.u32 $0xFF, v18;
	v26 =	vadd.s32 s0, v1  }
0x1cd: {  	v38 =	vor.u32 v3, v17;
	v21 =	vld.idx.msk [tilespmem:v45+s2+$0x0], $0xffff;
	v45 =	vadd.s32 s1, v1;
	v53 =	vand.u32 $0xFF, v26  }
0x1ce: {  	v17 =	vor.u32 v4, v48;
	v54 =	vld.idx.msk [tilespmem:v39+s2+$0x0], $0xffff;
	v39 =	vand.u32 $0xFF, v43;
	v26 =	vor.u32 v4, v53  }
0x1cf: {  	v55 =	vor.u32 v3, v36;
	v33 =	vor.u32 v3, v48;
	v56 =	vor.u32 v4, v18;
	v41 =	vld.idx.msk [tilespmem:v35+s2+$0x0], $0xffff  }
0x1d0: {  	v46 =	vor.u32 v3, v46;
	v45 =	vand.u32 $0xFF, v45;
	v43 =	vand.u32 $0xFF, v29;
	[tilespmem:v40+s17+$0x0] =	vst.idx.msk $0xffff, v25;
	v57 =	vld.idx.msk [tilespmem:v42+s2+$0x0], $0xffff  }
0x1d1: {  	v58 =	vor.u32 v3, v22;
	v22 =	vand.u32 $0xFF, v24;
	v48 =	vor.u32 v4, v31;
	v35 =	vld.idx.msk [tilespmem:v49+s2+$0x0], $0xffff  }
0x1d2: {  	v59 =	vor.u32 v4, v28;
	v36 =	vor.u32 v4, v22;
	v29 =	vor.u32 v3, v31;
	v42 =	vld.idx.msk [tilespmem:v30+s2+$0x0], $0xffff  }
0x1d3: {  	v40 =	vor.u32 v3, v28;
	v25 =	vor.u32 v3, v22;
	v30 =	vor.u32 v3, v18;
	v31 =	vld.idx.msk [tilespmem:v17+s2+$0x0], $0xffff  }
.Ltmp6:
0x1d4: {  	v49 =	vand.u32 $0xFF, v37;
	v37 =	vor.u32 v3, v52;
	v17 =	vor.u32 v3, v39;
	[tilespmem:v44+s17+$0x0] =	vst.idx.msk $0xffff, v47;
	(pc) =	sbr.rel @p0 .LBB2_16-.Ltmp6, $4  }
0x1d5: {  	v22 =	vor.u32 v3, v45;
	v28 =	vor.u32 v4, v39;
	v18 =	vor.u32 v3, v53;
	v47 =	vld.idx.msk [tilespmem:v51+s2+$0x0], $0xffff  }
0x1d6: {  	v24 =	vor.u32 v4, v49;
	v39 =	vor.u32 v4, v45;
	v44 =	vld.idx.msk [tilespmem:v48+s2+$0x0], $0xffff;
	[tilespmem:v55+s17+$0x0] =	vst.idx.msk $0xffff, v50  }
0x1d7: {  	v50 =	vor.u32 v3, v34;
	v48 =	vor.u32 v4, v43;
	[tilespmem:v46+s17+$0x0] =	vst.idx.msk $0xffff, v54;
	v45 =	vld.idx.msk [tilespmem:v59+s2+$0x0], $0xffff  }
0x1d8: {  	v20 =	vor.u32 v3, v20;
	v46 =	vor.u32 v4, v7;
	[tilespmem:v58+s17+$0x0] =	vst.idx.msk $0xffff, v57;
	v34 =	vld.idx.msk [tilespmem:v56+s2+$0x0], $0xffff  }
0x1d9: {  	_ =	sdelay $0x3  }
0x1da: {  	[tilespmem:v32+s17+$0x0] =	vst.idx.msk $0xffff, v19  }
0x1db: {  	[tilespmem:v10+s17+$0x0] =	vst.idx.msk $0xffff, v41  }
0x1dc: {  	[tilespmem:v50+s17+$0x0] =	vst.idx.msk $0xffff, v42  }
0x1dd: {  	[tilespmem:v20+s17+$0x0] =	vst.idx.msk $0xffff, v23  }
0x1de: {  	[tilespmem:v33+s17+$0x0] =	vst.idx.msk $0xffff, v31  }
0x1df: {  	[tilespmem:v37+s17+$0x0] =	vst.idx.msk $0xffff, v35  }
0x1e0: {  	[tilespmem:v8+s17+$0x0] =	vst.idx.msk $0xffff, v21  }
0x1e1: {  	v4 =	vor.u32 v3, v43;
	v53 =	vld.idx.msk [tilespmem:v48+s2+$0x0], $0xffff;
	[tilespmem:v12+s17+$0x0] =	vst.idx.msk $0xffff, v16  }
0x1e2: {  	v54 =	vor.u32 v3, v49;
	v55 =	vld.idx.msk [tilespmem:v24+s2+$0x0], $0xffff;
	[tilespmem:v38+s17+$0x0] =	vst.idx.msk $0xffff, v47  }
0x1e3: {  	v3 =	vor.u32 v3, v7;
	v56 =	vld.idx.msk [tilespmem:v46+s2+$0x0], $0xffff;
	[tilespmem:v29+s17+$0x0] =	vst.idx.msk $0xffff, v44  }
0x1e4: {  	v57 =	vld.idx.msk [tilespmem:v36+s2+$0x0], $0xffff;
	[tilespmem:v40+s17+$0x0] =	vst.idx.msk $0xffff, v45  }
0x1e5: {  	v58 =	vld.idx.msk [tilespmem:v27+s2+$0x0], $0xffff;
	[tilespmem:v30+s17+$0x0] =	vst.idx.msk $0xffff, v34  }
0x1e6: {  	v59 =	vld.idx.msk [tilespmem:v11+s2+$0x0], $0xffff;
	[tilespmem:v4+s17+$0x0] =	vst.idx.msk $0xffff, v53  }
0x1e7: {  	v60 =	vld.idx.msk [tilespmem:v39+s2+$0x0], $0xffff;
	[tilespmem:v54+s17+$0x0] =	vst.idx.msk $0xffff, v55  }
0x1e8: {  	v61 =	vld.idx.msk [tilespmem:v15+s2+$0x0], $0xffff;
	[tilespmem:v3+s17+$0x0] =	vst.idx.msk $0xffff, v56  }
0x1e9: {  	v62 =	vld.idx.msk [tilespmem:v26+s2+$0x0], $0xffff;
	[tilespmem:v25+s17+$0x0] =	vst.idx.msk $0xffff, v57  }
0x1ea: {  	v63 =	vld.idx.msk [tilespmem:v28+s2+$0x0], $0xffff;
	[tilespmem:v14+s17+$0x0] =	vst.idx.msk $0xffff, v58  }
0x1eb: {  	p0 =	slt.u32 s24, $0x70;
	v3 =	vld.idx.msk [tilespmem:v13+s2+$0x0], $0xffff;
	[tilespmem:v9+s17+$0x0] =	vst.idx.msk $0xffff, v59  }
.Ltmp7:
0x1ec: {  	[tilespmem:v22+s17+$0x0] =	vst.idx.msk $0xffff, v60;
	(pc) =	sbr.rel @p0 .LBB2_15-.Ltmp7, $4  }
0x1ed: {  	[tilespmem:v6+s17+$0x0] =	vst.idx.msk $0xffff, v61  }
0x1ee: {  	[tilespmem:v18+s17+$0x0] =	vst.idx.msk $0xffff, v62  }
0x1ef: {  	s0 =	sadd.s32 $0x10, s24;
	[tilespmem:v17+s17+$0x0] =	vst.idx.msk $0xffff, v63  }
0x1f0: {  	s24 =	smov.u32 s0;
	[tilespmem:v5+s17+$0x0] =	vst.idx.msk $0xffff, v3  }
0x1f1: {  	s21 =	sadd.s32 $0x1, s21  }
0x1f2: {  	p0 =	sne.s32 s21, $0x13  }
.Ltmp8:
0x1f3: {  	s0 =	sshll.u32 s23, $0xF;
	(pc) =	sbr.rel @p0 .LBB2_10-.Ltmp8, $4  }
0x1f4: {  	s0 =	sadd.s32 s3, s0  }
0x1f5: {  	s0 =	sshrl.u32 s0, $0x3  }
0x1f6: {  	s0 =	sadd.s32 s5, s0  }
0x1f7: {  	[hbm4b:s0+s2] =	stream.linear.scatter [tilespmem:s17], [sflag:$0x2], $0x8000, $0x38;
	[tilespmem:$0x11C00] =	vst v63  }
0x1f8: {  	_ =	swait.ge [sflag:s18], $0x8000  }
0x1f9: {  	[sflag:s18] =	ssyncset.done $0x0  }
0x1fa: {  	s21 =	simm.s32 $0x0;
	s22 =	simm.s32 $0x0;
	[sflag:s18] =	ssyncadd.s32 $0xFFFF8000  }
.LBB2_20:
0x1fb: {  	v3 =	vmov s22;
	v5 =	vadd.s32 s21, v1;
	s1 =	simm.s32 $0x2  }
0x1fc: {  	s23 =	simm.s32 $0x4;
	s28 =	simm.s32 $0x5;
	s30 =	simm.s32 $0x7;
	v4 =	vshll.u32 v3, $0x8;
	v12 =	vand.u32 $0xFF, v5;
	v5 =	vadd.s32 s1, v1  }
0x1fd: {  	s29 =	simm.s32 $0x8;
	s31 =	simm.s32 $0x11;
	s24 =	simm.s32 $0xB;
	v7 =	vadd.s32 s23, v1;
	v8 =	vadd.s32 s28, v1;
	v13 =	vadd.s32 s30, v1  }
0x1fe: {  	s25 =	simm.s32 $0xD;
	s26 =	simm.s32 $0xE;
	v6 =	vadd.s32 s29, v1;
	v16 =	vadd.s32 s31, v1;
	v9 =	vadd.s32 s24, v1  }
0x1ff: {  	s23 =	simm.s32 $0xA;
	v11 =	vadd.s32 s25, v1;
	s28 =	simm.s32 $0x10;
	v15 =	vadd.s32 s26, v1;
	v5 =	vand.u32 $0xFF, v5  }
0x200: {  	s29 =	simm.s32 $0x1E;
	v10 =	vadd.s32 s23, v1;
	v19 =	vand.u32 $0xFF, v6;
	v17 =	vadd.s32 s28, v1  }
0x201: {  	s31 =	simm.s32 $0x13;
	s24 =	simm.s32 $0x15;
	s26 =	simm.s32 $0x17;
	v21 =	vadd.s32 s29, v1;
	v23 =	vand.u32 $0xFF, v7;
	v24 =	vand.u32 $0xFF, v8  }
0x202: {  	v8 =	vadd.s32 s31, v1;
	v26 =	vadd.s32 s24, v1;
	v28 =	vadd.s32 s26, v1  }
0x203: {  	s23 =	simm.s32 $0x14;
	s28 =	simm.s32 $0x19;
	v29 =	vand.u32 $0xFF, v9;
	v41 =	vand.u32 $0xFF, v11;
	v62 =	vand.u32 $0xFF, v13  }
0x204: {  	v2 =	vld [tilespmem:s22+$0x1B00];
	s29 =	simm.s32 $0x1A;
	s31 =	simm.s32 $0x9;
	v17 =	vand.u32 $0xFF, v17;
	v22 =	vadd.s32 s23, v1;
	v7 =	vadd.s32 s28, v1  }
0x205: {  	s24 =	simm.s32 $0x18;
	v30 =	vadd.s32 s29, v1;
	v34 =	vadd.s32 s31, v1;
	v28 =	vand.u32 $0xFF, v28  }
0x206: {  	s23 =	simm.s32 $0x1B;
	v39 =	vadd.s32 s24, v1;
	v8 =	vand.u32 $0xFF, v8;
	v46 =	vand.u32 $0xFF, v10  }
0x207: {  	v33 =	vand.u32 $0xFF, v7;
	v30 =	vand.u32 $0xFF, v30;
	v32 =	vadd.s32 s23, v1  }
0x208: {  	s0 =	simm.s32 $0x1;
	v34 =	vand.u32 $0xFF, v34;
	v11 =	vand.u32 $0xFF, v22;
	v39 =	vand.u32 $0xFF, v39  }
0x209: {  	v3 =	vshll.u32 v2, $0x8;
	v2 =	vor.u32 v0, v4;
	v4 =	vadd.s32 s0, v1  }
0x20a: {  	s30 =	simm.s32 $0x12;
	v32 =	vand.u32 $0xFF, v32;
	v14 =	vor.u32 v2, v5;
	v6 =	vand.u32 $0xFF, v4  }
0x20b: {  	s25 =	simm.s32 $0x16;
	v20 =	vor.u32 v3, v19;
	v18 =	vor.u32 v3, v5;
	v4 =	vadd.s32 s30, v1  }
0x20c: {  	v5 =	vadd.s32 s25, v1;
	v27 =	vor.u32 v3, v24;
	v9 =	vor.u32 v2, v29  }
0x20d: {  	v38 =	vor.u32 v3, v33;
	v31 =	vor.u32 v3, v30;
	v7 =	vor.u32 v2, v12  }
0x20e: {  	v30 =	vor.u32 v2, v30;
	v35 =	vor.u32 v3, v32;
	v37 =	vor.u32 v3, v28  }
0x20f: {  	v42 =	vor.u32 v3, v8;
	v44 =	vor.u32 v2, v8;
	v22 =	vor.u32 v3, v11  }
0x210: {  	v8 =	vand.u32 $0xFF, v26;
	v32 =	vor.u32 v2, v32;
	v11 =	vor.u32 v2, v11  }
0x211: {  	s26 =	simm.s32 $0xF;
	v26 =	vor.u32 v3, v46;
	v46 =	vor.u32 v2, v46;
	v48 =	vor.u32 v3, v41;
	v45 =	vld.idx.msk [tilespmem:v18+s2+$0x0], $0xffff  }
0x212: {  	v50 =	vor.u32 v3, v12;
	v12 =	vadd.s32 s26, v1;
	v28 =	vor.u32 v2, v28;
	v47 =	vld.idx.msk [tilespmem:v31+s2+$0x0], $0xffff  }
0x213: {  	v52 =	vor.u32 v3, v39;
	v29 =	vor.u32 v3, v29;
	v59 =	vor.u32 v3, v23;
	v18 =	vld.idx.msk [tilespmem:v27+s2+$0x0], $0xffff  }
0x214: {  	s30 =	simm.s32 $0x3;
	v60 =	vor.u32 v2, v41;
	v61 =	vor.u32 v3, v17;
	v19 =	vor.u32 v2, v19;
	v35 =	vld.idx.msk [tilespmem:v35+s2+$0x0], $0xffff  }
0x215: {  	s25 =	simm.s32 $0xC;
	v25 =	vand.u32 $0xFF, v4;
	v36 =	vadd.s32 s30, v1;
	v43 =	vand.u32 $0xFF, v5;
	v37 =	vld.idx.msk [tilespmem:v37+s2+$0x0], $0xffff  }
0x216: {  	v5 =	vor.u32 v2, v34;
	v40 =	vadd.s32 s25, v1;
	v27 =	vand.u32 $0xFF, v15;
	v15 =	vld.idx.msk [tilespmem:v22+s2+$0x0], $0xffff  }
0x217: {  	v51 =	vand.u32 $0xFF, v12;
	v4 =	vor.u32 v2, v25;
	v40 =	vand.u32 $0xFF, v40;
	v22 =	vld.idx.msk [tilespmem:v20+s2+$0x0], $0xffff  }
0x218: {  	v12 =	vor.u32 v3, v25;
	v25 =	vor.u32 v3, v62;
	v31 =	vor.u32 v2, v24;
	v24 =	vld.idx.msk [tilespmem:v26+s2+$0x0], $0xffff  }
0x219: {  	s28 =	simm.s32 $0x1C;
	v10 =	vor.u32 v3, v8;
	s30 =	simm.s32 $0x1F;
	v13 =	vor.u32 v2, v40;
	v26 =	vor.u32 v3, v40;
	v40 =	vld.idx.msk [tilespmem:v29+s2+$0x0], $0xffff  }
0x21a: {  	v8 =	vor.u32 v2, v8;
	v63 =	vadd.s32 s30, v1;
	v20 =	vadd.s32 s28, v1;
	v58 =	vld.idx.msk [tilespmem:v48+s2+$0x0], $0xffff  }
0x21b: {  	v41 =	vld.idx.msk [tilespmem:v38+s2+$0x0], $0xffff;
	v48 =	vand.u32 $0xFF, v36;
	v36 =	vor.u32 v2, v43;
	v49 =	vor.u32 v3, v27  }
0x21c: {  	v53 =	vand.u32 $0xFF, v20;
	v20 =	vld.idx.msk [tilespmem:v50+s2+$0x0], $0xffff;
	v50 =	vand.u32 $0xFF, v63;
	v56 =	vor.u32 v2, v27;
	[tilespmem:v14+s16+$0x0] =	vst.idx.msk $0xffff, v45  }
0x21d: {  	s29 =	simm.s32 $0x1D;
	v54 =	vld.idx.msk [tilespmem:v25+s2+$0x0], $0xffff;
	v25 =	vor.u32 v3, v50;
	v29 =	vor.u32 v2, v53;
	[tilespmem:v30+s16+$0x0] =	vst.idx.msk $0xffff, v47  }
0x21e: {  	v16 =	vand.u32 $0xFF, v16;
	s31 =	simm.s32 $0x6;
	v14 =	vor.u32 v3, v34;
	v47 =	vld.idx.msk [tilespmem:v42+s2+$0x0], $0xffff;
	v30 =	vadd.s32 s29, v1;
	[tilespmem:v32+s16+$0x0] =	vst.idx.msk $0xffff, v35  }
0x21f: {  	v34 =	vor.u32 v3, v43;
	[tilespmem:v28+s16+$0x0] =	vst.idx.msk $0xffff, v37;
	v28 =	vadd.s32 s31, v1;
	v37 =	vor.u32 v2, v39  }
0x220: {  	v39 =	vor.u32 v3, v51;
	v32 =	vor.u32 v2, v51;
	[tilespmem:v46+s16+$0x0] =	vst.idx.msk $0xffff, v24;
	v46 =	vld.idx.msk [tilespmem:v52+s2+$0x0], $0xffff  }
0x221: {  	v51 =	vor.u32 v3, v53;
	v45 =	vor.u32 v2, v62;
	v42 =	vand.u32 $0xFF, v21;
	v43 =	vld.idx.msk [tilespmem:v59+s2+$0x0], $0xffff  }
0x222: {  	v35 =	vor.u32 v3, v16;
	v24 =	vor.u32 v2, v16;
	v49 =	vld.idx.msk [tilespmem:v49+s2+$0x0], $0xffff;
	v55 =	vand.u32 $0xFF, v30  }
0x223: {  	[tilespmem:v60+s16+$0x0] =	vst.idx.msk $0xffff, v58;
	v57 =	vand.u32 $0xFF, v28;
	v28 =	vor.u32 v2, v23;
	v23 =	vor.u32 v3, v48  }
0x224: {  	v16 =	vor.u32 v2, v55;
	v21 =	vor.u32 v2, v57;
	v27 =	vor.u32 v3, v55;
	v34 =	vld.idx.msk [tilespmem:v34+s2+$0x0], $0xffff  }
0x225: {  	v38 =	vor.u32 v3, v57;
	v30 =	vld.idx.msk [tilespmem:v39+s2+$0x0], $0xffff;
	v39 =	vor.u32 v2, v17;
	[tilespmem:v44+s16+$0x0] =	vst.idx.msk $0xffff, v47  }
0x226: {  	v17 =	vor.u32 v2, v50;
	[tilespmem:v45+s16+$0x0] =	vst.idx.msk $0xffff, v54;
	v44 =	vld.idx.msk [tilespmem:v61+s2+$0x0], $0xffff;
	v47 =	vor.u32 v3, v42  }
0x227: {  	s23 =	simm.s32 $0x20;
	v45 =	vor.u32 v3, v6;
	[tilespmem:v56+s16+$0x0] =	vst.idx.msk $0xffff, v49;
	v49 =	vor.u32 v2, v33;
	v33 =	vld.idx.msk [tilespmem:v51+s2+$0x0], $0xffff  }
.LBB2_21:
0x228: {  	s0 =	sadd.s32 $0x1, s23  }
0x229: {  	v50 =	vadd.s32 s23, v1;
	s1 =	sadd.s32 $0x2, s23;
	s26 =	sadd.s32 $0x3, s23;
	v48 =	vor.u32 v2, v48;
	[tilespmem:v31+s16+$0x0] =	vst.idx.msk $0xffff, v18;
	v18 =	vor.u32 v2, v42;
	s24 =	smov.u32 s23  }
0x22a: {  	s25 =	sadd.s32 $0x8, s23;
	v31 =	vand.u32 $0xFF, v50;
	v42 =	vadd.s32 s0, v1;
	v50 =	vadd.s32 s1, v1;
	s0 =	sadd.s32 $0x4, s23;
	s1 =	sadd.s32 $0x5, s23;
	[tilespmem:v9+s16+$0x0] =	vst.idx.msk $0xffff, v40;
	v40 =	vld.idx.msk [tilespmem:v26+s2+$0x0], $0xffff  }
0x22b: {  	s28 =	sadd.s32 $0x9, s23;
	v52 =	vor.u32 v2, v6;
	v9 =	vadd.s32 s0, v1;
	v51 =	vadd.s32 s1, v1;
	s0 =	sadd.s32 $0x7, s23;
	s1 =	sadd.s32 $0x11, s23;
	v53 =	vld.idx.msk [tilespmem:v23+s2+$0x0], $0xffff;
	[tilespmem:v37+s16+$0x0] =	vst.idx.msk $0xffff, v46  }
0x22c: {  	v6 =	vadd.s32 s25, v1;
	s25 =	sadd.s32 $0xB, s23;
	v26 =	vadd.s32 s0, v1;
	s0 =	sadd.s32 $0xA, s23;
	v23 =	vadd.s32 s1, v1;
	s1 =	sadd.s32 $0x1E, s23;
	[tilespmem:v49+s16+$0x0] =	vst.idx.msk $0xffff, v41  }
0x22d: {  	s29 =	sadd.s32 $0xE, s23;
	v37 =	vand.u32 $0xFF, v50;
	v46 =	vadd.s32 s25, v1;
	s25 =	sadd.s32 $0xF, s23;
	v41 =	vadd.s32 s0, v1;
	s0 =	sadd.s32 $0xD, s23;
	[tilespmem:v19+s16+$0x0] =	vst.idx.msk $0xffff, v22;
	v22 =	vld.idx.msk [tilespmem:v47+s2+$0x0], $0xffff  }
0x22e: {  	p0 =	slt.u32 s23, $0xE0;
	v50 =	vadd.s32 s29, v1;
	v47 =	vor.u32 v2, v37;
	s23 =	sadd.s32 $0x20, s23;
	v49 =	vadd.s32 s0, v1;
	s0 =	sadd.s32 $0x10, s24;
	v45 =	vld.idx.msk [tilespmem:v45+s2+$0x0], $0xffff;
	[tilespmem:v28+s16+$0x0] =	vst.idx.msk $0xffff, v43  }
0x22f: {  	v19 =	vand.u32 $0xFF, v6;
	v28 =	vadd.s32 s1, v1;
	v43 =	vadd.s32 s0, v1;
	[tilespmem:v39+s16+$0x0] =	vst.idx.msk $0xffff, v44;
	v39 =	vld.idx.msk [tilespmem:v27+s2+$0x0], $0xffff  }
0x230: {  	v6 =	vand.u32 $0xFF, v42;
	v42 =	vor.u32 v3, v19;
	s0 =	sadd.s32 $0x12, s24;
	v27 =	vand.u32 $0xFF, v43;
	[tilespmem:v32+s16+$0x0] =	vst.idx.msk $0xffff, v30;
	v25 =	vld.idx.msk [tilespmem:v25+s2+$0x0], $0xffff  }
0x231: {  	s1 =	sadd.s32 $0x14, s24;
	v32 =	vor.u32 v3, v37;
	v30 =	vand.u32 $0xFF, v9;
	v9 =	vadd.s32 s0, v1;
	s0 =	sadd.s32 $0x13, s24;
	v35 =	vld.idx.msk [tilespmem:v35+s2+$0x0], $0xffff;
	[tilespmem:v36+s16+$0x0] =	vst.idx.msk $0xffff, v34  }
0x232: {  	v43 =	vadd.s32 s1, v1;
	s1 =	sadd.s32 $0x16, s24;
	v34 =	vand.u32 $0xFF, v51;
	v37 =	vadd.s32 s0, v1;
	s0 =	sadd.s32 $0x15, s24;
	[tilespmem:v7+s16+$0x0] =	vst.idx.msk $0xffff, v20;
	v20 =	vld.idx.msk [tilespmem:v38+s2+$0x0], $0xffff  }
0x233: {  	v51 =	vadd.s32 s1, v1;
	s1 =	sadd.s32 $0x18, s24;
	v38 =	vand.u32 $0xFF, v9;
	v44 =	vadd.s32 s0, v1;
	s0 =	sadd.s32 $0x17, s24;
	[tilespmem:v11+s16+$0x0] =	vst.idx.msk $0xffff, v15;
	v10 =	vld.idx.msk [tilespmem:v10+s2+$0x0], $0xffff  }
0x234: {  	s29 =	sadd.s32 $0x1A, s24;
	v11 =	vor.u32 v3, v34;
	v15 =	vor.u32 v2, v38;
	v54 =	vadd.s32 s0, v1;
	s0 =	sadd.s32 $0x19, s24;
	[tilespmem:v18+s16+$0x0] =	vst.idx.msk $0xffff, v22  }
0x235: {  	v46 =	vand.u32 $0xFF, v46;
	v7 =	vadd.s32 s0, v1;
	v18 =	vadd.s32 s29, v1;
	v14 =	vld.idx.msk [tilespmem:v14+s2+$0x0], $0xffff;
	[tilespmem:v29+s16+$0x0] =	vst.idx.msk $0xffff, v33  }
0x236: {  	v9 =	vor.u32 v2, v46;
	v33 =	vand.u32 $0xFF, v7;
	v18 =	vand.u32 $0xFF, v18;
	[tilespmem:v48+s16+$0x0] =	vst.idx.msk $0xffff, v53;
	v12 =	vld.idx.msk [tilespmem:v12+s2+$0x0], $0xffff  }
0x237: {  	v36 =	vadd.s32 s26, v1;
	s0 =	sadd.s32 $0x1B, s24;
	v29 =	vor.u32 v3, v33;
	v22 =	vor.u32 v3, v18;
	[tilespmem:v52+s16+$0x0] =	vst.idx.msk $0xffff, v45  }
0x238: {  	v7 =	vor.u32 v2, v31;
	v45 =	vor.u32 v2, v18;
	v18 =	vadd.s32 s0, v1;
	[tilespmem:v24+s16+$0x0] =	vst.idx.msk $0xffff, v35  }
0x239: {  	v51 =	vand.u32 $0xFF, v51;
	s0 =	sadd.s32 $0xC, s24;
	v35 =	vand.u32 $0xFF, v18;
	v24 =	vld.idx.msk [tilespmem:v32+s2+$0x0], $0xffff;
	v32 =	vadd.s32 s28, v1;
	[tilespmem:v13+s16+$0x0] =	vst.idx.msk $0xffff, v40  }
0x23a: {  	v40 =	vor.u32 v3, v35;
	v13 =	vand.u32 $0xFF, v32;
	v32 =	vand.u32 $0xFF, v54;
	[tilespmem:v8+s16+$0x0] =	vst.idx.msk $0xffff, v10  }
0x23b: {  	v52 =	vadd.s32 s1, v1;
	v8 =	vor.u32 v2, v13;
	v48 =	vor.u32 v3, v32;
	[tilespmem:v21+s16+$0x0] =	vst.idx.msk $0xffff, v20  }
0x23c: {  	v10 =	vadd.s32 s0, v1;
	v21 =	vand.u32 $0xFF, v49;
	v20 =	vand.u32 $0xFF, v37;
	v22 =	vld.idx.msk [tilespmem:v22+s2+$0x0], $0xffff;
	[tilespmem:v5+s16+$0x0] =	vst.idx.msk $0xffff, v14;
	v5 =	vmovc v8  }
0x23d: {  	v37 =	vand.u32 $0xFF, v10;
	v49 =	vor.u32 v3, v20;
	v8 =	vand.u32 $0xFF, v43;
	[tilespmem:v4+s16+$0x0] =	vst.idx.msk $0xffff, v12;
	v4 =	vmovc v15  }
0x23e: {  	v43 =	vor.u32 v2, v20;
	v14 =	vor.u32 v3, v8;
	v18 =	vld.idx.msk [tilespmem:v11+s2+$0x0], $0xffff;
	[tilespmem:v17+s16+$0x0] =	vst.idx.msk $0xffff, v25  }
0x23f: {  	v20 =	vor.u32 v2, v35;
	v12 =	vand.u32 $0xFF, v41;
	v15 =	vand.u32 $0xFF, v44;
	v17 =	vld.idx.msk [tilespmem:v40+s2+$0x0], $0xffff;
	[tilespmem:v16+s16+$0x0] =	vst.idx.msk $0xffff, v39  }
0x240: {  	v11 =	vor.u32 v2, v8;
	v10 =	vor.u32 v3, v15;
	v16 =	vand.u32 $0xFF, v52;
	[tilespmem:v47+s16+$0x0] =	vst.idx.msk $0xffff, v24  }
0x241: {  	v35 =	vand.u32 $0xFF, v50;
	v8 =	vor.u32 v2, v15;
	v24 =	vor.u32 v3, v12  }
0x242: {  	v41 =	vor.u32 v3, v21;
	v25 =	vor.u32 v3, v35;
	v39 =	vor.u32 v2, v12;
	v40 =	vld.idx.msk [tilespmem:v48+s2+$0x0], $0xffff  }
0x243: {  	v32 =	vor.u32 v2, v32;
	v44 =	vor.u32 v3, v31;
	v12 =	vadd.s32 s25, v1;
	[tilespmem:v45+s16+$0x0] =	vst.idx.msk $0xffff, v22  }
0x244: {  	v47 =	vand.u32 $0xFF, v12;
	v12 =	vor.u32 v3, v38;
	v45 =	vand.u32 $0xFF, v26;
	v15 =	vld.idx.msk [tilespmem:v14+s2+$0x0], $0xffff  }
0x245: {  	v50 =	vor.u32 v3, v16;
	v38 =	vor.u32 v3, v45;
	v14 =	vor.u32 v3, v13;
	v22 =	vld.idx.msk [tilespmem:v42+s2+$0x0], $0xffff  }
0x246: {  	s1 =	sadd.s32 $0x1D, s24;
	s0 =	sadd.s32 $0x1C, s24;
	v31 =	vor.u32 v2, v34;
	v34 =	vor.u32 v3, v46;
	v26 =	vor.u32 v3, v37;
	v24 =	vld.idx.msk [tilespmem:v24+s2+$0x0], $0xffff  }
0x247: {  	v13 =	vor.u32 v2, v37;
	v42 =	vadd.s32 s1, v1;
	v46 =	vld.idx.msk [tilespmem:v49+s2+$0x0], $0xffff;
	[tilespmem:v20+s16+$0x0] =	vst.idx.msk $0xffff, v17;
	v17 =	vadd.s32 s0, v1;
	s0 =	sadd.s32 $0x1F, s24  }
0x248: {  	v48 =	vor.u32 v3, v51;
	s1 =	sadd.s32 $0x6, s24;
	v49 =	vld.idx.msk [tilespmem:v25+s2+$0x0], $0xffff;
	[tilespmem:v32+s16+$0x0] =	vst.idx.msk $0xffff, v40;
	v17 =	vand.u32 $0xFF, v17;
	v25 =	vadd.s32 s0, v1  }
0x249: {  	v37 =	vor.u32 v2, v16;
	v20 =	vld.idx.msk [tilespmem:v44+s2+$0x0], $0xffff;
	v44 =	vadd.s32 s1, v1;
	v52 =	vand.u32 $0xFF, v25  }
0x24a: {  	v16 =	vor.u32 v3, v47;
	v53 =	vld.idx.msk [tilespmem:v38+s2+$0x0], $0xffff;
	v38 =	vand.u32 $0xFF, v42;
	v25 =	vor.u32 v3, v52  }
0x24b: {  	v54 =	vor.u32 v2, v35;
	v32 =	vor.u32 v2, v47;
	v55 =	vor.u32 v3, v17;
	v40 =	vld.idx.msk [tilespmem:v34+s2+$0x0], $0xffff  }
0x24c: {  	v45 =	vor.u32 v2, v45;
	v44 =	vand.u32 $0xFF, v44;
	v42 =	vand.u32 $0xFF, v28;
	[tilespmem:v39+s16+$0x0] =	vst.idx.msk $0xffff, v24;
	v56 =	vld.idx.msk [tilespmem:v41+s2+$0x0], $0xffff  }
0x24d: {  	v57 =	vor.u32 v2, v21;
	v21 =	vand.u32 $0xFF, v23;
	v47 =	vor.u32 v3, v30;
	v34 =	vld.idx.msk [tilespmem:v48+s2+$0x0], $0xffff  }
0x24e: {  	v58 =	vor.u32 v3, v27;
	v35 =	vor.u32 v3, v21;
	v28 =	vor.u32 v2, v30;
	v41 =	vld.idx.msk [tilespmem:v29+s2+$0x0], $0xffff  }
0x24f: {  	v39 =	vor.u32 v2, v27;
	v24 =	vor.u32 v2, v21;
	v29 =	vor.u32 v2, v17;
	v30 =	vld.idx.msk [tilespmem:v16+s2+$0x0], $0xffff  }
.Ltmp9:
0x250: {  	v48 =	vand.u32 $0xFF, v36;
	v36 =	vor.u32 v2, v51;
	v16 =	vor.u32 v2, v38;
	[tilespmem:v43+s16+$0x0] =	vst.idx.msk $0xffff, v46;
	(pc) =	sbr.rel @p0 .LBB2_21-.Ltmp9, $4  }
0x251: {  	v21 =	vor.u32 v2, v44;
	v27 =	vor.u32 v3, v38;
	v17 =	vor.u32 v2, v52;
	v46 =	vld.idx.msk [tilespmem:v50+s2+$0x0], $0xffff  }
0x252: {  	v23 =	vor.u32 v3, v48;
	v38 =	vor.u32 v3, v44;
	v43 =	vld.idx.msk [tilespmem:v47+s2+$0x0], $0xffff;
	[tilespmem:v54+s16+$0x0] =	vst.idx.msk $0xffff, v49  }
0x253: {  	v49 =	vor.u32 v2, v33;
	v47 =	vor.u32 v3, v42;
	[tilespmem:v45+s16+$0x0] =	vst.idx.msk $0xffff, v53;
	v44 =	vld.idx.msk [tilespmem:v58+s2+$0x0], $0xffff  }
0x254: {  	v19 =	vor.u32 v2, v19;
	v45 =	vor.u32 v3, v6;
	[tilespmem:v57+s16+$0x0] =	vst.idx.msk $0xffff, v56;
	v33 =	vld.idx.msk [tilespmem:v55+s2+$0x0], $0xffff  }
0x255: {  	_ =	sdelay $0x3  }
0x256: {  	[tilespmem:v31+s16+$0x0] =	vst.idx.msk $0xffff, v18  }
0x257: {  	[tilespmem:v9+s16+$0x0] =	vst.idx.msk $0xffff, v40  }
0x258: {  	[tilespmem:v49+s16+$0x0] =	vst.idx.msk $0xffff, v41  }
0x259: {  	[tilespmem:v19+s16+$0x0] =	vst.idx.msk $0xffff, v22  }
0x25a: {  	[tilespmem:v32+s16+$0x0] =	vst.idx.msk $0xffff, v30  }
0x25b: {  	[tilespmem:v36+s16+$0x0] =	vst.idx.msk $0xffff, v34  }
0x25c: {  	[tilespmem:v7+s16+$0x0] =	vst.idx.msk $0xffff, v20  }
0x25d: {  	v3 =	vor.u32 v2, v42;
	v54 =	vld.idx.msk [tilespmem:v47+s2+$0x0], $0xffff;
	[tilespmem:v11+s16+$0x0] =	vst.idx.msk $0xffff, v15  }
0x25e: {  	v55 =	vor.u32 v2, v48;
	v56 =	vld.idx.msk [tilespmem:v23+s2+$0x0], $0xffff;
	[tilespmem:v37+s16+$0x0] =	vst.idx.msk $0xffff, v46  }
0x25f: {  	v2 =	vor.u32 v2, v6;
	v57 =	vld.idx.msk [tilespmem:v45+s2+$0x0], $0xffff;
	[tilespmem:v28+s16+$0x0] =	vst.idx.msk $0xffff, v43  }
0x260: {  	v58 =	vld.idx.msk [tilespmem:v35+s2+$0x0], $0xffff;
	[tilespmem:v39+s16+$0x0] =	vst.idx.msk $0xffff, v44  }
0x261: {  	v59 =	vld.idx.msk [tilespmem:v26+s2+$0x0], $0xffff;
	[tilespmem:v29+s16+$0x0] =	vst.idx.msk $0xffff, v33  }
0x262: {  	v60 =	vld.idx.msk [tilespmem:v38+s2+$0x0], $0xffff;
	[tilespmem:v3+s16+$0x0] =	vst.idx.msk $0xffff, v54  }
0x263: {  	v61 =	vld.idx.msk [tilespmem:v14+s2+$0x0], $0xffff;
	[tilespmem:v55+s16+$0x0] =	vst.idx.msk $0xffff, v56  }
0x264: {  	v62 =	vld.idx.msk [tilespmem:v25+s2+$0x0], $0xffff;
	[tilespmem:v2+s16+$0x0] =	vst.idx.msk $0xffff, v57  }
0x265: {  	v63 =	vld.idx.msk [tilespmem:v27+s2+$0x0], $0xffff;
	[tilespmem:v24+s16+$0x0] =	vst.idx.msk $0xffff, v58  }
0x266: {  	v3 =	vld.idx.msk [tilespmem:v10+s2+$0x0], $0xffff;
	[tilespmem:v13+s16+$0x0] =	vst.idx.msk $0xffff, v59  }
0x267: {  	p0 =	slt.u32 s22, $0x70;
	v2 =	vld.idx.msk [tilespmem:v12+s2+$0x0], $0xffff;
	[tilespmem:v21+s16+$0x0] =	vst.idx.msk $0xffff, v60  }
.Ltmp10:
0x268: {  	[tilespmem:v5+s16+$0x0] =	vst.idx.msk $0xffff, v61;
	(pc) =	sbr.rel @p0 .LBB2_20-.Ltmp10, $4  }
0x269: {  	[tilespmem:v17+s16+$0x0] =	vst.idx.msk $0xffff, v62  }
0x26a: {  	[tilespmem:v16+s16+$0x0] =	vst.idx.msk $0xffff, v63  }
0x26b: {  	s0 =	sadd.s32 $0x10, s22;
	[tilespmem:v8+s16+$0x0] =	vst.idx.msk $0xffff, v3  }
0x26c: {  	s22 =	smov.u32 s0;
	[tilespmem:v4+s16+$0x0] =	vst.idx.msk $0xffff, v2  }
0x26d: {  	s0 =	simm.s32 $0x0;
	s22 =	simm.s32 $0x1;
	s1 =	simm.s32 $0x2  }
0x26e: {  	s21 =	simm.s32 $0x4;
	s23 =	simm.s32 $0x5;
	s24 =	simm.s32 $0x8;
	v3 =	vadd.s32 s0, v1  }
0x26f: {  	s25 =	simm.s32 $0x7;
	s26 =	simm.s32 $0x11;
	s28 =	simm.s32 $0xA;
	v4 =	vadd.s32 s1, v1;
	v6 =	vadd.s32 s21, v1;
	v7 =	vadd.s32 s23, v1  }
0x270: {  	s29 =	simm.s32 $0xB;
	s30 =	simm.s32 $0xD;
	s31 =	simm.s32 $0xE;
	v12 =	vadd.s32 s25, v1;
	v5 =	vadd.s32 s24, v1;
	v15 =	vadd.s32 s26, v1  }
0x271: {  	[hbm4b:s9+s0] =	stream.linear.scatter [tilespmem:s16], [sflag:$0x1], $0x8000, $0x38;
	v9 =	vadd.s32 s28, v1;
	v8 =	vadd.s32 s29, v1;
	v10 =	vadd.s32 s30, v1;
	[tilespmem:$0x11C00] =	vst v63  }
0x272: {  	s21 =	simm.s32 $0x10;
	v14 =	vadd.s32 s31, v1;
	v11 =	vand.u32 $0xFF, v3;
	v3 =	vadd.s32 s22, v1  }
0x273: {  	s24 =	simm.s32 $0x13;
	v4 =	vand.u32 $0xFF, v4;
	v18 =	vand.u32 $0xFF, v5;
	v16 =	vadd.s32 s21, v1  }
0x274: {  	s25 =	simm.s32 $0x14;
	s26 =	simm.s32 $0x15;
	s29 =	simm.s32 $0x17;
	v22 =	vand.u32 $0xFF, v6;
	v23 =	vand.u32 $0xFF, v7;
	v7 =	vadd.s32 s24, v1  }
0x275: {  	s30 =	simm.s32 $0x19;
	s31 =	simm.s32 $0x1A;
	_ =	swait.ge [sflag:s19], $0x8000;
	v21 =	vadd.s32 s25, v1;
	v25 =	vadd.s32 s26, v1;
	v27 =	vadd.s32 s29, v1  }
0x276: {  	v28 =	vand.u32 $0xFF, v8;
	v6 =	vadd.s32 s30, v1;
	v29 =	vadd.s32 s31, v1;
	[sflag:s19] =	ssyncset.done $0x0  }
0x277: {  	s22 =	simm.s32 $0x1E;
	v40 =	vand.u32 $0xFF, v10;
	v45 =	vand.u32 $0xFF, v9;
	v62 =	vand.u32 $0xFF, v12;
	[sflag:s19] =	ssyncadd.s32 $0xFFFF8000  }
0x278: {  	s23 =	simm.s32 $0x12;
	v13 =	vor.u32 v0, v4;
	v20 =	vadd.s32 s22, v1;
	v5 =	vand.u32 $0xFF, v3;
	v2 =	vld [tilespmem:$0x1B80]  }
0x279: {  	s21 =	simm.s32 $0x3;
	v16 =	vand.u32 $0xFF, v16;
	v3 =	vadd.s32 s23, v1;
	v8 =	vor.u32 v0, v28  }
0x27a: {  	s24 =	simm.s32 $0x18;
	v32 =	vand.u32 $0xFF, v6;
	v29 =	vand.u32 $0xFF, v29;
	v35 =	vadd.s32 s21, v1  }
0x27b: {  	s25 =	simm.s32 $0xC;
	v6 =	vor.u32 v0, v11;
	v27 =	vand.u32 $0xFF, v27;
	v38 =	vadd.s32 s24, v1  }
0x27c: {  	v39 =	vadd.s32 s25, v1;
	v7 =	vand.u32 $0xFF, v7;
	v10 =	vand.u32 $0xFF, v21  }
0x27d: {  	s22 =	simm.s32 $0x9;
	s23 =	simm.s32 $0x1B;
	v59 =	vor.u32 v0, v40;
	v24 =	vand.u32 $0xFF, v3;
	v2 =	vshll.u32 v2, $0x8  }
0x27e: {  	v31 =	vadd.s32 s23, v1;
	v33 =	vadd.s32 s22, v1;
	v17 =	vor.u32 v2, v4  }
0x27f: {  	v39 =	vand.u32 $0xFF, v39;
	v43 =	vor.u32 v0, v7;
	v30 =	vor.u32 v2, v29  }
0x280: {  	v38 =	vand.u32 $0xFF, v38;
	v31 =	vand.u32 $0xFF, v31;
	v26 =	vor.u32 v2, v23  }
0x281: {  	v3 =	vor.u32 v0, v24;
	v33 =	vand.u32 $0xFF, v33;
	v34 =	vor.u32 v2, v31  }
0x282: {  	s28 =	simm.s32 $0x16;
	v12 =	vor.u32 v0, v39;
	v19 =	vor.u32 v2, v18;
	v36 =	vor.u32 v2, v27  }
0x283: {  	v4 =	vadd.s32 s28, v1;
	v37 =	vor.u32 v2, v32;
	v21 =	vor.u32 v2, v10;
	v44 =	vld.idx.msk [tilespmem:v17+s2+$0x0], $0xffff  }
0x284: {  	v29 =	vor.u32 v0, v29;
	v41 =	vor.u32 v2, v7;
	v7 =	vand.u32 $0xFF, v25;
	v46 =	vld.idx.msk [tilespmem:v30+s2+$0x0], $0xffff  }
0x285: {  	v31 =	vor.u32 v0, v31;
	v10 =	vor.u32 v0, v10;
	v25 =	vor.u32 v2, v45;
	v17 =	vld.idx.msk [tilespmem:v26+s2+$0x0], $0xffff  }
0x286: {  	s26 =	simm.s32 $0xF;
	v45 =	vor.u32 v0, v45;
	v47 =	vor.u32 v2, v40;
	v28 =	vor.u32 v2, v28;
	v34 =	vld.idx.msk [tilespmem:v34+s2+$0x0], $0xffff  }
0x287: {  	v49 =	vor.u32 v2, v11;
	v11 =	vadd.s32 s26, v1;
	v27 =	vor.u32 v0, v27;
	v36 =	vld.idx.msk [tilespmem:v36+s2+$0x0], $0xffff  }
0x288: {  	v51 =	vor.u32 v2, v38;
	v58 =	vor.u32 v2, v22;
	v26 =	vand.u32 $0xFF, v14;
	v14 =	vld.idx.msk [tilespmem:v21+s2+$0x0], $0xffff  }
0x289: {  	v60 =	vor.u32 v2, v16;
	v18 =	vor.u32 v0, v18;
	v42 =	vand.u32 $0xFF, v4;
	v21 =	vld.idx.msk [tilespmem:v19+s2+$0x0], $0xffff  }
0x28a: {  	v4 =	vor.u32 v0, v33;
	v9 =	vor.u32 v2, v7;
	v30 =	vor.u32 v0, v23;
	v23 =	vld.idx.msk [tilespmem:v25+s2+$0x0], $0xffff  }
0x28b: {  	v7 =	vor.u32 v0, v7;
	v50 =	vand.u32 $0xFF, v11;
	v25 =	vor.u32 v2, v39;
	v39 =	vld.idx.msk [tilespmem:v28+s2+$0x0], $0xffff  }
0x28c: {  	s28 =	simm.s32 $0x1C;
	v11 =	vor.u32 v2, v24;
	v24 =	vor.u32 v2, v62;
	v63 =	vor.u32 v2, v42;
	v57 =	vld.idx.msk [tilespmem:v47+s2+$0x0], $0xffff  }
0x28d: {  	v19 =	vadd.s32 s28, v1;
	v40 =	vld.idx.msk [tilespmem:v37+s2+$0x0], $0xffff;
	v47 =	vand.u32 $0xFF, v35;
	v35 =	vor.u32 v0, v42  }
0x28e: {  	v15 =	vand.u32 $0xFF, v15;
	v42 =	vld.idx.msk [tilespmem:v58+s2+$0x0], $0xffff;
	v48 =	vor.u32 v2, v26;
	v52 =	vand.u32 $0xFF, v19;
	[tilespmem:v13+s17+$0x0] =	vst.idx.msk $0xffff, v44  }
0x28f: {  	s29 =	simm.s32 $0x1D;
	s30 =	simm.s32 $0x1F;
	v19 =	vld.idx.msk [tilespmem:v49+s2+$0x0], $0xffff;
	v55 =	vor.u32 v0, v26;
	v28 =	vor.u32 v0, v52;
	[tilespmem:v29+s17+$0x0] =	vst.idx.msk $0xffff, v46  }
0x290: {  	s31 =	simm.s32 $0x6;
	v13 =	vor.u32 v2, v33;
	v46 =	vld.idx.msk [tilespmem:v41+s2+$0x0], $0xffff;
	v29 =	vadd.s32 s29, v1;
	[tilespmem:v31+s17+$0x0] =	vst.idx.msk $0xffff, v34;
	v31 =	vadd.s32 s30, v1  }
0x291: {  	[tilespmem:v27+s17+$0x0] =	vst.idx.msk $0xffff, v36;
	v27 =	vadd.s32 s31, v1;
	v36 =	vor.u32 v0, v38;
	v38 =	vor.u32 v2, v50  }
0x292: {  	v44 =	vor.u32 v0, v62;
	[tilespmem:v45+s17+$0x0] =	vst.idx.msk $0xffff, v23;
	v41 =	vand.u32 $0xFF, v20;
	v34 =	vor.u32 v2, v15  }
0x293: {  	v53 =	vld.idx.msk [tilespmem:v24+s2+$0x0], $0xffff;
	v23 =	vor.u32 v0, v15;
	[tilespmem:v59+s17+$0x0] =	vst.idx.msk $0xffff, v57;
	v49 =	vand.u32 $0xFF, v31;
	v54 =	vand.u32 $0xFF, v29  }
0x294: {  	v48 =	vld.idx.msk [tilespmem:v48+s2+$0x0], $0xffff;
	v31 =	vor.u32 v0, v50;
	v50 =	vor.u32 v2, v52;
	v56 =	vand.u32 $0xFF, v27  }
0x295: {  	v33 =	vld.idx.msk [tilespmem:v63+s2+$0x0], $0xffff;
	v27 =	vor.u32 v0, v22;
	v22 =	vor.u32 v2, v47;
	v24 =	vor.u32 v2, v49  }
0x296: {  	v45 =	vld.idx.msk [tilespmem:v51+s2+$0x0], $0xffff;
	v15 =	vor.u32 v0, v54;
	v20 =	vor.u32 v0, v56;
	v26 =	vor.u32 v2, v54  }
0x297: {  	v37 =	vor.u32 v2, v56;
	v29 =	vld.idx.msk [tilespmem:v38+s2+$0x0], $0xffff;
	v38 =	vor.u32 v0, v16;
	[tilespmem:v43+s17+$0x0] =	vst.idx.msk $0xffff, v46  }
0x298: {  	v16 =	vor.u32 v0, v49;
	[tilespmem:v44+s17+$0x0] =	vst.idx.msk $0xffff, v53;
	v43 =	vld.idx.msk [tilespmem:v60+s2+$0x0], $0xffff;
	v46 =	vor.u32 v2, v41  }
0x299: {  	s21 =	simm.s32 $0x20;
	v44 =	vor.u32 v2, v5;
	[tilespmem:v55+s17+$0x0] =	vst.idx.msk $0xffff, v48;
	v48 =	vor.u32 v0, v32;
	v32 =	vld.idx.msk [tilespmem:v50+s2+$0x0], $0xffff  }
.LBB2_24:
0x29a: {  	s0 =	sadd.s32 $0x1, s21  }
0x29b: {  	v49 =	vadd.s32 s21, v1;
	s1 =	sadd.s32 $0x2, s21;
	s24 =	sadd.s32 $0x3, s21;
	v47 =	vor.u32 v0, v47;
	[tilespmem:v30+s17+$0x0] =	vst.idx.msk $0xffff, v17;
	v17 =	vor.u32 v0, v41;
	s22 =	smov.u32 s21  }
0x29c: {  	s23 =	sadd.s32 $0x8, s21;
	v30 =	vand.u32 $0xFF, v49;
	v41 =	vadd.s32 s0, v1;
	v49 =	vadd.s32 s1, v1;
	s0 =	sadd.s32 $0x4, s21;
	s1 =	sadd.s32 $0x5, s21;
	[tilespmem:v8+s17+$0x0] =	vst.idx.msk $0xffff, v39;
	v39 =	vld.idx.msk [tilespmem:v25+s2+$0x0], $0xffff  }
0x29d: {  	s25 =	sadd.s32 $0x9, s21;
	v51 =	vor.u32 v0, v5;
	v8 =	vadd.s32 s0, v1;
	v50 =	vadd.s32 s1, v1;
	s0 =	sadd.s32 $0x7, s21;
	s1 =	sadd.s32 $0x11, s21;
	v52 =	vld.idx.msk [tilespmem:v22+s2+$0x0], $0xffff;
	[tilespmem:v36+s17+$0x0] =	vst.idx.msk $0xffff, v45  }
0x29e: {  	v5 =	vadd.s32 s23, v1;
	s23 =	sadd.s32 $0xB, s21;
	v25 =	vadd.s32 s0, v1;
	s0 =	sadd.s32 $0xA, s21;
	v22 =	vadd.s32 s1, v1;
	s1 =	sadd.s32 $0x1E, s21;
	[tilespmem:v48+s17+$0x0] =	vst.idx.msk $0xffff, v40  }
0x29f: {  	s26 =	sadd.s32 $0xE, s21;
	v36 =	vand.u32 $0xFF, v49;
	v45 =	vadd.s32 s23, v1;
	s23 =	sadd.s32 $0xF, s21;
	v40 =	vadd.s32 s0, v1;
	s0 =	sadd.s32 $0xD, s21;
	[tilespmem:v18+s17+$0x0] =	vst.idx.msk $0xffff, v21;
	v21 =	vld.idx.msk [tilespmem:v46+s2+$0x0], $0xffff  }
0x2a0: {  	p0 =	slt.u32 s21, $0xE0;
	v49 =	vadd.s32 s26, v1;
	v46 =	vor.u32 v0, v36;
	s21 =	sadd.s32 $0x20, s21;
	v48 =	vadd.s32 s0, v1;
	s0 =	sadd.s32 $0x10, s22;
	v44 =	vld.idx.msk [tilespmem:v44+s2+$0x0], $0xffff;
	[tilespmem:v27+s17+$0x0] =	vst.idx.msk $0xffff, v42  }
0x2a1: {  	v18 =	vand.u32 $0xFF, v5;
	v27 =	vadd.s32 s1, v1;
	v42 =	vadd.s32 s0, v1;
	[tilespmem:v38+s17+$0x0] =	vst.idx.msk $0xffff, v43;
	v38 =	vld.idx.msk [tilespmem:v26+s2+$0x0], $0xffff  }
0x2a2: {  	v5 =	vand.u32 $0xFF, v41;
	v41 =	vor.u32 v2, v18;
	s0 =	sadd.s32 $0x12, s22;
	v26 =	vand.u32 $0xFF, v42;
	[tilespmem:v31+s17+$0x0] =	vst.idx.msk $0xffff, v29;
	v24 =	vld.idx.msk [tilespmem:v24+s2+$0x0], $0xffff  }
0x2a3: {  	s1 =	sadd.s32 $0x14, s22;
	v31 =	vor.u32 v2, v36;
	v29 =	vand.u32 $0xFF, v8;
	v8 =	vadd.s32 s0, v1;
	s0 =	sadd.s32 $0x13, s22;
	v34 =	vld.idx.msk [tilespmem:v34+s2+$0x0], $0xffff;
	[tilespmem:v35+s17+$0x0] =	vst.idx.msk $0xffff, v33  }
0x2a4: {  	v42 =	vadd.s32 s1, v1;
	s1 =	sadd.s32 $0x16, s22;
	v33 =	vand.u32 $0xFF, v50;
	v36 =	vadd.s32 s0, v1;
	s0 =	sadd.s32 $0x15, s22;
	[tilespmem:v6+s17+$0x0] =	vst.idx.msk $0xffff, v19;
	v19 =	vld.idx.msk [tilespmem:v37+s2+$0x0], $0xffff  }
0x2a5: {  	v50 =	vadd.s32 s1, v1;
	s1 =	sadd.s32 $0x18, s22;
	v37 =	vand.u32 $0xFF, v8;
	v43 =	vadd.s32 s0, v1;
	s0 =	sadd.s32 $0x17, s22;
	[tilespmem:v10+s17+$0x0] =	vst.idx.msk $0xffff, v14;
	v9 =	vld.idx.msk [tilespmem:v9+s2+$0x0], $0xffff  }
0x2a6: {  	s26 =	sadd.s32 $0x1A, s22;
	v10 =	vor.u32 v2, v33;
	v14 =	vor.u32 v0, v37;
	v53 =	vadd.s32 s0, v1;
	s0 =	sadd.s32 $0x19, s22;
	[tilespmem:v17+s17+$0x0] =	vst.idx.msk $0xffff, v21  }
0x2a7: {  	v45 =	vand.u32 $0xFF, v45;
	v6 =	vadd.s32 s0, v1;
	v17 =	vadd.s32 s26, v1;
	v13 =	vld.idx.msk [tilespmem:v13+s2+$0x0], $0xffff;
	[tilespmem:v28+s17+$0x0] =	vst.idx.msk $0xffff, v32  }
0x2a8: {  	v8 =	vor.u32 v0, v45;
	v32 =	vand.u32 $0xFF, v6;
	v17 =	vand.u32 $0xFF, v17;
	[tilespmem:v47+s17+$0x0] =	vst.idx.msk $0xffff, v52;
	v11 =	vld.idx.msk [tilespmem:v11+s2+$0x0], $0xffff  }
0x2a9: {  	v35 =	vadd.s32 s24, v1;
	s0 =	sadd.s32 $0x1B, s22;
	v28 =	vor.u32 v2, v32;
	v21 =	vor.u32 v2, v17;
	[tilespmem:v51+s17+$0x0] =	vst.idx.msk $0xffff, v44  }
0x2aa: {  	v6 =	vor.u32 v0, v30;
	v44 =	vor.u32 v0, v17;
	v17 =	vadd.s32 s0, v1;
	[tilespmem:v23+s17+$0x0] =	vst.idx.msk $0xffff, v34  }
0x2ab: {  	v50 =	vand.u32 $0xFF, v50;
	s0 =	sadd.s32 $0xC, s22;
	v34 =	vand.u32 $0xFF, v17;
	v23 =	vld.idx.msk [tilespmem:v31+s2+$0x0], $0xffff;
	v31 =	vadd.s32 s25, v1;
	[tilespmem:v12+s17+$0x0] =	vst.idx.msk $0xffff, v39  }
0x2ac: {  	v39 =	vor.u32 v2, v34;
	v12 =	vand.u32 $0xFF, v31;
	v31 =	vand.u32 $0xFF, v53;
	[tilespmem:v7+s17+$0x0] =	vst.idx.msk $0xffff, v9  }
0x2ad: {  	v51 =	vadd.s32 s1, v1;
	v7 =	vor.u32 v0, v12;
	v47 =	vor.u32 v2, v31;
	[tilespmem:v20+s17+$0x0] =	vst.idx.msk $0xffff, v19  }
0x2ae: {  	v9 =	vadd.s32 s0, v1;
	v20 =	vand.u32 $0xFF, v48;
	v19 =	vand.u32 $0xFF, v36;
	v21 =	vld.idx.msk [tilespmem:v21+s2+$0x0], $0xffff;
	[tilespmem:v4+s17+$0x0] =	vst.idx.msk $0xffff, v13;
	v4 =	vmovc v7  }
0x2af: {  	v36 =	vand.u32 $0xFF, v9;
	v48 =	vor.u32 v2, v19;
	v7 =	vand.u32 $0xFF, v42;
	[tilespmem:v3+s17+$0x0] =	vst.idx.msk $0xffff, v11;
	v3 =	vmovc v14  }
0x2b0: {  	v42 =	vor.u32 v0, v19;
	v13 =	vor.u32 v2, v7;
	v17 =	vld.idx.msk [tilespmem:v10+s2+$0x0], $0xffff;
	[tilespmem:v16+s17+$0x0] =	vst.idx.msk $0xffff, v24  }
0x2b1: {  	v19 =	vor.u32 v0, v34;
	v11 =	vand.u32 $0xFF, v40;
	v14 =	vand.u32 $0xFF, v43;
	v16 =	vld.idx.msk [tilespmem:v39+s2+$0x0], $0xffff;
	[tilespmem:v15+s17+$0x0] =	vst.idx.msk $0xffff, v38  }
0x2b2: {  	v10 =	vor.u32 v0, v7;
	v9 =	vor.u32 v2, v14;
	v15 =	vand.u32 $0xFF, v51;
	[tilespmem:v46+s17+$0x0] =	vst.idx.msk $0xffff, v23  }
0x2b3: {  	v34 =	vand.u32 $0xFF, v49;
	v7 =	vor.u32 v0, v14;
	v23 =	vor.u32 v2, v11  }
0x2b4: {  	v40 =	vor.u32 v2, v20;
	v24 =	vor.u32 v2, v34;
	v38 =	vor.u32 v0, v11;
	v39 =	vld.idx.msk [tilespmem:v47+s2+$0x0], $0xffff  }
0x2b5: {  	v31 =	vor.u32 v0, v31;
	v43 =	vor.u32 v2, v30;
	v11 =	vadd.s32 s23, v1;
	[tilespmem:v44+s17+$0x0] =	vst.idx.msk $0xffff, v21  }
0x2b6: {  	v46 =	vand.u32 $0xFF, v11;
	v11 =	vor.u32 v2, v37;
	v44 =	vand.u32 $0xFF, v25;
	v14 =	vld.idx.msk [tilespmem:v13+s2+$0x0], $0xffff  }
0x2b7: {  	v49 =	vor.u32 v2, v15;
	v37 =	vor.u32 v2, v44;
	v13 =	vor.u32 v2, v12;
	v21 =	vld.idx.msk [tilespmem:v41+s2+$0x0], $0xffff  }
0x2b8: {  	s1 =	sadd.s32 $0x1D, s22;
	s0 =	sadd.s32 $0x1C, s22;
	v30 =	vor.u32 v0, v33;
	v33 =	vor.u32 v2, v45;
	v25 =	vor.u32 v2, v36;
	v23 =	vld.idx.msk [tilespmem:v23+s2+$0x0], $0xffff  }
0x2b9: {  	v12 =	vor.u32 v0, v36;
	v41 =	vadd.s32 s1, v1;
	v45 =	vld.idx.msk [tilespmem:v48+s2+$0x0], $0xffff;
	[tilespmem:v19+s17+$0x0] =	vst.idx.msk $0xffff, v16;
	v16 =	vadd.s32 s0, v1;
	s0 =	sadd.s32 $0x1F, s22  }
0x2ba: {  	v47 =	vor.u32 v2, v50;
	s1 =	sadd.s32 $0x6, s22;
	v48 =	vld.idx.msk [tilespmem:v24+s2+$0x0], $0xffff;
	[tilespmem:v31+s17+$0x0] =	vst.idx.msk $0xffff, v39;
	v16 =	vand.u32 $0xFF, v16;
	v24 =	vadd.s32 s0, v1  }
0x2bb: {  	v36 =	vor.u32 v0, v15;
	v19 =	vld.idx.msk [tilespmem:v43+s2+$0x0], $0xffff;
	v43 =	vadd.s32 s1, v1;
	v51 =	vand.u32 $0xFF, v24  }
0x2bc: {  	v15 =	vor.u32 v2, v46;
	v52 =	vld.idx.msk [tilespmem:v37+s2+$0x0], $0xffff;
	v37 =	vand.u32 $0xFF, v41;
	v24 =	vor.u32 v2, v51  }
0x2bd: {  	v53 =	vor.u32 v0, v34;
	v31 =	vor.u32 v0, v46;
	v54 =	vor.u32 v2, v16;
	v39 =	vld.idx.msk [tilespmem:v33+s2+$0x0], $0xffff  }
0x2be: {  	v44 =	vor.u32 v0, v44;
	v43 =	vand.u32 $0xFF, v43;
	v41 =	vand.u32 $0xFF, v27;
	[tilespmem:v38+s17+$0x0] =	vst.idx.msk $0xffff, v23;
	v55 =	vld.idx.msk [tilespmem:v40+s2+$0x0], $0xffff  }
0x2bf: {  	v56 =	vor.u32 v0, v20;
	v20 =	vand.u32 $0xFF, v22;
	v46 =	vor.u32 v2, v29;
	v33 =	vld.idx.msk [tilespmem:v47+s2+$0x0], $0xffff  }
0x2c0: {  	v57 =	vor.u32 v2, v26;
	v34 =	vor.u32 v2, v20;
	v27 =	vor.u32 v0, v29;
	v40 =	vld.idx.msk [tilespmem:v28+s2+$0x0], $0xffff  }
0x2c1: {  	v38 =	vor.u32 v0, v26;
	v23 =	vor.u32 v0, v20;
	v28 =	vor.u32 v0, v16;
	v29 =	vld.idx.msk [tilespmem:v15+s2+$0x0], $0xffff  }
.Ltmp11:
0x2c2: {  	v47 =	vand.u32 $0xFF, v35;
	v35 =	vor.u32 v0, v50;
	v15 =	vor.u32 v0, v37;
	[tilespmem:v42+s17+$0x0] =	vst.idx.msk $0xffff, v45;
	(pc) =	sbr.rel @p0 .LBB2_24-.Ltmp11, $4  }
0x2c3: {  	v20 =	vor.u32 v0, v43;
	v26 =	vor.u32 v2, v37;
	v16 =	vor.u32 v0, v51;
	v45 =	vld.idx.msk [tilespmem:v49+s2+$0x0], $0xffff  }
0x2c4: {  	v22 =	vor.u32 v2, v47;
	v37 =	vor.u32 v2, v43;
	v42 =	vld.idx.msk [tilespmem:v46+s2+$0x0], $0xffff;
	[tilespmem:v53+s17+$0x0] =	vst.idx.msk $0xffff, v48  }
0x2c5: {  	v48 =	vor.u32 v0, v32;
	v46 =	vor.u32 v2, v41;
	[tilespmem:v44+s17+$0x0] =	vst.idx.msk $0xffff, v52;
	v43 =	vld.idx.msk [tilespmem:v57+s2+$0x0], $0xffff  }
0x2c6: {  	v18 =	vor.u32 v0, v18;
	v44 =	vor.u32 v2, v5;
	[tilespmem:v56+s17+$0x0] =	vst.idx.msk $0xffff, v55;
	v32 =	vld.idx.msk [tilespmem:v54+s2+$0x0], $0xffff  }
0x2c7: {  	_ =	sdelay $0x3  }
0x2c8: {  	[tilespmem:v30+s17+$0x0] =	vst.idx.msk $0xffff, v17  }
0x2c9: {  	[tilespmem:v8+s17+$0x0] =	vst.idx.msk $0xffff, v39  }
0x2ca: {  	[tilespmem:v48+s17+$0x0] =	vst.idx.msk $0xffff, v40  }
0x2cb: {  	[tilespmem:v18+s17+$0x0] =	vst.idx.msk $0xffff, v21  }
0x2cc: {  	[tilespmem:v31+s17+$0x0] =	vst.idx.msk $0xffff, v29  }
0x2cd: {  	[tilespmem:v35+s17+$0x0] =	vst.idx.msk $0xffff, v33  }
0x2ce: {  	[tilespmem:v6+s17+$0x0] =	vst.idx.msk $0xffff, v19  }
0x2cf: {  	v2 =	vor.u32 v0, v41;
	v53 =	vld.idx.msk [tilespmem:v46+s2+$0x0], $0xffff;
	[tilespmem:v10+s17+$0x0] =	vst.idx.msk $0xffff, v14  }
0x2d0: {  	v54 =	vor.u32 v0, v47;
	v55 =	vld.idx.msk [tilespmem:v22+s2+$0x0], $0xffff;
	[tilespmem:v36+s17+$0x0] =	vst.idx.msk $0xffff, v45  }
0x2d1: {  	v5 =	vor.u32 v0, v5;
	v56 =	vld.idx.msk [tilespmem:v44+s2+$0x0], $0xffff;
	[tilespmem:v27+s17+$0x0] =	vst.idx.msk $0xffff, v42  }
0x2d2: {  	v57 =	vld.idx.msk [tilespmem:v34+s2+$0x0], $0xffff;
	[tilespmem:v38+s17+$0x0] =	vst.idx.msk $0xffff, v43  }
0x2d3: {  	v58 =	vld.idx.msk [tilespmem:v25+s2+$0x0], $0xffff;
	[tilespmem:v28+s17+$0x0] =	vst.idx.msk $0xffff, v32  }
0x2d4: {  	v59 =	vld.idx.msk [tilespmem:v37+s2+$0x0], $0xffff;
	[tilespmem:v2+s17+$0x0] =	vst.idx.msk $0xffff, v53  }
0x2d5: {  	v60 =	vld.idx.msk [tilespmem:v13+s2+$0x0], $0xffff;
	[tilespmem:v54+s17+$0x0] =	vst.idx.msk $0xffff, v55  }
0x2d6: {  	v61 =	vld.idx.msk [tilespmem:v11+s2+$0x0], $0xffff;
	[tilespmem:v5+s17+$0x0] =	vst.idx.msk $0xffff, v56  }
0x2d7: {  	v62 =	vld.idx.msk [tilespmem:v24+s2+$0x0], $0xffff;
	[tilespmem:v23+s17+$0x0] =	vst.idx.msk $0xffff, v57  }
0x2d8: {  	v63 =	vld.idx.msk [tilespmem:v26+s2+$0x0], $0xffff;
	[tilespmem:v12+s17+$0x0] =	vst.idx.msk $0xffff, v58  }
0x2d9: {  	v2 =	vld.idx.msk [tilespmem:v9+s2+$0x0], $0xffff;
	[tilespmem:v20+s17+$0x0] =	vst.idx.msk $0xffff, v59  }
0x2da: {  	[tilespmem:v4+s17+$0x0] =	vst.idx.msk $0xffff, v60  }
0x2db: {  	[tilespmem:v3+s17+$0x0] =	vst.idx.msk $0xffff, v61  }
0x2dc: {  	[tilespmem:v16+s17+$0x0] =	vst.idx.msk $0xffff, v62  }
0x2dd: {  	[tilespmem:v15+s17+$0x0] =	vst.idx.msk $0xffff, v63  }
0x2de: {  	s20 =	sadd.s32 $0x1, s20;
	[tilespmem:v7+s17+$0x0] =	vst.idx.msk $0xffff, v2  }
0x2df: {  	[hbm4b:s10+s2] =	stream.linear.scatter [tilespmem:s17], [sflag:$0x2], $0x800, $0x38;
	[tilespmem:$0x11C00] =	vst v63  }
0x2e0: {  	p0 =	sne.s32 s20, s11;
	_ =	swait.ge [sflag:s18], $0x8000  }
.Ltmp12:
0x2e1: {  	[sflag:s18] =	ssyncset.done $0x0;
	(pc) =	sbr.rel @p0 .LBB2_1-.Ltmp12, $4  }
0x2e2: {  	[sflag:s18] =	ssyncadd.s32 $0xFFFF8000  }
0x2e3: {  	_ =	swait.ge [sflag:s19], $0x800  }
0x2e4: {  	[sflag:s19] =	ssyncset.done $0x0  }
0x2e5: {  	[sflag:s19] =	ssyncadd.s32 $0xFFFFF800  }
0x2e6: {  	_ =	sfence.sel $0x180000  }
0x2e7: {  	[bflag:$0x0] =	sbarrier.arrive $0xFFFF  }
0x2e8: {  	_ =	strace $0x90000047  }
0x2e9: {  	s0 =	stileid.u32;
	[bflag:$0x2] =	sbarrier.arrive $0xFFFF  }
0x2ea: {  	p0 =	sne.s32 s0, $0x0;
	s0 =	rddreg [dreg:$0x2]  }
0x2eb: {  	s0 =	sadd.s32 @!p0 $0x100000, s0  }
0x2ec: {  	[sflag:s0] =	ssyncadd.tile.s32 @!p0 $0x1;
	_ =	shalt  }
.Lfunc_end2:
_tile_overlayer_lowered:
.L_overlay_start_2:
0x2ed: {  	(tag) =	ssettag $0x2  }
0x2ee: {  	s0 =	rddreg [dreg:$0x0];
	s2 =	stileid.u32  }
0x2ef: {  	s1 =	rddreg [dreg:$0x1];
	p0 =	sne.s32 s2, $0x0  }
0x2f0: {  	s3 =	rddreg [dreg:$0x2];
	[bflag:$0x3] =	sbarrier.arrive $0xFFFF;
	s2 =	simm.s32 @!p0 $0x1C03  }
0x2f1: {  	[timem:s3], [sflag:s2] =	dma.local @!p0 [hbm:s0], s1  }
0x2f2: {  	s0 =	simm.s32 @!p0 $0x3  }
0x2f3: {  	_ =	swait.ge @!p0 [sflag:s0], s1  }
0x2f4: {  	s1 =	ssub.s32 @!p0 $0x0, s1;
	[sflag:s0] =	ssyncset.done @!p0 $0x0  }
0x2f5: {  	[sflag:s0] =	ssyncadd.s32 @!p0 s1  }
0x2f6: {  	[bflag:$0x3] =	sbarrier.arrive $0xFFFF  }
0x2f7: {  	_ =	shalt  }

</sc_bundles>
